<compile_context>
chip_gen: v7x
topology: tpu7x:2x2x1
jax: 0.10.2.dev20260603
libtpu: 0.0.44.dev20260713+nightly
codegen_flags: <defaults>
</compile_context>

<pallas_src>
import functools

import jax
import jax.numpy as jnp
from jax import lax
from jax.experimental import pallas as pl
from jax.experimental.pallas import tpu as pltpu
from jax.experimental.pallas import tpu_sc as plsc

N = 10000
E = 320000
DIN = 128
HEADS = 4
CPH = 32
CH = 16
CHB = 400
NWORK = 32
NDW = 10
EPWD = E // NDW
EPWN = E // 16
NPAD = 10240
HALF = 5120
ACCR = 5248
ROWS_PT = ACCR // 16
AROWS = N * 8 // 128
DROWS = NPAD * 4 // 128

_BLK = 200
_GRID = N // _BLK
_BLKC = 80
_GRIDC = N // _BLKC
_CB = HALF // _BLKC

_SC_PARAMS = pltpu.CompilerParams(needs_layout_passes=False)



def _k1_body(x_ref, w_ref, m_ref, h_ref, a_ref):
    h = jnp.dot(x_ref[...], w_ref[...], preferred_element_type=jnp.float32)
    h_ref[...] = h
    a_ref[...] = jnp.dot(h, m_ref[...], preferred_element_type=jnp.float32)


def _k1(x, W, M):
    return pl.pallas_call(
        _k1_body,
        grid=(_GRID,),
        in_specs=[
            pl.BlockSpec((_BLK, DIN), lambda i: (i, 0)),
            pl.BlockSpec((DIN, 128), lambda i: (0, 0)),
            pl.BlockSpec((128, 8), lambda i: (0, 0)),
        ],
        out_specs=[
            pl.BlockSpec((_BLK, 128), lambda i: (i, 0)),
            pl.BlockSpec((_BLK, 8), lambda i: (i, 0)),
        ],
        out_shape=[
            jax.ShapeDtypeStruct((N, 128), jnp.float32),
            jax.ShapeDtypeStruct((N, 8), jnp.float32),
        ],
    )(x, W, M)


def _k2_body(a_ref, s4_ref, amx_ref, sw_ref):
    a_s = a_ref[:, 0:4]
    a_d = a_ref[:, 4:8]
    am = jnp.max(a_s, axis=0, keepdims=True)
    amx_ref[...] = jnp.dot(am, s4_ref[...], preferred_element_type=jnp.float32)
    t = am + a_d
    mh = jnp.where(t >= 0, t, 0.2 * t)
    t2 = a_s + a_d
    e2 = jnp.where(t2 >= 0, t2, 0.2 * t2) - mh
    sw_ref[...] = jnp.exp(e2)


def _k2(A, S4):
    return pl.pallas_call(
        _k2_body,
        grid=(1,),
        in_specs=[
            pl.BlockSpec((N, 8), lambda i: (0, 0)),
            pl.BlockSpec((4, 128), lambda i: (0, 0)),
        ],
        out_specs=[
            pl.BlockSpec((1, 128), lambda i: (0, 0)),
            pl.BlockSpec((N, 4), lambda i: (0, 0)),
        ],
        out_shape=[
            jax.ShapeDtypeStruct((1, 128), jnp.float32),
            jax.ShapeDtypeStruct((N, 4), jnp.float32),
        ],
    )(A, S4)


def _kc_body(p_ref, d_ref, h_ref, sw_ref, b_ref, r_ref, f_ref, out_ref):
    rm = r_ref[...]
    sw = sw_ref[...]
    num = p_ref[0] + jnp.dot(sw, rm, preferred_element_type=jnp.float32) * h_ref[...]
    d4 = jnp.sum(d_ref[...], axis=0) + sw
    den = jnp.dot(d4, rm, preferred_element_type=jnp.float32) + 1e-16
    g = num / den + b_ref[...]
    elu = jnp.where(g > 0, g, jnp.exp(g) - 1.0)
    out_ref[...] = jnp.where(f_ref[...] > 0, elu, g)


def _kc(P, D, h, sw, b, R, flag):
    return pl.pallas_call(
        _kc_body,
        grid=(_GRIDC,),
        in_specs=[
            pl.BlockSpec((1, _BLKC, 128), lambda i: (i // _CB, i % _CB, 0)),
            pl.BlockSpec((NDW, _BLKC, 4), lambda i: (0, i, 0)),
            pl.BlockSpec((_BLKC, 128), lambda i: (i, 0)),
            pl.BlockSpec((_BLKC, 4), lambda i: (i, 0)),
            pl.BlockSpec((1, 128), lambda i: (0, 0)),
            pl.BlockSpec((4, 128), lambda i: (0, 0)),
            pl.BlockSpec((1, 128), lambda i: (0, 0)),
        ],
        out_specs=pl.BlockSpec((_BLKC, 128), lambda i: (i, 0)),
        out_shape=jax.ShapeDtypeStruct((N, 128), jnp.float32),
    )(P, D, h, sw, b, R, flag)



_mesh = plsc.VectorSubcoreMesh(core_axis_name="c", subcore_axis_name="s")


def _edge_weights(atab, amxv, srcv, dstv):
    ws = []
    for h in range(HEADS):
        sflat = lax.shift_left(srcv, 3) + h
        dflat = lax.shift_left(dstv, 3) + (4 + h)
        asv = plsc.load_gather(
            atab, [lax.shift_right_logical(sflat, 7), lax.bitwise_and(sflat, 127)])
        adv = plsc.load_gather(
            atab, [lax.shift_right_logical(dflat, 7), lax.bitwise_and(dflat, 127)])
        t = asv + adv
        e = jnp.where(t >= 0, t, 0.2 * t)
        tm = amxv[h] + adv
        mh = jnp.where(tm >= 0, tm, 0.2 * tm)
        ws.append(jnp.exp(e - mh))
    return ws


@functools.partial(
    pl.kernel,
    mesh=_mesh,
    compiler_params=_SC_PARAMS,
    out_type=jax.ShapeDtypeStruct((2, ACCR, 128), jnp.float32),
    scratch_types=[
        pltpu.VMEM((CH,), jnp.int32),
        pltpu.VMEM((CH,), jnp.int32),
        pltpu.VMEM((CH,), jnp.int32),
        pltpu.VMEM((CH, 128), jnp.float32),
        pltpu.VMEM((CH, 16), jnp.float32),
        pltpu.VMEM((AROWS, 128), jnp.float32),
        pltpu.VMEM((1, 128), jnp.float32),
        pltpu.VMEM_SHARED((ACCR, 128), jnp.float32),
        pltpu.SemaphoreType.DMA,
    ],
)
def _sc_num(pk_hbm, t_hbm, a_hbm, amx_hbm, out_hbm,
            pbuf, sidx, dloc, gsrc, wbuf, atab, amxb, acc, sem):
    cid = lax.axis_index("c")
    sid = lax.axis_index("s")
    iota = lax.iota(jnp.int32, 16)
    zv = jnp.zeros((16,), jnp.float32)
    nbase = cid * HALF

    pltpu.sync_copy(a_hbm, atab)
    pltpu.sync_copy(amx_hbm, amxb)

    def zbody(k, carry):
        for j in range(8):
            gsrc[k, pl.ds(j * 16, 16)] = zv
        return carry

    lax.fori_loop(0, CH, zbody, 0)
    for r in range(ROWS_PT // CH):
        pltpu.sync_copy(gsrc, acc.at[pl.ds(sid * ROWS_PT + r * CH, CH)])
    pltpu.sync_copy(gsrc.at[pl.ds(0, ROWS_PT % CH)],
                    acc.at[pl.ds(sid * ROWS_PT + (ROWS_PT // CH) * CH,
                                 ROWS_PT % CH)])
    plsc.subcore_barrier()

    amxv = amxb[0, pl.ds(0, 16)]

    def chunk(i, carry):
        base = sid * EPWN + i * CH
        pltpu.sync_copy(pk_hbm.at[pl.ds(base, CH)], pbuf)

        for g in range(CH // 16):
            pkv = pbuf[pl.ds(g * 16, 16)]
            srcv = lax.shift_right_logical(pkv, 14)
            dstv = lax.bitwise_and(pkv, 16383)
            ks = iota + g * 16
            plsc.store_scatter(sidx, [ks], srcv)
            loc = dstv - nbase
            inr = (loc >= 0) & (loc < HALF)
            loc = jnp.where(inr, loc, HALF + lax.bitwise_and(ks, 127))
            plsc.store_scatter(dloc, [ks], loc)
            ws = _edge_weights(atab, amxv, srcv, dstv)
            for h in range(HEADS):
                plsc.store_scatter(
                    wbuf, [ks, jnp.full((16,), h, jnp.int32)], ws[h])

        pltpu.async_copy(t_hbm.at[sidx], gsrc, sem).wait()

        def ebody(k, carry2):
            wrow = wbuf[k, pl.ds(0, 16)]
            for h in range(HEADS):
                for v in range(CPH // 16):
                    col = h * CPH + v * 16
                    gsrc[k, pl.ds(col, 16)] = wrow[h] * gsrc[k, pl.ds(col, 16)]
            return carry2

        lax.fori_loop(0, CH, ebody, 0, unroll=4)

        pltpu.sync_copy(gsrc, acc.at[dloc], add=True)
        return carry

    lax.fori_loop(0, EPWN // CH, chunk, 0)
    plsc.subcore_barrier()

    for r in range(ROWS_PT // CH):
        pltpu.sync_copy(acc.at[pl.ds(sid * ROWS_PT + r * CH, CH)], gsrc)
        pltpu.sync_copy(gsrc, out_hbm.at[cid, pl.ds(sid * ROWS_PT + r * CH, CH)])
    pltpu.sync_copy(acc.at[pl.ds(sid * ROWS_PT + (ROWS_PT // CH) * CH,
                                 ROWS_PT % CH)],
                    gsrc.at[pl.ds(0, ROWS_PT % CH)])
    pltpu.sync_copy(gsrc.at[pl.ds(0, ROWS_PT % CH)],
                    out_hbm.at[cid, pl.ds(sid * ROWS_PT + (ROWS_PT // CH) * CH,
                                          ROWS_PT % CH)])


@functools.partial(
    pl.kernel,
    mesh=_mesh,
    compiler_params=_SC_PARAMS,
    out_type=jax.ShapeDtypeStruct((NDW, DROWS, 128), jnp.float32),
    scratch_types=[
        pltpu.VMEM((CHB,), jnp.int32),
        pltpu.VMEM((DROWS, 128), jnp.float32),
        pltpu.VMEM((AROWS, 128), jnp.float32),
        pltpu.VMEM((1, 128), jnp.float32),
    ],
)
def _sc_den(pk_hbm, a_hbm, amx_hbm, out_hbm,
            pbuf, den, atab, amxb):
    cid = lax.axis_index("c")
    sid = lax.axis_index("s")
    wid = cid * (NDW // 2) + sid
    zv = jnp.zeros((16,), jnp.float32)

    pltpu.sync_copy(a_hbm, atab)
    pltpu.sync_copy(amx_hbm, amxb)

    def zbody(r, carry):
        for j in range(8):
            den[r, pl.ds(j * 16, 16)] = zv
        return carry

    lax.fori_loop(0, DROWS, zbody, 0)
    amxv = amxb[0, pl.ds(0, 16)]

    def chunk(i, carry):
        base = wid * EPWD + i * CHB
        pltpu.sync_copy(pk_hbm.at[pl.ds(base, CHB)], pbuf)

        def group(g, carry2):
            pkv = pbuf[pl.ds(g * 16, 16)]
            srcv = lax.shift_right_logical(pkv, 14)
            dstv = lax.bitwise_and(pkv, 16383)
            ws = _edge_weights(atab, amxv, srcv, dstv)
            for h in range(HEADS):
                dflat = lax.shift_left(dstv, 2) + h
                plsc.addupdate_scatter(
                    den,
                    [lax.shift_right_logical(dflat, 7),
                     lax.bitwise_and(dflat, 127)],
                    ws[h])
            return carry2

        lax.fori_loop(0, CHB // 16, group, 0, unroll=2)
        return carry

    @pl.when(sid < NDW // 2)
    def _run():
        lax.fori_loop(0, EPWD // CHB, chunk, 0)
        pltpu.sync_copy(den, out_hbm.at[wid])



def _att_matrix(att_src, att_dst):
    hh = att_src.shape[1]
    cc = att_src.shape[2]
    if hh == 1:
        onehot = jnp.ones((128, 4), jnp.float32)
    else:
        idx_h = (jnp.arange(128, dtype=jnp.int32) * hh) // 128
        onehot = (idx_h[:, None] == jnp.arange(4, dtype=jnp.int32)[None, :]
                  ).astype(jnp.float32)
    msrc = att_src.reshape(hh * cc)[:, None] * onehot
    mdst = att_dst.reshape(hh * cc)[:, None] * onehot
    return jnp.concatenate([msrc, mdst], axis=1)


def _den_sum_view(D):
    return D.reshape(NDW, DROWS * 128)[:, :N * 4].reshape(NDW, N, 4)


def kernel(x, edge_index, W1, att_src1, att_dst1, b1, W2, att_src2, att_dst2, b2):
    epk = edge_index[0] * 16384 + edge_index[1]
    M1 = _att_matrix(att_src1, att_dst1)
    M2 = _att_matrix(att_src2, att_dst2)
    idx_h = (jnp.arange(128, dtype=jnp.int32) * 4) // 128
    R = (jnp.arange(4, dtype=jnp.int32)[:, None] == idx_h[None, :]).astype(jnp.float32)
    S4 = (jnp.arange(4, dtype=jnp.int32)[:, None]
          == jnp.arange(128, dtype=jnp.int32)[None, :]).astype(jnp.float32)
    Wst = jnp.stack([W1, W2])
    Mst = jnp.stack([M1, M2])
    bst = jnp.stack([b1.reshape(1, 128), b2.reshape(1, 128)])
    flagst = jnp.stack([jnp.ones((1, 128), jnp.float32),
                        jnp.zeros((1, 128), jnp.float32)])

    def step(hc, xs):
        W, M, b, flag = xs
        h, A = _k1(hc, W, M)
        amx, sw = _k2(A, S4)
        At = A.reshape(AROWS, 128)
        P = _sc_num(epk, h, At, amx)
        amx_dep = jnp.where(jnp.isnan(P[0, 0:1, :]), 0.0, amx)
        D = _sc_den(epk, At, amx_dep)
        g = _kc(P, _den_sum_view(D), h, sw, b, R, flag)
        return g, 0

    out, _ = lax.scan(step, x, (Wst, Mst, bst, flagst))
    return out

# --- scband reference (transcript-rebuilt; emitter-appended) ---
"""Pipeline reference for scband-gnn-11123965297031 (READ-ONLY COPY).

The authoritative reference and input builder live on the scoring server;
editing this copy changes nothing except your own understanding.
"""

import jax, jax.numpy as jnp
import numpy as np

N = 10000
E = 320000
D_IN = 128
HID = 32
HEADS = 4
D_OUT = 128


def _glorot(key, shape):
    fan_in, fan_out = shape[-2] if len(shape) > 1 else shape[-1], shape[-1]
    limit = float(np.sqrt(6.0 / (fan_in + fan_out)))
    return jax.random.uniform(key, shape, dtype=jnp.float32, minval=-limit, maxval=limit)


def setup_inputs(seed: int = 0) -> dict:
    key = jax.random.key(seed)
    ks = jax.random.split(key, 12)
    x = jax.random.normal(ks[0], (N, D_IN), dtype=jnp.float32)
    edge_index = jax.random.randint(ks[1], (2, E), 0, N, dtype=jnp.int32)
    # GAT layer 1: in=128 -> heads=4 x hid=32 (concat -> 128)
    W1 = _glorot(ks[2], (D_IN, HEADS * HID))
    att_src1 = _glorot(ks[3], (1, HEADS, HID))
    att_dst1 = _glorot(ks[4], (1, HEADS, HID))
    b1 = jnp.zeros((HEADS * HID,), dtype=jnp.float32)
    # GAT layer 2: in=128 -> heads=1 x out=128 (concat=False -> mean over heads)
    W2 = _glorot(ks[5], (HEADS * HID, 1 * D_OUT))
    att_src2 = _glorot(ks[6], (1, 1, D_OUT))
    att_dst2 = _glorot(ks[7], (1, 1, D_OUT))
    b2 = jnp.zeros((D_OUT,), dtype=jnp.float32)
    return {"x": x, "edge_index": edge_index, "W1": W1, "att_src1": att_src1,
            "att_dst1": att_dst1, "b1": b1, "W2": W2, "att_src2": att_src2,
            "att_dst2": att_dst2, "b2": b2}


def _gat_conv(x, edge_index, W, att_src, att_dst, bias, heads, out_ch, concat):
    # Faithful PyG GATConv (eval mode: attention dropout is identity).
    n = x.shape[0]
    # add_self_loops=True (PyG default)
    sl = jnp.arange(n, dtype=edge_index.dtype)
    src = jnp.concatenate([edge_index[0], sl])
    dst = jnp.concatenate([edge_index[1], sl])
    h = (x @ W).reshape(n, heads, out_ch)
    alpha_src = jnp.sum(h * att_src, axis=-1)  # [N, H]
    alpha_dst = jnp.sum(h * att_dst, axis=-1)  # [N, H]
    e = alpha_src[src] + alpha_dst[dst]        # [E+N, H]
    e = jax.nn.leaky_relu(e, negative_slope=0.2)
    # softmax over edges sharing the same destination node
    e_max = jax.ops.segment_max(e, dst, num_segments=n)
    e_exp = jnp.exp(e - e_max[dst])
    denom = jax.ops.segment_sum(e_exp, dst, num_segments=n)
    alpha = e_exp / (denom[dst] + 1e-16)       # [E+N, H]
    msg = h[src] * alpha[:, :, None]           # [E+N, H, C]
    out = jax.ops.segment_sum(msg, dst, num_segments=n)  # [N, H, C]
    if concat:
        out = out.reshape(n, heads * out_ch)
    else:
        out = out.mean(axis=1)
    return out + bias


def reference(x, edge_index, W1, att_src1, att_dst1, b1, W2, att_src2, att_dst2, b2):
    # Dropout layers are identity in eval mode.
    h = _gat_conv(x, edge_index, W1, att_src1, att_dst1, b1, HEADS, HID, True)
    h = jax.nn.elu(h)
    out = _gat_conv(h, edge_index, W2, att_src2, att_dst2, b2, 1, D_OUT, False)
    return out

if __name__ == "__main__":
    import jax
    _d = setup_inputs()
    print(jax.jit(kernel)(*tuple(_d.values())))

</pallas_src>

<mosaic_0001>
#map = affine_map<(d0, d1) -> (0)>
#map1 = affine_map<(d0, d1) -> (0, 0)>
#map2 = affine_map<(d0, d1) -> (0, 0, 0)>
module attributes {stable_mosaic.version = 14 : i64} {
  func.func @_sc_num(%arg0: i32, %arg1: i32, %arg2: memref<320000xi32, #tpu.memory_space<hbm>>, %arg3: memref<10000x128xf32, #tpu.memory_space<hbm>>, %arg4: memref<625x128xf32, #tpu.memory_space<hbm>>, %arg5: memref<1x128xf32, #tpu.memory_space<hbm>>, %arg6: memref<2x5248x128xf32, #tpu.memory_space<hbm>>, %arg7: memref<16xi32, #tpu.memory_space<vmem>>, %arg8: memref<16xi32, #tpu.memory_space<vmem>>, %arg9: memref<16xi32, #tpu.memory_space<vmem>>, %arg10: memref<16x128xf32, #tpu.memory_space<vmem>>, %arg11: memref<16x16xf32, #tpu.memory_space<vmem>>, %arg12: memref<625x128xf32, #tpu.memory_space<vmem>>, %arg13: memref<1x128xf32, #tpu.memory_space<vmem>>, %arg14: memref<5248x128xf32, #tpu.memory_space<vmem_shared>>, %arg15: memref<!tpu.dma_semaphore, #tpu.memory_space<semaphore_mem>>) attributes {dimension_semantics = [#tpu.dimension_semantics<core_parallel>, #tpu.dimension_semantics<subcore_parallel>], iteration_bounds = array<i64: 2, 16>, scalar_prefetch = 0 : i64, scratch_operands = 9 : i64, tpu.core_type = #tpu.core_type<sc_vector_subcore>, window_params = [{transform_indices = #map}, {transform_indices = #map1}, {transform_indices = #map1}, {transform_indices = #map1}, {transform_indices = #map2}]} {
    %iota3A = tpu.iota {dimensions = array<i32: 0>} : vector<16xi32>
    %broadcast_in_dim3A = arith.constant 0.000000e+00 : f32
    %broadcast_in_dim3A_0 = vector.broadcast %broadcast_in_dim3A : f32 to vector<16xf32>
    %mul3A = arith.constant 5120 : i32
    %mul3A_1 = arith.muli %arg0, %mul3A : i32
    "tpu.region"() ({
      %run_scoped3A = tpu.sem_alloc : memref<!tpu.dma_semaphore, #tpu.memory_space<semaphore_mem>>
      tpu.enqueue_dma source(%arg4 : memref<625x128xf32, #tpu.memory_space<hbm>>) target(%arg12 : memref<625x128xf32, #tpu.memory_space<vmem>>) target_semaphore(%run_scoped3A : memref<!tpu.dma_semaphore, #tpu.memory_space<semaphore_mem>>)
      tpu.wait_dma2 semaphore(%run_scoped3A : memref<!tpu.dma_semaphore, #tpu.memory_space<semaphore_mem>>) src(%arg4 : memref<625x128xf32, #tpu.memory_space<hbm>>) dst(%arg12 : memref<625x128xf32, #tpu.memory_space<vmem>>)
      tpu.yield
    }) : () -> ()
    "tpu.region"() ({
      %run_scoped3A = tpu.sem_alloc : memref<!tpu.dma_semaphore, #tpu.memory_space<semaphore_mem>>
      tpu.enqueue_dma source(%arg5 : memref<1x128xf32, #tpu.memory_space<hbm>>) target(%arg13 : memref<1x128xf32, #tpu.memory_space<vmem>>) target_semaphore(%run_scoped3A : memref<!tpu.dma_semaphore, #tpu.memory_space<semaphore_mem>>)
      tpu.wait_dma2 semaphore(%run_scoped3A : memref<!tpu.dma_semaphore, #tpu.memory_space<semaphore_mem>>) src(%arg5 : memref<1x128xf32, #tpu.memory_space<hbm>>) dst(%arg13 : memref<1x128xf32, #tpu.memory_space<vmem>>)
      tpu.yield
    }) : () -> ()
    %scan3A = arith.constant 0 : i32
    %scan3A_2 = arith.constant 0 : i32
    %scan3A_3 = arith.constant 16 : i32
    %scan3A_4 = arith.addi %scan3A_2, %scan3A_3 : i32
    %scan3A_5 = arith.constant 1 : i32
    scf.for %scan3A_268 = %scan3A_2 to %scan3A_4 step %scan3A_5  : i32 {
      %swap3A = arith.index_cast %scan3A_268 : i32 to index
      %swap3A_269 = arith.constant 0 : index
      %swap3A_270 = tpu.vector_load %arg10[%swap3A, %swap3A_269] {strides = array<i32>} : memref<16x128xf32, #tpu.memory_space<vmem>>, vector<16xf32>,
      tpu.vector_store %arg10[%swap3A, %swap3A_269], %broadcast_in_dim3A_0 {strides = array<i32>} : memref<16x128xf32, #tpu.memory_space<vmem>>, vector<16xf32>,
      %swap3A_271 = arith.index_cast %scan3A_268 : i32 to index
      %swap3A_272 = arith.constant 16 : index
      %swap3A_273 = tpu.vector_load %arg10[%swap3A_271, %swap3A_272] {strides = array<i32>} : memref<16x128xf32, #tpu.memory_space<vmem>>, vector<16xf32>,
      tpu.vector_store %arg10[%swap3A_271, %swap3A_272], %broadcast_in_dim3A_0 {strides = array<i32>} : memref<16x128xf32, #tpu.memory_space<vmem>>, vector<16xf32>,
      %swap3A_274 = arith.index_cast %scan3A_268 : i32 to index
      %swap3A_275 = arith.constant 32 : index
      %swap3A_276 = tpu.vector_load %arg10[%swap3A_274, %swap3A_275] {strides = array<i32>} : memref<16x128xf32, #tpu.memory_space<vmem>>, vector<16xf32>,
      tpu.vector_store %arg10[%swap3A_274, %swap3A_275], %broadcast_in_dim3A_0 {strides = array<i32>} : memref<16x128xf32, #tpu.memory_space<vmem>>, vector<16xf32>,
      %swap3A_277 = arith.index_cast %scan3A_268 : i32 to index
      %swap3A_278 = arith.constant 48 : index
      %swap3A_279 = tpu.vector_load %arg10[%swap3A_277, %swap3A_278] {strides = array<i32>} : memref<16x128xf32, #tpu.memory_space<vmem>>, vector<16xf32>,
      tpu.vector_store %arg10[%swap3A_277, %swap3A_278], %broadcast_in_dim3A_0 {strides = array<i32>} : memref<16x128xf32, #tpu.memory_space<vmem>>, vector<16xf32>,
      %swap3A_280 = arith.index_cast %scan3A_268 : i32 to index
      %swap3A_281 = arith.constant 64 : index
      %swap3A_282 = tpu.vector_load %arg10[%swap3A_280, %swap3A_281] {strides = array<i32>} : memref<16x128xf32, #tpu.memory_space<vmem>>, vector<16xf32>,
      tpu.vector_store %arg10[%swap3A_280, %swap3A_281], %broadcast_in_dim3A_0 {strides = array<i32>} : memref<16x128xf32, #tpu.memory_space<vmem>>, vector<16xf32>,
      %swap3A_283 = arith.index_cast %scan3A_268 : i32 to index
      %swap3A_284 = arith.constant 80 : index
      %swap3A_285 = tpu.vector_load %arg10[%swap3A_283, %swap3A_284] {strides = array<i32>} : memref<16x128xf32, #tpu.memory_space<vmem>>, vector<16xf32>,
      tpu.vector_store %arg10[%swap3A_283, %swap3A_284], %broadcast_in_dim3A_0 {strides = array<i32>} : memref<16x128xf32, #tpu.memory_space<vmem>>, vector<16xf32>,
      %swap3A_286 = arith.index_cast %scan3A_268 : i32 to index
      %swap3A_287 = arith.constant 96 : index
      %swap3A_288 = tpu.vector_load %arg10[%swap3A_286, %swap3A_287] {strides = array<i32>} : memref<16x128xf32, #tpu.memory_space<vmem>>, vector<16xf32>,
      tpu.vector_store %arg10[%swap3A_286, %swap3A_287], %broadcast_in_dim3A_0 {strides = array<i32>} : memref<16x128xf32, #tpu.memory_space<vmem>>, vector<16xf32>,
      %swap3A_289 = arith.index_cast %scan3A_268 : i32 to index
      %swap3A_290 = arith.constant 112 : index
      %swap3A_291 = tpu.vector_load %arg10[%swap3A_289, %swap3A_290] {strides = array<i32>} : memref<16x128xf32, #tpu.memory_space<vmem>>, vector<16xf32>,
      tpu.vector_store %arg10[%swap3A_289, %swap3A_290], %broadcast_in_dim3A_0 {strides = array<i32>} : memref<16x128xf32, #tpu.memory_space<vmem>>, vector<16xf32>,
    }
    %scan3A_6 = arith.constant 16 : i32
    %mul3A_7 = arith.constant 328 : i32
    %mul3A_8 = arith.muli %arg1, %mul3A_7 : i32
    %add3A = arith.constant 0 : i32
    %add3A_9 = arith.addi %mul3A_8, %add3A : i32
    "tpu.region"() ({
      %run_scoped3A = tpu.sem_alloc : memref<!tpu.dma_semaphore, #tpu.memory_space<semaphore_mem>>
      %dma_start3A = arith.constant 0 : i32
      %dma_start3A_268 = tpu.memref_slice %arg14[%add3A_9, %dma_start3A] : memref<5248x128xf32, #tpu.memory_space<vmem_shared>> -> memref<16x128xf32, #tpu.memory_space<vmem_shared>>
      %dma_start3A_269 = arith.constant 0 : i32
      %dma_start3A_270 = tpu.memref_slice %arg14[%add3A_9, %dma_start3A_269] : memref<5248x128xf32, #tpu.memory_space<vmem_shared>> -> memref<16x128xf32, #tpu.memory_space<vmem_shared>>
      tpu.enqueue_dma source(%arg10 : memref<16x128xf32, #tpu.memory_space<vmem>>) target(%dma_start3A_270 : memref<16x128xf32, #tpu.memory_space<vmem_shared>>) target_semaphore(%run_scoped3A : memref<!tpu.dma_semaphore, #tpu.memory_space<semaphore_mem>>)
      %dma_wait3A = arith.constant 0 : i32
      %dma_wait3A_271 = tpu.memref_slice %arg14[%add3A_9, %dma_wait3A] : memref<5248x128xf32, #tpu.memory_space<vmem_shared>> -> memref<16x128xf32, #tpu.memory_space<vmem_shared>>
      %dma_wait3A_272 = arith.constant 0 : i32
      %dma_wait3A_273 = tpu.memref_slice %arg14[%add3A_9, %dma_wait3A_272] : memref<5248x128xf32, #tpu.memory_space<vmem_shared>> -> memref<16x128xf32, #tpu.memory_space<vmem_shared>>
      tpu.wait_dma2 semaphore(%run_scoped3A : memref<!tpu.dma_semaphore, #tpu.memory_space<semaphore_mem>>) src(%arg10 : memref<16x128xf32, #tpu.memory_space<vmem>>) dst(%dma_wait3A_273 : memref<16x128xf32, #tpu.memory_space<vmem_shared>>)
      tpu.yield
    }) : () -> ()
    %mul3A_10 = arith.constant 328 : i32
    %mul3A_11 = arith.muli %arg1, %mul3A_10 : i32
    %add3A_12 = arith.constant 16 : i32
    %add3A_13 = arith.addi %mul3A_11, %add3A_12 : i32
    "tpu.region"() ({
      %run_scoped3A = tpu.sem_alloc : memref<!tpu.dma_semaphore, #tpu.memory_space<semaphore_mem>>
      %dma_start3A = arith.constant 0 : i32
      %dma_start3A_268 = tpu.memref_slice %arg14[%add3A_13, %dma_start3A] : memref<5248x128xf32, #tpu.memory_space<vmem_shared>> -> memref<16x128xf32, #tpu.memory_space<vmem_shared>>
      %dma_start3A_269 = arith.constant 0 : i32
      %dma_start3A_270 = tpu.memref_slice %arg14[%add3A_13, %dma_start3A_269] : memref<5248x128xf32, #tpu.memory_space<vmem_shared>> -> memref<16x128xf32, #tpu.memory_space<vmem_shared>>
      tpu.enqueue_dma source(%arg10 : memref<16x128xf32, #tpu.memory_space<vmem>>) target(%dma_start3A_270 : memref<16x128xf32, #tpu.memory_space<vmem_shared>>) target_semaphore(%run_scoped3A : memref<!tpu.dma_semaphore, #tpu.memory_space<semaphore_mem>>)
      %dma_wait3A = arith.constant 0 : i32
      %dma_wait3A_271 = tpu.memref_slice %arg14[%add3A_13, %dma_wait3A] : memref<5248x128xf32, #tpu.memory_space<vmem_shared>> -> memref<16x128xf32, #tpu.memory_space<vmem_shared>>
      %dma_wait3A_272 = arith.constant 0 : i32
      %dma_wait3A_273 = tpu.memref_slice %arg14[%add3A_13, %dma_wait3A_272] : memref<5248x128xf32, #tpu.memory_space<vmem_shared>> -> memref<16x128xf32, #tpu.memory_space<vmem_shared>>
      tpu.wait_dma2 semaphore(%run_scoped3A : memref<!tpu.dma_semaphore, #tpu.memory_space<semaphore_mem>>) src(%arg10 : memref<16x128xf32, #tpu.memory_space<vmem>>) dst(%dma_wait3A_273 : memref<16x128xf32, #tpu.memory_space<vmem_shared>>)
      tpu.yield
    }) : () -> ()
    %mul3A_14 = arith.constant 328 : i32
    %mul3A_15 = arith.muli %arg1, %mul3A_14 : i32
    %add3A_16 = arith.constant 32 : i32
    %add3A_17 = arith.addi %mul3A_15, %add3A_16 : i32
    "tpu.region"() ({
      %run_scoped3A = tpu.sem_alloc : memref<!tpu.dma_semaphore, #tpu.memory_space<semaphore_mem>>
      %dma_start3A = arith.constant 0 : i32
      %dma_start3A_268 = tpu.memref_slice %arg14[%add3A_17, %dma_start3A] : memref<5248x128xf32, #tpu.memory_space<vmem_shared>> -> memref<16x128xf32, #tpu.memory_space<vmem_shared>>
      %dma_start3A_269 = arith.constant 0 : i32
      %dma_start3A_270 = tpu.memref_slice %arg14[%add3A_17, %dma_start3A_269] : memref<5248x128xf32, #tpu.memory_space<vmem_shared>> -> memref<16x128xf32, #tpu.memory_space<vmem_shared>>
      tpu.enqueue_dma source(%arg10 : memref<16x128xf32, #tpu.memory_space<vmem>>) target(%dma_start3A_270 : memref<16x128xf32, #tpu.memory_space<vmem_shared>>) target_semaphore(%run_scoped3A : memref<!tpu.dma_semaphore, #tpu.memory_space<semaphore_mem>>)
      %dma_wait3A = arith.constant 0 : i32
      %dma_wait3A_271 = tpu.memref_slice %arg14[%add3A_17, %dma_wait3A] : memref<5248x128xf32, #tpu.memory_space<vmem_shared>> -> memref<16x128xf32, #tpu.memory_space<vmem_shared>>
      %dma_wait3A_272 = arith.constant 0 : i32
      %dma_wait3A_273 = tpu.memref_slice %arg14[%add3A_17, %dma_wait3A_272] : memref<5248x128xf32, #tpu.memory_space<vmem_shared>> -> memref<16x128xf32, #tpu.memory_space<vmem_shared>>
      tpu.wait_dma2 semaphore(%run_scoped3A : memref<!tpu.dma_semaphore, #tpu.memory_space<semaphore_mem>>) src(%arg10 : memref<16x128xf32, #tpu.memory_space<vmem>>) dst(%dma_wait3A_273 : memref<16x128xf32, #tpu.memory_space<vmem_shared>>)
      tpu.yield
    }) : () -> ()
    %mul3A_18 = arith.constant 328 : i32
    %mul3A_19 = arith.muli %arg1, %mul3A_18 : i32
    %add3A_20 = arith.constant 48 : i32
    %add3A_21 = arith.addi %mul3A_19, %add3A_20 : i32
    "tpu.region"() ({
      %run_scoped3A = tpu.sem_alloc : memref<!tpu.dma_semaphore, #tpu.memory_space<semaphore_mem>>
      %dma_start3A = arith.constant 0 : i32
      %dma_start3A_268 = tpu.memref_slice %arg14[%add3A_21, %dma_start3A] : memref<5248x128xf32, #tpu.memory_space<vmem_shared>> -> memref<16x128xf32, #tpu.memory_space<vmem_shared>>
      %dma_start3A_269 = arith.constant 0 : i32
      %dma_start3A_270 = tpu.memref_slice %arg14[%add3A_21, %dma_start3A_269] : memref<5248x128xf32, #tpu.memory_space<vmem_shared>> -> memref<16x128xf32, #tpu.memory_space<vmem_shared>>
      tpu.enqueue_dma source(%arg10 : memref<16x128xf32, #tpu.memory_space<vmem>>) target(%dma_start3A_270 : memref<16x128xf32, #tpu.memory_space<vmem_shared>>) target_semaphore(%run_scoped3A : memref<!tpu.dma_semaphore, #tpu.memory_space<semaphore_mem>>)
      %dma_wait3A = arith.constant 0 : i32
      %dma_wait3A_271 = tpu.memref_slice %arg14[%add3A_21, %dma_wait3A] : memref<5248x128xf32, #tpu.memory_space<vmem_shared>> -> memref<16x128xf32, #tpu.memory_space<vmem_shared>>
      %dma_wait3A_272 = arith.constant 0 : i32
      %dma_wait3A_273 = tpu.memref_slice %arg14[%add3A_21, %dma_wait3A_272] : memref<5248x128xf32, #tpu.memory_space<vmem_shared>> -> memref<16x128xf32, #tpu.memory_space<vmem_shared>>
      tpu.wait_dma2 semaphore(%run_scoped3A : memref<!tpu.dma_semaphore, #tpu.memory_space<semaphore_mem>>) src(%arg10 : memref<16x128xf32, #tpu.memory_space<vmem>>) dst(%dma_wait3A_273 : memref<16x128xf32, #tpu.memory_space<vmem_shared>>)
      tpu.yield
    }) : () -> ()
    %mul3A_22 = arith.constant 328 : i32
    %mul3A_23 = arith.muli %arg1, %mul3A_22 : i32
    %add3A_24 = arith.constant 64 : i32
    %add3A_25 = arith.addi %mul3A_23, %add3A_24 : i32
    "tpu.region"() ({
      %run_scoped3A = tpu.sem_alloc : memref<!tpu.dma_semaphore, #tpu.memory_space<semaphore_mem>>
      %dma_start3A = arith.constant 0 : i32
      %dma_start3A_268 = tpu.memref_slice %arg14[%add3A_25, %dma_start3A] : memref<5248x128xf32, #tpu.memory_space<vmem_shared>> -> memref<16x128xf32, #tpu.memory_space<vmem_shared>>
      %dma_start3A_269 = arith.constant 0 : i32
      %dma_start3A_270 = tpu.memref_slice %arg14[%add3A_25, %dma_start3A_269] : memref<5248x128xf32, #tpu.memory_space<vmem_shared>> -> memref<16x128xf32, #tpu.memory_space<vmem_shared>>
      tpu.enqueue_dma source(%arg10 : memref<16x128xf32, #tpu.memory_space<vmem>>) target(%dma_start3A_270 : memref<16x128xf32, #tpu.memory_space<vmem_shared>>) target_semaphore(%run_scoped3A : memref<!tpu.dma_semaphore, #tpu.memory_space<semaphore_mem>>)
      %dma_wait3A = arith.constant 0 : i32
      %dma_wait3A_271 = tpu.memref_slice %arg14[%add3A_25, %dma_wait3A] : memref<5248x128xf32, #tpu.memory_space<vmem_shared>> -> memref<16x128xf32, #tpu.memory_space<vmem_shared>>
      %dma_wait3A_272 = arith.constant 0 : i32
      %dma_wait3A_273 = tpu.memref_slice %arg14[%add3A_25, %dma_wait3A_272] : memref<5248x128xf32, #tpu.memory_space<vmem_shared>> -> memref<16x128xf32, #tpu.memory_space<vmem_shared>>
      tpu.wait_dma2 semaphore(%run_scoped3A : memref<!tpu.dma_semaphore, #tpu.memory_space<semaphore_mem>>) src(%arg10 : memref<16x128xf32, #tpu.memory_space<vmem>>) dst(%dma_wait3A_273 : memref<16x128xf32, #tpu.memory_space<vmem_shared>>)
      tpu.yield
    }) : () -> ()
    %mul3A_26 = arith.constant 328 : i32
    %mul3A_27 = arith.muli %arg1, %mul3A_26 : i32
    %add3A_28 = arith.constant 80 : i32
    %add3A_29 = arith.addi %mul3A_27, %add3A_28 : i32
    "tpu.region"() ({
      %run_scoped3A = tpu.sem_alloc : memref<!tpu.dma_semaphore, #tpu.memory_space<semaphore_mem>>
      %dma_start3A = arith.constant 0 : i32
      %dma_start3A_268 = tpu.memref_slice %arg14[%add3A_29, %dma_start3A] : memref<5248x128xf32, #tpu.memory_space<vmem_shared>> -> memref<16x128xf32, #tpu.memory_space<vmem_shared>>
      %dma_start3A_269 = arith.constant 0 : i32
      %dma_start3A_270 = tpu.memref_slice %arg14[%add3A_29, %dma_start3A_269] : memref<5248x128xf32, #tpu.memory_space<vmem_shared>> -> memref<16x128xf32, #tpu.memory_space<vmem_shared>>
      tpu.enqueue_dma source(%arg10 : memref<16x128xf32, #tpu.memory_space<vmem>>) target(%dma_start3A_270 : memref<16x128xf32, #tpu.memory_space<vmem_shared>>) target_semaphore(%run_scoped3A : memref<!tpu.dma_semaphore, #tpu.memory_space<semaphore_mem>>)
      %dma_wait3A = arith.constant 0 : i32
      %dma_wait3A_271 = tpu.memref_slice %arg14[%add3A_29, %dma_wait3A] : memref<5248x128xf32, #tpu.memory_space<vmem_shared>> -> memref<16x128xf32, #tpu.memory_space<vmem_shared>>
      %dma_wait3A_272 = arith.constant 0 : i32
      %dma_wait3A_273 = tpu.memref_slice %arg14[%add3A_29, %dma_wait3A_272] : memref<5248x128xf32, #tpu.memory_space<vmem_shared>> -> memref<16x128xf32, #tpu.memory_space<vmem_shared>>
      tpu.wait_dma2 semaphore(%run_scoped3A : memref<!tpu.dma_semaphore, #tpu.memory_space<semaphore_mem>>) src(%arg10 : memref<16x128xf32, #tpu.memory_space<vmem>>) dst(%dma_wait3A_273 : memref<16x128xf32, #tpu.memory_space<vmem_shared>>)
      tpu.yield
    }) : () -> ()
    %mul3A_30 = arith.constant 328 : i32
    %mul3A_31 = arith.muli %arg1, %mul3A_30 : i32
    %add3A_32 = arith.constant 96 : i32
    %add3A_33 = arith.addi %mul3A_31, %add3A_32 : i32
    "tpu.region"() ({
      %run_scoped3A = tpu.sem_alloc : memref<!tpu.dma_semaphore, #tpu.memory_space<semaphore_mem>>
      %dma_start3A = arith.constant 0 : i32
      %dma_start3A_268 = tpu.memref_slice %arg14[%add3A_33, %dma_start3A] : memref<5248x128xf32, #tpu.memory_space<vmem_shared>> -> memref<16x128xf32, #tpu.memory_space<vmem_shared>>
      %dma_start3A_269 = arith.constant 0 : i32
      %dma_start3A_270 = tpu.memref_slice %arg14[%add3A_33, %dma_start3A_269] : memref<5248x128xf32, #tpu.memory_space<vmem_shared>> -> memref<16x128xf32, #tpu.memory_space<vmem_shared>>
      tpu.enqueue_dma source(%arg10 : memref<16x128xf32, #tpu.memory_space<vmem>>) target(%dma_start3A_270 : memref<16x128xf32, #tpu.memory_space<vmem_shared>>) target_semaphore(%run_scoped3A : memref<!tpu.dma_semaphore, #tpu.memory_space<semaphore_mem>>)
      %dma_wait3A = arith.constant 0 : i32
      %dma_wait3A_271 = tpu.memref_slice %arg14[%add3A_33, %dma_wait3A] : memref<5248x128xf32, #tpu.memory_space<vmem_shared>> -> memref<16x128xf32, #tpu.memory_space<vmem_shared>>
      %dma_wait3A_272 = arith.constant 0 : i32
      %dma_wait3A_273 = tpu.memref_slice %arg14[%add3A_33, %dma_wait3A_272] : memref<5248x128xf32, #tpu.memory_space<vmem_shared>> -> memref<16x128xf32, #tpu.memory_space<vmem_shared>>
      tpu.wait_dma2 semaphore(%run_scoped3A : memref<!tpu.dma_semaphore, #tpu.memory_space<semaphore_mem>>) src(%arg10 : memref<16x128xf32, #tpu.memory_space<vmem>>) dst(%dma_wait3A_273 : memref<16x128xf32, #tpu.memory_space<vmem_shared>>)
      tpu.yield
    }) : () -> ()
    %mul3A_34 = arith.constant 328 : i32
    %mul3A_35 = arith.muli %arg1, %mul3A_34 : i32
    %add3A_36 = arith.constant 112 : i32
    %add3A_37 = arith.addi %mul3A_35, %add3A_36 : i32
    "tpu.region"() ({
      %run_scoped3A = tpu.sem_alloc : memref<!tpu.dma_semaphore, #tpu.memory_space<semaphore_mem>>
      %dma_start3A = arith.constant 0 : i32
      %dma_start3A_268 = tpu.memref_slice %arg14[%add3A_37, %dma_start3A] : memref<5248x128xf32, #tpu.memory_space<vmem_shared>> -> memref<16x128xf32, #tpu.memory_space<vmem_shared>>
      %dma_start3A_269 = arith.constant 0 : i32
      %dma_start3A_270 = tpu.memref_slice %arg14[%add3A_37, %dma_start3A_269] : memref<5248x128xf32, #tpu.memory_space<vmem_shared>> -> memref<16x128xf32, #tpu.memory_space<vmem_shared>>
      tpu.enqueue_dma source(%arg10 : memref<16x128xf32, #tpu.memory_space<vmem>>) target(%dma_start3A_270 : memref<16x128xf32, #tpu.memory_space<vmem_shared>>) target_semaphore(%run_scoped3A : memref<!tpu.dma_semaphore, #tpu.memory_space<semaphore_mem>>)
      %dma_wait3A = arith.constant 0 : i32
      %dma_wait3A_271 = tpu.memref_slice %arg14[%add3A_37, %dma_wait3A] : memref<5248x128xf32, #tpu.memory_space<vmem_shared>> -> memref<16x128xf32, #tpu.memory_space<vmem_shared>>
      %dma_wait3A_272 = arith.constant 0 : i32
      %dma_wait3A_273 = tpu.memref_slice %arg14[%add3A_37, %dma_wait3A_272] : memref<5248x128xf32, #tpu.memory_space<vmem_shared>> -> memref<16x128xf32, #tpu.memory_space<vmem_shared>>
      tpu.wait_dma2 semaphore(%run_scoped3A : memref<!tpu.dma_semaphore, #tpu.memory_space<semaphore_mem>>) src(%arg10 : memref<16x128xf32, #tpu.memory_space<vmem>>) dst(%dma_wait3A_273 : memref<16x128xf32, #tpu.memory_space<vmem_shared>>)
      tpu.yield
    }) : () -> ()
    %mul3A_38 = arith.constant 328 : i32
    %mul3A_39 = arith.muli %arg1, %mul3A_38 : i32
    %add3A_40 = arith.constant 128 : i32
    %add3A_41 = arith.addi %mul3A_39, %add3A_40 : i32
    "tpu.region"() ({
      %run_scoped3A = tpu.sem_alloc : memref<!tpu.dma_semaphore, #tpu.memory_space<semaphore_mem>>
      %dma_start3A = arith.constant 0 : i32
      %dma_start3A_268 = tpu.memref_slice %arg14[%add3A_41, %dma_start3A] : memref<5248x128xf32, #tpu.memory_space<vmem_shared>> -> memref<16x128xf32, #tpu.memory_space<vmem_shared>>
      %dma_start3A_269 = arith.constant 0 : i32
      %dma_start3A_270 = tpu.memref_slice %arg14[%add3A_41, %dma_start3A_269] : memref<5248x128xf32, #tpu.memory_space<vmem_shared>> -> memref<16x128xf32, #tpu.memory_space<vmem_shared>>
      tpu.enqueue_dma source(%arg10 : memref<16x128xf32, #tpu.memory_space<vmem>>) target(%dma_start3A_270 : memref<16x128xf32, #tpu.memory_space<vmem_shared>>) target_semaphore(%run_scoped3A : memref<!tpu.dma_semaphore, #tpu.memory_space<semaphore_mem>>)
      %dma_wait3A = arith.constant 0 : i32
      %dma_wait3A_271 = tpu.memref_slice %arg14[%add3A_41, %dma_wait3A] : memref<5248x128xf32, #tpu.memory_space<vmem_shared>> -> memref<16x128xf32, #tpu.memory_space<vmem_shared>>
      %dma_wait3A_272 = arith.constant 0 : i32
      %dma_wait3A_273 = tpu.memref_slice %arg14[%add3A_41, %dma_wait3A_272] : memref<5248x128xf32, #tpu.memory_space<vmem_shared>> -> memref<16x128xf32, #tpu.memory_space<vmem_shared>>
      tpu.wait_dma2 semaphore(%run_scoped3A : memref<!tpu.dma_semaphore, #tpu.memory_space<semaphore_mem>>) src(%arg10 : memref<16x128xf32, #tpu.memory_space<vmem>>) dst(%dma_wait3A_273 : memref<16x128xf32, #tpu.memory_space<vmem_shared>>)
      tpu.yield
    }) : () -> ()
    %mul3A_42 = arith.constant 328 : i32
    %mul3A_43 = arith.muli %arg1, %mul3A_42 : i32
    %add3A_44 = arith.constant 144 : i32
    %add3A_45 = arith.addi %mul3A_43, %add3A_44 : i32
    "tpu.region"() ({
      %run_scoped3A = tpu.sem_alloc : memref<!tpu.dma_semaphore, #tpu.memory_space<semaphore_mem>>
      %dma_start3A = arith.constant 0 : i32
      %dma_start3A_268 = tpu.memref_slice %arg14[%add3A_45, %dma_start3A] : memref<5248x128xf32, #tpu.memory_space<vmem_shared>> -> memref<16x128xf32, #tpu.memory_space<vmem_shared>>
      %dma_start3A_269 = arith.constant 0 : i32
      %dma_start3A_270 = tpu.memref_slice %arg14[%add3A_45, %dma_start3A_269] : memref<5248x128xf32, #tpu.memory_space<vmem_shared>> -> memref<16x128xf32, #tpu.memory_space<vmem_shared>>
      tpu.enqueue_dma source(%arg10 : memref<16x128xf32, #tpu.memory_space<vmem>>) target(%dma_start3A_270 : memref<16x128xf32, #tpu.memory_space<vmem_shared>>) target_semaphore(%run_scoped3A : memref<!tpu.dma_semaphore, #tpu.memory_space<semaphore_mem>>)
      %dma_wait3A = arith.constant 0 : i32
      %dma_wait3A_271 = tpu.memref_slice %arg14[%add3A_45, %dma_wait3A] : memref<5248x128xf32, #tpu.memory_space<vmem_shared>> -> memref<16x128xf32, #tpu.memory_space<vmem_shared>>
      %dma_wait3A_272 = arith.constant 0 : i32
      %dma_wait3A_273 = tpu.memref_slice %arg14[%add3A_45, %dma_wait3A_272] : memref<5248x128xf32, #tpu.memory_space<vmem_shared>> -> memref<16x128xf32, #tpu.memory_space<vmem_shared>>
      tpu.wait_dma2 semaphore(%run_scoped3A : memref<!tpu.dma_semaphore, #tpu.memory_space<semaphore_mem>>) src(%arg10 : memref<16x128xf32, #tpu.memory_space<vmem>>) dst(%dma_wait3A_273 : memref<16x128xf32, #tpu.memory_space<vmem_shared>>)
      tpu.yield
    }) : () -> ()
    %mul3A_46 = arith.constant 328 : i32
    %mul3A_47 = arith.muli %arg1, %mul3A_46 : i32
    %add3A_48 = arith.constant 160 : i32
    %add3A_49 = arith.addi %mul3A_47, %add3A_48 : i32
    "tpu.region"() ({
      %run_scoped3A = tpu.sem_alloc : memref<!tpu.dma_semaphore, #tpu.memory_space<semaphore_mem>>
      %dma_start3A = arith.constant 0 : i32
      %dma_start3A_268 = tpu.memref_slice %arg14[%add3A_49, %dma_start3A] : memref<5248x128xf32, #tpu.memory_space<vmem_shared>> -> memref<16x128xf32, #tpu.memory_space<vmem_shared>>
      %dma_start3A_269 = arith.constant 0 : i32
      %dma_start3A_270 = tpu.memref_slice %arg14[%add3A_49, %dma_start3A_269] : memref<5248x128xf32, #tpu.memory_space<vmem_shared>> -> memref<16x128xf32, #tpu.memory_space<vmem_shared>>
      tpu.enqueue_dma source(%arg10 : memref<16x128xf32, #tpu.memory_space<vmem>>) target(%dma_start3A_270 : memref<16x128xf32, #tpu.memory_space<vmem_shared>>) target_semaphore(%run_scoped3A : memref<!tpu.dma_semaphore, #tpu.memory_space<semaphore_mem>>)
      %dma_wait3A = arith.constant 0 : i32
      %dma_wait3A_271 = tpu.memref_slice %arg14[%add3A_49, %dma_wait3A] : memref<5248x128xf32, #tpu.memory_space<vmem_shared>> -> memref<16x128xf32, #tpu.memory_space<vmem_shared>>
      %dma_wait3A_272 = arith.constant 0 : i32
      %dma_wait3A_273 = tpu.memref_slice %arg14[%add3A_49, %dma_wait3A_272] : memref<5248x128xf32, #tpu.memory_space<vmem_shared>> -> memref<16x128xf32, #tpu.memory_space<vmem_shared>>
      tpu.wait_dma2 semaphore(%run_scoped3A : memref<!tpu.dma_semaphore, #tpu.memory_space<semaphore_mem>>) src(%arg10 : memref<16x128xf32, #tpu.memory_space<vmem>>) dst(%dma_wait3A_273 : memref<16x128xf32, #tpu.memory_space<vmem_shared>>)
      tpu.yield
    }) : () -> ()
    %mul3A_50 = arith.constant 328 : i32
    %mul3A_51 = arith.muli %arg1, %mul3A_50 : i32
    %add3A_52 = arith.constant 176 : i32
    %add3A_53 = arith.addi %mul3A_51, %add3A_52 : i32
    "tpu.region"() ({
      %run_scoped3A = tpu.sem_alloc : memref<!tpu.dma_semaphore, #tpu.memory_space<semaphore_mem>>
      %dma_start3A = arith.constant 0 : i32
      %dma_start3A_268 = tpu.memref_slice %arg14[%add3A_53, %dma_start3A] : memref<5248x128xf32, #tpu.memory_space<vmem_shared>> -> memref<16x128xf32, #tpu.memory_space<vmem_shared>>
      %dma_start3A_269 = arith.constant 0 : i32
      %dma_start3A_270 = tpu.memref_slice %arg14[%add3A_53, %dma_start3A_269] : memref<5248x128xf32, #tpu.memory_space<vmem_shared>> -> memref<16x128xf32, #tpu.memory_space<vmem_shared>>
      tpu.enqueue_dma source(%arg10 : memref<16x128xf32, #tpu.memory_space<vmem>>) target(%dma_start3A_270 : memref<16x128xf32, #tpu.memory_space<vmem_shared>>) target_semaphore(%run_scoped3A : memref<!tpu.dma_semaphore, #tpu.memory_space<semaphore_mem>>)
      %dma_wait3A = arith.constant 0 : i32
      %dma_wait3A_271 = tpu.memref_slice %arg14[%add3A_53, %dma_wait3A] : memref<5248x128xf32, #tpu.memory_space<vmem_shared>> -> memref<16x128xf32, #tpu.memory_space<vmem_shared>>
      %dma_wait3A_272 = arith.constant 0 : i32
      %dma_wait3A_273 = tpu.memref_slice %arg14[%add3A_53, %dma_wait3A_272] : memref<5248x128xf32, #tpu.memory_space<vmem_shared>> -> memref<16x128xf32, #tpu.memory_space<vmem_shared>>
      tpu.wait_dma2 semaphore(%run_scoped3A : memref<!tpu.dma_semaphore, #tpu.memory_space<semaphore_mem>>) src(%arg10 : memref<16x128xf32, #tpu.memory_space<vmem>>) dst(%dma_wait3A_273 : memref<16x128xf32, #tpu.memory_space<vmem_shared>>)
      tpu.yield
    }) : () -> ()
    %mul3A_54 = arith.constant 328 : i32
    %mul3A_55 = arith.muli %arg1, %mul3A_54 : i32
    %add3A_56 = arith.constant 192 : i32
    %add3A_57 = arith.addi %mul3A_55, %add3A_56 : i32
    "tpu.region"() ({
      %run_scoped3A = tpu.sem_alloc : memref<!tpu.dma_semaphore, #tpu.memory_space<semaphore_mem>>
      %dma_start3A = arith.constant 0 : i32
      %dma_start3A_268 = tpu.memref_slice %arg14[%add3A_57, %dma_start3A] : memref<5248x128xf32, #tpu.memory_space<vmem_shared>> -> memref<16x128xf32, #tpu.memory_space<vmem_shared>>
      %dma_start3A_269 = arith.constant 0 : i32
      %dma_start3A_270 = tpu.memref_slice %arg14[%add3A_57, %dma_start3A_269] : memref<5248x128xf32, #tpu.memory_space<vmem_shared>> -> memref<16x128xf32, #tpu.memory_space<vmem_shared>>
      tpu.enqueue_dma source(%arg10 : memref<16x128xf32, #tpu.memory_space<vmem>>) target(%dma_start3A_270 : memref<16x128xf32, #tpu.memory_space<vmem_shared>>) target_semaphore(%run_scoped3A : memref<!tpu.dma_semaphore, #tpu.memory_space<semaphore_mem>>)
      %dma_wait3A = arith.constant 0 : i32
      %dma_wait3A_271 = tpu.memref_slice %arg14[%add3A_57, %dma_wait3A] : memref<5248x128xf32, #tpu.memory_space<vmem_shared>> -> memref<16x128xf32, #tpu.memory_space<vmem_shared>>
      %dma_wait3A_272 = arith.constant 0 : i32
      %dma_wait3A_273 = tpu.memref_slice %arg14[%add3A_57, %dma_wait3A_272] : memref<5248x128xf32, #tpu.memory_space<vmem_shared>> -> memref<16x128xf32, #tpu.memory_space<vmem_shared>>
      tpu.wait_dma2 semaphore(%run_scoped3A : memref<!tpu.dma_semaphore, #tpu.memory_space<semaphore_mem>>) src(%arg10 : memref<16x128xf32, #tpu.memory_space<vmem>>) dst(%dma_wait3A_273 : memref<16x128xf32, #tpu.memory_space<vmem_shared>>)
      tpu.yield
    }) : () -> ()
    %mul3A_58 = arith.constant 328 : i32
    %mul3A_59 = arith.muli %arg1, %mul3A_58 : i32
    %add3A_60 = arith.constant 208 : i32
    %add3A_61 = arith.addi %mul3A_59, %add3A_60 : i32
    "tpu.region"() ({
      %run_scoped3A = tpu.sem_alloc : memref<!tpu.dma_semaphore, #tpu.memory_space<semaphore_mem>>
      %dma_start3A = arith.constant 0 : i32
      %dma_start3A_268 = tpu.memref_slice %arg14[%add3A_61, %dma_start3A] : memref<5248x128xf32, #tpu.memory_space<vmem_shared>> -> memref<16x128xf32, #tpu.memory_space<vmem_shared>>
      %dma_start3A_269 = arith.constant 0 : i32
      %dma_start3A_270 = tpu.memref_slice %arg14[%add3A_61, %dma_start3A_269] : memref<5248x128xf32, #tpu.memory_space<vmem_shared>> -> memref<16x128xf32, #tpu.memory_space<vmem_shared>>
      tpu.enqueue_dma source(%arg10 : memref<16x128xf32, #tpu.memory_space<vmem>>) target(%dma_start3A_270 : memref<16x128xf32, #tpu.memory_space<vmem_shared>>) target_semaphore(%run_scoped3A : memref<!tpu.dma_semaphore, #tpu.memory_space<semaphore_mem>>)
      %dma_wait3A = arith.constant 0 : i32
      %dma_wait3A_271 = tpu.memref_slice %arg14[%add3A_61, %dma_wait3A] : memref<5248x128xf32, #tpu.memory_space<vmem_shared>> -> memref<16x128xf32, #tpu.memory_space<vmem_shared>>
      %dma_wait3A_272 = arith.constant 0 : i32
      %dma_wait3A_273 = tpu.memref_slice %arg14[%add3A_61, %dma_wait3A_272] : memref<5248x128xf32, #tpu.memory_space<vmem_shared>> -> memref<16x128xf32, #tpu.memory_space<vmem_shared>>
      tpu.wait_dma2 semaphore(%run_scoped3A : memref<!tpu.dma_semaphore, #tpu.memory_space<semaphore_mem>>) src(%arg10 : memref<16x128xf32, #tpu.memory_space<vmem>>) dst(%dma_wait3A_273 : memref<16x128xf32, #tpu.memory_space<vmem_shared>>)
      tpu.yield
    }) : () -> ()
    %mul3A_62 = arith.constant 328 : i32
    %mul3A_63 = arith.muli %arg1, %mul3A_62 : i32
    %add3A_64 = arith.constant 224 : i32
    %add3A_65 = arith.addi %mul3A_63, %add3A_64 : i32
    "tpu.region"() ({
      %run_scoped3A = tpu.sem_alloc : memref<!tpu.dma_semaphore, #tpu.memory_space<semaphore_mem>>
      %dma_start3A = arith.constant 0 : i32
      %dma_start3A_268 = tpu.memref_slice %arg14[%add3A_65, %dma_start3A] : memref<5248x128xf32, #tpu.memory_space<vmem_shared>> -> memref<16x128xf32, #tpu.memory_space<vmem_shared>>
      %dma_start3A_269 = arith.constant 0 : i32
      %dma_start3A_270 = tpu.memref_slice %arg14[%add3A_65, %dma_start3A_269] : memref<5248x128xf32, #tpu.memory_space<vmem_shared>> -> memref<16x128xf32, #tpu.memory_space<vmem_shared>>
      tpu.enqueue_dma source(%arg10 : memref<16x128xf32, #tpu.memory_space<vmem>>) target(%dma_start3A_270 : memref<16x128xf32, #tpu.memory_space<vmem_shared>>) target_semaphore(%run_scoped3A : memref<!tpu.dma_semaphore, #tpu.memory_space<semaphore_mem>>)
      %dma_wait3A = arith.constant 0 : i32
      %dma_wait3A_271 = tpu.memref_slice %arg14[%add3A_65, %dma_wait3A] : memref<5248x128xf32, #tpu.memory_space<vmem_shared>> -> memref<16x128xf32, #tpu.memory_space<vmem_shared>>
      %dma_wait3A_272 = arith.constant 0 : i32
      %dma_wait3A_273 = tpu.memref_slice %arg14[%add3A_65, %dma_wait3A_272] : memref<5248x128xf32, #tpu.memory_space<vmem_shared>> -> memref<16x128xf32, #tpu.memory_space<vmem_shared>>
      tpu.wait_dma2 semaphore(%run_scoped3A : memref<!tpu.dma_semaphore, #tpu.memory_space<semaphore_mem>>) src(%arg10 : memref<16x128xf32, #tpu.memory_space<vmem>>) dst(%dma_wait3A_273 : memref<16x128xf32, #tpu.memory_space<vmem_shared>>)
      tpu.yield
    }) : () -> ()
    %mul3A_66 = arith.constant 328 : i32
    %mul3A_67 = arith.muli %arg1, %mul3A_66 : i32
    %add3A_68 = arith.constant 240 : i32
    %add3A_69 = arith.addi %mul3A_67, %add3A_68 : i32
    "tpu.region"() ({
      %run_scoped3A = tpu.sem_alloc : memref<!tpu.dma_semaphore, #tpu.memory_space<semaphore_mem>>
      %dma_start3A = arith.constant 0 : i32
      %dma_start3A_268 = tpu.memref_slice %arg14[%add3A_69, %dma_start3A] : memref<5248x128xf32, #tpu.memory_space<vmem_shared>> -> memref<16x128xf32, #tpu.memory_space<vmem_shared>>
      %dma_start3A_269 = arith.constant 0 : i32
      %dma_start3A_270 = tpu.memref_slice %arg14[%add3A_69, %dma_start3A_269] : memref<5248x128xf32, #tpu.memory_space<vmem_shared>> -> memref<16x128xf32, #tpu.memory_space<vmem_shared>>
      tpu.enqueue_dma source(%arg10 : memref<16x128xf32, #tpu.memory_space<vmem>>) target(%dma_start3A_270 : memref<16x128xf32, #tpu.memory_space<vmem_shared>>) target_semaphore(%run_scoped3A : memref<!tpu.dma_semaphore, #tpu.memory_space<semaphore_mem>>)
      %dma_wait3A = arith.constant 0 : i32
      %dma_wait3A_271 = tpu.memref_slice %arg14[%add3A_69, %dma_wait3A] : memref<5248x128xf32, #tpu.memory_space<vmem_shared>> -> memref<16x128xf32, #tpu.memory_space<vmem_shared>>
      %dma_wait3A_272 = arith.constant 0 : i32
      %dma_wait3A_273 = tpu.memref_slice %arg14[%add3A_69, %dma_wait3A_272] : memref<5248x128xf32, #tpu.memory_space<vmem_shared>> -> memref<16x128xf32, #tpu.memory_space<vmem_shared>>
      tpu.wait_dma2 semaphore(%run_scoped3A : memref<!tpu.dma_semaphore, #tpu.memory_space<semaphore_mem>>) src(%arg10 : memref<16x128xf32, #tpu.memory_space<vmem>>) dst(%dma_wait3A_273 : memref<16x128xf32, #tpu.memory_space<vmem_shared>>)
      tpu.yield
    }) : () -> ()
    %mul3A_70 = arith.constant 328 : i32
    %mul3A_71 = arith.muli %arg1, %mul3A_70 : i32
    %add3A_72 = arith.constant 256 : i32
    %add3A_73 = arith.addi %mul3A_71, %add3A_72 : i32
    "tpu.region"() ({
      %run_scoped3A = tpu.sem_alloc : memref<!tpu.dma_semaphore, #tpu.memory_space<semaphore_mem>>
      %dma_start3A = arith.constant 0 : i32
      %dma_start3A_268 = tpu.memref_slice %arg14[%add3A_73, %dma_start3A] : memref<5248x128xf32, #tpu.memory_space<vmem_shared>> -> memref<16x128xf32, #tpu.memory_space<vmem_shared>>
      %dma_start3A_269 = arith.constant 0 : i32
      %dma_start3A_270 = tpu.memref_slice %arg14[%add3A_73, %dma_start3A_269] : memref<5248x128xf32, #tpu.memory_space<vmem_shared>> -> memref<16x128xf32, #tpu.memory_space<vmem_shared>>
      tpu.enqueue_dma source(%arg10 : memref<16x128xf32, #tpu.memory_space<vmem>>) target(%dma_start3A_270 : memref<16x128xf32, #tpu.memory_space<vmem_shared>>) target_semaphore(%run_scoped3A : memref<!tpu.dma_semaphore, #tpu.memory_space<semaphore_mem>>)
      %dma_wait3A = arith.constant 0 : i32
      %dma_wait3A_271 = tpu.memref_slice %arg14[%add3A_73, %dma_wait3A] : memref<5248x128xf32, #tpu.memory_space<vmem_shared>> -> memref<16x128xf32, #tpu.memory_space<vmem_shared>>
      %dma_wait3A_272 = arith.constant 0 : i32
      %dma_wait3A_273 = tpu.memref_slice %arg14[%add3A_73, %dma_wait3A_272] : memref<5248x128xf32, #tpu.memory_space<vmem_shared>> -> memref<16x128xf32, #tpu.memory_space<vmem_shared>>
      tpu.wait_dma2 semaphore(%run_scoped3A : memref<!tpu.dma_semaphore, #tpu.memory_space<semaphore_mem>>) src(%arg10 : memref<16x128xf32, #tpu.memory_space<vmem>>) dst(%dma_wait3A_273 : memref<16x128xf32, #tpu.memory_space<vmem_shared>>)
      tpu.yield
    }) : () -> ()
    %mul3A_74 = arith.constant 328 : i32
    %mul3A_75 = arith.muli %arg1, %mul3A_74 : i32
    %add3A_76 = arith.constant 272 : i32
    %add3A_77 = arith.addi %mul3A_75, %add3A_76 : i32
    "tpu.region"() ({
      %run_scoped3A = tpu.sem_alloc : memref<!tpu.dma_semaphore, #tpu.memory_space<semaphore_mem>>
      %dma_start3A = arith.constant 0 : i32
      %dma_start3A_268 = tpu.memref_slice %arg14[%add3A_77, %dma_start3A] : memref<5248x128xf32, #tpu.memory_space<vmem_shared>> -> memref<16x128xf32, #tpu.memory_space<vmem_shared>>
      %dma_start3A_269 = arith.constant 0 : i32
      %dma_start3A_270 = tpu.memref_slice %arg14[%add3A_77, %dma_start3A_269] : memref<5248x128xf32, #tpu.memory_space<vmem_shared>> -> memref<16x128xf32, #tpu.memory_space<vmem_shared>>
      tpu.enqueue_dma source(%arg10 : memref<16x128xf32, #tpu.memory_space<vmem>>) target(%dma_start3A_270 : memref<16x128xf32, #tpu.memory_space<vmem_shared>>) target_semaphore(%run_scoped3A : memref<!tpu.dma_semaphore, #tpu.memory_space<semaphore_mem>>)
      %dma_wait3A = arith.constant 0 : i32
      %dma_wait3A_271 = tpu.memref_slice %arg14[%add3A_77, %dma_wait3A] : memref<5248x128xf32, #tpu.memory_space<vmem_shared>> -> memref<16x128xf32, #tpu.memory_space<vmem_shared>>
      %dma_wait3A_272 = arith.constant 0 : i32
      %dma_wait3A_273 = tpu.memref_slice %arg14[%add3A_77, %dma_wait3A_272] : memref<5248x128xf32, #tpu.memory_space<vmem_shared>> -> memref<16x128xf32, #tpu.memory_space<vmem_shared>>
      tpu.wait_dma2 semaphore(%run_scoped3A : memref<!tpu.dma_semaphore, #tpu.memory_space<semaphore_mem>>) src(%arg10 : memref<16x128xf32, #tpu.memory_space<vmem>>) dst(%dma_wait3A_273 : memref<16x128xf32, #tpu.memory_space<vmem_shared>>)
      tpu.yield
    }) : () -> ()
    %mul3A_78 = arith.constant 328 : i32
    %mul3A_79 = arith.muli %arg1, %mul3A_78 : i32
    %add3A_80 = arith.constant 288 : i32
    %add3A_81 = arith.addi %mul3A_79, %add3A_80 : i32
    "tpu.region"() ({
      %run_scoped3A = tpu.sem_alloc : memref<!tpu.dma_semaphore, #tpu.memory_space<semaphore_mem>>
      %dma_start3A = arith.constant 0 : i32
      %dma_start3A_268 = tpu.memref_slice %arg14[%add3A_81, %dma_start3A] : memref<5248x128xf32, #tpu.memory_space<vmem_shared>> -> memref<16x128xf32, #tpu.memory_space<vmem_shared>>
      %dma_start3A_269 = arith.constant 0 : i32
      %dma_start3A_270 = tpu.memref_slice %arg14[%add3A_81, %dma_start3A_269] : memref<5248x128xf32, #tpu.memory_space<vmem_shared>> -> memref<16x128xf32, #tpu.memory_space<vmem_shared>>
      tpu.enqueue_dma source(%arg10 : memref<16x128xf32, #tpu.memory_space<vmem>>) target(%dma_start3A_270 : memref<16x128xf32, #tpu.memory_space<vmem_shared>>) target_semaphore(%run_scoped3A : memref<!tpu.dma_semaphore, #tpu.memory_space<semaphore_mem>>)
      %dma_wait3A = arith.constant 0 : i32
      %dma_wait3A_271 = tpu.memref_slice %arg14[%add3A_81, %dma_wait3A] : memref<5248x128xf32, #tpu.memory_space<vmem_shared>> -> memref<16x128xf32, #tpu.memory_space<vmem_shared>>
      %dma_wait3A_272 = arith.constant 0 : i32
      %dma_wait3A_273 = tpu.memref_slice %arg14[%add3A_81, %dma_wait3A_272] : memref<5248x128xf32, #tpu.memory_space<vmem_shared>> -> memref<16x128xf32, #tpu.memory_space<vmem_shared>>
      tpu.wait_dma2 semaphore(%run_scoped3A : memref<!tpu.dma_semaphore, #tpu.memory_space<semaphore_mem>>) src(%arg10 : memref<16x128xf32, #tpu.memory_space<vmem>>) dst(%dma_wait3A_273 : memref<16x128xf32, #tpu.memory_space<vmem_shared>>)
      tpu.yield
    }) : () -> ()
    %mul3A_82 = arith.constant 328 : i32
    %mul3A_83 = arith.muli %arg1, %mul3A_82 : i32
    %add3A_84 = arith.constant 304 : i32
    %add3A_85 = arith.addi %mul3A_83, %add3A_84 : i32
    "tpu.region"() ({
      %run_scoped3A = tpu.sem_alloc : memref<!tpu.dma_semaphore, #tpu.memory_space<semaphore_mem>>
      %dma_start3A = arith.constant 0 : i32
      %dma_start3A_268 = tpu.memref_slice %arg14[%add3A_85, %dma_start3A] : memref<5248x128xf32, #tpu.memory_space<vmem_shared>> -> memref<16x128xf32, #tpu.memory_space<vmem_shared>>
      %dma_start3A_269 = arith.constant 0 : i32
      %dma_start3A_270 = tpu.memref_slice %arg14[%add3A_85, %dma_start3A_269] : memref<5248x128xf32, #tpu.memory_space<vmem_shared>> -> memref<16x128xf32, #tpu.memory_space<vmem_shared>>
      tpu.enqueue_dma source(%arg10 : memref<16x128xf32, #tpu.memory_space<vmem>>) target(%dma_start3A_270 : memref<16x128xf32, #tpu.memory_space<vmem_shared>>) target_semaphore(%run_scoped3A : memref<!tpu.dma_semaphore, #tpu.memory_space<semaphore_mem>>)
      %dma_wait3A = arith.constant 0 : i32
      %dma_wait3A_271 = tpu.memref_slice %arg14[%add3A_85, %dma_wait3A] : memref<5248x128xf32, #tpu.memory_space<vmem_shared>> -> memref<16x128xf32, #tpu.memory_space<vmem_shared>>
      %dma_wait3A_272 = arith.constant 0 : i32
      %dma_wait3A_273 = tpu.memref_slice %arg14[%add3A_85, %dma_wait3A_272] : memref<5248x128xf32, #tpu.memory_space<vmem_shared>> -> memref<16x128xf32, #tpu.memory_space<vmem_shared>>
      tpu.wait_dma2 semaphore(%run_scoped3A : memref<!tpu.dma_semaphore, #tpu.memory_space<semaphore_mem>>) src(%arg10 : memref<16x128xf32, #tpu.memory_space<vmem>>) dst(%dma_wait3A_273 : memref<16x128xf32, #tpu.memory_space<vmem_shared>>)
      tpu.yield
    }) : () -> ()
    %mul3A_86 = arith.constant 328 : i32
    %mul3A_87 = arith.muli %arg1, %mul3A_86 : i32
    %add3A_88 = arith.constant 320 : i32
    %add3A_89 = arith.addi %mul3A_87, %add3A_88 : i32
    "tpu.region"() ({
      %run_scoped3A = tpu.sem_alloc : memref<!tpu.dma_semaphore, #tpu.memory_space<semaphore_mem>>
      %dma_start3A = arith.constant 0 : i32
      %dma_start3A_268 = arith.constant 0 : i32
      %dma_start3A_269 = tpu.memref_slice %arg10[%dma_start3A, %dma_start3A_268] : memref<16x128xf32, #tpu.memory_space<vmem>> -> memref<8x128xf32, #tpu.memory_space<vmem>>
      %dma_start3A_270 = arith.constant 0 : i32
      %dma_start3A_271 = tpu.memref_slice %arg14[%add3A_89, %dma_start3A_270] : memref<5248x128xf32, #tpu.memory_space<vmem_shared>> -> memref<8x128xf32, #tpu.memory_space<vmem_shared>>
      %dma_start3A_272 = arith.constant 0 : i32
      %dma_start3A_273 = tpu.memref_slice %arg14[%add3A_89, %dma_start3A_272] : memref<5248x128xf32, #tpu.memory_space<vmem_shared>> -> memref<8x128xf32, #tpu.memory_space<vmem_shared>>
      %dma_start3A_274 = arith.constant 0 : i32
      %dma_start3A_275 = arith.constant 0 : i32
      %dma_start3A_276 = tpu.memref_slice %arg10[%dma_start3A_274, %dma_start3A_275] : memref<16x128xf32, #tpu.memory_space<vmem>> -> memref<8x128xf32, #tpu.memory_space<vmem>>
      tpu.enqueue_dma source(%dma_start3A_276 : memref<8x128xf32, #tpu.memory_space<vmem>>) target(%dma_start3A_273 : memref<8x128xf32, #tpu.memory_space<vmem_shared>>) target_semaphore(%run_scoped3A : memref<!tpu.dma_semaphore, #tpu.memory_space<semaphore_mem>>)
      %dma_wait3A = arith.constant 0 : i32
      %dma_wait3A_277 = arith.constant 0 : i32
      %dma_wait3A_278 = tpu.memref_slice %arg10[%dma_wait3A, %dma_wait3A_277] : memref<16x128xf32, #tpu.memory_space<vmem>> -> memref<8x128xf32, #tpu.memory_space<vmem>>
      %dma_wait3A_279 = arith.constant 0 : i32
      %dma_wait3A_280 = tpu.memref_slice %arg14[%add3A_89, %dma_wait3A_279] : memref<5248x128xf32, #tpu.memory_space<vmem_shared>> -> memref<8x128xf32, #tpu.memory_space<vmem_shared>>
      %dma_wait3A_281 = arith.constant 0 : i32
      %dma_wait3A_282 = tpu.memref_slice %arg14[%add3A_89, %dma_wait3A_281] : memref<5248x128xf32, #tpu.memory_space<vmem_shared>> -> memref<8x128xf32, #tpu.memory_space<vmem_shared>>
      %dma_wait3A_283 = arith.constant 0 : i32
      %dma_wait3A_284 = arith.constant 0 : i32
      %dma_wait3A_285 = tpu.memref_slice %arg10[%dma_wait3A_283, %dma_wait3A_284] : memref<16x128xf32, #tpu.memory_space<vmem>> -> memref<8x128xf32, #tpu.memory_space<vmem>>
      tpu.wait_dma2 semaphore(%run_scoped3A : memref<!tpu.dma_semaphore, #tpu.memory_space<semaphore_mem>>) src(%dma_wait3A_285 : memref<8x128xf32, #tpu.memory_space<vmem>>) dst(%dma_wait3A_282 : memref<8x128xf32, #tpu.memory_space<vmem_shared>>)
      tpu.yield
    }) : () -> ()
    %barrier3A = arith.constant 0 : index
    tpu.barrier barrier_id(%barrier3A)
    %get3A = arith.constant 0 : i32
    %get3A_90 = arith.index_cast %get3A : i32 to index
    %get3A_91 = arith.constant 0 : index
    %get3A_92 = tpu.vector_load %arg13[%get3A_90, %get3A_91] {strides = array<i32>} : memref<1x128xf32, #tpu.memory_space<vmem>>, vector<16xf32>,
    %scan3A_93 = arith.constant 0 : i32
    %scan3A_94 = arith.constant 0 : i32
    %scan3A_95 = arith.constant 1250 : i32
    %scan3A_96 = arith.addi %scan3A_94, %scan3A_95 : i32
    %scan3A_97 = arith.constant 1 : i32
    scf.for %scan3A_268 = %scan3A_94 to %scan3A_96 step %scan3A_97  : i32 {
      %mul3A_269 = arith.constant 20000 : i32
      %mul3A_270 = arith.muli %arg1, %mul3A_269 : i32
      %mul3A_271 = arith.constant 16 : i32
      %mul3A_272 = arith.muli %scan3A_268, %mul3A_271 : i32
      %add3A_273 = arith.addi %mul3A_270, %mul3A_272 : i32
      "tpu.region"() ({
        %run_scoped3A = tpu.sem_alloc : memref<!tpu.dma_semaphore, #tpu.memory_space<semaphore_mem>>
        %dma_start3A_496 = tpu.memref_slice %arg2[%add3A_273] : memref<320000xi32, #tpu.memory_space<hbm>> -> memref<16xi32, #tpu.memory_space<hbm>>
        %dma_start3A_497 = tpu.memref_slice %arg2[%add3A_273] : memref<320000xi32, #tpu.memory_space<hbm>> -> memref<16xi32, #tpu.memory_space<hbm>>
        tpu.enqueue_dma source(%dma_start3A_497 : memref<16xi32, #tpu.memory_space<hbm>>) target(%arg7 : memref<16xi32, #tpu.memory_space<vmem>>) target_semaphore(%run_scoped3A : memref<!tpu.dma_semaphore, #tpu.memory_space<semaphore_mem>>)
        %dma_wait3A_498 = tpu.memref_slice %arg2[%add3A_273] : memref<320000xi32, #tpu.memory_space<hbm>> -> memref<16xi32, #tpu.memory_space<hbm>>
        %dma_wait3A_499 = tpu.memref_slice %arg2[%add3A_273] : memref<320000xi32, #tpu.memory_space<hbm>> -> memref<16xi32, #tpu.memory_space<hbm>>
        tpu.wait_dma2 semaphore(%run_scoped3A : memref<!tpu.dma_semaphore, #tpu.memory_space<semaphore_mem>>) src(%dma_wait3A_499 : memref<16xi32, #tpu.memory_space<hbm>>) dst(%arg7 : memref<16xi32, #tpu.memory_space<vmem>>)
        tpu.yield
      }) : () -> ()
      %get3A_274 = arith.constant 0 : index
      %get3A_275 = tpu.vector_load %arg7[%get3A_274] {strides = array<i32>} : memref<16xi32, #tpu.memory_space<vmem>>, vector<16xi32>,
      %shift_right_logical3A = arith.constant 14 : i32
      %shift_right_logical3A_276 = vector.broadcast %shift_right_logical3A : i32 to vector<16xi32>
      %shift_right_logical3A_277 = arith.shrui %get3A_275, %shift_right_logical3A_276 : vector<16xi32>
      %and3A = arith.constant 16383 : i32
      %and3A_278 = vector.broadcast %and3A : i32 to vector<16xi32>
      %and3A_279 = arith.andi %get3A_275, %and3A_278 : vector<16xi32>
      %add3A_280 = arith.constant 0 : i32
      %add3A_281 = vector.broadcast %add3A_280 : i32 to vector<16xi32>
      %add3A_282 = arith.addi %iota3A, %add3A_281 : vector<16xi32>
      tpu.vector_store_idx %arg8[%add3A_282], %shift_right_logical3A_277 : memref<16xi32, #tpu.memory_space<vmem>>[vector<16xi32>], vector<16xi32>,
      %sub3A = vector.broadcast %mul3A_1 : i32 to vector<16xi32>
      %sub3A_283 = arith.subi %and3A_279, %sub3A : vector<16xi32>
      %ge3A = arith.constant 0 : i32
      %ge3A_284 = vector.broadcast %ge3A : i32 to vector<16xi32>
      %ge3A_285 = arith.cmpi sge, %sub3A_283, %ge3A_284 : vector<16xi32>
      %lt3A = arith.constant 5120 : i32
      %lt3A_286 = vector.broadcast %lt3A : i32 to vector<16xi32>
      %lt3A_287 = arith.cmpi slt, %sub3A_283, %lt3A_286 : vector<16xi32>
      %and3A_288 = arith.andi %ge3A_285, %lt3A_287 : vector<16xi1>
      %and3A_289 = arith.constant 127 : i32
      %and3A_290 = vector.broadcast %and3A_289 : i32 to vector<16xi32>
      %and3A_291 = arith.andi %add3A_282, %and3A_290 : vector<16xi32>
      %add3A_292 = arith.constant 5120 : i32
      %add3A_293 = vector.broadcast %add3A_292 : i32 to vector<16xi32>
      %add3A_294 = arith.addi %add3A_293, %and3A_291 : vector<16xi32>
      %select_n3A = arith.select %and3A_288, %sub3A_283, %add3A_294 : vector<16xi1>, vector<16xi32>
      tpu.vector_store_idx %arg9[%add3A_282], %select_n3A : memref<16xi32, #tpu.memory_space<vmem>>[vector<16xi32>], vector<16xi32>,
      %shift_left3A = arith.constant 3 : i32
      %shift_left3A_295 = vector.broadcast %shift_left3A : i32 to vector<16xi32>
      %shift_left3A_296 = arith.shli %shift_right_logical3A_277, %shift_left3A_295 : vector<16xi32>
      %add3A_297 = arith.constant 0 : i32
      %add3A_298 = vector.broadcast %add3A_297 : i32 to vector<16xi32>
      %add3A_299 = arith.addi %shift_left3A_296, %add3A_298 : vector<16xi32>
      %shift_left3A_300 = arith.constant 3 : i32
      %shift_left3A_301 = vector.broadcast %shift_left3A_300 : i32 to vector<16xi32>
      %shift_left3A_302 = arith.shli %and3A_279, %shift_left3A_301 : vector<16xi32>
      %add3A_303 = arith.constant 4 : i32
      %add3A_304 = vector.broadcast %add3A_303 : i32 to vector<16xi32>
      %add3A_305 = arith.addi %shift_left3A_302, %add3A_304 : vector<16xi32>
      %shift_right_logical3A_306 = arith.constant 7 : i32
      %shift_right_logical3A_307 = vector.broadcast %shift_right_logical3A_306 : i32 to vector<16xi32>
      %shift_right_logical3A_308 = arith.shrui %add3A_299, %shift_right_logical3A_307 : vector<16xi32>
      %and3A_309 = arith.constant 127 : i32
      %and3A_310 = vector.broadcast %and3A_309 : i32 to vector<16xi32>
      %and3A_311 = arith.andi %add3A_299, %and3A_310 : vector<16xi32>
      %gather3A = tpu.vector_load_idx %arg12[%shift_right_logical3A_308, %and3A_311] : memref<625x128xf32, #tpu.memory_space<vmem>>[vector<16xi32>, vector<16xi32>], vector<16xf32>,
      %shift_right_logical3A_312 = arith.constant 7 : i32
      %shift_right_logical3A_313 = vector.broadcast %shift_right_logical3A_312 : i32 to vector<16xi32>
      %shift_right_logical3A_314 = arith.shrui %add3A_305, %shift_right_logical3A_313 : vector<16xi32>
      %and3A_315 = arith.constant 127 : i32
      %and3A_316 = vector.broadcast %and3A_315 : i32 to vector<16xi32>
      %and3A_317 = arith.andi %add3A_305, %and3A_316 : vector<16xi32>
      %gather3A_318 = tpu.vector_load_idx %arg12[%shift_right_logical3A_314, %and3A_317] : memref<625x128xf32, #tpu.memory_space<vmem>>[vector<16xi32>, vector<16xi32>], vector<16xf32>,
      %add3A_319 = arith.addf %gather3A, %gather3A_318 : vector<16xf32>
      %ge3A_320 = arith.constant 0.000000e+00 : f32
      %ge3A_321 = vector.broadcast %ge3A_320 : f32 to vector<16xf32>
      %ge3A_322 = arith.cmpf oge, %add3A_319, %ge3A_321 : vector<16xf32>
      %mul3A_323 = arith.constant 2.000000e-01 : f32
      %mul3A_324 = vector.broadcast %mul3A_323 : f32 to vector<16xf32>
      %mul3A_325 = arith.mulf %mul3A_324, %add3A_319 : vector<16xf32>
      %select_n3A_326 = arith.select %ge3A_322, %add3A_319, %mul3A_325 : vector<16xi1>, vector<16xf32>
      %slice3A = vector.extract_strided_slice %get3A_92 {offsets = [0], sizes = [1], strides = [1]} : vector<16xf32> to vector<1xf32>
      %squeeze3A = vector.extract %slice3A[0] : f32 from vector<1xf32>
      %add3A_327 = vector.broadcast %squeeze3A : f32 to vector<16xf32>
      %add3A_328 = arith.addf %add3A_327, %gather3A_318 : vector<16xf32>
      %ge3A_329 = arith.constant 0.000000e+00 : f32
      %ge3A_330 = vector.broadcast %ge3A_329 : f32 to vector<16xf32>
      %ge3A_331 = arith.cmpf oge, %add3A_328, %ge3A_330 : vector<16xf32>
      %mul3A_332 = arith.constant 2.000000e-01 : f32
      %mul3A_333 = vector.broadcast %mul3A_332 : f32 to vector<16xf32>
      %mul3A_334 = arith.mulf %mul3A_333, %add3A_328 : vector<16xf32>
      %select_n3A_335 = arith.select %ge3A_331, %add3A_328, %mul3A_334 : vector<16xi1>, vector<16xf32>
      %sub3A_336 = arith.subf %select_n3A_326, %select_n3A_335 : vector<16xf32>
      %exp3A = math.exp %sub3A_336 : vector<16xf32>
      %shift_left3A_337 = arith.constant 3 : i32
      %shift_left3A_338 = vector.broadcast %shift_left3A_337 : i32 to vector<16xi32>
      %shift_left3A_339 = arith.shli %shift_right_logical3A_277, %shift_left3A_338 : vector<16xi32>
      %add3A_340 = arith.constant 1 : i32
      %add3A_341 = vector.broadcast %add3A_340 : i32 to vector<16xi32>
      %add3A_342 = arith.addi %shift_left3A_339, %add3A_341 : vector<16xi32>
      %shift_left3A_343 = arith.constant 3 : i32
      %shift_left3A_344 = vector.broadcast %shift_left3A_343 : i32 to vector<16xi32>
      %shift_left3A_345 = arith.shli %and3A_279, %shift_left3A_344 : vector<16xi32>
      %add3A_346 = arith.constant 5 : i32
      %add3A_347 = vector.broadcast %add3A_346 : i32 to vector<16xi32>
      %add3A_348 = arith.addi %shift_left3A_345, %add3A_347 : vector<16xi32>
      %shift_right_logical3A_349 = arith.constant 7 : i32
      %shift_right_logical3A_350 = vector.broadcast %shift_right_logical3A_349 : i32 to vector<16xi32>
      %shift_right_logical3A_351 = arith.shrui %add3A_342, %shift_right_logical3A_350 : vector<16xi32>
      %and3A_352 = arith.constant 127 : i32
      %and3A_353 = vector.broadcast %and3A_352 : i32 to vector<16xi32>
      %and3A_354 = arith.andi %add3A_342, %and3A_353 : vector<16xi32>
      %gather3A_355 = tpu.vector_load_idx %arg12[%shift_right_logical3A_351, %and3A_354] : memref<625x128xf32, #tpu.memory_space<vmem>>[vector<16xi32>, vector<16xi32>], vector<16xf32>,
      %shift_right_logical3A_356 = arith.constant 7 : i32
      %shift_right_logical3A_357 = vector.broadcast %shift_right_logical3A_356 : i32 to vector<16xi32>
      %shift_right_logical3A_358 = arith.shrui %add3A_348, %shift_right_logical3A_357 : vector<16xi32>
      %and3A_359 = arith.constant 127 : i32
      %and3A_360 = vector.broadcast %and3A_359 : i32 to vector<16xi32>
      %and3A_361 = arith.andi %add3A_348, %and3A_360 : vector<16xi32>
      %gather3A_362 = tpu.vector_load_idx %arg12[%shift_right_logical3A_358, %and3A_361] : memref<625x128xf32, #tpu.memory_space<vmem>>[vector<16xi32>, vector<16xi32>], vector<16xf32>,
      %add3A_363 = arith.addf %gather3A_355, %gather3A_362 : vector<16xf32>
      %ge3A_364 = arith.constant 0.000000e+00 : f32
      %ge3A_365 = vector.broadcast %ge3A_364 : f32 to vector<16xf32>
      %ge3A_366 = arith.cmpf oge, %add3A_363, %ge3A_365 : vector<16xf32>
      %mul3A_367 = arith.constant 2.000000e-01 : f32
      %mul3A_368 = vector.broadcast %mul3A_367 : f32 to vector<16xf32>
      %mul3A_369 = arith.mulf %mul3A_368, %add3A_363 : vector<16xf32>
      %select_n3A_370 = arith.select %ge3A_366, %add3A_363, %mul3A_369 : vector<16xi1>, vector<16xf32>
      %slice3A_371 = vector.extract_strided_slice %get3A_92 {offsets = [1], sizes = [1], strides = [1]} : vector<16xf32> to vector<1xf32>
      %squeeze3A_372 = vector.extract %slice3A_371[0] : f32 from vector<1xf32>
      %add3A_373 = vector.broadcast %squeeze3A_372 : f32 to vector<16xf32>
      %add3A_374 = arith.addf %add3A_373, %gather3A_362 : vector<16xf32>
      %ge3A_375 = arith.constant 0.000000e+00 : f32
      %ge3A_376 = vector.broadcast %ge3A_375 : f32 to vector<16xf32>
      %ge3A_377 = arith.cmpf oge, %add3A_374, %ge3A_376 : vector<16xf32>
      %mul3A_378 = arith.constant 2.000000e-01 : f32
      %mul3A_379 = vector.broadcast %mul3A_378 : f32 to vector<16xf32>
      %mul3A_380 = arith.mulf %mul3A_379, %add3A_374 : vector<16xf32>
      %select_n3A_381 = arith.select %ge3A_377, %add3A_374, %mul3A_380 : vector<16xi1>, vector<16xf32>
      %sub3A_382 = arith.subf %select_n3A_370, %select_n3A_381 : vector<16xf32>
      %exp3A_383 = math.exp %sub3A_382 : vector<16xf32>
      %shift_left3A_384 = arith.constant 3 : i32
      %shift_left3A_385 = vector.broadcast %shift_left3A_384 : i32 to vector<16xi32>
      %shift_left3A_386 = arith.shli %shift_right_logical3A_277, %shift_left3A_385 : vector<16xi32>
      %add3A_387 = arith.constant 2 : i32
      %add3A_388 = vector.broadcast %add3A_387 : i32 to vector<16xi32>
      %add3A_389 = arith.addi %shift_left3A_386, %add3A_388 : vector<16xi32>
      %shift_left3A_390 = arith.constant 3 : i32
      %shift_left3A_391 = vector.broadcast %shift_left3A_390 : i32 to vector<16xi32>
      %shift_left3A_392 = arith.shli %and3A_279, %shift_left3A_391 : vector<16xi32>
      %add3A_393 = arith.constant 6 : i32
      %add3A_394 = vector.broadcast %add3A_393 : i32 to vector<16xi32>
      %add3A_395 = arith.addi %shift_left3A_392, %add3A_394 : vector<16xi32>
      %shift_right_logical3A_396 = arith.constant 7 : i32
      %shift_right_logical3A_397 = vector.broadcast %shift_right_logical3A_396 : i32 to vector<16xi32>
      %shift_right_logical3A_398 = arith.shrui %add3A_389, %shift_right_logical3A_397 : vector<16xi32>
      %and3A_399 = arith.constant 127 : i32
      %and3A_400 = vector.broadcast %and3A_399 : i32 to vector<16xi32>
      %and3A_401 = arith.andi %add3A_389, %and3A_400 : vector<16xi32>
      %gather3A_402 = tpu.vector_load_idx %arg12[%shift_right_logical3A_398, %and3A_401] : memref<625x128xf32, #tpu.memory_space<vmem>>[vector<16xi32>, vector<16xi32>], vector<16xf32>,
      %shift_right_logical3A_403 = arith.constant 7 : i32
      %shift_right_logical3A_404 = vector.broadcast %shift_right_logical3A_403 : i32 to vector<16xi32>
      %shift_right_logical3A_405 = arith.shrui %add3A_395, %shift_right_logical3A_404 : vector<16xi32>
      %and3A_406 = arith.constant 127 : i32
      %and3A_407 = vector.broadcast %and3A_406 : i32 to vector<16xi32>
      %and3A_408 = arith.andi %add3A_395, %and3A_407 : vector<16xi32>
      %gather3A_409 = tpu.vector_load_idx %arg12[%shift_right_logical3A_405, %and3A_408] : memref<625x128xf32, #tpu.memory_space<vmem>>[vector<16xi32>, vector<16xi32>], vector<16xf32>,
      %add3A_410 = arith.addf %gather3A_402, %gather3A_409 : vector<16xf32>
      %ge3A_411 = arith.constant 0.000000e+00 : f32
      %ge3A_412 = vector.broadcast %ge3A_411 : f32 to vector<16xf32>
      %ge3A_413 = arith.cmpf oge, %add3A_410, %ge3A_412 : vector<16xf32>
      %mul3A_414 = arith.constant 2.000000e-01 : f32
      %mul3A_415 = vector.broadcast %mul3A_414 : f32 to vector<16xf32>
      %mul3A_416 = arith.mulf %mul3A_415, %add3A_410 : vector<16xf32>
      %select_n3A_417 = arith.select %ge3A_413, %add3A_410, %mul3A_416 : vector<16xi1>, vector<16xf32>
      %slice3A_418 = vector.extract_strided_slice %get3A_92 {offsets = [2], sizes = [1], strides = [1]} : vector<16xf32> to vector<1xf32>
      %squeeze3A_419 = vector.extract %slice3A_418[0] : f32 from vector<1xf32>
      %add3A_420 = vector.broadcast %squeeze3A_419 : f32 to vector<16xf32>
      %add3A_421 = arith.addf %add3A_420, %gather3A_409 : vector<16xf32>
      %ge3A_422 = arith.constant 0.000000e+00 : f32
      %ge3A_423 = vector.broadcast %ge3A_422 : f32 to vector<16xf32>
      %ge3A_424 = arith.cmpf oge, %add3A_421, %ge3A_423 : vector<16xf32>
      %mul3A_425 = arith.constant 2.000000e-01 : f32
      %mul3A_426 = vector.broadcast %mul3A_425 : f32 to vector<16xf32>
      %mul3A_427 = arith.mulf %mul3A_426, %add3A_421 : vector<16xf32>
      %select_n3A_428 = arith.select %ge3A_424, %add3A_421, %mul3A_427 : vector<16xi1>, vector<16xf32>
      %sub3A_429 = arith.subf %select_n3A_417, %select_n3A_428 : vector<16xf32>
      %exp3A_430 = math.exp %sub3A_429 : vector<16xf32>
      %shift_left3A_431 = arith.constant 3 : i32
      %shift_left3A_432 = vector.broadcast %shift_left3A_431 : i32 to vector<16xi32>
      %shift_left3A_433 = arith.shli %shift_right_logical3A_277, %shift_left3A_432 : vector<16xi32>
      %add3A_434 = arith.constant 3 : i32
      %add3A_435 = vector.broadcast %add3A_434 : i32 to vector<16xi32>
      %add3A_436 = arith.addi %shift_left3A_433, %add3A_435 : vector<16xi32>
      %shift_left3A_437 = arith.constant 3 : i32
      %shift_left3A_438 = vector.broadcast %shift_left3A_437 : i32 to vector<16xi32>
      %shift_left3A_439 = arith.shli %and3A_279, %shift_left3A_438 : vector<16xi32>
      %add3A_440 = arith.constant 7 : i32
      %add3A_441 = vector.broadcast %add3A_440 : i32 to vector<16xi32>
      %add3A_442 = arith.addi %shift_left3A_439, %add3A_441 : vector<16xi32>
      %shift_right_logical3A_443 = arith.constant 7 : i32
      %shift_right_logical3A_444 = vector.broadcast %shift_right_logical3A_443 : i32 to vector<16xi32>
      %shift_right_logical3A_445 = arith.shrui %add3A_436, %shift_right_logical3A_444 : vector<16xi32>
      %and3A_446 = arith.constant 127 : i32
      %and3A_447 = vector.broadcast %and3A_446 : i32 to vector<16xi32>
      %and3A_448 = arith.andi %add3A_436, %and3A_447 : vector<16xi32>
      %gather3A_449 = tpu.vector_load_idx %arg12[%shift_right_logical3A_445, %and3A_448] : memref<625x128xf32, #tpu.memory_space<vmem>>[vector<16xi32>, vector<16xi32>], vector<16xf32>,
      %shift_right_logical3A_450 = arith.constant 7 : i32
      %shift_right_logical3A_451 = vector.broadcast %shift_right_logical3A_450 : i32 to vector<16xi32>
      %shift_right_logical3A_452 = arith.shrui %add3A_442, %shift_right_logical3A_451 : vector<16xi32>
      %and3A_453 = arith.constant 127 : i32
      %and3A_454 = vector.broadcast %and3A_453 : i32 to vector<16xi32>
      %and3A_455 = arith.andi %add3A_442, %and3A_454 : vector<16xi32>
      %gather3A_456 = tpu.vector_load_idx %arg12[%shift_right_logical3A_452, %and3A_455] : memref<625x128xf32, #tpu.memory_space<vmem>>[vector<16xi32>, vector<16xi32>], vector<16xf32>,
      %add3A_457 = arith.addf %gather3A_449, %gather3A_456 : vector<16xf32>
      %ge3A_458 = arith.constant 0.000000e+00 : f32
      %ge3A_459 = vector.broadcast %ge3A_458 : f32 to vector<16xf32>
      %ge3A_460 = arith.cmpf oge, %add3A_457, %ge3A_459 : vector<16xf32>
      %mul3A_461 = arith.constant 2.000000e-01 : f32
      %mul3A_462 = vector.broadcast %mul3A_461 : f32 to vector<16xf32>
      %mul3A_463 = arith.mulf %mul3A_462, %add3A_457 : vector<16xf32>
      %select_n3A_464 = arith.select %ge3A_460, %add3A_457, %mul3A_463 : vector<16xi1>, vector<16xf32>
      %slice3A_465 = vector.extract_strided_slice %get3A_92 {offsets = [3], sizes = [1], strides = [1]} : vector<16xf32> to vector<1xf32>
      %squeeze3A_466 = vector.extract %slice3A_465[0] : f32 from vector<1xf32>
      %add3A_467 = vector.broadcast %squeeze3A_466 : f32 to vector<16xf32>
      %add3A_468 = arith.addf %add3A_467, %gather3A_456 : vector<16xf32>
      %ge3A_469 = arith.constant 0.000000e+00 : f32
      %ge3A_470 = vector.broadcast %ge3A_469 : f32 to vector<16xf32>
      %ge3A_471 = arith.cmpf oge, %add3A_468, %ge3A_470 : vector<16xf32>
      %mul3A_472 = arith.constant 2.000000e-01 : f32
      %mul3A_473 = vector.broadcast %mul3A_472 : f32 to vector<16xf32>
      %mul3A_474 = arith.mulf %mul3A_473, %add3A_468 : vector<16xf32>
      %select_n3A_475 = arith.select %ge3A_471, %add3A_468, %mul3A_474 : vector<16xi1>, vector<16xf32>
      %sub3A_476 = arith.subf %select_n3A_464, %select_n3A_475 : vector<16xf32>
      %exp3A_477 = math.exp %sub3A_476 : vector<16xf32>
      %broadcast_in_dim3A_478 = arith.constant 0 : i32
      %broadcast_in_dim3A_479 = vector.broadcast %broadcast_in_dim3A_478 : i32 to vector<16xi32>
      tpu.vector_store_idx %arg11[%add3A_282, %broadcast_in_dim3A_479], %exp3A : memref<16x16xf32, #tpu.memory_space<vmem>>[vector<16xi32>, vector<16xi32>], vector<16xf32>,
      %broadcast_in_dim3A_480 = arith.constant 1 : i32
      %broadcast_in_dim3A_481 = vector.broadcast %broadcast_in_dim3A_480 : i32 to vector<16xi32>
      tpu.vector_store_idx %arg11[%add3A_282, %broadcast_in_dim3A_481], %exp3A_383 : memref<16x16xf32, #tpu.memory_space<vmem>>[vector<16xi32>, vector<16xi32>], vector<16xf32>,
      %broadcast_in_dim3A_482 = arith.constant 2 : i32
      %broadcast_in_dim3A_483 = vector.broadcast %broadcast_in_dim3A_482 : i32 to vector<16xi32>
      tpu.vector_store_idx %arg11[%add3A_282, %broadcast_in_dim3A_483], %exp3A_430 : memref<16x16xf32, #tpu.memory_space<vmem>>[vector<16xi32>, vector<16xi32>], vector<16xf32>,
      %broadcast_in_dim3A_484 = arith.constant 3 : i32
      %broadcast_in_dim3A_485 = vector.broadcast %broadcast_in_dim3A_484 : i32 to vector<16xi32>
      tpu.vector_store_idx %arg11[%add3A_282, %broadcast_in_dim3A_485], %exp3A_477 : memref<16x16xf32, #tpu.memory_space<vmem>>[vector<16xi32>, vector<16xi32>], vector<16xf32>,
      %dma_start3A = arith.constant 0 : i32
      %dma_start3A_486 = arith.constant 0 : i32
      %dma_start3A_487 = tpu.memref_slice %arg3[%dma_start3A, %dma_start3A_486] : memref<10000x128xf32, #tpu.memory_space<hbm>> -> memref<10000x128xf32, #tpu.memory_space<hbm>>
      tpu.enqueue_indirect_dma source(%dma_start3A_487 : memref<10000x128xf32, #tpu.memory_space<hbm>>) target(%arg10 : memref<16x128xf32, #tpu.memory_space<vmem>>) offsets(%arg8 : memref<16xi32, #tpu.memory_space<vmem>>) semaphore(%arg15 : memref<!tpu.dma_semaphore, #tpu.memory_space<semaphore_mem>>)
      %dma_wait3A = arith.constant 0 : i32
      %dma_wait3A_488 = arith.constant 0 : i32
      %dma_wait3A_489 = tpu.memref_slice %arg3[%dma_wait3A, %dma_wait3A_488] : memref<10000x128xf32, #tpu.memory_space<hbm>> -> memref<10000x128xf32, #tpu.memory_space<hbm>>
      tpu.wait_indirect_dma semaphore(%arg15 : memref<!tpu.dma_semaphore, #tpu.memory_space<semaphore_mem>>) src(%dma_wait3A_489 : memref<10000x128xf32, #tpu.memory_space<hbm>>) dst(%arg10 : memref<16x128xf32, #tpu.memory_space<vmem>>)
      %scan3A_490 = arith.constant 0 : i32
      %scan3A_491 = arith.constant 0 : i32
      %scan3A_492 = arith.constant 16 : i32
      %scan3A_493 = arith.addi %scan3A_491, %scan3A_492 : i32
      %scan3A_494 = arith.constant 4 : i32
      scf.for %scan3A_496 = %scan3A_491 to %scan3A_493 step %scan3A_494  : i32 {
        %get3A_497 = arith.index_cast %scan3A_496 : i32 to index
        %get3A_498 = arith.constant 0 : index
        %get3A_499 = tpu.vector_load %arg11[%get3A_497, %get3A_498] {strides = array<i32>} : memref<16x16xf32, #tpu.memory_space<vmem>>, vector<16xf32>,
        %slice3A_500 = vector.extract_strided_slice %get3A_499 {offsets = [0], sizes = [1], strides = [1]} : vector<16xf32> to vector<1xf32>
        %squeeze3A_501 = vector.extract %slice3A_500[0] : f32 from vector<1xf32>
        %get3A_502 = arith.index_cast %scan3A_496 : i32 to index
        %get3A_503 = arith.constant 0 : index
        %get3A_504 = tpu.vector_load %arg10[%get3A_502, %get3A_503] {strides = array<i32>} : memref<16x128xf32, #tpu.memory_space<vmem>>, vector<16xf32>,
        %mul3A_505 = vector.broadcast %squeeze3A_501 : f32 to vector<16xf32>
        %mul3A_506 = arith.mulf %mul3A_505, %get3A_504 : vector<16xf32>
        %swap3A = arith.index_cast %scan3A_496 : i32 to index
        %swap3A_507 = arith.constant 0 : index
        %swap3A_508 = tpu.vector_load %arg10[%swap3A, %swap3A_507] {strides = array<i32>} : memref<16x128xf32, #tpu.memory_space<vmem>>, vector<16xf32>,
        tpu.vector_store %arg10[%swap3A, %swap3A_507], %mul3A_506 {strides = array<i32>} : memref<16x128xf32, #tpu.memory_space<vmem>>, vector<16xf32>,
        %slice3A_509 = vector.extract_strided_slice %get3A_499 {offsets = [0], sizes = [1], strides = [1]} : vector<16xf32> to vector<1xf32>
        %squeeze3A_510 = vector.extract %slice3A_509[0] : f32 from vector<1xf32>
        %get3A_511 = arith.index_cast %scan3A_496 : i32 to index
        %get3A_512 = arith.constant 16 : index
        %get3A_513 = tpu.vector_load %arg10[%get3A_511, %get3A_512] {strides = array<i32>} : memref<16x128xf32, #tpu.memory_space<vmem>>, vector<16xf32>,
        %mul3A_514 = vector.broadcast %squeeze3A_510 : f32 to vector<16xf32>
        %mul3A_515 = arith.mulf %mul3A_514, %get3A_513 : vector<16xf32>
        %swap3A_516 = arith.index_cast %scan3A_496 : i32 to index
        %swap3A_517 = arith.constant 16 : index
        %swap3A_518 = tpu.vector_load %arg10[%swap3A_516, %swap3A_517] {strides = array<i32>} : memref<16x128xf32, #tpu.memory_space<vmem>>, vector<16xf32>,
        tpu.vector_store %arg10[%swap3A_516, %swap3A_517], %mul3A_515 {strides = array<i32>} : memref<16x128xf32, #tpu.memory_space<vmem>>, vector<16xf32>,
        %slice3A_519 = vector.extract_strided_slice %get3A_499 {offsets = [1], sizes = [1], strides = [1]} : vector<16xf32> to vector<1xf32>
        %squeeze3A_520 = vector.extract %slice3A_519[0] : f32 from vector<1xf32>
        %get3A_521 = arith.index_cast %scan3A_496 : i32 to index
        %get3A_522 = arith.constant 32 : index
        %get3A_523 = tpu.vector_load %arg10[%get3A_521, %get3A_522] {strides = array<i32>} : memref<16x128xf32, #tpu.memory_space<vmem>>, vector<16xf32>,
        %mul3A_524 = vector.broadcast %squeeze3A_520 : f32 to vector<16xf32>
        %mul3A_525 = arith.mulf %mul3A_524, %get3A_523 : vector<16xf32>
        %swap3A_526 = arith.index_cast %scan3A_496 : i32 to index
        %swap3A_527 = arith.constant 32 : index
        %swap3A_528 = tpu.vector_load %arg10[%swap3A_526, %swap3A_527] {strides = array<i32>} : memref<16x128xf32, #tpu.memory_space<vmem>>, vector<16xf32>,
        tpu.vector_store %arg10[%swap3A_526, %swap3A_527], %mul3A_525 {strides = array<i32>} : memref<16x128xf32, #tpu.memory_space<vmem>>, vector<16xf32>,
        %slice3A_529 = vector.extract_strided_slice %get3A_499 {offsets = [1], sizes = [1], strides = [1]} : vector<16xf32> to vector<1xf32>
        %squeeze3A_530 = vector.extract %slice3A_529[0] : f32 from vector<1xf32>
        %get3A_531 = arith.index_cast %scan3A_496 : i32 to index
        %get3A_532 = arith.constant 48 : index
        %get3A_533 = tpu.vector_load %arg10[%get3A_531, %get3A_532] {strides = array<i32>} : memref<16x128xf32, #tpu.memory_space<vmem>>, vector<16xf32>,
        %mul3A_534 = vector.broadcast %squeeze3A_530 : f32 to vector<16xf32>
        %mul3A_535 = arith.mulf %mul3A_534, %get3A_533 : vector<16xf32>
        %swap3A_536 = arith.index_cast %scan3A_496 : i32 to index
        %swap3A_537 = arith.constant 48 : index
        %swap3A_538 = tpu.vector_load %arg10[%swap3A_536, %swap3A_537] {strides = array<i32>} : memref<16x128xf32, #tpu.memory_space<vmem>>, vector<16xf32>,
        tpu.vector_store %arg10[%swap3A_536, %swap3A_537], %mul3A_535 {strides = array<i32>} : memref<16x128xf32, #tpu.memory_space<vmem>>, vector<16xf32>,
        %slice3A_539 = vector.extract_strided_slice %get3A_499 {offsets = [2], sizes = [1], strides = [1]} : vector<16xf32> to vector<1xf32>
        %squeeze3A_540 = vector.extract %slice3A_539[0] : f32 from vector<1xf32>
        %get3A_541 = arith.index_cast %scan3A_496 : i32 to index
        %get3A_542 = arith.constant 64 : index
        %get3A_543 = tpu.vector_load %arg10[%get3A_541, %get3A_542] {strides = array<i32>} : memref<16x128xf32, #tpu.memory_space<vmem>>, vector<16xf32>,
        %mul3A_544 = vector.broadcast %squeeze3A_540 : f32 to vector<16xf32>
        %mul3A_545 = arith.mulf %mul3A_544, %get3A_543 : vector<16xf32>
        %swap3A_546 = arith.index_cast %scan3A_496 : i32 to index
        %swap3A_547 = arith.constant 64 : index
        %swap3A_548 = tpu.vector_load %arg10[%swap3A_546, %swap3A_547] {strides = array<i32>} : memref<16x128xf32, #tpu.memory_space<vmem>>, vector<16xf32>,
        tpu.vector_store %arg10[%swap3A_546, %swap3A_547], %mul3A_545 {strides = array<i32>} : memref<16x128xf32, #tpu.memory_space<vmem>>, vector<16xf32>,
        %slice3A_549 = vector.extract_strided_slice %get3A_499 {offsets = [2], sizes = [1], strides = [1]} : vector<16xf32> to vector<1xf32>
        %squeeze3A_550 = vector.extract %slice3A_549[0] : f32 from vector<1xf32>
        %get3A_551 = arith.index_cast %scan3A_496 : i32 to index
        %get3A_552 = arith.constant 80 : index
        %get3A_553 = tpu.vector_load %arg10[%get3A_551, %get3A_552] {strides = array<i32>} : memref<16x128xf32, #tpu.memory_space<vmem>>, vector<16xf32>,
        %mul3A_554 = vector.broadcast %squeeze3A_550 : f32 to vector<16xf32>
        %mul3A_555 = arith.mulf %mul3A_554, %get3A_553 : vector<16xf32>
        %swap3A_556 = arith.index_cast %scan3A_496 : i32 to index
        %swap3A_557 = arith.constant 80 : index
        %swap3A_558 = tpu.vector_load %arg10[%swap3A_556, %swap3A_557] {strides = array<i32>} : memref<16x128xf32, #tpu.memory_space<vmem>>, vector<16xf32>,
        tpu.vector_store %arg10[%swap3A_556, %swap3A_557], %mul3A_555 {strides = array<i32>} : memref<16x128xf32, #tpu.memory_space<vmem>>, vector<16xf32>,
        %slice3A_559 = vector.extract_strided_slice %get3A_499 {offsets = [3], sizes = [1], strides = [1]} : vector<16xf32> to vector<1xf32>
        %squeeze3A_560 = vector.extract %slice3A_559[0] : f32 from vector<1xf32>
        %get3A_561 = arith.index_cast %scan3A_496 : i32 to index
        %get3A_562 = arith.constant 96 : index
        %get3A_563 = tpu.vector_load %arg10[%get3A_561, %get3A_562] {strides = array<i32>} : memref<16x128xf32, #tpu.memory_space<vmem>>, vector<16xf32>,
        %mul3A_564 = vector.broadcast %squeeze3A_560 : f32 to vector<16xf32>
        %mul3A_565 = arith.mulf %mul3A_564, %get3A_563 : vector<16xf32>
        %swap3A_566 = arith.index_cast %scan3A_496 : i32 to index
        %swap3A_567 = arith.constant 96 : index
        %swap3A_568 = tpu.vector_load %arg10[%swap3A_566, %swap3A_567] {strides = array<i32>} : memref<16x128xf32, #tpu.memory_space<vmem>>, vector<16xf32>,
        tpu.vector_store %arg10[%swap3A_566, %swap3A_567], %mul3A_565 {strides = array<i32>} : memref<16x128xf32, #tpu.memory_space<vmem>>, vector<16xf32>,
        %slice3A_569 = vector.extract_strided_slice %get3A_499 {offsets = [3], sizes = [1], strides = [1]} : vector<16xf32> to vector<1xf32>
        %squeeze3A_570 = vector.extract %slice3A_569[0] : f32 from vector<1xf32>
        %get3A_571 = arith.index_cast %scan3A_496 : i32 to index
        %get3A_572 = arith.constant 112 : index
        %get3A_573 = tpu.vector_load %arg10[%get3A_571, %get3A_572] {strides = array<i32>} : memref<16x128xf32, #tpu.memory_space<vmem>>, vector<16xf32>,
        %mul3A_574 = vector.broadcast %squeeze3A_570 : f32 to vector<16xf32>
        %mul3A_575 = arith.mulf %mul3A_574, %get3A_573 : vector<16xf32>
        %swap3A_576 = arith.index_cast %scan3A_496 : i32 to index
        %swap3A_577 = arith.constant 112 : index
        %swap3A_578 = tpu.vector_load %arg10[%swap3A_576, %swap3A_577] {strides = array<i32>} : memref<16x128xf32, #tpu.memory_space<vmem>>, vector<16xf32>,
        tpu.vector_store %arg10[%swap3A_576, %swap3A_577], %mul3A_575 {strides = array<i32>} : memref<16x128xf32, #tpu.memory_space<vmem>>, vector<16xf32>,
        %scan3A_579 = arith.constant 1 : i32
        %scan3A_580 = arith.addi %scan3A_496, %scan3A_579 : i32
        %get3A_581 = arith.index_cast %scan3A_580 : i32 to index
        %get3A_582 = arith.constant 0 : index
        %get3A_583 = tpu.vector_load %arg11[%get3A_581, %get3A_582] {strides = array<i32>} : memref<16x16xf32, #tpu.memory_space<vmem>>, vector<16xf32>,
        %slice3A_584 = vector.extract_strided_slice %get3A_583 {offsets = [0], sizes = [1], strides = [1]} : vector<16xf32> to vector<1xf32>
        %squeeze3A_585 = vector.extract %slice3A_584[0] : f32 from vector<1xf32>
        %get3A_586 = arith.index_cast %scan3A_580 : i32 to index
        %get3A_587 = arith.constant 0 : index
        %get3A_588 = tpu.vector_load %arg10[%get3A_586, %get3A_587] {strides = array<i32>} : memref<16x128xf32, #tpu.memory_space<vmem>>, vector<16xf32>,
        %mul3A_589 = vector.broadcast %squeeze3A_585 : f32 to vector<16xf32>
        %mul3A_590 = arith.mulf %mul3A_589, %get3A_588 : vector<16xf32>
        %swap3A_591 = arith.index_cast %scan3A_580 : i32 to index
        %swap3A_592 = arith.constant 0 : index
        %swap3A_593 = tpu.vector_load %arg10[%swap3A_591, %swap3A_592] {strides = array<i32>} : memref<16x128xf32, #tpu.memory_space<vmem>>, vector<16xf32>,
        tpu.vector_store %arg10[%swap3A_591, %swap3A_592], %mul3A_590 {strides = array<i32>} : memref<16x128xf32, #tpu.memory_space<vmem>>, vector<16xf32>,
        %slice3A_594 = vector.extract_strided_slice %get3A_583 {offsets = [0], sizes = [1], strides = [1]} : vector<16xf32> to vector<1xf32>
        %squeeze3A_595 = vector.extract %slice3A_594[0] : f32 from vector<1xf32>
        %get3A_596 = arith.index_cast %scan3A_580 : i32 to index
        %get3A_597 = arith.constant 16 : index
        %get3A_598 = tpu.vector_load %arg10[%get3A_596, %get3A_597] {strides = array<i32>} : memref<16x128xf32, #tpu.memory_space<vmem>>, vector<16xf32>,
        %mul3A_599 = vector.broadcast %squeeze3A_595 : f32 to vector<16xf32>
        %mul3A_600 = arith.mulf %mul3A_599, %get3A_598 : vector<16xf32>
        %swap3A_601 = arith.index_cast %scan3A_580 : i32 to index
        %swap3A_602 = arith.constant 16 : index
        %swap3A_603 = tpu.vector_load %arg10[%swap3A_601, %swap3A_602] {strides = array<i32>} : memref<16x128xf32, #tpu.memory_space<vmem>>, vector<16xf32>,
        tpu.vector_store %arg10[%swap3A_601, %swap3A_602], %mul3A_600 {strides = array<i32>} : memref<16x128xf32, #tpu.memory_space<vmem>>, vector<16xf32>,
        %slice3A_604 = vector.extract_strided_slice %get3A_583 {offsets = [1], sizes = [1], strides = [1]} : vector<16xf32> to vector<1xf32>
        %squeeze3A_605 = vector.extract %slice3A_604[0] : f32 from vector<1xf32>
        %get3A_606 = arith.index_cast %scan3A_580 : i32 to index
        %get3A_607 = arith.constant 32 : index
        %get3A_608 = tpu.vector_load %arg10[%get3A_606, %get3A_607] {strides = array<i32>} : memref<16x128xf32, #tpu.memory_space<vmem>>, vector<16xf32>,
        %mul3A_609 = vector.broadcast %squeeze3A_605 : f32 to vector<16xf32>
        %mul3A_610 = arith.mulf %mul3A_609, %get3A_608 : vector<16xf32>
        %swap3A_611 = arith.index_cast %scan3A_580 : i32 to index
        %swap3A_612 = arith.constant 32 : index
        %swap3A_613 = tpu.vector_load %arg10[%swap3A_611, %swap3A_612] {strides = array<i32>} : memref<16x128xf32, #tpu.memory_space<vmem>>, vector<16xf32>,
        tpu.vector_store %arg10[%swap3A_611, %swap3A_612], %mul3A_610 {strides = array<i32>} : memref<16x128xf32, #tpu.memory_space<vmem>>, vector<16xf32>,
        %slice3A_614 = vector.extract_strided_slice %get3A_583 {offsets = [1], sizes = [1], strides = [1]} : vector<16xf32> to vector<1xf32>
        %squeeze3A_615 = vector.extract %slice3A_614[0] : f32 from vector<1xf32>
        %get3A_616 = arith.index_cast %scan3A_580 : i32 to index
        %get3A_617 = arith.constant 48 : index
        %get3A_618 = tpu.vector_load %arg10[%get3A_616, %get3A_617] {strides = array<i32>} : memref<16x128xf32, #tpu.memory_space<vmem>>, vector<16xf32>,
        %mul3A_619 = vector.broadcast %squeeze3A_615 : f32 to vector<16xf32>
        %mul3A_620 = arith.mulf %mul3A_619, %get3A_618 : vector<16xf32>
        %swap3A_621 = arith.index_cast %scan3A_580 : i32 to index
        %swap3A_622 = arith.constant 48 : index
        %swap3A_623 = tpu.vector_load %arg10[%swap3A_621, %swap3A_622] {strides = array<i32>} : memref<16x128xf32, #tpu.memory_space<vmem>>, vector<16xf32>,
        tpu.vector_store %arg10[%swap3A_621, %swap3A_622], %mul3A_620 {strides = array<i32>} : memref<16x128xf32, #tpu.memory_space<vmem>>, vector<16xf32>,
        %slice3A_624 = vector.extract_strided_slice %get3A_583 {offsets = [2], sizes = [1], strides = [1]} : vector<16xf32> to vector<1xf32>
        %squeeze3A_625 = vector.extract %slice3A_624[0] : f32 from vector<1xf32>
        %get3A_626 = arith.index_cast %scan3A_580 : i32 to index
        %get3A_627 = arith.constant 64 : index
        %get3A_628 = tpu.vector_load %arg10[%get3A_626, %get3A_627] {strides = array<i32>} : memref<16x128xf32, #tpu.memory_space<vmem>>, vector<16xf32>,
        %mul3A_629 = vector.broadcast %squeeze3A_625 : f32 to vector<16xf32>
        %mul3A_630 = arith.mulf %mul3A_629, %get3A_628 : vector<16xf32>
        %swap3A_631 = arith.index_cast %scan3A_580 : i32 to index
        %swap3A_632 = arith.constant 64 : index
        %swap3A_633 = tpu.vector_load %arg10[%swap3A_631, %swap3A_632] {strides = array<i32>} : memref<16x128xf32, #tpu.memory_space<vmem>>, vector<16xf32>,
        tpu.vector_store %arg10[%swap3A_631, %swap3A_632], %mul3A_630 {strides = array<i32>} : memref<16x128xf32, #tpu.memory_space<vmem>>, vector<16xf32>,
        %slice3A_634 = vector.extract_strided_slice %get3A_583 {offsets = [2], sizes = [1], strides = [1]} : vector<16xf32> to vector<1xf32>
        %squeeze3A_635 = vector.extract %slice3A_634[0] : f32 from vector<1xf32>
        %get3A_636 = arith.index_cast %scan3A_580 : i32 to index
        %get3A_637 = arith.constant 80 : index
        %get3A_638 = tpu.vector_load %arg10[%get3A_636, %get3A_637] {strides = array<i32>} : memref<16x128xf32, #tpu.memory_space<vmem>>, vector<16xf32>,
        %mul3A_639 = vector.broadcast %squeeze3A_635 : f32 to vector<16xf32>
        %mul3A_640 = arith.mulf %mul3A_639, %get3A_638 : vector<16xf32>
        %swap3A_641 = arith.index_cast %scan3A_580 : i32 to index
        %swap3A_642 = arith.constant 80 : index
        %swap3A_643 = tpu.vector_load %arg10[%swap3A_641, %swap3A_642] {strides = array<i32>} : memref<16x128xf32, #tpu.memory_space<vmem>>, vector<16xf32>,
        tpu.vector_store %arg10[%swap3A_641, %swap3A_642], %mul3A_640 {strides = array<i32>} : memref<16x128xf32, #tpu.memory_space<vmem>>, vector<16xf32>,
        %slice3A_644 = vector.extract_strided_slice %get3A_583 {offsets = [3], sizes = [1], strides = [1]} : vector<16xf32> to vector<1xf32>
        %squeeze3A_645 = vector.extract %slice3A_644[0] : f32 from vector<1xf32>
        %get3A_646 = arith.index_cast %scan3A_580 : i32 to index
        %get3A_647 = arith.constant 96 : index
        %get3A_648 = tpu.vector_load %arg10[%get3A_646, %get3A_647] {strides = array<i32>} : memref<16x128xf32, #tpu.memory_space<vmem>>, vector<16xf32>,
        %mul3A_649 = vector.broadcast %squeeze3A_645 : f32 to vector<16xf32>
        %mul3A_650 = arith.mulf %mul3A_649, %get3A_648 : vector<16xf32>
        %swap3A_651 = arith.index_cast %scan3A_580 : i32 to index
        %swap3A_652 = arith.constant 96 : index
        %swap3A_653 = tpu.vector_load %arg10[%swap3A_651, %swap3A_652] {strides = array<i32>} : memref<16x128xf32, #tpu.memory_space<vmem>>, vector<16xf32>,
        tpu.vector_store %arg10[%swap3A_651, %swap3A_652], %mul3A_650 {strides = array<i32>} : memref<16x128xf32, #tpu.memory_space<vmem>>, vector<16xf32>,
        %slice3A_654 = vector.extract_strided_slice %get3A_583 {offsets = [3], sizes = [1], strides = [1]} : vector<16xf32> to vector<1xf32>
        %squeeze3A_655 = vector.extract %slice3A_654[0] : f32 from vector<1xf32>
        %get3A_656 = arith.index_cast %scan3A_580 : i32 to index
        %get3A_657 = arith.constant 112 : index
        %get3A_658 = tpu.vector_load %arg10[%get3A_656, %get3A_657] {strides = array<i32>} : memref<16x128xf32, #tpu.memory_space<vmem>>, vector<16xf32>,
        %mul3A_659 = vector.broadcast %squeeze3A_655 : f32 to vector<16xf32>
        %mul3A_660 = arith.mulf %mul3A_659, %get3A_658 : vector<16xf32>
        %swap3A_661 = arith.index_cast %scan3A_580 : i32 to index
        %swap3A_662 = arith.constant 112 : index
        %swap3A_663 = tpu.vector_load %arg10[%swap3A_661, %swap3A_662] {strides = array<i32>} : memref<16x128xf32, #tpu.memory_space<vmem>>, vector<16xf32>,
        tpu.vector_store %arg10[%swap3A_661, %swap3A_662], %mul3A_660 {strides = array<i32>} : memref<16x128xf32, #tpu.memory_space<vmem>>, vector<16xf32>,
        %scan3A_664 = arith.constant 2 : i32
        %scan3A_665 = arith.addi %scan3A_496, %scan3A_664 : i32
        %get3A_666 = arith.index_cast %scan3A_665 : i32 to index
        %get3A_667 = arith.constant 0 : index
        %get3A_668 = tpu.vector_load %arg11[%get3A_666, %get3A_667] {strides = array<i32>} : memref<16x16xf32, #tpu.memory_space<vmem>>, vector<16xf32>,
        %slice3A_669 = vector.extract_strided_slice %get3A_668 {offsets = [0], sizes = [1], strides = [1]} : vector<16xf32> to vector<1xf32>
        %squeeze3A_670 = vector.extract %slice3A_669[0] : f32 from vector<1xf32>
        %get3A_671 = arith.index_cast %scan3A_665 : i32 to index
        %get3A_672 = arith.constant 0 : index
        %get3A_673 = tpu.vector_load %arg10[%get3A_671, %get3A_672] {strides = array<i32>} : memref<16x128xf32, #tpu.memory_space<vmem>>, vector<16xf32>,
        %mul3A_674 = vector.broadcast %squeeze3A_670 : f32 to vector<16xf32>
        %mul3A_675 = arith.mulf %mul3A_674, %get3A_673 : vector<16xf32>
        %swap3A_676 = arith.index_cast %scan3A_665 : i32 to index
        %swap3A_677 = arith.constant 0 : index
        %swap3A_678 = tpu.vector_load %arg10[%swap3A_676, %swap3A_677] {strides = array<i32>} : memref<16x128xf32, #tpu.memory_space<vmem>>, vector<16xf32>,
        tpu.vector_store %arg10[%swap3A_676, %swap3A_677], %mul3A_675 {strides = array<i32>} : memref<16x128xf32, #tpu.memory_space<vmem>>, vector<16xf32>,
        %slice3A_679 = vector.extract_strided_slice %get3A_668 {offsets = [0], sizes = [1], strides = [1]} : vector<16xf32> to vector<1xf32>
        %squeeze3A_680 = vector.extract %slice3A_679[0] : f32 from vector<1xf32>
        %get3A_681 = arith.index_cast %scan3A_665 : i32 to index
        %get3A_682 = arith.constant 16 : index
        %get3A_683 = tpu.vector_load %arg10[%get3A_681, %get3A_682] {strides = array<i32>} : memref<16x128xf32, #tpu.memory_space<vmem>>, vector<16xf32>,
        %mul3A_684 = vector.broadcast %squeeze3A_680 : f32 to vector<16xf32>
        %mul3A_685 = arith.mulf %mul3A_684, %get3A_683 : vector<16xf32>
        %swap3A_686 = arith.index_cast %scan3A_665 : i32 to index
        %swap3A_687 = arith.constant 16 : index
        %swap3A_688 = tpu.vector_load %arg10[%swap3A_686, %swap3A_687] {strides = array<i32>} : memref<16x128xf32, #tpu.memory_space<vmem>>, vector<16xf32>,
        tpu.vector_store %arg10[%swap3A_686, %swap3A_687], %mul3A_685 {strides = array<i32>} : memref<16x128xf32, #tpu.memory_space<vmem>>, vector<16xf32>,
        %slice3A_689 = vector.extract_strided_slice %get3A_668 {offsets = [1], sizes = [1], strides = [1]} : vector<16xf32> to vector<1xf32>
        %squeeze3A_690 = vector.extract %slice3A_689[0] : f32 from vector<1xf32>
        %get3A_691 = arith.index_cast %scan3A_665 : i32 to index
        %get3A_692 = arith.constant 32 : index
        %get3A_693 = tpu.vector_load %arg10[%get3A_691, %get3A_692] {strides = array<i32>} : memref<16x128xf32, #tpu.memory_space<vmem>>, vector<16xf32>,
        %mul3A_694 = vector.broadcast %squeeze3A_690 : f32 to vector<16xf32>
        %mul3A_695 = arith.mulf %mul3A_694, %get3A_693 : vector<16xf32>
        %swap3A_696 = arith.index_cast %scan3A_665 : i32 to index
        %swap3A_697 = arith.constant 32 : index
        %swap3A_698 = tpu.vector_load %arg10[%swap3A_696, %swap3A_697] {strides = array<i32>} : memref<16x128xf32, #tpu.memory_space<vmem>>, vector<16xf32>,
        tpu.vector_store %arg10[%swap3A_696, %swap3A_697], %mul3A_695 {strides = array<i32>} : memref<16x128xf32, #tpu.memory_space<vmem>>, vector<16xf32>,
        %slice3A_699 = vector.extract_strided_slice %get3A_668 {offsets = [1], sizes = [1], strides = [1]} : vector<16xf32> to vector<1xf32>
        %squeeze3A_700 = vector.extract %slice3A_699[0] : f32 from vector<1xf32>
        %get3A_701 = arith.index_cast %scan3A_665 : i32 to index
        %get3A_702 = arith.constant 48 : index
        %get3A_703 = tpu.vector_load %arg10[%get3A_701, %get3A_702] {strides = array<i32>} : memref<16x128xf32, #tpu.memory_space<vmem>>, vector<16xf32>,
        %mul3A_704 = vector.broadcast %squeeze3A_700 : f32 to vector<16xf32>
        %mul3A_705 = arith.mulf %mul3A_704, %get3A_703 : vector<16xf32>
        %swap3A_706 = arith.index_cast %scan3A_665 : i32 to index
        %swap3A_707 = arith.constant 48 : index
        %swap3A_708 = tpu.vector_load %arg10[%swap3A_706, %swap3A_707] {strides = array<i32>} : memref<16x128xf32, #tpu.memory_space<vmem>>, vector<16xf32>,
        tpu.vector_store %arg10[%swap3A_706, %swap3A_707], %mul3A_705 {strides = array<i32>} : memref<16x128xf32, #tpu.memory_space<vmem>>, vector<16xf32>,
        %slice3A_709 = vector.extract_strided_slice %get3A_668 {offsets = [2], sizes = [1], strides = [1]} : vector<16xf32> to vector<1xf32>
        %squeeze3A_710 = vector.extract %slice3A_709[0] : f32 from vector<1xf32>
        %get3A_711 = arith.index_cast %scan3A_665 : i32 to index
        %get3A_712 = arith.constant 64 : index
        %get3A_713 = tpu.vector_load %arg10[%get3A_711, %get3A_712] {strides = array<i32>} : memref<16x128xf32, #tpu.memory_space<vmem>>, vector<16xf32>,
        %mul3A_714 = vector.broadcast %squeeze3A_710 : f32 to vector<16xf32>
        %mul3A_715 = arith.mulf %mul3A_714, %get3A_713 : vector<16xf32>
        %swap3A_716 = arith.index_cast %scan3A_665 : i32 to index
        %swap3A_717 = arith.constant 64 : index
        %swap3A_718 = tpu.vector_load %arg10[%swap3A_716, %swap3A_717] {strides = array<i32>} : memref<16x128xf32, #tpu.memory_space<vmem>>, vector<16xf32>,
        tpu.vector_store %arg10[%swap3A_716, %swap3A_717], %mul3A_715 {strides = array<i32>} : memref<16x128xf32, #tpu.memory_space<vmem>>, vector<16xf32>,
        %slice3A_719 = vector.extract_strided_slice %get3A_668 {offsets = [2], sizes = [1], strides = [1]} : vector<16xf32> to vector<1xf32>
        %squeeze3A_720 = vector.extract %slice3A_719[0] : f32 from vector<1xf32>
        %get3A_721 = arith.index_cast %scan3A_665 : i32 to index
        %get3A_722 = arith.constant 80 : index
        %get3A_723 = tpu.vector_load %arg10[%get3A_721, %get3A_722] {strides = array<i32>} : memref<16x128xf32, #tpu.memory_space<vmem>>, vector<16xf32>,
        %mul3A_724 = vector.broadcast %squeeze3A_720 : f32 to vector<16xf32>
        %mul3A_725 = arith.mulf %mul3A_724, %get3A_723 : vector<16xf32>
        %swap3A_726 = arith.index_cast %scan3A_665 : i32 to index
        %swap3A_727 = arith.constant 80 : index
        %swap3A_728 = tpu.vector_load %arg10[%swap3A_726, %swap3A_727] {strides = array<i32>} : memref<16x128xf32, #tpu.memory_space<vmem>>, vector<16xf32>,
        tpu.vector_store %arg10[%swap3A_726, %swap3A_727], %mul3A_725 {strides = array<i32>} : memref<16x128xf32, #tpu.memory_space<vmem>>, vector<16xf32>,
        %slice3A_729 = vector.extract_strided_slice %get3A_668 {offsets = [3], sizes = [1], strides = [1]} : vector<16xf32> to vector<1xf32>
        %squeeze3A_730 = vector.extract %slice3A_729[0] : f32 from vector<1xf32>
        %get3A_731 = arith.index_cast %scan3A_665 : i32 to index
        %get3A_732 = arith.constant 96 : index
        %get3A_733 = tpu.vector_load %arg10[%get3A_731, %get3A_732] {strides = array<i32>} : memref<16x128xf32, #tpu.memory_space<vmem>>, vector<16xf32>,
        %mul3A_734 = vector.broadcast %squeeze3A_730 : f32 to vector<16xf32>
        %mul3A_735 = arith.mulf %mul3A_734, %get3A_733 : vector<16xf32>
        %swap3A_736 = arith.index_cast %scan3A_665 : i32 to index
        %swap3A_737 = arith.constant 96 : index
        %swap3A_738 = tpu.vector_load %arg10[%swap3A_736, %swap3A_737] {strides = array<i32>} : memref<16x128xf32, #tpu.memory_space<vmem>>, vector<16xf32>,
        tpu.vector_store %arg10[%swap3A_736, %swap3A_737], %mul3A_735 {strides = array<i32>} : memref<16x128xf32, #tpu.memory_space<vmem>>, vector<16xf32>,
        %slice3A_739 = vector.extract_strided_slice %get3A_668 {offsets = [3], sizes = [1], strides = [1]} : vector<16xf32> to vector<1xf32>
        %squeeze3A_740 = vector.extract %slice3A_739[0] : f32 from vector<1xf32>
        %get3A_741 = arith.index_cast %scan3A_665 : i32 to index
        %get3A_742 = arith.constant 112 : index
        %get3A_743 = tpu.vector_load %arg10[%get3A_741, %get3A_742] {strides = array<i32>} : memref<16x128xf32, #tpu.memory_space<vmem>>, vector<16xf32>,
        %mul3A_744 = vector.broadcast %squeeze3A_740 : f32 to vector<16xf32>
        %mul3A_745 = arith.mulf %mul3A_744, %get3A_743 : vector<16xf32>
        %swap3A_746 = arith.index_cast %scan3A_665 : i32 to index
        %swap3A_747 = arith.constant 112 : index
        %swap3A_748 = tpu.vector_load %arg10[%swap3A_746, %swap3A_747] {strides = array<i32>} : memref<16x128xf32, #tpu.memory_space<vmem>>, vector<16xf32>,
        tpu.vector_store %arg10[%swap3A_746, %swap3A_747], %mul3A_745 {strides = array<i32>} : memref<16x128xf32, #tpu.memory_space<vmem>>, vector<16xf32>,
        %scan3A_749 = arith.constant 3 : i32
        %scan3A_750 = arith.addi %scan3A_496, %scan3A_749 : i32
        %get3A_751 = arith.index_cast %scan3A_750 : i32 to index
        %get3A_752 = arith.constant 0 : index
        %get3A_753 = tpu.vector_load %arg11[%get3A_751, %get3A_752] {strides = array<i32>} : memref<16x16xf32, #tpu.memory_space<vmem>>, vector<16xf32>,
        %slice3A_754 = vector.extract_strided_slice %get3A_753 {offsets = [0], sizes = [1], strides = [1]} : vector<16xf32> to vector<1xf32>
        %squeeze3A_755 = vector.extract %slice3A_754[0] : f32 from vector<1xf32>
        %get3A_756 = arith.index_cast %scan3A_750 : i32 to index
        %get3A_757 = arith.constant 0 : index
        %get3A_758 = tpu.vector_load %arg10[%get3A_756, %get3A_757] {strides = array<i32>} : memref<16x128xf32, #tpu.memory_space<vmem>>, vector<16xf32>,
        %mul3A_759 = vector.broadcast %squeeze3A_755 : f32 to vector<16xf32>
        %mul3A_760 = arith.mulf %mul3A_759, %get3A_758 : vector<16xf32>
        %swap3A_761 = arith.index_cast %scan3A_750 : i32 to index
        %swap3A_762 = arith.constant 0 : index
        %swap3A_763 = tpu.vector_load %arg10[%swap3A_761, %swap3A_762] {strides = array<i32>} : memref<16x128xf32, #tpu.memory_space<vmem>>, vector<16xf32>,
        tpu.vector_store %arg10[%swap3A_761, %swap3A_762], %mul3A_760 {strides = array<i32>} : memref<16x128xf32, #tpu.memory_space<vmem>>, vector<16xf32>,
        %slice3A_764 = vector.extract_strided_slice %get3A_753 {offsets = [0], sizes = [1], strides = [1]} : vector<16xf32> to vector<1xf32>
        %squeeze3A_765 = vector.extract %slice3A_764[0] : f32 from vector<1xf32>
        %get3A_766 = arith.index_cast %scan3A_750 : i32 to index
        %get3A_767 = arith.constant 16 : index
        %get3A_768 = tpu.vector_load %arg10[%get3A_766, %get3A_767] {strides = array<i32>} : memref<16x128xf32, #tpu.memory_space<vmem>>, vector<16xf32>,
        %mul3A_769 = vector.broadcast %squeeze3A_765 : f32 to vector<16xf32>
        %mul3A_770 = arith.mulf %mul3A_769, %get3A_768 : vector<16xf32>
        %swap3A_771 = arith.index_cast %scan3A_750 : i32 to index
        %swap3A_772 = arith.constant 16 : index
        %swap3A_773 = tpu.vector_load %arg10[%swap3A_771, %swap3A_772] {strides = array<i32>} : memref<16x128xf32, #tpu.memory_space<vmem>>, vector<16xf32>,
        tpu.vector_store %arg10[%swap3A_771, %swap3A_772], %mul3A_770 {strides = array<i32>} : memref<16x128xf32, #tpu.memory_space<vmem>>, vector<16xf32>,
        %slice3A_774 = vector.extract_strided_slice %get3A_753 {offsets = [1], sizes = [1], strides = [1]} : vector<16xf32> to vector<1xf32>
        %squeeze3A_775 = vector.extract %slice3A_774[0] : f32 from vector<1xf32>
        %get3A_776 = arith.index_cast %scan3A_750 : i32 to index
        %get3A_777 = arith.constant 32 : index
        %get3A_778 = tpu.vector_load %arg10[%get3A_776, %get3A_777] {strides = array<i32>} : memref<16x128xf32, #tpu.memory_space<vmem>>, vector<16xf32>,
        %mul3A_779 = vector.broadcast %squeeze3A_775 : f32 to vector<16xf32>
        %mul3A_780 = arith.mulf %mul3A_779, %get3A_778 : vector<16xf32>
        %swap3A_781 = arith.index_cast %scan3A_750 : i32 to index
        %swap3A_782 = arith.constant 32 : index
        %swap3A_783 = tpu.vector_load %arg10[%swap3A_781, %swap3A_782] {strides = array<i32>} : memref<16x128xf32, #tpu.memory_space<vmem>>, vector<16xf32>,
        tpu.vector_store %arg10[%swap3A_781, %swap3A_782], %mul3A_780 {strides = array<i32>} : memref<16x128xf32, #tpu.memory_space<vmem>>, vector<16xf32>,
        %slice3A_784 = vector.extract_strided_slice %get3A_753 {offsets = [1], sizes = [1], strides = [1]} : vector<16xf32> to vector<1xf32>
        %squeeze3A_785 = vector.extract %slice3A_784[0] : f32 from vector<1xf32>
        %get3A_786 = arith.index_cast %scan3A_750 : i32 to index
        %get3A_787 = arith.constant 48 : index
        %get3A_788 = tpu.vector_load %arg10[%get3A_786, %get3A_787] {strides = array<i32>} : memref<16x128xf32, #tpu.memory_space<vmem>>, vector<16xf32>,
        %mul3A_789 = vector.broadcast %squeeze3A_785 : f32 to vector<16xf32>
        %mul3A_790 = arith.mulf %mul3A_789, %get3A_788 : vector<16xf32>
        %swap3A_791 = arith.index_cast %scan3A_750 : i32 to index
        %swap3A_792 = arith.constant 48 : index
        %swap3A_793 = tpu.vector_load %arg10[%swap3A_791, %swap3A_792] {strides = array<i32>} : memref<16x128xf32, #tpu.memory_space<vmem>>, vector<16xf32>,
        tpu.vector_store %arg10[%swap3A_791, %swap3A_792], %mul3A_790 {strides = array<i32>} : memref<16x128xf32, #tpu.memory_space<vmem>>, vector<16xf32>,
        %slice3A_794 = vector.extract_strided_slice %get3A_753 {offsets = [2], sizes = [1], strides = [1]} : vector<16xf32> to vector<1xf32>
        %squeeze3A_795 = vector.extract %slice3A_794[0] : f32 from vector<1xf32>
        %get3A_796 = arith.index_cast %scan3A_750 : i32 to index
        %get3A_797 = arith.constant 64 : index
        %get3A_798 = tpu.vector_load %arg10[%get3A_796, %get3A_797] {strides = array<i32>} : memref<16x128xf32, #tpu.memory_space<vmem>>, vector<16xf32>,
        %mul3A_799 = vector.broadcast %squeeze3A_795 : f32 to vector<16xf32>
        %mul3A_800 = arith.mulf %mul3A_799, %get3A_798 : vector<16xf32>
        %swap3A_801 = arith.index_cast %scan3A_750 : i32 to index
        %swap3A_802 = arith.constant 64 : index
        %swap3A_803 = tpu.vector_load %arg10[%swap3A_801, %swap3A_802] {strides = array<i32>} : memref<16x128xf32, #tpu.memory_space<vmem>>, vector<16xf32>,
        tpu.vector_store %arg10[%swap3A_801, %swap3A_802], %mul3A_800 {strides = array<i32>} : memref<16x128xf32, #tpu.memory_space<vmem>>, vector<16xf32>,
        %slice3A_804 = vector.extract_strided_slice %get3A_753 {offsets = [2], sizes = [1], strides = [1]} : vector<16xf32> to vector<1xf32>
        %squeeze3A_805 = vector.extract %slice3A_804[0] : f32 from vector<1xf32>
        %get3A_806 = arith.index_cast %scan3A_750 : i32 to index
        %get3A_807 = arith.constant 80 : index
        %get3A_808 = tpu.vector_load %arg10[%get3A_806, %get3A_807] {strides = array<i32>} : memref<16x128xf32, #tpu.memory_space<vmem>>, vector<16xf32>,
        %mul3A_809 = vector.broadcast %squeeze3A_805 : f32 to vector<16xf32>
        %mul3A_810 = arith.mulf %mul3A_809, %get3A_808 : vector<16xf32>
        %swap3A_811 = arith.index_cast %scan3A_750 : i32 to index
        %swap3A_812 = arith.constant 80 : index
        %swap3A_813 = tpu.vector_load %arg10[%swap3A_811, %swap3A_812] {strides = array<i32>} : memref<16x128xf32, #tpu.memory_space<vmem>>, vector<16xf32>,
        tpu.vector_store %arg10[%swap3A_811, %swap3A_812], %mul3A_810 {strides = array<i32>} : memref<16x128xf32, #tpu.memory_space<vmem>>, vector<16xf32>,
        %slice3A_814 = vector.extract_strided_slice %get3A_753 {offsets = [3], sizes = [1], strides = [1]} : vector<16xf32> to vector<1xf32>
        %squeeze3A_815 = vector.extract %slice3A_814[0] : f32 from vector<1xf32>
        %get3A_816 = arith.index_cast %scan3A_750 : i32 to index
        %get3A_817 = arith.constant 96 : index
        %get3A_818 = tpu.vector_load %arg10[%get3A_816, %get3A_817] {strides = array<i32>} : memref<16x128xf32, #tpu.memory_space<vmem>>, vector<16xf32>,
        %mul3A_819 = vector.broadcast %squeeze3A_815 : f32 to vector<16xf32>
        %mul3A_820 = arith.mulf %mul3A_819, %get3A_818 : vector<16xf32>
        %swap3A_821 = arith.index_cast %scan3A_750 : i32 to index
        %swap3A_822 = arith.constant 96 : index
        %swap3A_823 = tpu.vector_load %arg10[%swap3A_821, %swap3A_822] {strides = array<i32>} : memref<16x128xf32, #tpu.memory_space<vmem>>, vector<16xf32>,
        tpu.vector_store %arg10[%swap3A_821, %swap3A_822], %mul3A_820 {strides = array<i32>} : memref<16x128xf32, #tpu.memory_space<vmem>>, vector<16xf32>,
        %slice3A_824 = vector.extract_strided_slice %get3A_753 {offsets = [3], sizes = [1], strides = [1]} : vector<16xf32> to vector<1xf32>
        %squeeze3A_825 = vector.extract %slice3A_824[0] : f32 from vector<1xf32>
        %get3A_826 = arith.index_cast %scan3A_750 : i32 to index
        %get3A_827 = arith.constant 112 : index
        %get3A_828 = tpu.vector_load %arg10[%get3A_826, %get3A_827] {strides = array<i32>} : memref<16x128xf32, #tpu.memory_space<vmem>>, vector<16xf32>,
        %mul3A_829 = vector.broadcast %squeeze3A_825 : f32 to vector<16xf32>
        %mul3A_830 = arith.mulf %mul3A_829, %get3A_828 : vector<16xf32>
        %swap3A_831 = arith.index_cast %scan3A_750 : i32 to index
        %swap3A_832 = arith.constant 112 : index
        %swap3A_833 = tpu.vector_load %arg10[%swap3A_831, %swap3A_832] {strides = array<i32>} : memref<16x128xf32, #tpu.memory_space<vmem>>, vector<16xf32>,
        tpu.vector_store %arg10[%swap3A_831, %swap3A_832], %mul3A_830 {strides = array<i32>} : memref<16x128xf32, #tpu.memory_space<vmem>>, vector<16xf32>,
      }
      %scan3A_495 = arith.constant 16 : i32
      "tpu.region"() ({
        %run_scoped3A = tpu.sem_alloc : memref<!tpu.dma_semaphore, #tpu.memory_space<semaphore_mem>>
        %dma_start3A_496 = arith.constant 0 : i32
        %dma_start3A_497 = arith.constant 0 : i32
        %dma_start3A_498 = tpu.memref_slice %arg14[%dma_start3A_496, %dma_start3A_497] : memref<5248x128xf32, #tpu.memory_space<vmem_shared>> -> memref<5248x128xf32, #tpu.memory_space<vmem_shared>>
        tpu.enqueue_indirect_dma source(%arg10 : memref<16x128xf32, #tpu.memory_space<vmem>>) target(%dma_start3A_498 : memref<5248x128xf32, #tpu.memory_space<vmem_shared>>) offsets(%arg9 : memref<16xi32, #tpu.memory_space<vmem>>) semaphore(%run_scoped3A : memref<!tpu.dma_semaphore, #tpu.memory_space<semaphore_mem>>) {add = true}
        %dma_wait3A_499 = arith.constant 0 : i32
        %dma_wait3A_500 = arith.constant 0 : i32
        %dma_wait3A_501 = tpu.memref_slice %arg14[%dma_wait3A_499, %dma_wait3A_500] : memref<5248x128xf32, #tpu.memory_space<vmem_shared>> -> memref<5248x128xf32, #tpu.memory_space<vmem_shared>>
        tpu.wait_indirect_dma semaphore(%run_scoped3A : memref<!tpu.dma_semaphore, #tpu.memory_space<semaphore_mem>>) src(%arg10 : memref<16x128xf32, #tpu.memory_space<vmem>>) dst(%dma_wait3A_501 : memref<5248x128xf32, #tpu.memory_space<vmem_shared>>)
        tpu.yield
      }) : () -> ()
    }
    %scan3A_98 = arith.constant 1250 : i32
    %barrier3A_99 = arith.constant 0 : index
    tpu.barrier barrier_id(%barrier3A_99)
    %mul3A_100 = arith.constant 328 : i32
    %mul3A_101 = arith.muli %arg1, %mul3A_100 : i32
    %add3A_102 = arith.constant 0 : i32
    %add3A_103 = arith.addi %mul3A_101, %add3A_102 : i32
    "tpu.region"() ({
      %run_scoped3A = tpu.sem_alloc : memref<!tpu.dma_semaphore, #tpu.memory_space<semaphore_mem>>
      %dma_start3A = arith.constant 0 : i32
      %dma_start3A_268 = tpu.memref_slice %arg14[%add3A_103, %dma_start3A] : memref<5248x128xf32, #tpu.memory_space<vmem_shared>> -> memref<16x128xf32, #tpu.memory_space<vmem_shared>>
      %dma_start3A_269 = arith.constant 0 : i32
      %dma_start3A_270 = tpu.memref_slice %arg14[%add3A_103, %dma_start3A_269] : memref<5248x128xf32, #tpu.memory_space<vmem_shared>> -> memref<16x128xf32, #tpu.memory_space<vmem_shared>>
      tpu.enqueue_dma source(%dma_start3A_270 : memref<16x128xf32, #tpu.memory_space<vmem_shared>>) target(%arg10 : memref<16x128xf32, #tpu.memory_space<vmem>>) target_semaphore(%run_scoped3A : memref<!tpu.dma_semaphore, #tpu.memory_space<semaphore_mem>>)
      %dma_wait3A = arith.constant 0 : i32
      %dma_wait3A_271 = tpu.memref_slice %arg14[%add3A_103, %dma_wait3A] : memref<5248x128xf32, #tpu.memory_space<vmem_shared>> -> memref<16x128xf32, #tpu.memory_space<vmem_shared>>
      %dma_wait3A_272 = arith.constant 0 : i32
      %dma_wait3A_273 = tpu.memref_slice %arg14[%add3A_103, %dma_wait3A_272] : memref<5248x128xf32, #tpu.memory_space<vmem_shared>> -> memref<16x128xf32, #tpu.memory_space<vmem_shared>>
      tpu.wait_dma2 semaphore(%run_scoped3A : memref<!tpu.dma_semaphore, #tpu.memory_space<semaphore_mem>>) src(%dma_wait3A_273 : memref<16x128xf32, #tpu.memory_space<vmem_shared>>) dst(%arg10 : memref<16x128xf32, #tpu.memory_space<vmem>>)
      tpu.yield
    }) : () -> ()
    %mul3A_104 = arith.constant 328 : i32
    %mul3A_105 = arith.muli %arg1, %mul3A_104 : i32
    %add3A_106 = arith.constant 0 : i32
    %add3A_107 = arith.addi %mul3A_105, %add3A_106 : i32
    "tpu.region"() ({
      %run_scoped3A = tpu.sem_alloc : memref<!tpu.dma_semaphore, #tpu.memory_space<semaphore_mem>>
      %dma_start3A = arith.constant 0 : i32
      %dma_start3A_268 = tpu.memref_slice %arg6[%arg0, %add3A_107, %dma_start3A] : memref<2x5248x128xf32, #tpu.memory_space<hbm>> -> memref<1x16x128xf32, #tpu.memory_space<hbm>>
      %dma_start3A_269 = tpu.memref_squeeze %dma_start3A_268 : memref<1x16x128xf32, #tpu.memory_space<hbm>> -> memref<16x128xf32, #tpu.memory_space<hbm>>
      %dma_start3A_270 = arith.constant 0 : i32
      %dma_start3A_271 = tpu.memref_slice %arg6[%arg0, %add3A_107, %dma_start3A_270] : memref<2x5248x128xf32, #tpu.memory_space<hbm>> -> memref<1x16x128xf32, #tpu.memory_space<hbm>>
      %dma_start3A_272 = tpu.memref_squeeze %dma_start3A_271 : memref<1x16x128xf32, #tpu.memory_space<hbm>> -> memref<16x128xf32, #tpu.memory_space<hbm>>
      tpu.enqueue_dma source(%arg10 : memref<16x128xf32, #tpu.memory_space<vmem>>) target(%dma_start3A_272 : memref<16x128xf32, #tpu.memory_space<hbm>>) target_semaphore(%run_scoped3A : memref<!tpu.dma_semaphore, #tpu.memory_space<semaphore_mem>>)
      %dma_wait3A = arith.constant 0 : i32
      %dma_wait3A_273 = tpu.memref_slice %arg6[%arg0, %add3A_107, %dma_wait3A] : memref<2x5248x128xf32, #tpu.memory_space<hbm>> -> memref<1x16x128xf32, #tpu.memory_space<hbm>>
      %dma_wait3A_274 = tpu.memref_squeeze %dma_wait3A_273 : memref<1x16x128xf32, #tpu.memory_space<hbm>> -> memref<16x128xf32, #tpu.memory_space<hbm>>
      %dma_wait3A_275 = arith.constant 0 : i32
      %dma_wait3A_276 = tpu.memref_slice %arg6[%arg0, %add3A_107, %dma_wait3A_275] : memref<2x5248x128xf32, #tpu.memory_space<hbm>> -> memref<1x16x128xf32, #tpu.memory_space<hbm>>
      %dma_wait3A_277 = tpu.memref_squeeze %dma_wait3A_276 : memref<1x16x128xf32, #tpu.memory_space<hbm>> -> memref<16x128xf32, #tpu.memory_space<hbm>>
      tpu.wait_dma2 semaphore(%run_scoped3A : memref<!tpu.dma_semaphore, #tpu.memory_space<semaphore_mem>>) src(%arg10 : memref<16x128xf32, #tpu.memory_space<vmem>>) dst(%dma_wait3A_277 : memref<16x128xf32, #tpu.memory_space<hbm>>)
      tpu.yield
    }) : () -> ()
    %mul3A_108 = arith.constant 328 : i32
    %mul3A_109 = arith.muli %arg1, %mul3A_108 : i32
    %add3A_110 = arith.constant 16 : i32
    %add3A_111 = arith.addi %mul3A_109, %add3A_110 : i32
    "tpu.region"() ({
      %run_scoped3A = tpu.sem_alloc : memref<!tpu.dma_semaphore, #tpu.memory_space<semaphore_mem>>
      %dma_start3A = arith.constant 0 : i32
      %dma_start3A_268 = tpu.memref_slice %arg14[%add3A_111, %dma_start3A] : memref<5248x128xf32, #tpu.memory_space<vmem_shared>> -> memref<16x128xf32, #tpu.memory_space<vmem_shared>>
      %dma_start3A_269 = arith.constant 0 : i32
      %dma_start3A_270 = tpu.memref_slice %arg14[%add3A_111, %dma_start3A_269] : memref<5248x128xf32, #tpu.memory_space<vmem_shared>> -> memref<16x128xf32, #tpu.memory_space<vmem_shared>>
      tpu.enqueue_dma source(%dma_start3A_270 : memref<16x128xf32, #tpu.memory_space<vmem_shared>>) target(%arg10 : memref<16x128xf32, #tpu.memory_space<vmem>>) target_semaphore(%run_scoped3A : memref<!tpu.dma_semaphore, #tpu.memory_space<semaphore_mem>>)
      %dma_wait3A = arith.constant 0 : i32
      %dma_wait3A_271 = tpu.memref_slice %arg14[%add3A_111, %dma_wait3A] : memref<5248x128xf32, #tpu.memory_space<vmem_shared>> -> memref<16x128xf32, #tpu.memory_space<vmem_shared>>
      %dma_wait3A_272 = arith.constant 0 : i32
      %dma_wait3A_273 = tpu.memref_slice %arg14[%add3A_111, %dma_wait3A_272] : memref<5248x128xf32, #tpu.memory_space<vmem_shared>> -> memref<16x128xf32, #tpu.memory_space<vmem_shared>>
      tpu.wait_dma2 semaphore(%run_scoped3A : memref<!tpu.dma_semaphore, #tpu.memory_space<semaphore_mem>>) src(%dma_wait3A_273 : memref<16x128xf32, #tpu.memory_space<vmem_shared>>) dst(%arg10 : memref<16x128xf32, #tpu.memory_space<vmem>>)
      tpu.yield
    }) : () -> ()
    %mul3A_112 = arith.constant 328 : i32
    %mul3A_113 = arith.muli %arg1, %mul3A_112 : i32
    %add3A_114 = arith.constant 16 : i32
    %add3A_115 = arith.addi %mul3A_113, %add3A_114 : i32
    "tpu.region"() ({
      %run_scoped3A = tpu.sem_alloc : memref<!tpu.dma_semaphore, #tpu.memory_space<semaphore_mem>>
      %dma_start3A = arith.constant 0 : i32
      %dma_start3A_268 = tpu.memref_slice %arg6[%arg0, %add3A_115, %dma_start3A] : memref<2x5248x128xf32, #tpu.memory_space<hbm>> -> memref<1x16x128xf32, #tpu.memory_space<hbm>>
      %dma_start3A_269 = tpu.memref_squeeze %dma_start3A_268 : memref<1x16x128xf32, #tpu.memory_space<hbm>> -> memref<16x128xf32, #tpu.memory_space<hbm>>
      %dma_start3A_270 = arith.constant 0 : i32
      %dma_start3A_271 = tpu.memref_slice %arg6[%arg0, %add3A_115, %dma_start3A_270] : memref<2x5248x128xf32, #tpu.memory_space<hbm>> -> memref<1x16x128xf32, #tpu.memory_space<hbm>>
      %dma_start3A_272 = tpu.memref_squeeze %dma_start3A_271 : memref<1x16x128xf32, #tpu.memory_space<hbm>> -> memref<16x128xf32, #tpu.memory_space<hbm>>
      tpu.enqueue_dma source(%arg10 : memref<16x128xf32, #tpu.memory_space<vmem>>) target(%dma_start3A_272 : memref<16x128xf32, #tpu.memory_space<hbm>>) target_semaphore(%run_scoped3A : memref<!tpu.dma_semaphore, #tpu.memory_space<semaphore_mem>>)
      %dma_wait3A = arith.constant 0 : i32
      %dma_wait3A_273 = tpu.memref_slice %arg6[%arg0, %add3A_115, %dma_wait3A] : memref<2x5248x128xf32, #tpu.memory_space<hbm>> -> memref<1x16x128xf32, #tpu.memory_space<hbm>>
      %dma_wait3A_274 = tpu.memref_squeeze %dma_wait3A_273 : memref<1x16x128xf32, #tpu.memory_space<hbm>> -> memref<16x128xf32, #tpu.memory_space<hbm>>
      %dma_wait3A_275 = arith.constant 0 : i32
      %dma_wait3A_276 = tpu.memref_slice %arg6[%arg0, %add3A_115, %dma_wait3A_275] : memref<2x5248x128xf32, #tpu.memory_space<hbm>> -> memref<1x16x128xf32, #tpu.memory_space<hbm>>
      %dma_wait3A_277 = tpu.memref_squeeze %dma_wait3A_276 : memref<1x16x128xf32, #tpu.memory_space<hbm>> -> memref<16x128xf32, #tpu.memory_space<hbm>>
      tpu.wait_dma2 semaphore(%run_scoped3A : memref<!tpu.dma_semaphore, #tpu.memory_space<semaphore_mem>>) src(%arg10 : memref<16x128xf32, #tpu.memory_space<vmem>>) dst(%dma_wait3A_277 : memref<16x128xf32, #tpu.memory_space<hbm>>)
      tpu.yield
    }) : () -> ()
    %mul3A_116 = arith.constant 328 : i32
    %mul3A_117 = arith.muli %arg1, %mul3A_116 : i32
    %add3A_118 = arith.constant 32 : i32
    %add3A_119 = arith.addi %mul3A_117, %add3A_118 : i32
    "tpu.region"() ({
      %run_scoped3A = tpu.sem_alloc : memref<!tpu.dma_semaphore, #tpu.memory_space<semaphore_mem>>
      %dma_start3A = arith.constant 0 : i32
      %dma_start3A_268 = tpu.memref_slice %arg14[%add3A_119, %dma_start3A] : memref<5248x128xf32, #tpu.memory_space<vmem_shared>> -> memref<16x128xf32, #tpu.memory_space<vmem_shared>>
      %dma_start3A_269 = arith.constant 0 : i32
      %dma_start3A_270 = tpu.memref_slice %arg14[%add3A_119, %dma_start3A_269] : memref<5248x128xf32, #tpu.memory_space<vmem_shared>> -> memref<16x128xf32, #tpu.memory_space<vmem_shared>>
      tpu.enqueue_dma source(%dma_start3A_270 : memref<16x128xf32, #tpu.memory_space<vmem_shared>>) target(%arg10 : memref<16x128xf32, #tpu.memory_space<vmem>>) target_semaphore(%run_scoped3A : memref<!tpu.dma_semaphore, #tpu.memory_space<semaphore_mem>>)
      %dma_wait3A = arith.constant 0 : i32
      %dma_wait3A_271 = tpu.memref_slice %arg14[%add3A_119, %dma_wait3A] : memref<5248x128xf32, #tpu.memory_space<vmem_shared>> -> memref<16x128xf32, #tpu.memory_space<vmem_shared>>
      %dma_wait3A_272 = arith.constant 0 : i32
      %dma_wait3A_273 = tpu.memref_slice %arg14[%add3A_119, %dma_wait3A_272] : memref<5248x128xf32, #tpu.memory_space<vmem_shared>> -> memref<16x128xf32, #tpu.memory_space<vmem_shared>>
      tpu.wait_dma2 semaphore(%run_scoped3A : memref<!tpu.dma_semaphore, #tpu.memory_space<semaphore_mem>>) src(%dma_wait3A_273 : memref<16x128xf32, #tpu.memory_space<vmem_shared>>) dst(%arg10 : memref<16x128xf32, #tpu.memory_space<vmem>>)
      tpu.yield
    }) : () -> ()
    %mul3A_120 = arith.constant 328 : i32
    %mul3A_121 = arith.muli %arg1, %mul3A_120 : i32
    %add3A_122 = arith.constant 32 : i32
    %add3A_123 = arith.addi %mul3A_121, %add3A_122 : i32
    "tpu.region"() ({
      %run_scoped3A = tpu.sem_alloc : memref<!tpu.dma_semaphore, #tpu.memory_space<semaphore_mem>>
      %dma_start3A = arith.constant 0 : i32
      %dma_start3A_268 = tpu.memref_slice %arg6[%arg0, %add3A_123, %dma_start3A] : memref<2x5248x128xf32, #tpu.memory_space<hbm>> -> memref<1x16x128xf32, #tpu.memory_space<hbm>>
      %dma_start3A_269 = tpu.memref_squeeze %dma_start3A_268 : memref<1x16x128xf32, #tpu.memory_space<hbm>> -> memref<16x128xf32, #tpu.memory_space<hbm>>
      %dma_start3A_270 = arith.constant 0 : i32
      %dma_start3A_271 = tpu.memref_slice %arg6[%arg0, %add3A_123, %dma_start3A_270] : memref<2x5248x128xf32, #tpu.memory_space<hbm>> -> memref<1x16x128xf32, #tpu.memory_space<hbm>>
      %dma_start3A_272 = tpu.memref_squeeze %dma_start3A_271 : memref<1x16x128xf32, #tpu.memory_space<hbm>> -> memref<16x128xf32, #tpu.memory_space<hbm>>
      tpu.enqueue_dma source(%arg10 : memref<16x128xf32, #tpu.memory_space<vmem>>) target(%dma_start3A_272 : memref<16x128xf32, #tpu.memory_space<hbm>>) target_semaphore(%run_scoped3A : memref<!tpu.dma_semaphore, #tpu.memory_space<semaphore_mem>>)
      %dma_wait3A = arith.constant 0 : i32
      %dma_wait3A_273 = tpu.memref_slice %arg6[%arg0, %add3A_123, %dma_wait3A] : memref<2x5248x128xf32, #tpu.memory_space<hbm>> -> memref<1x16x128xf32, #tpu.memory_space<hbm>>
      %dma_wait3A_274 = tpu.memref_squeeze %dma_wait3A_273 : memref<1x16x128xf32, #tpu.memory_space<hbm>> -> memref<16x128xf32, #tpu.memory_space<hbm>>
      %dma_wait3A_275 = arith.constant 0 : i32
      %dma_wait3A_276 = tpu.memref_slice %arg6[%arg0, %add3A_123, %dma_wait3A_275] : memref<2x5248x128xf32, #tpu.memory_space<hbm>> -> memref<1x16x128xf32, #tpu.memory_space<hbm>>
      %dma_wait3A_277 = tpu.memref_squeeze %dma_wait3A_276 : memref<1x16x128xf32, #tpu.memory_space<hbm>> -> memref<16x128xf32, #tpu.memory_space<hbm>>
      tpu.wait_dma2 semaphore(%run_scoped3A : memref<!tpu.dma_semaphore, #tpu.memory_space<semaphore_mem>>) src(%arg10 : memref<16x128xf32, #tpu.memory_space<vmem>>) dst(%dma_wait3A_277 : memref<16x128xf32, #tpu.memory_space<hbm>>)
      tpu.yield
    }) : () -> ()
    %mul3A_124 = arith.constant 328 : i32
    %mul3A_125 = arith.muli %arg1, %mul3A_124 : i32
    %add3A_126 = arith.constant 48 : i32
    %add3A_127 = arith.addi %mul3A_125, %add3A_126 : i32
    "tpu.region"() ({
      %run_scoped3A = tpu.sem_alloc : memref<!tpu.dma_semaphore, #tpu.memory_space<semaphore_mem>>
      %dma_start3A = arith.constant 0 : i32
      %dma_start3A_268 = tpu.memref_slice %arg14[%add3A_127, %dma_start3A] : memref<5248x128xf32, #tpu.memory_space<vmem_shared>> -> memref<16x128xf32, #tpu.memory_space<vmem_shared>>
      %dma_start3A_269 = arith.constant 0 : i32
      %dma_start3A_270 = tpu.memref_slice %arg14[%add3A_127, %dma_start3A_269] : memref<5248x128xf32, #tpu.memory_space<vmem_shared>> -> memref<16x128xf32, #tpu.memory_space<vmem_shared>>
      tpu.enqueue_dma source(%dma_start3A_270 : memref<16x128xf32, #tpu.memory_space<vmem_shared>>) target(%arg10 : memref<16x128xf32, #tpu.memory_space<vmem>>) target_semaphore(%run_scoped3A : memref<!tpu.dma_semaphore, #tpu.memory_space<semaphore_mem>>)
      %dma_wait3A = arith.constant 0 : i32
      %dma_wait3A_271 = tpu.memref_slice %arg14[%add3A_127, %dma_wait3A] : memref<5248x128xf32, #tpu.memory_space<vmem_shared>> -> memref<16x128xf32, #tpu.memory_space<vmem_shared>>
      %dma_wait3A_272 = arith.constant 0 : i32
      %dma_wait3A_273 = tpu.memref_slice %arg14[%add3A_127, %dma_wait3A_272] : memref<5248x128xf32, #tpu.memory_space<vmem_shared>> -> memref<16x128xf32, #tpu.memory_space<vmem_shared>>
      tpu.wait_dma2 semaphore(%run_scoped3A : memref<!tpu.dma_semaphore, #tpu.memory_space<semaphore_mem>>) src(%dma_wait3A_273 : memref<16x128xf32, #tpu.memory_space<vmem_shared>>) dst(%arg10 : memref<16x128xf32, #tpu.memory_space<vmem>>)
      tpu.yield
    }) : () -> ()
    %mul3A_128 = arith.constant 328 : i32
    %mul3A_129 = arith.muli %arg1, %mul3A_128 : i32
    %add3A_130 = arith.constant 48 : i32
    %add3A_131 = arith.addi %mul3A_129, %add3A_130 : i32
    "tpu.region"() ({
      %run_scoped3A = tpu.sem_alloc : memref<!tpu.dma_semaphore, #tpu.memory_space<semaphore_mem>>
      %dma_start3A = arith.constant 0 : i32
      %dma_start3A_268 = tpu.memref_slice %arg6[%arg0, %add3A_131, %dma_start3A] : memref<2x5248x128xf32, #tpu.memory_space<hbm>> -> memref<1x16x128xf32, #tpu.memory_space<hbm>>
      %dma_start3A_269 = tpu.memref_squeeze %dma_start3A_268 : memref<1x16x128xf32, #tpu.memory_space<hbm>> -> memref<16x128xf32, #tpu.memory_space<hbm>>
      %dma_start3A_270 = arith.constant 0 : i32
      %dma_start3A_271 = tpu.memref_slice %arg6[%arg0, %add3A_131, %dma_start3A_270] : memref<2x5248x128xf32, #tpu.memory_space<hbm>> -> memref<1x16x128xf32, #tpu.memory_space<hbm>>
      %dma_start3A_272 = tpu.memref_squeeze %dma_start3A_271 : memref<1x16x128xf32, #tpu.memory_space<hbm>> -> memref<16x128xf32, #tpu.memory_space<hbm>>
      tpu.enqueue_dma source(%arg10 : memref<16x128xf32, #tpu.memory_space<vmem>>) target(%dma_start3A_272 : memref<16x128xf32, #tpu.memory_space<hbm>>) target_semaphore(%run_scoped3A : memref<!tpu.dma_semaphore, #tpu.memory_space<semaphore_mem>>)
      %dma_wait3A = arith.constant 0 : i32
      %dma_wait3A_273 = tpu.memref_slice %arg6[%arg0, %add3A_131, %dma_wait3A] : memref<2x5248x128xf32, #tpu.memory_space<hbm>> -> memref<1x16x128xf32, #tpu.memory_space<hbm>>
      %dma_wait3A_274 = tpu.memref_squeeze %dma_wait3A_273 : memref<1x16x128xf32, #tpu.memory_space<hbm>> -> memref<16x128xf32, #tpu.memory_space<hbm>>
      %dma_wait3A_275 = arith.constant 0 : i32
      %dma_wait3A_276 = tpu.memref_slice %arg6[%arg0, %add3A_131, %dma_wait3A_275] : memref<2x5248x128xf32, #tpu.memory_space<hbm>> -> memref<1x16x128xf32, #tpu.memory_space<hbm>>
      %dma_wait3A_277 = tpu.memref_squeeze %dma_wait3A_276 : memref<1x16x128xf32, #tpu.memory_space<hbm>> -> memref<16x128xf32, #tpu.memory_space<hbm>>
      tpu.wait_dma2 semaphore(%run_scoped3A : memref<!tpu.dma_semaphore, #tpu.memory_space<semaphore_mem>>) src(%arg10 : memref<16x128xf32, #tpu.memory_space<vmem>>) dst(%dma_wait3A_277 : memref<16x128xf32, #tpu.memory_space<hbm>>)
      tpu.yield
    }) : () -> ()
    %mul3A_132 = arith.constant 328 : i32
    %mul3A_133 = arith.muli %arg1, %mul3A_132 : i32
    %add3A_134 = arith.constant 64 : i32
    %add3A_135 = arith.addi %mul3A_133, %add3A_134 : i32
    "tpu.region"() ({
      %run_scoped3A = tpu.sem_alloc : memref<!tpu.dma_semaphore, #tpu.memory_space<semaphore_mem>>
      %dma_start3A = arith.constant 0 : i32
      %dma_start3A_268 = tpu.memref_slice %arg14[%add3A_135, %dma_start3A] : memref<5248x128xf32, #tpu.memory_space<vmem_shared>> -> memref<16x128xf32, #tpu.memory_space<vmem_shared>>
      %dma_start3A_269 = arith.constant 0 : i32
      %dma_start3A_270 = tpu.memref_slice %arg14[%add3A_135, %dma_start3A_269] : memref<5248x128xf32, #tpu.memory_space<vmem_shared>> -> memref<16x128xf32, #tpu.memory_space<vmem_shared>>
      tpu.enqueue_dma source(%dma_start3A_270 : memref<16x128xf32, #tpu.memory_space<vmem_shared>>) target(%arg10 : memref<16x128xf32, #tpu.memory_space<vmem>>) target_semaphore(%run_scoped3A : memref<!tpu.dma_semaphore, #tpu.memory_space<semaphore_mem>>)
      %dma_wait3A = arith.constant 0 : i32
      %dma_wait3A_271 = tpu.memref_slice %arg14[%add3A_135, %dma_wait3A] : memref<5248x128xf32, #tpu.memory_space<vmem_shared>> -> memref<16x128xf32, #tpu.memory_space<vmem_shared>>
      %dma_wait3A_272 = arith.constant 0 : i32
      %dma_wait3A_273 = tpu.memref_slice %arg14[%add3A_135, %dma_wait3A_272] : memref<5248x128xf32, #tpu.memory_space<vmem_shared>> -> memref<16x128xf32, #tpu.memory_space<vmem_shared>>
      tpu.wait_dma2 semaphore(%run_scoped3A : memref<!tpu.dma_semaphore, #tpu.memory_space<semaphore_mem>>) src(%dma_wait3A_273 : memref<16x128xf32, #tpu.memory_space<vmem_shared>>) dst(%arg10 : memref<16x128xf32, #tpu.memory_space<vmem>>)
      tpu.yield
    }) : () -> ()
    %mul3A_136 = arith.constant 328 : i32
    %mul3A_137 = arith.muli %arg1, %mul3A_136 : i32
    %add3A_138 = arith.constant 64 : i32
    %add3A_139 = arith.addi %mul3A_137, %add3A_138 : i32
    "tpu.region"() ({
      %run_scoped3A = tpu.sem_alloc : memref<!tpu.dma_semaphore, #tpu.memory_space<semaphore_mem>>
      %dma_start3A = arith.constant 0 : i32
      %dma_start3A_268 = tpu.memref_slice %arg6[%arg0, %add3A_139, %dma_start3A] : memref<2x5248x128xf32, #tpu.memory_space<hbm>> -> memref<1x16x128xf32, #tpu.memory_space<hbm>>
      %dma_start3A_269 = tpu.memref_squeeze %dma_start3A_268 : memref<1x16x128xf32, #tpu.memory_space<hbm>> -> memref<16x128xf32, #tpu.memory_space<hbm>>
      %dma_start3A_270 = arith.constant 0 : i32
      %dma_start3A_271 = tpu.memref_slice %arg6[%arg0, %add3A_139, %dma_start3A_270] : memref<2x5248x128xf32, #tpu.memory_space<hbm>> -> memref<1x16x128xf32, #tpu.memory_space<hbm>>
      %dma_start3A_272 = tpu.memref_squeeze %dma_start3A_271 : memref<1x16x128xf32, #tpu.memory_space<hbm>> -> memref<16x128xf32, #tpu.memory_space<hbm>>
      tpu.enqueue_dma source(%arg10 : memref<16x128xf32, #tpu.memory_space<vmem>>) target(%dma_start3A_272 : memref<16x128xf32, #tpu.memory_space<hbm>>) target_semaphore(%run_scoped3A : memref<!tpu.dma_semaphore, #tpu.memory_space<semaphore_mem>>)
      %dma_wait3A = arith.constant 0 : i32
      %dma_wait3A_273 = tpu.memref_slice %arg6[%arg0, %add3A_139, %dma_wait3A] : memref<2x5248x128xf32, #tpu.memory_space<hbm>> -> memref<1x16x128xf32, #tpu.memory_space<hbm>>
      %dma_wait3A_274 = tpu.memref_squeeze %dma_wait3A_273 : memref<1x16x128xf32, #tpu.memory_space<hbm>> -> memref<16x128xf32, #tpu.memory_space<hbm>>
      %dma_wait3A_275 = arith.constant 0 : i32
      %dma_wait3A_276 = tpu.memref_slice %arg6[%arg0, %add3A_139, %dma_wait3A_275] : memref<2x5248x128xf32, #tpu.memory_space<hbm>> -> memref<1x16x128xf32, #tpu.memory_space<hbm>>
      %dma_wait3A_277 = tpu.memref_squeeze %dma_wait3A_276 : memref<1x16x128xf32, #tpu.memory_space<hbm>> -> memref<16x128xf32, #tpu.memory_space<hbm>>
      tpu.wait_dma2 semaphore(%run_scoped3A : memref<!tpu.dma_semaphore, #tpu.memory_space<semaphore_mem>>) src(%arg10 : memref<16x128xf32, #tpu.memory_space<vmem>>) dst(%dma_wait3A_277 : memref<16x128xf32, #tpu.memory_space<hbm>>)
      tpu.yield
    }) : () -> ()
    %mul3A_140 = arith.constant 328 : i32
    %mul3A_141 = arith.muli %arg1, %mul3A_140 : i32
    %add3A_142 = arith.constant 80 : i32
    %add3A_143 = arith.addi %mul3A_141, %add3A_142 : i32
    "tpu.region"() ({
      %run_scoped3A = tpu.sem_alloc : memref<!tpu.dma_semaphore, #tpu.memory_space<semaphore_mem>>
      %dma_start3A = arith.constant 0 : i32
      %dma_start3A_268 = tpu.memref_slice %arg14[%add3A_143, %dma_start3A] : memref<5248x128xf32, #tpu.memory_space<vmem_shared>> -> memref<16x128xf32, #tpu.memory_space<vmem_shared>>
      %dma_start3A_269 = arith.constant 0 : i32
      %dma_start3A_270 = tpu.memref_slice %arg14[%add3A_143, %dma_start3A_269] : memref<5248x128xf32, #tpu.memory_space<vmem_shared>> -> memref<16x128xf32, #tpu.memory_space<vmem_shared>>
      tpu.enqueue_dma source(%dma_start3A_270 : memref<16x128xf32, #tpu.memory_space<vmem_shared>>) target(%arg10 : memref<16x128xf32, #tpu.memory_space<vmem>>) target_semaphore(%run_scoped3A : memref<!tpu.dma_semaphore, #tpu.memory_space<semaphore_mem>>)
      %dma_wait3A = arith.constant 0 : i32
      %dma_wait3A_271 = tpu.memref_slice %arg14[%add3A_143, %dma_wait3A] : memref<5248x128xf32, #tpu.memory_space<vmem_shared>> -> memref<16x128xf32, #tpu.memory_space<vmem_shared>>
      %dma_wait3A_272 = arith.constant 0 : i32
      %dma_wait3A_273 = tpu.memref_slice %arg14[%add3A_143, %dma_wait3A_272] : memref<5248x128xf32, #tpu.memory_space<vmem_shared>> -> memref<16x128xf32, #tpu.memory_space<vmem_shared>>
      tpu.wait_dma2 semaphore(%run_scoped3A : memref<!tpu.dma_semaphore, #tpu.memory_space<semaphore_mem>>) src(%dma_wait3A_273 : memref<16x128xf32, #tpu.memory_space<vmem_shared>>) dst(%arg10 : memref<16x128xf32, #tpu.memory_space<vmem>>)
      tpu.yield
    }) : () -> ()
    %mul3A_144 = arith.constant 328 : i32
    %mul3A_145 = arith.muli %arg1, %mul3A_144 : i32
    %add3A_146 = arith.constant 80 : i32
    %add3A_147 = arith.addi %mul3A_145, %add3A_146 : i32
    "tpu.region"() ({
      %run_scoped3A = tpu.sem_alloc : memref<!tpu.dma_semaphore, #tpu.memory_space<semaphore_mem>>
      %dma_start3A = arith.constant 0 : i32
      %dma_start3A_268 = tpu.memref_slice %arg6[%arg0, %add3A_147, %dma_start3A] : memref<2x5248x128xf32, #tpu.memory_space<hbm>> -> memref<1x16x128xf32, #tpu.memory_space<hbm>>
      %dma_start3A_269 = tpu.memref_squeeze %dma_start3A_268 : memref<1x16x128xf32, #tpu.memory_space<hbm>> -> memref<16x128xf32, #tpu.memory_space<hbm>>
      %dma_start3A_270 = arith.constant 0 : i32
      %dma_start3A_271 = tpu.memref_slice %arg6[%arg0, %add3A_147, %dma_start3A_270] : memref<2x5248x128xf32, #tpu.memory_space<hbm>> -> memref<1x16x128xf32, #tpu.memory_space<hbm>>
      %dma_start3A_272 = tpu.memref_squeeze %dma_start3A_271 : memref<1x16x128xf32, #tpu.memory_space<hbm>> -> memref<16x128xf32, #tpu.memory_space<hbm>>
      tpu.enqueue_dma source(%arg10 : memref<16x128xf32, #tpu.memory_space<vmem>>) target(%dma_start3A_272 : memref<16x128xf32, #tpu.memory_space<hbm>>) target_semaphore(%run_scoped3A : memref<!tpu.dma_semaphore, #tpu.memory_space<semaphore_mem>>)
      %dma_wait3A = arith.constant 0 : i32
      %dma_wait3A_273 = tpu.memref_slice %arg6[%arg0, %add3A_147, %dma_wait3A] : memref<2x5248x128xf32, #tpu.memory_space<hbm>> -> memref<1x16x128xf32, #tpu.memory_space<hbm>>
      %dma_wait3A_274 = tpu.memref_squeeze %dma_wait3A_273 : memref<1x16x128xf32, #tpu.memory_space<hbm>> -> memref<16x128xf32, #tpu.memory_space<hbm>>
      %dma_wait3A_275 = arith.constant 0 : i32
      %dma_wait3A_276 = tpu.memref_slice %arg6[%arg0, %add3A_147, %dma_wait3A_275] : memref<2x5248x128xf32, #tpu.memory_space<hbm>> -> memref<1x16x128xf32, #tpu.memory_space<hbm>>
      %dma_wait3A_277 = tpu.memref_squeeze %dma_wait3A_276 : memref<1x16x128xf32, #tpu.memory_space<hbm>> -> memref<16x128xf32, #tpu.memory_space<hbm>>
      tpu.wait_dma2 semaphore(%run_scoped3A : memref<!tpu.dma_semaphore, #tpu.memory_space<semaphore_mem>>) src(%arg10 : memref<16x128xf32, #tpu.memory_space<vmem>>) dst(%dma_wait3A_277 : memref<16x128xf32, #tpu.memory_space<hbm>>)
      tpu.yield
    }) : () -> ()
    %mul3A_148 = arith.constant 328 : i32
    %mul3A_149 = arith.muli %arg1, %mul3A_148 : i32
    %add3A_150 = arith.constant 96 : i32
    %add3A_151 = arith.addi %mul3A_149, %add3A_150 : i32
    "tpu.region"() ({
      %run_scoped3A = tpu.sem_alloc : memref<!tpu.dma_semaphore, #tpu.memory_space<semaphore_mem>>
      %dma_start3A = arith.constant 0 : i32
      %dma_start3A_268 = tpu.memref_slice %arg14[%add3A_151, %dma_start3A] : memref<5248x128xf32, #tpu.memory_space<vmem_shared>> -> memref<16x128xf32, #tpu.memory_space<vmem_shared>>
      %dma_start3A_269 = arith.constant 0 : i32
      %dma_start3A_270 = tpu.memref_slice %arg14[%add3A_151, %dma_start3A_269] : memref<5248x128xf32, #tpu.memory_space<vmem_shared>> -> memref<16x128xf32, #tpu.memory_space<vmem_shared>>
      tpu.enqueue_dma source(%dma_start3A_270 : memref<16x128xf32, #tpu.memory_space<vmem_shared>>) target(%arg10 : memref<16x128xf32, #tpu.memory_space<vmem>>) target_semaphore(%run_scoped3A : memref<!tpu.dma_semaphore, #tpu.memory_space<semaphore_mem>>)
      %dma_wait3A = arith.constant 0 : i32
      %dma_wait3A_271 = tpu.memref_slice %arg14[%add3A_151, %dma_wait3A] : memref<5248x128xf32, #tpu.memory_space<vmem_shared>> -> memref<16x128xf32, #tpu.memory_space<vmem_shared>>
      %dma_wait3A_272 = arith.constant 0 : i32
      %dma_wait3A_273 = tpu.memref_slice %arg14[%add3A_151, %dma_wait3A_272] : memref<5248x128xf32, #tpu.memory_space<vmem_shared>> -> memref<16x128xf32, #tpu.memory_space<vmem_shared>>
      tpu.wait_dma2 semaphore(%run_scoped3A : memref<!tpu.dma_semaphore, #tpu.memory_space<semaphore_mem>>) src(%dma_wait3A_273 : memref<16x128xf32, #tpu.memory_space<vmem_shared>>) dst(%arg10 : memref<16x128xf32, #tpu.memory_space<vmem>>)
      tpu.yield
    }) : () -> ()
    %mul3A_152 = arith.constant 328 : i32
    %mul3A_153 = arith.muli %arg1, %mul3A_152 : i32
    %add3A_154 = arith.constant 96 : i32
    %add3A_155 = arith.addi %mul3A_153, %add3A_154 : i32
    "tpu.region"() ({
      %run_scoped3A = tpu.sem_alloc : memref<!tpu.dma_semaphore, #tpu.memory_space<semaphore_mem>>
      %dma_start3A = arith.constant 0 : i32
      %dma_start3A_268 = tpu.memref_slice %arg6[%arg0, %add3A_155, %dma_start3A] : memref<2x5248x128xf32, #tpu.memory_space<hbm>> -> memref<1x16x128xf32, #tpu.memory_space<hbm>>
      %dma_start3A_269 = tpu.memref_squeeze %dma_start3A_268 : memref<1x16x128xf32, #tpu.memory_space<hbm>> -> memref<16x128xf32, #tpu.memory_space<hbm>>
      %dma_start3A_270 = arith.constant 0 : i32
      %dma_start3A_271 = tpu.memref_slice %arg6[%arg0, %add3A_155, %dma_start3A_270] : memref<2x5248x128xf32, #tpu.memory_space<hbm>> -> memref<1x16x128xf32, #tpu.memory_space<hbm>>
      %dma_start3A_272 = tpu.memref_squeeze %dma_start3A_271 : memref<1x16x128xf32, #tpu.memory_space<hbm>> -> memref<16x128xf32, #tpu.memory_space<hbm>>
      tpu.enqueue_dma source(%arg10 : memref<16x128xf32, #tpu.memory_space<vmem>>) target(%dma_start3A_272 : memref<16x128xf32, #tpu.memory_space<hbm>>) target_semaphore(%run_scoped3A : memref<!tpu.dma_semaphore, #tpu.memory_space<semaphore_mem>>)
      %dma_wait3A = arith.constant 0 : i32
      %dma_wait3A_273 = tpu.memref_slice %arg6[%arg0, %add3A_155, %dma_wait3A] : memref<2x5248x128xf32, #tpu.memory_space<hbm>> -> memref<1x16x128xf32, #tpu.memory_space<hbm>>
      %dma_wait3A_274 = tpu.memref_squeeze %dma_wait3A_273 : memref<1x16x128xf32, #tpu.memory_space<hbm>> -> memref<16x128xf32, #tpu.memory_space<hbm>>
      %dma_wait3A_275 = arith.constant 0 : i32
      %dma_wait3A_276 = tpu.memref_slice %arg6[%arg0, %add3A_155, %dma_wait3A_275] : memref<2x5248x128xf32, #tpu.memory_space<hbm>> -> memref<1x16x128xf32, #tpu.memory_space<hbm>>
      %dma_wait3A_277 = tpu.memref_squeeze %dma_wait3A_276 : memref<1x16x128xf32, #tpu.memory_space<hbm>> -> memref<16x128xf32, #tpu.memory_space<hbm>>
      tpu.wait_dma2 semaphore(%run_scoped3A : memref<!tpu.dma_semaphore, #tpu.memory_space<semaphore_mem>>) src(%arg10 : memref<16x128xf32, #tpu.memory_space<vmem>>) dst(%dma_wait3A_277 : memref<16x128xf32, #tpu.memory_space<hbm>>)
      tpu.yield
    }) : () -> ()
    %mul3A_156 = arith.constant 328 : i32
    %mul3A_157 = arith.muli %arg1, %mul3A_156 : i32
    %add3A_158 = arith.constant 112 : i32
    %add3A_159 = arith.addi %mul3A_157, %add3A_158 : i32
    "tpu.region"() ({
      %run_scoped3A = tpu.sem_alloc : memref<!tpu.dma_semaphore, #tpu.memory_space<semaphore_mem>>
      %dma_start3A = arith.constant 0 : i32
      %dma_start3A_268 = tpu.memref_slice %arg14[%add3A_159, %dma_start3A] : memref<5248x128xf32, #tpu.memory_space<vmem_shared>> -> memref<16x128xf32, #tpu.memory_space<vmem_shared>>
      %dma_start3A_269 = arith.constant 0 : i32
      %dma_start3A_270 = tpu.memref_slice %arg14[%add3A_159, %dma_start3A_269] : memref<5248x128xf32, #tpu.memory_space<vmem_shared>> -> memref<16x128xf32, #tpu.memory_space<vmem_shared>>
      tpu.enqueue_dma source(%dma_start3A_270 : memref<16x128xf32, #tpu.memory_space<vmem_shared>>) target(%arg10 : memref<16x128xf32, #tpu.memory_space<vmem>>) target_semaphore(%run_scoped3A : memref<!tpu.dma_semaphore, #tpu.memory_space<semaphore_mem>>)
      %dma_wait3A = arith.constant 0 : i32
      %dma_wait3A_271 = tpu.memref_slice %arg14[%add3A_159, %dma_wait3A] : memref<5248x128xf32, #tpu.memory_space<vmem_shared>> -> memref<16x128xf32, #tpu.memory_space<vmem_shared>>
      %dma_wait3A_272 = arith.constant 0 : i32
      %dma_wait3A_273 = tpu.memref_slice %arg14[%add3A_159, %dma_wait3A_272] : memref<5248x128xf32, #tpu.memory_space<vmem_shared>> -> memref<16x128xf32, #tpu.memory_space<vmem_shared>>
      tpu.wait_dma2 semaphore(%run_scoped3A : memref<!tpu.dma_semaphore, #tpu.memory_space<semaphore_mem>>) src(%dma_wait3A_273 : memref<16x128xf32, #tpu.memory_space<vmem_shared>>) dst(%arg10 : memref<16x128xf32, #tpu.memory_space<vmem>>)
      tpu.yield
    }) : () -> ()
    %mul3A_160 = arith.constant 328 : i32
    %mul3A_161 = arith.muli %arg1, %mul3A_160 : i32
    %add3A_162 = arith.constant 112 : i32
    %add3A_163 = arith.addi %mul3A_161, %add3A_162 : i32
    "tpu.region"() ({
      %run_scoped3A = tpu.sem_alloc : memref<!tpu.dma_semaphore, #tpu.memory_space<semaphore_mem>>
      %dma_start3A = arith.constant 0 : i32
      %dma_start3A_268 = tpu.memref_slice %arg6[%arg0, %add3A_163, %dma_start3A] : memref<2x5248x128xf32, #tpu.memory_space<hbm>> -> memref<1x16x128xf32, #tpu.memory_space<hbm>>
      %dma_start3A_269 = tpu.memref_squeeze %dma_start3A_268 : memref<1x16x128xf32, #tpu.memory_space<hbm>> -> memref<16x128xf32, #tpu.memory_space<hbm>>
      %dma_start3A_270 = arith.constant 0 : i32
      %dma_start3A_271 = tpu.memref_slice %arg6[%arg0, %add3A_163, %dma_start3A_270] : memref<2x5248x128xf32, #tpu.memory_space<hbm>> -> memref<1x16x128xf32, #tpu.memory_space<hbm>>
      %dma_start3A_272 = tpu.memref_squeeze %dma_start3A_271 : memref<1x16x128xf32, #tpu.memory_space<hbm>> -> memref<16x128xf32, #tpu.memory_space<hbm>>
      tpu.enqueue_dma source(%arg10 : memref<16x128xf32, #tpu.memory_space<vmem>>) target(%dma_start3A_272 : memref<16x128xf32, #tpu.memory_space<hbm>>) target_semaphore(%run_scoped3A : memref<!tpu.dma_semaphore, #tpu.memory_space<semaphore_mem>>)
      %dma_wait3A = arith.constant 0 : i32
      %dma_wait3A_273 = tpu.memref_slice %arg6[%arg0, %add3A_163, %dma_wait3A] : memref<2x5248x128xf32, #tpu.memory_space<hbm>> -> memref<1x16x128xf32, #tpu.memory_space<hbm>>
      %dma_wait3A_274 = tpu.memref_squeeze %dma_wait3A_273 : memref<1x16x128xf32, #tpu.memory_space<hbm>> -> memref<16x128xf32, #tpu.memory_space<hbm>>
      %dma_wait3A_275 = arith.constant 0 : i32
      %dma_wait3A_276 = tpu.memref_slice %arg6[%arg0, %add3A_163, %dma_wait3A_275] : memref<2x5248x128xf32, #tpu.memory_space<hbm>> -> memref<1x16x128xf32, #tpu.memory_space<hbm>>
      %dma_wait3A_277 = tpu.memref_squeeze %dma_wait3A_276 : memref<1x16x128xf32, #tpu.memory_space<hbm>> -> memref<16x128xf32, #tpu.memory_space<hbm>>
      tpu.wait_dma2 semaphore(%run_scoped3A : memref<!tpu.dma_semaphore, #tpu.memory_space<semaphore_mem>>) src(%arg10 : memref<16x128xf32, #tpu.memory_space<vmem>>) dst(%dma_wait3A_277 : memref<16x128xf32, #tpu.memory_space<hbm>>)
      tpu.yield
    }) : () -> ()
    %mul3A_164 = arith.constant 328 : i32
    %mul3A_165 = arith.muli %arg1, %mul3A_164 : i32
    %add3A_166 = arith.constant 128 : i32
    %add3A_167 = arith.addi %mul3A_165, %add3A_166 : i32
    "tpu.region"() ({
      %run_scoped3A = tpu.sem_alloc : memref<!tpu.dma_semaphore, #tpu.memory_space<semaphore_mem>>
      %dma_start3A = arith.constant 0 : i32
      %dma_start3A_268 = tpu.memref_slice %arg14[%add3A_167, %dma_start3A] : memref<5248x128xf32, #tpu.memory_space<vmem_shared>> -> memref<16x128xf32, #tpu.memory_space<vmem_shared>>
      %dma_start3A_269 = arith.constant 0 : i32
      %dma_start3A_270 = tpu.memref_slice %arg14[%add3A_167, %dma_start3A_269] : memref<5248x128xf32, #tpu.memory_space<vmem_shared>> -> memref<16x128xf32, #tpu.memory_space<vmem_shared>>
      tpu.enqueue_dma source(%dma_start3A_270 : memref<16x128xf32, #tpu.memory_space<vmem_shared>>) target(%arg10 : memref<16x128xf32, #tpu.memory_space<vmem>>) target_semaphore(%run_scoped3A : memref<!tpu.dma_semaphore, #tpu.memory_space<semaphore_mem>>)
      %dma_wait3A = arith.constant 0 : i32
      %dma_wait3A_271 = tpu.memref_slice %arg14[%add3A_167, %dma_wait3A] : memref<5248x128xf32, #tpu.memory_space<vmem_shared>> -> memref<16x128xf32, #tpu.memory_space<vmem_shared>>
      %dma_wait3A_272 = arith.constant 0 : i32
      %dma_wait3A_273 = tpu.memref_slice %arg14[%add3A_167, %dma_wait3A_272] : memref<5248x128xf32, #tpu.memory_space<vmem_shared>> -> memref<16x128xf32, #tpu.memory_space<vmem_shared>>
      tpu.wait_dma2 semaphore(%run_scoped3A : memref<!tpu.dma_semaphore, #tpu.memory_space<semaphore_mem>>) src(%dma_wait3A_273 : memref<16x128xf32, #tpu.memory_space<vmem_shared>>) dst(%arg10 : memref<16x128xf32, #tpu.memory_space<vmem>>)
      tpu.yield
    }) : () -> ()
    %mul3A_168 = arith.constant 328 : i32
    %mul3A_169 = arith.muli %arg1, %mul3A_168 : i32
    %add3A_170 = arith.constant 128 : i32
    %add3A_171 = arith.addi %mul3A_169, %add3A_170 : i32
    "tpu.region"() ({
      %run_scoped3A = tpu.sem_alloc : memref<!tpu.dma_semaphore, #tpu.memory_space<semaphore_mem>>
      %dma_start3A = arith.constant 0 : i32
      %dma_start3A_268 = tpu.memref_slice %arg6[%arg0, %add3A_171, %dma_start3A] : memref<2x5248x128xf32, #tpu.memory_space<hbm>> -> memref<1x16x128xf32, #tpu.memory_space<hbm>>
      %dma_start3A_269 = tpu.memref_squeeze %dma_start3A_268 : memref<1x16x128xf32, #tpu.memory_space<hbm>> -> memref<16x128xf32, #tpu.memory_space<hbm>>
      %dma_start3A_270 = arith.constant 0 : i32
      %dma_start3A_271 = tpu.memref_slice %arg6[%arg0, %add3A_171, %dma_start3A_270] : memref<2x5248x128xf32, #tpu.memory_space<hbm>> -> memref<1x16x128xf32, #tpu.memory_space<hbm>>
      %dma_start3A_272 = tpu.memref_squeeze %dma_start3A_271 : memref<1x16x128xf32, #tpu.memory_space<hbm>> -> memref<16x128xf32, #tpu.memory_space<hbm>>
      tpu.enqueue_dma source(%arg10 : memref<16x128xf32, #tpu.memory_space<vmem>>) target(%dma_start3A_272 : memref<16x128xf32, #tpu.memory_space<hbm>>) target_semaphore(%run_scoped3A : memref<!tpu.dma_semaphore, #tpu.memory_space<semaphore_mem>>)
      %dma_wait3A = arith.constant 0 : i32
      %dma_wait3A_273 = tpu.memref_slice %arg6[%arg0, %add3A_171, %dma_wait3A] : memref<2x5248x128xf32, #tpu.memory_space<hbm>> -> memref<1x16x128xf32, #tpu.memory_space<hbm>>
      %dma_wait3A_274 = tpu.memref_squeeze %dma_wait3A_273 : memref<1x16x128xf32, #tpu.memory_space<hbm>> -> memref<16x128xf32, #tpu.memory_space<hbm>>
      %dma_wait3A_275 = arith.constant 0 : i32
      %dma_wait3A_276 = tpu.memref_slice %arg6[%arg0, %add3A_171, %dma_wait3A_275] : memref<2x5248x128xf32, #tpu.memory_space<hbm>> -> memref<1x16x128xf32, #tpu.memory_space<hbm>>
      %dma_wait3A_277 = tpu.memref_squeeze %dma_wait3A_276 : memref<1x16x128xf32, #tpu.memory_space<hbm>> -> memref<16x128xf32, #tpu.memory_space<hbm>>
      tpu.wait_dma2 semaphore(%run_scoped3A : memref<!tpu.dma_semaphore, #tpu.memory_space<semaphore_mem>>) src(%arg10 : memref<16x128xf32, #tpu.memory_space<vmem>>) dst(%dma_wait3A_277 : memref<16x128xf32, #tpu.memory_space<hbm>>)
      tpu.yield
    }) : () -> ()
    %mul3A_172 = arith.constant 328 : i32
    %mul3A_173 = arith.muli %arg1, %mul3A_172 : i32
    %add3A_174 = arith.constant 144 : i32
    %add3A_175 = arith.addi %mul3A_173, %add3A_174 : i32
    "tpu.region"() ({
      %run_scoped3A = tpu.sem_alloc : memref<!tpu.dma_semaphore, #tpu.memory_space<semaphore_mem>>
      %dma_start3A = arith.constant 0 : i32
      %dma_start3A_268 = tpu.memref_slice %arg14[%add3A_175, %dma_start3A] : memref<5248x128xf32, #tpu.memory_space<vmem_shared>> -> memref<16x128xf32, #tpu.memory_space<vmem_shared>>
      %dma_start3A_269 = arith.constant 0 : i32
      %dma_start3A_270 = tpu.memref_slice %arg14[%add3A_175, %dma_start3A_269] : memref<5248x128xf32, #tpu.memory_space<vmem_shared>> -> memref<16x128xf32, #tpu.memory_space<vmem_shared>>
      tpu.enqueue_dma source(%dma_start3A_270 : memref<16x128xf32, #tpu.memory_space<vmem_shared>>) target(%arg10 : memref<16x128xf32, #tpu.memory_space<vmem>>) target_semaphore(%run_scoped3A : memref<!tpu.dma_semaphore, #tpu.memory_space<semaphore_mem>>)
      %dma_wait3A = arith.constant 0 : i32
      %dma_wait3A_271 = tpu.memref_slice %arg14[%add3A_175, %dma_wait3A] : memref<5248x128xf32, #tpu.memory_space<vmem_shared>> -> memref<16x128xf32, #tpu.memory_space<vmem_shared>>
      %dma_wait3A_272 = arith.constant 0 : i32
      %dma_wait3A_273 = tpu.memref_slice %arg14[%add3A_175, %dma_wait3A_272] : memref<5248x128xf32, #tpu.memory_space<vmem_shared>> -> memref<16x128xf32, #tpu.memory_space<vmem_shared>>
      tpu.wait_dma2 semaphore(%run_scoped3A : memref<!tpu.dma_semaphore, #tpu.memory_space<semaphore_mem>>) src(%dma_wait3A_273 : memref<16x128xf32, #tpu.memory_space<vmem_shared>>) dst(%arg10 : memref<16x128xf32, #tpu.memory_space<vmem>>)
      tpu.yield
    }) : () -> ()
    %mul3A_176 = arith.constant 328 : i32
    %mul3A_177 = arith.muli %arg1, %mul3A_176 : i32
    %add3A_178 = arith.constant 144 : i32
    %add3A_179 = arith.addi %mul3A_177, %add3A_178 : i32
    "tpu.region"() ({
      %run_scoped3A = tpu.sem_alloc : memref<!tpu.dma_semaphore, #tpu.memory_space<semaphore_mem>>
      %dma_start3A = arith.constant 0 : i32
      %dma_start3A_268 = tpu.memref_slice %arg6[%arg0, %add3A_179, %dma_start3A] : memref<2x5248x128xf32, #tpu.memory_space<hbm>> -> memref<1x16x128xf32, #tpu.memory_space<hbm>>
      %dma_start3A_269 = tpu.memref_squeeze %dma_start3A_268 : memref<1x16x128xf32, #tpu.memory_space<hbm>> -> memref<16x128xf32, #tpu.memory_space<hbm>>
      %dma_start3A_270 = arith.constant 0 : i32
      %dma_start3A_271 = tpu.memref_slice %arg6[%arg0, %add3A_179, %dma_start3A_270] : memref<2x5248x128xf32, #tpu.memory_space<hbm>> -> memref<1x16x128xf32, #tpu.memory_space<hbm>>
      %dma_start3A_272 = tpu.memref_squeeze %dma_start3A_271 : memref<1x16x128xf32, #tpu.memory_space<hbm>> -> memref<16x128xf32, #tpu.memory_space<hbm>>
      tpu.enqueue_dma source(%arg10 : memref<16x128xf32, #tpu.memory_space<vmem>>) target(%dma_start3A_272 : memref<16x128xf32, #tpu.memory_space<hbm>>) target_semaphore(%run_scoped3A : memref<!tpu.dma_semaphore, #tpu.memory_space<semaphore_mem>>)
      %dma_wait3A = arith.constant 0 : i32
      %dma_wait3A_273 = tpu.memref_slice %arg6[%arg0, %add3A_179, %dma_wait3A] : memref<2x5248x128xf32, #tpu.memory_space<hbm>> -> memref<1x16x128xf32, #tpu.memory_space<hbm>>
      %dma_wait3A_274 = tpu.memref_squeeze %dma_wait3A_273 : memref<1x16x128xf32, #tpu.memory_space<hbm>> -> memref<16x128xf32, #tpu.memory_space<hbm>>
      %dma_wait3A_275 = arith.constant 0 : i32
      %dma_wait3A_276 = tpu.memref_slice %arg6[%arg0, %add3A_179, %dma_wait3A_275] : memref<2x5248x128xf32, #tpu.memory_space<hbm>> -> memref<1x16x128xf32, #tpu.memory_space<hbm>>
      %dma_wait3A_277 = tpu.memref_squeeze %dma_wait3A_276 : memref<1x16x128xf32, #tpu.memory_space<hbm>> -> memref<16x128xf32, #tpu.memory_space<hbm>>
      tpu.wait_dma2 semaphore(%run_scoped3A : memref<!tpu.dma_semaphore, #tpu.memory_space<semaphore_mem>>) src(%arg10 : memref<16x128xf32, #tpu.memory_space<vmem>>) dst(%dma_wait3A_277 : memref<16x128xf32, #tpu.memory_space<hbm>>)
      tpu.yield
    }) : () -> ()
    %mul3A_180 = arith.constant 328 : i32
    %mul3A_181 = arith.muli %arg1, %mul3A_180 : i32
    %add3A_182 = arith.constant 160 : i32
    %add3A_183 = arith.addi %mul3A_181, %add3A_182 : i32
    "tpu.region"() ({
      %run_scoped3A = tpu.sem_alloc : memref<!tpu.dma_semaphore, #tpu.memory_space<semaphore_mem>>
      %dma_start3A = arith.constant 0 : i32
      %dma_start3A_268 = tpu.memref_slice %arg14[%add3A_183, %dma_start3A] : memref<5248x128xf32, #tpu.memory_space<vmem_shared>> -> memref<16x128xf32, #tpu.memory_space<vmem_shared>>
      %dma_start3A_269 = arith.constant 0 : i32
      %dma_start3A_270 = tpu.memref_slice %arg14[%add3A_183, %dma_start3A_269] : memref<5248x128xf32, #tpu.memory_space<vmem_shared>> -> memref<16x128xf32, #tpu.memory_space<vmem_shared>>
      tpu.enqueue_dma source(%dma_start3A_270 : memref<16x128xf32, #tpu.memory_space<vmem_shared>>) target(%arg10 : memref<16x128xf32, #tpu.memory_space<vmem>>) target_semaphore(%run_scoped3A : memref<!tpu.dma_semaphore, #tpu.memory_space<semaphore_mem>>)
      %dma_wait3A = arith.constant 0 : i32
      %dma_wait3A_271 = tpu.memref_slice %arg14[%add3A_183, %dma_wait3A] : memref<5248x128xf32, #tpu.memory_space<vmem_shared>> -> memref<16x128xf32, #tpu.memory_space<vmem_shared>>
      %dma_wait3A_272 = arith.constant 0 : i32
      %dma_wait3A_273 = tpu.memref_slice %arg14[%add3A_183, %dma_wait3A_272] : memref<5248x128xf32, #tpu.memory_space<vmem_shared>> -> memref<16x128xf32, #tpu.memory_space<vmem_shared>>
      tpu.wait_dma2 semaphore(%run_scoped3A : memref<!tpu.dma_semaphore, #tpu.memory_space<semaphore_mem>>) src(%dma_wait3A_273 : memref<16x128xf32, #tpu.memory_space<vmem_shared>>) dst(%arg10 : memref<16x128xf32, #tpu.memory_space<vmem>>)
      tpu.yield
    }) : () -> ()
    %mul3A_184 = arith.constant 328 : i32
    %mul3A_185 = arith.muli %arg1, %mul3A_184 : i32
    %add3A_186 = arith.constant 160 : i32
    %add3A_187 = arith.addi %mul3A_185, %add3A_186 : i32
    "tpu.region"() ({
      %run_scoped3A = tpu.sem_alloc : memref<!tpu.dma_semaphore, #tpu.memory_space<semaphore_mem>>
      %dma_start3A = arith.constant 0 : i32
      %dma_start3A_268 = tpu.memref_slice %arg6[%arg0, %add3A_187, %dma_start3A] : memref<2x5248x128xf32, #tpu.memory_space<hbm>> -> memref<1x16x128xf32, #tpu.memory_space<hbm>>
      %dma_start3A_269 = tpu.memref_squeeze %dma_start3A_268 : memref<1x16x128xf32, #tpu.memory_space<hbm>> -> memref<16x128xf32, #tpu.memory_space<hbm>>
      %dma_start3A_270 = arith.constant 0 : i32
      %dma_start3A_271 = tpu.memref_slice %arg6[%arg0, %add3A_187, %dma_start3A_270] : memref<2x5248x128xf32, #tpu.memory_space<hbm>> -> memref<1x16x128xf32, #tpu.memory_space<hbm>>
      %dma_start3A_272 = tpu.memref_squeeze %dma_start3A_271 : memref<1x16x128xf32, #tpu.memory_space<hbm>> -> memref<16x128xf32, #tpu.memory_space<hbm>>
      tpu.enqueue_dma source(%arg10 : memref<16x128xf32, #tpu.memory_space<vmem>>) target(%dma_start3A_272 : memref<16x128xf32, #tpu.memory_space<hbm>>) target_semaphore(%run_scoped3A : memref<!tpu.dma_semaphore, #tpu.memory_space<semaphore_mem>>)
      %dma_wait3A = arith.constant 0 : i32
      %dma_wait3A_273 = tpu.memref_slice %arg6[%arg0, %add3A_187, %dma_wait3A] : memref<2x5248x128xf32, #tpu.memory_space<hbm>> -> memref<1x16x128xf32, #tpu.memory_space<hbm>>
      %dma_wait3A_274 = tpu.memref_squeeze %dma_wait3A_273 : memref<1x16x128xf32, #tpu.memory_space<hbm>> -> memref<16x128xf32, #tpu.memory_space<hbm>>
      %dma_wait3A_275 = arith.constant 0 : i32
      %dma_wait3A_276 = tpu.memref_slice %arg6[%arg0, %add3A_187, %dma_wait3A_275] : memref<2x5248x128xf32, #tpu.memory_space<hbm>> -> memref<1x16x128xf32, #tpu.memory_space<hbm>>
      %dma_wait3A_277 = tpu.memref_squeeze %dma_wait3A_276 : memref<1x16x128xf32, #tpu.memory_space<hbm>> -> memref<16x128xf32, #tpu.memory_space<hbm>>
      tpu.wait_dma2 semaphore(%run_scoped3A : memref<!tpu.dma_semaphore, #tpu.memory_space<semaphore_mem>>) src(%arg10 : memref<16x128xf32, #tpu.memory_space<vmem>>) dst(%dma_wait3A_277 : memref<16x128xf32, #tpu.memory_space<hbm>>)
      tpu.yield
    }) : () -> ()
    %mul3A_188 = arith.constant 328 : i32
    %mul3A_189 = arith.muli %arg1, %mul3A_188 : i32
    %add3A_190 = arith.constant 176 : i32
    %add3A_191 = arith.addi %mul3A_189, %add3A_190 : i32
    "tpu.region"() ({
      %run_scoped3A = tpu.sem_alloc : memref<!tpu.dma_semaphore, #tpu.memory_space<semaphore_mem>>
      %dma_start3A = arith.constant 0 : i32
      %dma_start3A_268 = tpu.memref_slice %arg14[%add3A_191, %dma_start3A] : memref<5248x128xf32, #tpu.memory_space<vmem_shared>> -> memref<16x128xf32, #tpu.memory_space<vmem_shared>>
      %dma_start3A_269 = arith.constant 0 : i32
      %dma_start3A_270 = tpu.memref_slice %arg14[%add3A_191, %dma_start3A_269] : memref<5248x128xf32, #tpu.memory_space<vmem_shared>> -> memref<16x128xf32, #tpu.memory_space<vmem_shared>>
      tpu.enqueue_dma source(%dma_start3A_270 : memref<16x128xf32, #tpu.memory_space<vmem_shared>>) target(%arg10 : memref<16x128xf32, #tpu.memory_space<vmem>>) target_semaphore(%run_scoped3A : memref<!tpu.dma_semaphore, #tpu.memory_space<semaphore_mem>>)
      %dma_wait3A = arith.constant 0 : i32
      %dma_wait3A_271 = tpu.memref_slice %arg14[%add3A_191, %dma_wait3A] : memref<5248x128xf32, #tpu.memory_space<vmem_shared>> -> memref<16x128xf32, #tpu.memory_space<vmem_shared>>
      %dma_wait3A_272 = arith.constant 0 : i32
      %dma_wait3A_273 = tpu.memref_slice %arg14[%add3A_191, %dma_wait3A_272] : memref<5248x128xf32, #tpu.memory_space<vmem_shared>> -> memref<16x128xf32, #tpu.memory_space<vmem_shared>>
      tpu.wait_dma2 semaphore(%run_scoped3A : memref<!tpu.dma_semaphore, #tpu.memory_space<semaphore_mem>>) src(%dma_wait3A_273 : memref<16x128xf32, #tpu.memory_space<vmem_shared>>) dst(%arg10 : memref<16x128xf32, #tpu.memory_space<vmem>>)
      tpu.yield
    }) : () -> ()
    %mul3A_192 = arith.constant 328 : i32
    %mul3A_193 = arith.muli %arg1, %mul3A_192 : i32
    %add3A_194 = arith.constant 176 : i32
    %add3A_195 = arith.addi %mul3A_193, %add3A_194 : i32
    "tpu.region"() ({
      %run_scoped3A = tpu.sem_alloc : memref<!tpu.dma_semaphore, #tpu.memory_space<semaphore_mem>>
      %dma_start3A = arith.constant 0 : i32
      %dma_start3A_268 = tpu.memref_slice %arg6[%arg0, %add3A_195, %dma_start3A] : memref<2x5248x128xf32, #tpu.memory_space<hbm>> -> memref<1x16x128xf32, #tpu.memory_space<hbm>>
      %dma_start3A_269 = tpu.memref_squeeze %dma_start3A_268 : memref<1x16x128xf32, #tpu.memory_space<hbm>> -> memref<16x128xf32, #tpu.memory_space<hbm>>
      %dma_start3A_270 = arith.constant 0 : i32
      %dma_start3A_271 = tpu.memref_slice %arg6[%arg0, %add3A_195, %dma_start3A_270] : memref<2x5248x128xf32, #tpu.memory_space<hbm>> -> memref<1x16x128xf32, #tpu.memory_space<hbm>>
      %dma_start3A_272 = tpu.memref_squeeze %dma_start3A_271 : memref<1x16x128xf32, #tpu.memory_space<hbm>> -> memref<16x128xf32, #tpu.memory_space<hbm>>
      tpu.enqueue_dma source(%arg10 : memref<16x128xf32, #tpu.memory_space<vmem>>) target(%dma_start3A_272 : memref<16x128xf32, #tpu.memory_space<hbm>>) target_semaphore(%run_scoped3A : memref<!tpu.dma_semaphore, #tpu.memory_space<semaphore_mem>>)
      %dma_wait3A = arith.constant 0 : i32
      %dma_wait3A_273 = tpu.memref_slice %arg6[%arg0, %add3A_195, %dma_wait3A] : memref<2x5248x128xf32, #tpu.memory_space<hbm>> -> memref<1x16x128xf32, #tpu.memory_space<hbm>>
      %dma_wait3A_274 = tpu.memref_squeeze %dma_wait3A_273 : memref<1x16x128xf32, #tpu.memory_space<hbm>> -> memref<16x128xf32, #tpu.memory_space<hbm>>
      %dma_wait3A_275 = arith.constant 0 : i32
      %dma_wait3A_276 = tpu.memref_slice %arg6[%arg0, %add3A_195, %dma_wait3A_275] : memref<2x5248x128xf32, #tpu.memory_space<hbm>> -> memref<1x16x128xf32, #tpu.memory_space<hbm>>
      %dma_wait3A_277 = tpu.memref_squeeze %dma_wait3A_276 : memref<1x16x128xf32, #tpu.memory_space<hbm>> -> memref<16x128xf32, #tpu.memory_space<hbm>>
      tpu.wait_dma2 semaphore(%run_scoped3A : memref<!tpu.dma_semaphore, #tpu.memory_space<semaphore_mem>>) src(%arg10 : memref<16x128xf32, #tpu.memory_space<vmem>>) dst(%dma_wait3A_277 : memref<16x128xf32, #tpu.memory_space<hbm>>)
      tpu.yield
    }) : () -> ()
    %mul3A_196 = arith.constant 328 : i32
    %mul3A_197 = arith.muli %arg1, %mul3A_196 : i32
    %add3A_198 = arith.constant 192 : i32
    %add3A_199 = arith.addi %mul3A_197, %add3A_198 : i32
    "tpu.region"() ({
      %run_scoped3A = tpu.sem_alloc : memref<!tpu.dma_semaphore, #tpu.memory_space<semaphore_mem>>
      %dma_start3A = arith.constant 0 : i32
      %dma_start3A_268 = tpu.memref_slice %arg14[%add3A_199, %dma_start3A] : memref<5248x128xf32, #tpu.memory_space<vmem_shared>> -> memref<16x128xf32, #tpu.memory_space<vmem_shared>>
      %dma_start3A_269 = arith.constant 0 : i32
      %dma_start3A_270 = tpu.memref_slice %arg14[%add3A_199, %dma_start3A_269] : memref<5248x128xf32, #tpu.memory_space<vmem_shared>> -> memref<16x128xf32, #tpu.memory_space<vmem_shared>>
      tpu.enqueue_dma source(%dma_start3A_270 : memref<16x128xf32, #tpu.memory_space<vmem_shared>>) target(%arg10 : memref<16x128xf32, #tpu.memory_space<vmem>>) target_semaphore(%run_scoped3A : memref<!tpu.dma_semaphore, #tpu.memory_space<semaphore_mem>>)
      %dma_wait3A = arith.constant 0 : i32
      %dma_wait3A_271 = tpu.memref_slice %arg14[%add3A_199, %dma_wait3A] : memref<5248x128xf32, #tpu.memory_space<vmem_shared>> -> memref<16x128xf32, #tpu.memory_space<vmem_shared>>
      %dma_wait3A_272 = arith.constant 0 : i32
      %dma_wait3A_273 = tpu.memref_slice %arg14[%add3A_199, %dma_wait3A_272] : memref<5248x128xf32, #tpu.memory_space<vmem_shared>> -> memref<16x128xf32, #tpu.memory_space<vmem_shared>>
      tpu.wait_dma2 semaphore(%run_scoped3A : memref<!tpu.dma_semaphore, #tpu.memory_space<semaphore_mem>>) src(%dma_wait3A_273 : memref<16x128xf32, #tpu.memory_space<vmem_shared>>) dst(%arg10 : memref<16x128xf32, #tpu.memory_space<vmem>>)
      tpu.yield
    }) : () -> ()
    %mul3A_200 = arith.constant 328 : i32
    %mul3A_201 = arith.muli %arg1, %mul3A_200 : i32
    %add3A_202 = arith.constant 192 : i32
    %add3A_203 = arith.addi %mul3A_201, %add3A_202 : i32
    "tpu.region"() ({
      %run_scoped3A = tpu.sem_alloc : memref<!tpu.dma_semaphore, #tpu.memory_space<semaphore_mem>>
      %dma_start3A = arith.constant 0 : i32
      %dma_start3A_268 = tpu.memref_slice %arg6[%arg0, %add3A_203, %dma_start3A] : memref<2x5248x128xf32, #tpu.memory_space<hbm>> -> memref<1x16x128xf32, #tpu.memory_space<hbm>>
      %dma_start3A_269 = tpu.memref_squeeze %dma_start3A_268 : memref<1x16x128xf32, #tpu.memory_space<hbm>> -> memref<16x128xf32, #tpu.memory_space<hbm>>
      %dma_start3A_270 = arith.constant 0 : i32
      %dma_start3A_271 = tpu.memref_slice %arg6[%arg0, %add3A_203, %dma_start3A_270] : memref<2x5248x128xf32, #tpu.memory_space<hbm>> -> memref<1x16x128xf32, #tpu.memory_space<hbm>>
      %dma_start3A_272 = tpu.memref_squeeze %dma_start3A_271 : memref<1x16x128xf32, #tpu.memory_space<hbm>> -> memref<16x128xf32, #tpu.memory_space<hbm>>
      tpu.enqueue_dma source(%arg10 : memref<16x128xf32, #tpu.memory_space<vmem>>) target(%dma_start3A_272 : memref<16x128xf32, #tpu.memory_space<hbm>>) target_semaphore(%run_scoped3A : memref<!tpu.dma_semaphore, #tpu.memory_space<semaphore_mem>>)
      %dma_wait3A = arith.constant 0 : i32
      %dma_wait3A_273 = tpu.memref_slice %arg6[%arg0, %add3A_203, %dma_wait3A] : memref<2x5248x128xf32, #tpu.memory_space<hbm>> -> memref<1x16x128xf32, #tpu.memory_space<hbm>>
      %dma_wait3A_274 = tpu.memref_squeeze %dma_wait3A_273 : memref<1x16x128xf32, #tpu.memory_space<hbm>> -> memref<16x128xf32, #tpu.memory_space<hbm>>
      %dma_wait3A_275 = arith.constant 0 : i32
      %dma_wait3A_276 = tpu.memref_slice %arg6[%arg0, %add3A_203, %dma_wait3A_275] : memref<2x5248x128xf32, #tpu.memory_space<hbm>> -> memref<1x16x128xf32, #tpu.memory_space<hbm>>
      %dma_wait3A_277 = tpu.memref_squeeze %dma_wait3A_276 : memref<1x16x128xf32, #tpu.memory_space<hbm>> -> memref<16x128xf32, #tpu.memory_space<hbm>>
      tpu.wait_dma2 semaphore(%run_scoped3A : memref<!tpu.dma_semaphore, #tpu.memory_space<semaphore_mem>>) src(%arg10 : memref<16x128xf32, #tpu.memory_space<vmem>>) dst(%dma_wait3A_277 : memref<16x128xf32, #tpu.memory_space<hbm>>)
      tpu.yield
    }) : () -> ()
    %mul3A_204 = arith.constant 328 : i32
    %mul3A_205 = arith.muli %arg1, %mul3A_204 : i32
    %add3A_206 = arith.constant 208 : i32
    %add3A_207 = arith.addi %mul3A_205, %add3A_206 : i32
    "tpu.region"() ({
      %run_scoped3A = tpu.sem_alloc : memref<!tpu.dma_semaphore, #tpu.memory_space<semaphore_mem>>
      %dma_start3A = arith.constant 0 : i32
      %dma_start3A_268 = tpu.memref_slice %arg14[%add3A_207, %dma_start3A] : memref<5248x128xf32, #tpu.memory_space<vmem_shared>> -> memref<16x128xf32, #tpu.memory_space<vmem_shared>>
      %dma_start3A_269 = arith.constant 0 : i32
      %dma_start3A_270 = tpu.memref_slice %arg14[%add3A_207, %dma_start3A_269] : memref<5248x128xf32, #tpu.memory_space<vmem_shared>> -> memref<16x128xf32, #tpu.memory_space<vmem_shared>>
      tpu.enqueue_dma source(%dma_start3A_270 : memref<16x128xf32, #tpu.memory_space<vmem_shared>>) target(%arg10 : memref<16x128xf32, #tpu.memory_space<vmem>>) target_semaphore(%run_scoped3A : memref<!tpu.dma_semaphore, #tpu.memory_space<semaphore_mem>>)
      %dma_wait3A = arith.constant 0 : i32
      %dma_wait3A_271 = tpu.memref_slice %arg14[%add3A_207, %dma_wait3A] : memref<5248x128xf32, #tpu.memory_space<vmem_shared>> -> memref<16x128xf32, #tpu.memory_space<vmem_shared>>
      %dma_wait3A_272 = arith.constant 0 : i32
      %dma_wait3A_273 = tpu.memref_slice %arg14[%add3A_207, %dma_wait3A_272] : memref<5248x128xf32, #tpu.memory_space<vmem_shared>> -> memref<16x128xf32, #tpu.memory_space<vmem_shared>>
      tpu.wait_dma2 semaphore(%run_scoped3A : memref<!tpu.dma_semaphore, #tpu.memory_space<semaphore_mem>>) src(%dma_wait3A_273 : memref<16x128xf32, #tpu.memory_space<vmem_shared>>) dst(%arg10 : memref<16x128xf32, #tpu.memory_space<vmem>>)
      tpu.yield
    }) : () -> ()
    %mul3A_208 = arith.constant 328 : i32
    %mul3A_209 = arith.muli %arg1, %mul3A_208 : i32
    %add3A_210 = arith.constant 208 : i32
    %add3A_211 = arith.addi %mul3A_209, %add3A_210 : i32
    "tpu.region"() ({
      %run_scoped3A = tpu.sem_alloc : memref<!tpu.dma_semaphore, #tpu.memory_space<semaphore_mem>>
      %dma_start3A = arith.constant 0 : i32
      %dma_start3A_268 = tpu.memref_slice %arg6[%arg0, %add3A_211, %dma_start3A] : memref<2x5248x128xf32, #tpu.memory_space<hbm>> -> memref<1x16x128xf32, #tpu.memory_space<hbm>>
      %dma_start3A_269 = tpu.memref_squeeze %dma_start3A_268 : memref<1x16x128xf32, #tpu.memory_space<hbm>> -> memref<16x128xf32, #tpu.memory_space<hbm>>
      %dma_start3A_270 = arith.constant 0 : i32
      %dma_start3A_271 = tpu.memref_slice %arg6[%arg0, %add3A_211, %dma_start3A_270] : memref<2x5248x128xf32, #tpu.memory_space<hbm>> -> memref<1x16x128xf32, #tpu.memory_space<hbm>>
      %dma_start3A_272 = tpu.memref_squeeze %dma_start3A_271 : memref<1x16x128xf32, #tpu.memory_space<hbm>> -> memref<16x128xf32, #tpu.memory_space<hbm>>
      tpu.enqueue_dma source(%arg10 : memref<16x128xf32, #tpu.memory_space<vmem>>) target(%dma_start3A_272 : memref<16x128xf32, #tpu.memory_space<hbm>>) target_semaphore(%run_scoped3A : memref<!tpu.dma_semaphore, #tpu.memory_space<semaphore_mem>>)
      %dma_wait3A = arith.constant 0 : i32
      %dma_wait3A_273 = tpu.memref_slice %arg6[%arg0, %add3A_211, %dma_wait3A] : memref<2x5248x128xf32, #tpu.memory_space<hbm>> -> memref<1x16x128xf32, #tpu.memory_space<hbm>>
      %dma_wait3A_274 = tpu.memref_squeeze %dma_wait3A_273 : memref<1x16x128xf32, #tpu.memory_space<hbm>> -> memref<16x128xf32, #tpu.memory_space<hbm>>
      %dma_wait3A_275 = arith.constant 0 : i32
      %dma_wait3A_276 = tpu.memref_slice %arg6[%arg0, %add3A_211, %dma_wait3A_275] : memref<2x5248x128xf32, #tpu.memory_space<hbm>> -> memref<1x16x128xf32, #tpu.memory_space<hbm>>
      %dma_wait3A_277 = tpu.memref_squeeze %dma_wait3A_276 : memref<1x16x128xf32, #tpu.memory_space<hbm>> -> memref<16x128xf32, #tpu.memory_space<hbm>>
      tpu.wait_dma2 semaphore(%run_scoped3A : memref<!tpu.dma_semaphore, #tpu.memory_space<semaphore_mem>>) src(%arg10 : memref<16x128xf32, #tpu.memory_space<vmem>>) dst(%dma_wait3A_277 : memref<16x128xf32, #tpu.memory_space<hbm>>)
      tpu.yield
    }) : () -> ()
    %mul3A_212 = arith.constant 328 : i32
    %mul3A_213 = arith.muli %arg1, %mul3A_212 : i32
    %add3A_214 = arith.constant 224 : i32
    %add3A_215 = arith.addi %mul3A_213, %add3A_214 : i32
    "tpu.region"() ({
      %run_scoped3A = tpu.sem_alloc : memref<!tpu.dma_semaphore, #tpu.memory_space<semaphore_mem>>
      %dma_start3A = arith.constant 0 : i32
      %dma_start3A_268 = tpu.memref_slice %arg14[%add3A_215, %dma_start3A] : memref<5248x128xf32, #tpu.memory_space<vmem_shared>> -> memref<16x128xf32, #tpu.memory_space<vmem_shared>>
      %dma_start3A_269 = arith.constant 0 : i32
      %dma_start3A_270 = tpu.memref_slice %arg14[%add3A_215, %dma_start3A_269] : memref<5248x128xf32, #tpu.memory_space<vmem_shared>> -> memref<16x128xf32, #tpu.memory_space<vmem_shared>>
      tpu.enqueue_dma source(%dma_start3A_270 : memref<16x128xf32, #tpu.memory_space<vmem_shared>>) target(%arg10 : memref<16x128xf32, #tpu.memory_space<vmem>>) target_semaphore(%run_scoped3A : memref<!tpu.dma_semaphore, #tpu.memory_space<semaphore_mem>>)
      %dma_wait3A = arith.constant 0 : i32
      %dma_wait3A_271 = tpu.memref_slice %arg14[%add3A_215, %dma_wait3A] : memref<5248x128xf32, #tpu.memory_space<vmem_shared>> -> memref<16x128xf32, #tpu.memory_space<vmem_shared>>
      %dma_wait3A_272 = arith.constant 0 : i32
      %dma_wait3A_273 = tpu.memref_slice %arg14[%add3A_215, %dma_wait3A_272] : memref<5248x128xf32, #tpu.memory_space<vmem_shared>> -> memref<16x128xf32, #tpu.memory_space<vmem_shared>>
      tpu.wait_dma2 semaphore(%run_scoped3A : memref<!tpu.dma_semaphore, #tpu.memory_space<semaphore_mem>>) src(%dma_wait3A_273 : memref<16x128xf32, #tpu.memory_space<vmem_shared>>) dst(%arg10 : memref<16x128xf32, #tpu.memory_space<vmem>>)
      tpu.yield
    }) : () -> ()
    %mul3A_216 = arith.constant 328 : i32
    %mul3A_217 = arith.muli %arg1, %mul3A_216 : i32
    %add3A_218 = arith.constant 224 : i32
    %add3A_219 = arith.addi %mul3A_217, %add3A_218 : i32
    "tpu.region"() ({
      %run_scoped3A = tpu.sem_alloc : memref<!tpu.dma_semaphore, #tpu.memory_space<semaphore_mem>>
      %dma_start3A = arith.constant 0 : i32
      %dma_start3A_268 = tpu.memref_slice %arg6[%arg0, %add3A_219, %dma_start3A] : memref<2x5248x128xf32, #tpu.memory_space<hbm>> -> memref<1x16x128xf32, #tpu.memory_space<hbm>>
      %dma_start3A_269 = tpu.memref_squeeze %dma_start3A_268 : memref<1x16x128xf32, #tpu.memory_space<hbm>> -> memref<16x128xf32, #tpu.memory_space<hbm>>
      %dma_start3A_270 = arith.constant 0 : i32
      %dma_start3A_271 = tpu.memref_slice %arg6[%arg0, %add3A_219, %dma_start3A_270] : memref<2x5248x128xf32, #tpu.memory_space<hbm>> -> memref<1x16x128xf32, #tpu.memory_space<hbm>>
      %dma_start3A_272 = tpu.memref_squeeze %dma_start3A_271 : memref<1x16x128xf32, #tpu.memory_space<hbm>> -> memref<16x128xf32, #tpu.memory_space<hbm>>
      tpu.enqueue_dma source(%arg10 : memref<16x128xf32, #tpu.memory_space<vmem>>) target(%dma_start3A_272 : memref<16x128xf32, #tpu.memory_space<hbm>>) target_semaphore(%run_scoped3A : memref<!tpu.dma_semaphore, #tpu.memory_space<semaphore_mem>>)
      %dma_wait3A = arith.constant 0 : i32
      %dma_wait3A_273 = tpu.memref_slice %arg6[%arg0, %add3A_219, %dma_wait3A] : memref<2x5248x128xf32, #tpu.memory_space<hbm>> -> memref<1x16x128xf32, #tpu.memory_space<hbm>>
      %dma_wait3A_274 = tpu.memref_squeeze %dma_wait3A_273 : memref<1x16x128xf32, #tpu.memory_space<hbm>> -> memref<16x128xf32, #tpu.memory_space<hbm>>
      %dma_wait3A_275 = arith.constant 0 : i32
      %dma_wait3A_276 = tpu.memref_slice %arg6[%arg0, %add3A_219, %dma_wait3A_275] : memref<2x5248x128xf32, #tpu.memory_space<hbm>> -> memref<1x16x128xf32, #tpu.memory_space<hbm>>
      %dma_wait3A_277 = tpu.memref_squeeze %dma_wait3A_276 : memref<1x16x128xf32, #tpu.memory_space<hbm>> -> memref<16x128xf32, #tpu.memory_space<hbm>>
      tpu.wait_dma2 semaphore(%run_scoped3A : memref<!tpu.dma_semaphore, #tpu.memory_space<semaphore_mem>>) src(%arg10 : memref<16x128xf32, #tpu.memory_space<vmem>>) dst(%dma_wait3A_277 : memref<16x128xf32, #tpu.memory_space<hbm>>)
      tpu.yield
    }) : () -> ()
    %mul3A_220 = arith.constant 328 : i32
    %mul3A_221 = arith.muli %arg1, %mul3A_220 : i32
    %add3A_222 = arith.constant 240 : i32
    %add3A_223 = arith.addi %mul3A_221, %add3A_222 : i32
    "tpu.region"() ({
      %run_scoped3A = tpu.sem_alloc : memref<!tpu.dma_semaphore, #tpu.memory_space<semaphore_mem>>
      %dma_start3A = arith.constant 0 : i32
      %dma_start3A_268 = tpu.memref_slice %arg14[%add3A_223, %dma_start3A] : memref<5248x128xf32, #tpu.memory_space<vmem_shared>> -> memref<16x128xf32, #tpu.memory_space<vmem_shared>>
      %dma_start3A_269 = arith.constant 0 : i32
      %dma_start3A_270 = tpu.memref_slice %arg14[%add3A_223, %dma_start3A_269] : memref<5248x128xf32, #tpu.memory_space<vmem_shared>> -> memref<16x128xf32, #tpu.memory_space<vmem_shared>>
      tpu.enqueue_dma source(%dma_start3A_270 : memref<16x128xf32, #tpu.memory_space<vmem_shared>>) target(%arg10 : memref<16x128xf32, #tpu.memory_space<vmem>>) target_semaphore(%run_scoped3A : memref<!tpu.dma_semaphore, #tpu.memory_space<semaphore_mem>>)
      %dma_wait3A = arith.constant 0 : i32
      %dma_wait3A_271 = tpu.memref_slice %arg14[%add3A_223, %dma_wait3A] : memref<5248x128xf32, #tpu.memory_space<vmem_shared>> -> memref<16x128xf32, #tpu.memory_space<vmem_shared>>
      %dma_wait3A_272 = arith.constant 0 : i32
      %dma_wait3A_273 = tpu.memref_slice %arg14[%add3A_223, %dma_wait3A_272] : memref<5248x128xf32, #tpu.memory_space<vmem_shared>> -> memref<16x128xf32, #tpu.memory_space<vmem_shared>>
      tpu.wait_dma2 semaphore(%run_scoped3A : memref<!tpu.dma_semaphore, #tpu.memory_space<semaphore_mem>>) src(%dma_wait3A_273 : memref<16x128xf32, #tpu.memory_space<vmem_shared>>) dst(%arg10 : memref<16x128xf32, #tpu.memory_space<vmem>>)
      tpu.yield
    }) : () -> ()
    %mul3A_224 = arith.constant 328 : i32
    %mul3A_225 = arith.muli %arg1, %mul3A_224 : i32
    %add3A_226 = arith.constant 240 : i32
    %add3A_227 = arith.addi %mul3A_225, %add3A_226 : i32
    "tpu.region"() ({
      %run_scoped3A = tpu.sem_alloc : memref<!tpu.dma_semaphore, #tpu.memory_space<semaphore_mem>>
      %dma_start3A = arith.constant 0 : i32
      %dma_start3A_268 = tpu.memref_slice %arg6[%arg0, %add3A_227, %dma_start3A] : memref<2x5248x128xf32, #tpu.memory_space<hbm>> -> memref<1x16x128xf32, #tpu.memory_space<hbm>>
      %dma_start3A_269 = tpu.memref_squeeze %dma_start3A_268 : memref<1x16x128xf32, #tpu.memory_space<hbm>> -> memref<16x128xf32, #tpu.memory_space<hbm>>
      %dma_start3A_270 = arith.constant 0 : i32
      %dma_start3A_271 = tpu.memref_slice %arg6[%arg0, %add3A_227, %dma_start3A_270] : memref<2x5248x128xf32, #tpu.memory_space<hbm>> -> memref<1x16x128xf32, #tpu.memory_space<hbm>>
      %dma_start3A_272 = tpu.memref_squeeze %dma_start3A_271 : memref<1x16x128xf32, #tpu.memory_space<hbm>> -> memref<16x128xf32, #tpu.memory_space<hbm>>
      tpu.enqueue_dma source(%arg10 : memref<16x128xf32, #tpu.memory_space<vmem>>) target(%dma_start3A_272 : memref<16x128xf32, #tpu.memory_space<hbm>>) target_semaphore(%run_scoped3A : memref<!tpu.dma_semaphore, #tpu.memory_space<semaphore_mem>>)
      %dma_wait3A = arith.constant 0 : i32
      %dma_wait3A_273 = tpu.memref_slice %arg6[%arg0, %add3A_227, %dma_wait3A] : memref<2x5248x128xf32, #tpu.memory_space<hbm>> -> memref<1x16x128xf32, #tpu.memory_space<hbm>>
      %dma_wait3A_274 = tpu.memref_squeeze %dma_wait3A_273 : memref<1x16x128xf32, #tpu.memory_space<hbm>> -> memref<16x128xf32, #tpu.memory_space<hbm>>
      %dma_wait3A_275 = arith.constant 0 : i32
      %dma_wait3A_276 = tpu.memref_slice %arg6[%arg0, %add3A_227, %dma_wait3A_275] : memref<2x5248x128xf32, #tpu.memory_space<hbm>> -> memref<1x16x128xf32, #tpu.memory_space<hbm>>
      %dma_wait3A_277 = tpu.memref_squeeze %dma_wait3A_276 : memref<1x16x128xf32, #tpu.memory_space<hbm>> -> memref<16x128xf32, #tpu.memory_space<hbm>>
      tpu.wait_dma2 semaphore(%run_scoped3A : memref<!tpu.dma_semaphore, #tpu.memory_space<semaphore_mem>>) src(%arg10 : memref<16x128xf32, #tpu.memory_space<vmem>>) dst(%dma_wait3A_277 : memref<16x128xf32, #tpu.memory_space<hbm>>)
      tpu.yield
    }) : () -> ()
    %mul3A_228 = arith.constant 328 : i32
    %mul3A_229 = arith.muli %arg1, %mul3A_228 : i32
    %add3A_230 = arith.constant 256 : i32
    %add3A_231 = arith.addi %mul3A_229, %add3A_230 : i32
    "tpu.region"() ({
      %run_scoped3A = tpu.sem_alloc : memref<!tpu.dma_semaphore, #tpu.memory_space<semaphore_mem>>
      %dma_start3A = arith.constant 0 : i32
      %dma_start3A_268 = tpu.memref_slice %arg14[%add3A_231, %dma_start3A] : memref<5248x128xf32, #tpu.memory_space<vmem_shared>> -> memref<16x128xf32, #tpu.memory_space<vmem_shared>>
      %dma_start3A_269 = arith.constant 0 : i32
      %dma_start3A_270 = tpu.memref_slice %arg14[%add3A_231, %dma_start3A_269] : memref<5248x128xf32, #tpu.memory_space<vmem_shared>> -> memref<16x128xf32, #tpu.memory_space<vmem_shared>>
      tpu.enqueue_dma source(%dma_start3A_270 : memref<16x128xf32, #tpu.memory_space<vmem_shared>>) target(%arg10 : memref<16x128xf32, #tpu.memory_space<vmem>>) target_semaphore(%run_scoped3A : memref<!tpu.dma_semaphore, #tpu.memory_space<semaphore_mem>>)
      %dma_wait3A = arith.constant 0 : i32
      %dma_wait3A_271 = tpu.memref_slice %arg14[%add3A_231, %dma_wait3A] : memref<5248x128xf32, #tpu.memory_space<vmem_shared>> -> memref<16x128xf32, #tpu.memory_space<vmem_shared>>
      %dma_wait3A_272 = arith.constant 0 : i32
      %dma_wait3A_273 = tpu.memref_slice %arg14[%add3A_231, %dma_wait3A_272] : memref<5248x128xf32, #tpu.memory_space<vmem_shared>> -> memref<16x128xf32, #tpu.memory_space<vmem_shared>>
      tpu.wait_dma2 semaphore(%run_scoped3A : memref<!tpu.dma_semaphore, #tpu.memory_space<semaphore_mem>>) src(%dma_wait3A_273 : memref<16x128xf32, #tpu.memory_space<vmem_shared>>) dst(%arg10 : memref<16x128xf32, #tpu.memory_space<vmem>>)
      tpu.yield
    }) : () -> ()
    %mul3A_232 = arith.constant 328 : i32
    %mul3A_233 = arith.muli %arg1, %mul3A_232 : i32
    %add3A_234 = arith.constant 256 : i32
    %add3A_235 = arith.addi %mul3A_233, %add3A_234 : i32
    "tpu.region"() ({
      %run_scoped3A = tpu.sem_alloc : memref<!tpu.dma_semaphore, #tpu.memory_space<semaphore_mem>>
      %dma_start3A = arith.constant 0 : i32
      %dma_start3A_268 = tpu.memref_slice %arg6[%arg0, %add3A_235, %dma_start3A] : memref<2x5248x128xf32, #tpu.memory_space<hbm>> -> memref<1x16x128xf32, #tpu.memory_space<hbm>>
      %dma_start3A_269 = tpu.memref_squeeze %dma_start3A_268 : memref<1x16x128xf32, #tpu.memory_space<hbm>> -> memref<16x128xf32, #tpu.memory_space<hbm>>
      %dma_start3A_270 = arith.constant 0 : i32
      %dma_start3A_271 = tpu.memref_slice %arg6[%arg0, %add3A_235, %dma_start3A_270] : memref<2x5248x128xf32, #tpu.memory_space<hbm>> -> memref<1x16x128xf32, #tpu.memory_space<hbm>>
      %dma_start3A_272 = tpu.memref_squeeze %dma_start3A_271 : memref<1x16x128xf32, #tpu.memory_space<hbm>> -> memref<16x128xf32, #tpu.memory_space<hbm>>
      tpu.enqueue_dma source(%arg10 : memref<16x128xf32, #tpu.memory_space<vmem>>) target(%dma_start3A_272 : memref<16x128xf32, #tpu.memory_space<hbm>>) target_semaphore(%run_scoped3A : memref<!tpu.dma_semaphore, #tpu.memory_space<semaphore_mem>>)
      %dma_wait3A = arith.constant 0 : i32
      %dma_wait3A_273 = tpu.memref_slice %arg6[%arg0, %add3A_235, %dma_wait3A] : memref<2x5248x128xf32, #tpu.memory_space<hbm>> -> memref<1x16x128xf32, #tpu.memory_space<hbm>>
      %dma_wait3A_274 = tpu.memref_squeeze %dma_wait3A_273 : memref<1x16x128xf32, #tpu.memory_space<hbm>> -> memref<16x128xf32, #tpu.memory_space<hbm>>
      %dma_wait3A_275 = arith.constant 0 : i32
      %dma_wait3A_276 = tpu.memref_slice %arg6[%arg0, %add3A_235, %dma_wait3A_275] : memref<2x5248x128xf32, #tpu.memory_space<hbm>> -> memref<1x16x128xf32, #tpu.memory_space<hbm>>
      %dma_wait3A_277 = tpu.memref_squeeze %dma_wait3A_276 : memref<1x16x128xf32, #tpu.memory_space<hbm>> -> memref<16x128xf32, #tpu.memory_space<hbm>>
      tpu.wait_dma2 semaphore(%run_scoped3A : memref<!tpu.dma_semaphore, #tpu.memory_space<semaphore_mem>>) src(%arg10 : memref<16x128xf32, #tpu.memory_space<vmem>>) dst(%dma_wait3A_277 : memref<16x128xf32, #tpu.memory_space<hbm>>)
      tpu.yield
    }) : () -> ()
    %mul3A_236 = arith.constant 328 : i32
    %mul3A_237 = arith.muli %arg1, %mul3A_236 : i32
    %add3A_238 = arith.constant 272 : i32
    %add3A_239 = arith.addi %mul3A_237, %add3A_238 : i32
    "tpu.region"() ({
      %run_scoped3A = tpu.sem_alloc : memref<!tpu.dma_semaphore, #tpu.memory_space<semaphore_mem>>
      %dma_start3A = arith.constant 0 : i32
      %dma_start3A_268 = tpu.memref_slice %arg14[%add3A_239, %dma_start3A] : memref<5248x128xf32, #tpu.memory_space<vmem_shared>> -> memref<16x128xf32, #tpu.memory_space<vmem_shared>>
      %dma_start3A_269 = arith.constant 0 : i32
      %dma_start3A_270 = tpu.memref_slice %arg14[%add3A_239, %dma_start3A_269] : memref<5248x128xf32, #tpu.memory_space<vmem_shared>> -> memref<16x128xf32, #tpu.memory_space<vmem_shared>>
      tpu.enqueue_dma source(%dma_start3A_270 : memref<16x128xf32, #tpu.memory_space<vmem_shared>>) target(%arg10 : memref<16x128xf32, #tpu.memory_space<vmem>>) target_semaphore(%run_scoped3A : memref<!tpu.dma_semaphore, #tpu.memory_space<semaphore_mem>>)
      %dma_wait3A = arith.constant 0 : i32
      %dma_wait3A_271 = tpu.memref_slice %arg14[%add3A_239, %dma_wait3A] : memref<5248x128xf32, #tpu.memory_space<vmem_shared>> -> memref<16x128xf32, #tpu.memory_space<vmem_shared>>
      %dma_wait3A_272 = arith.constant 0 : i32
      %dma_wait3A_273 = tpu.memref_slice %arg14[%add3A_239, %dma_wait3A_272] : memref<5248x128xf32, #tpu.memory_space<vmem_shared>> -> memref<16x128xf32, #tpu.memory_space<vmem_shared>>
      tpu.wait_dma2 semaphore(%run_scoped3A : memref<!tpu.dma_semaphore, #tpu.memory_space<semaphore_mem>>) src(%dma_wait3A_273 : memref<16x128xf32, #tpu.memory_space<vmem_shared>>) dst(%arg10 : memref<16x128xf32, #tpu.memory_space<vmem>>)
      tpu.yield
    }) : () -> ()
    %mul3A_240 = arith.constant 328 : i32
    %mul3A_241 = arith.muli %arg1, %mul3A_240 : i32
    %add3A_242 = arith.constant 272 : i32
    %add3A_243 = arith.addi %mul3A_241, %add3A_242 : i32
    "tpu.region"() ({
      %run_scoped3A = tpu.sem_alloc : memref<!tpu.dma_semaphore, #tpu.memory_space<semaphore_mem>>
      %dma_start3A = arith.constant 0 : i32
      %dma_start3A_268 = tpu.memref_slice %arg6[%arg0, %add3A_243, %dma_start3A] : memref<2x5248x128xf32, #tpu.memory_space<hbm>> -> memref<1x16x128xf32, #tpu.memory_space<hbm>>
      %dma_start3A_269 = tpu.memref_squeeze %dma_start3A_268 : memref<1x16x128xf32, #tpu.memory_space<hbm>> -> memref<16x128xf32, #tpu.memory_space<hbm>>
      %dma_start3A_270 = arith.constant 0 : i32
      %dma_start3A_271 = tpu.memref_slice %arg6[%arg0, %add3A_243, %dma_start3A_270] : memref<2x5248x128xf32, #tpu.memory_space<hbm>> -> memref<1x16x128xf32, #tpu.memory_space<hbm>>
      %dma_start3A_272 = tpu.memref_squeeze %dma_start3A_271 : memref<1x16x128xf32, #tpu.memory_space<hbm>> -> memref<16x128xf32, #tpu.memory_space<hbm>>
      tpu.enqueue_dma source(%arg10 : memref<16x128xf32, #tpu.memory_space<vmem>>) target(%dma_start3A_272 : memref<16x128xf32, #tpu.memory_space<hbm>>) target_semaphore(%run_scoped3A : memref<!tpu.dma_semaphore, #tpu.memory_space<semaphore_mem>>)
      %dma_wait3A = arith.constant 0 : i32
      %dma_wait3A_273 = tpu.memref_slice %arg6[%arg0, %add3A_243, %dma_wait3A] : memref<2x5248x128xf32, #tpu.memory_space<hbm>> -> memref<1x16x128xf32, #tpu.memory_space<hbm>>
      %dma_wait3A_274 = tpu.memref_squeeze %dma_wait3A_273 : memref<1x16x128xf32, #tpu.memory_space<hbm>> -> memref<16x128xf32, #tpu.memory_space<hbm>>
      %dma_wait3A_275 = arith.constant 0 : i32
      %dma_wait3A_276 = tpu.memref_slice %arg6[%arg0, %add3A_243, %dma_wait3A_275] : memref<2x5248x128xf32, #tpu.memory_space<hbm>> -> memref<1x16x128xf32, #tpu.memory_space<hbm>>
      %dma_wait3A_277 = tpu.memref_squeeze %dma_wait3A_276 : memref<1x16x128xf32, #tpu.memory_space<hbm>> -> memref<16x128xf32, #tpu.memory_space<hbm>>
      tpu.wait_dma2 semaphore(%run_scoped3A : memref<!tpu.dma_semaphore, #tpu.memory_space<semaphore_mem>>) src(%arg10 : memref<16x128xf32, #tpu.memory_space<vmem>>) dst(%dma_wait3A_277 : memref<16x128xf32, #tpu.memory_space<hbm>>)
      tpu.yield
    }) : () -> ()
    %mul3A_244 = arith.constant 328 : i32
    %mul3A_245 = arith.muli %arg1, %mul3A_244 : i32
    %add3A_246 = arith.constant 288 : i32
    %add3A_247 = arith.addi %mul3A_245, %add3A_246 : i32
    "tpu.region"() ({
      %run_scoped3A = tpu.sem_alloc : memref<!tpu.dma_semaphore, #tpu.memory_space<semaphore_mem>>
      %dma_start3A = arith.constant 0 : i32
      %dma_start3A_268 = tpu.memref_slice %arg14[%add3A_247, %dma_start3A] : memref<5248x128xf32, #tpu.memory_space<vmem_shared>> -> memref<16x128xf32, #tpu.memory_space<vmem_shared>>
      %dma_start3A_269 = arith.constant 0 : i32
      %dma_start3A_270 = tpu.memref_slice %arg14[%add3A_247, %dma_start3A_269] : memref<5248x128xf32, #tpu.memory_space<vmem_shared>> -> memref<16x128xf32, #tpu.memory_space<vmem_shared>>
      tpu.enqueue_dma source(%dma_start3A_270 : memref<16x128xf32, #tpu.memory_space<vmem_shared>>) target(%arg10 : memref<16x128xf32, #tpu.memory_space<vmem>>) target_semaphore(%run_scoped3A : memref<!tpu.dma_semaphore, #tpu.memory_space<semaphore_mem>>)
      %dma_wait3A = arith.constant 0 : i32
      %dma_wait3A_271 = tpu.memref_slice %arg14[%add3A_247, %dma_wait3A] : memref<5248x128xf32, #tpu.memory_space<vmem_shared>> -> memref<16x128xf32, #tpu.memory_space<vmem_shared>>
      %dma_wait3A_272 = arith.constant 0 : i32
      %dma_wait3A_273 = tpu.memref_slice %arg14[%add3A_247, %dma_wait3A_272] : memref<5248x128xf32, #tpu.memory_space<vmem_shared>> -> memref<16x128xf32, #tpu.memory_space<vmem_shared>>
      tpu.wait_dma2 semaphore(%run_scoped3A : memref<!tpu.dma_semaphore, #tpu.memory_space<semaphore_mem>>) src(%dma_wait3A_273 : memref<16x128xf32, #tpu.memory_space<vmem_shared>>) dst(%arg10 : memref<16x128xf32, #tpu.memory_space<vmem>>)
      tpu.yield
    }) : () -> ()
    %mul3A_248 = arith.constant 328 : i32
    %mul3A_249 = arith.muli %arg1, %mul3A_248 : i32
    %add3A_250 = arith.constant 288 : i32
    %add3A_251 = arith.addi %mul3A_249, %add3A_250 : i32
    "tpu.region"() ({
      %run_scoped3A = tpu.sem_alloc : memref<!tpu.dma_semaphore, #tpu.memory_space<semaphore_mem>>
      %dma_start3A = arith.constant 0 : i32
      %dma_start3A_268 = tpu.memref_slice %arg6[%arg0, %add3A_251, %dma_start3A] : memref<2x5248x128xf32, #tpu.memory_space<hbm>> -> memref<1x16x128xf32, #tpu.memory_space<hbm>>
      %dma_start3A_269 = tpu.memref_squeeze %dma_start3A_268 : memref<1x16x128xf32, #tpu.memory_space<hbm>> -> memref<16x128xf32, #tpu.memory_space<hbm>>
      %dma_start3A_270 = arith.constant 0 : i32
      %dma_start3A_271 = tpu.memref_slice %arg6[%arg0, %add3A_251, %dma_start3A_270] : memref<2x5248x128xf32, #tpu.memory_space<hbm>> -> memref<1x16x128xf32, #tpu.memory_space<hbm>>
      %dma_start3A_272 = tpu.memref_squeeze %dma_start3A_271 : memref<1x16x128xf32, #tpu.memory_space<hbm>> -> memref<16x128xf32, #tpu.memory_space<hbm>>
      tpu.enqueue_dma source(%arg10 : memref<16x128xf32, #tpu.memory_space<vmem>>) target(%dma_start3A_272 : memref<16x128xf32, #tpu.memory_space<hbm>>) target_semaphore(%run_scoped3A : memref<!tpu.dma_semaphore, #tpu.memory_space<semaphore_mem>>)
      %dma_wait3A = arith.constant 0 : i32
      %dma_wait3A_273 = tpu.memref_slice %arg6[%arg0, %add3A_251, %dma_wait3A] : memref<2x5248x128xf32, #tpu.memory_space<hbm>> -> memref<1x16x128xf32, #tpu.memory_space<hbm>>
      %dma_wait3A_274 = tpu.memref_squeeze %dma_wait3A_273 : memref<1x16x128xf32, #tpu.memory_space<hbm>> -> memref<16x128xf32, #tpu.memory_space<hbm>>
      %dma_wait3A_275 = arith.constant 0 : i32
      %dma_wait3A_276 = tpu.memref_slice %arg6[%arg0, %add3A_251, %dma_wait3A_275] : memref<2x5248x128xf32, #tpu.memory_space<hbm>> -> memref<1x16x128xf32, #tpu.memory_space<hbm>>
      %dma_wait3A_277 = tpu.memref_squeeze %dma_wait3A_276 : memref<1x16x128xf32, #tpu.memory_space<hbm>> -> memref<16x128xf32, #tpu.memory_space<hbm>>
      tpu.wait_dma2 semaphore(%run_scoped3A : memref<!tpu.dma_semaphore, #tpu.memory_space<semaphore_mem>>) src(%arg10 : memref<16x128xf32, #tpu.memory_space<vmem>>) dst(%dma_wait3A_277 : memref<16x128xf32, #tpu.memory_space<hbm>>)
      tpu.yield
    }) : () -> ()
    %mul3A_252 = arith.constant 328 : i32
    %mul3A_253 = arith.muli %arg1, %mul3A_252 : i32
    %add3A_254 = arith.constant 304 : i32
    %add3A_255 = arith.addi %mul3A_253, %add3A_254 : i32
    "tpu.region"() ({
      %run_scoped3A = tpu.sem_alloc : memref<!tpu.dma_semaphore, #tpu.memory_space<semaphore_mem>>
      %dma_start3A = arith.constant 0 : i32
      %dma_start3A_268 = tpu.memref_slice %arg14[%add3A_255, %dma_start3A] : memref<5248x128xf32, #tpu.memory_space<vmem_shared>> -> memref<16x128xf32, #tpu.memory_space<vmem_shared>>
      %dma_start3A_269 = arith.constant 0 : i32
      %dma_start3A_270 = tpu.memref_slice %arg14[%add3A_255, %dma_start3A_269] : memref<5248x128xf32, #tpu.memory_space<vmem_shared>> -> memref<16x128xf32, #tpu.memory_space<vmem_shared>>
      tpu.enqueue_dma source(%dma_start3A_270 : memref<16x128xf32, #tpu.memory_space<vmem_shared>>) target(%arg10 : memref<16x128xf32, #tpu.memory_space<vmem>>) target_semaphore(%run_scoped3A : memref<!tpu.dma_semaphore, #tpu.memory_space<semaphore_mem>>)
      %dma_wait3A = arith.constant 0 : i32
      %dma_wait3A_271 = tpu.memref_slice %arg14[%add3A_255, %dma_wait3A] : memref<5248x128xf32, #tpu.memory_space<vmem_shared>> -> memref<16x128xf32, #tpu.memory_space<vmem_shared>>
      %dma_wait3A_272 = arith.constant 0 : i32
      %dma_wait3A_273 = tpu.memref_slice %arg14[%add3A_255, %dma_wait3A_272] : memref<5248x128xf32, #tpu.memory_space<vmem_shared>> -> memref<16x128xf32, #tpu.memory_space<vmem_shared>>
      tpu.wait_dma2 semaphore(%run_scoped3A : memref<!tpu.dma_semaphore, #tpu.memory_space<semaphore_mem>>) src(%dma_wait3A_273 : memref<16x128xf32, #tpu.memory_space<vmem_shared>>) dst(%arg10 : memref<16x128xf32, #tpu.memory_space<vmem>>)
      tpu.yield
    }) : () -> ()
    %mul3A_256 = arith.constant 328 : i32
    %mul3A_257 = arith.muli %arg1, %mul3A_256 : i32
    %add3A_258 = arith.constant 304 : i32
    %add3A_259 = arith.addi %mul3A_257, %add3A_258 : i32
    "tpu.region"() ({
      %run_scoped3A = tpu.sem_alloc : memref<!tpu.dma_semaphore, #tpu.memory_space<semaphore_mem>>
      %dma_start3A = arith.constant 0 : i32
      %dma_start3A_268 = tpu.memref_slice %arg6[%arg0, %add3A_259, %dma_start3A] : memref<2x5248x128xf32, #tpu.memory_space<hbm>> -> memref<1x16x128xf32, #tpu.memory_space<hbm>>
      %dma_start3A_269 = tpu.memref_squeeze %dma_start3A_268 : memref<1x16x128xf32, #tpu.memory_space<hbm>> -> memref<16x128xf32, #tpu.memory_space<hbm>>
      %dma_start3A_270 = arith.constant 0 : i32
      %dma_start3A_271 = tpu.memref_slice %arg6[%arg0, %add3A_259, %dma_start3A_270] : memref<2x5248x128xf32, #tpu.memory_space<hbm>> -> memref<1x16x128xf32, #tpu.memory_space<hbm>>
      %dma_start3A_272 = tpu.memref_squeeze %dma_start3A_271 : memref<1x16x128xf32, #tpu.memory_space<hbm>> -> memref<16x128xf32, #tpu.memory_space<hbm>>
      tpu.enqueue_dma source(%arg10 : memref<16x128xf32, #tpu.memory_space<vmem>>) target(%dma_start3A_272 : memref<16x128xf32, #tpu.memory_space<hbm>>) target_semaphore(%run_scoped3A : memref<!tpu.dma_semaphore, #tpu.memory_space<semaphore_mem>>)
      %dma_wait3A = arith.constant 0 : i32
      %dma_wait3A_273 = tpu.memref_slice %arg6[%arg0, %add3A_259, %dma_wait3A] : memref<2x5248x128xf32, #tpu.memory_space<hbm>> -> memref<1x16x128xf32, #tpu.memory_space<hbm>>
      %dma_wait3A_274 = tpu.memref_squeeze %dma_wait3A_273 : memref<1x16x128xf32, #tpu.memory_space<hbm>> -> memref<16x128xf32, #tpu.memory_space<hbm>>
      %dma_wait3A_275 = arith.constant 0 : i32
      %dma_wait3A_276 = tpu.memref_slice %arg6[%arg0, %add3A_259, %dma_wait3A_275] : memref<2x5248x128xf32, #tpu.memory_space<hbm>> -> memref<1x16x128xf32, #tpu.memory_space<hbm>>
      %dma_wait3A_277 = tpu.memref_squeeze %dma_wait3A_276 : memref<1x16x128xf32, #tpu.memory_space<hbm>> -> memref<16x128xf32, #tpu.memory_space<hbm>>
      tpu.wait_dma2 semaphore(%run_scoped3A : memref<!tpu.dma_semaphore, #tpu.memory_space<semaphore_mem>>) src(%arg10 : memref<16x128xf32, #tpu.memory_space<vmem>>) dst(%dma_wait3A_277 : memref<16x128xf32, #tpu.memory_space<hbm>>)
      tpu.yield
    }) : () -> ()
    %mul3A_260 = arith.constant 328 : i32
    %mul3A_261 = arith.muli %arg1, %mul3A_260 : i32
    %add3A_262 = arith.constant 320 : i32
    %add3A_263 = arith.addi %mul3A_261, %add3A_262 : i32
    "tpu.region"() ({
      %run_scoped3A = tpu.sem_alloc : memref<!tpu.dma_semaphore, #tpu.memory_space<semaphore_mem>>
      %dma_start3A = arith.constant 0 : i32
      %dma_start3A_268 = arith.constant 0 : i32
      %dma_start3A_269 = tpu.memref_slice %arg10[%dma_start3A, %dma_start3A_268] : memref<16x128xf32, #tpu.memory_space<vmem>> -> memref<8x128xf32, #tpu.memory_space<vmem>>
      %dma_start3A_270 = arith.constant 0 : i32
      %dma_start3A_271 = tpu.memref_slice %arg14[%add3A_263, %dma_start3A_270] : memref<5248x128xf32, #tpu.memory_space<vmem_shared>> -> memref<8x128xf32, #tpu.memory_space<vmem_shared>>
      %dma_start3A_272 = arith.constant 0 : i32
      %dma_start3A_273 = arith.constant 0 : i32
      %dma_start3A_274 = tpu.memref_slice %arg10[%dma_start3A_272, %dma_start3A_273] : memref<16x128xf32, #tpu.memory_space<vmem>> -> memref<8x128xf32, #tpu.memory_space<vmem>>
      %dma_start3A_275 = arith.constant 0 : i32
      %dma_start3A_276 = tpu.memref_slice %arg14[%add3A_263, %dma_start3A_275] : memref<5248x128xf32, #tpu.memory_space<vmem_shared>> -> memref<8x128xf32, #tpu.memory_space<vmem_shared>>
      tpu.enqueue_dma source(%dma_start3A_276 : memref<8x128xf32, #tpu.memory_space<vmem_shared>>) target(%dma_start3A_274 : memref<8x128xf32, #tpu.memory_space<vmem>>) target_semaphore(%run_scoped3A : memref<!tpu.dma_semaphore, #tpu.memory_space<semaphore_mem>>)
      %dma_wait3A = arith.constant 0 : i32
      %dma_wait3A_277 = arith.constant 0 : i32
      %dma_wait3A_278 = tpu.memref_slice %arg10[%dma_wait3A, %dma_wait3A_277] : memref<16x128xf32, #tpu.memory_space<vmem>> -> memref<8x128xf32, #tpu.memory_space<vmem>>
      %dma_wait3A_279 = arith.constant 0 : i32
      %dma_wait3A_280 = tpu.memref_slice %arg14[%add3A_263, %dma_wait3A_279] : memref<5248x128xf32, #tpu.memory_space<vmem_shared>> -> memref<8x128xf32, #tpu.memory_space<vmem_shared>>
      %dma_wait3A_281 = arith.constant 0 : i32
      %dma_wait3A_282 = arith.constant 0 : i32
      %dma_wait3A_283 = tpu.memref_slice %arg10[%dma_wait3A_281, %dma_wait3A_282] : memref<16x128xf32, #tpu.memory_space<vmem>> -> memref<8x128xf32, #tpu.memory_space<vmem>>
      %dma_wait3A_284 = arith.constant 0 : i32
      %dma_wait3A_285 = tpu.memref_slice %arg14[%add3A_263, %dma_wait3A_284] : memref<5248x128xf32, #tpu.memory_space<vmem_shared>> -> memref<8x128xf32, #tpu.memory_space<vmem_shared>>
      tpu.wait_dma2 semaphore(%run_scoped3A : memref<!tpu.dma_semaphore, #tpu.memory_space<semaphore_mem>>) src(%dma_wait3A_285 : memref<8x128xf32, #tpu.memory_space<vmem_shared>>) dst(%dma_wait3A_283 : memref<8x128xf32, #tpu.memory_space<vmem>>)
      tpu.yield
    }) : () -> ()
    %mul3A_264 = arith.constant 328 : i32
    %mul3A_265 = arith.muli %arg1, %mul3A_264 : i32
    %add3A_266 = arith.constant 320 : i32
    %add3A_267 = arith.addi %mul3A_265, %add3A_266 : i32
    "tpu.region"() ({
      %run_scoped3A = tpu.sem_alloc : memref<!tpu.dma_semaphore, #tpu.memory_space<semaphore_mem>>
      %dma_start3A = arith.constant 0 : i32
      %dma_start3A_268 = arith.constant 0 : i32
      %dma_start3A_269 = tpu.memref_slice %arg10[%dma_start3A, %dma_start3A_268] : memref<16x128xf32, #tpu.memory_space<vmem>> -> memref<8x128xf32, #tpu.memory_space<vmem>>
      %dma_start3A_270 = arith.constant 0 : i32
      %dma_start3A_271 = tpu.memref_slice %arg6[%arg0, %add3A_267, %dma_start3A_270] : memref<2x5248x128xf32, #tpu.memory_space<hbm>> -> memref<1x8x128xf32, #tpu.memory_space<hbm>>
      %dma_start3A_272 = tpu.memref_squeeze %dma_start3A_271 : memref<1x8x128xf32, #tpu.memory_space<hbm>> -> memref<8x128xf32, #tpu.memory_space<hbm>>
      %dma_start3A_273 = arith.constant 0 : i32
      %dma_start3A_274 = tpu.memref_slice %arg6[%arg0, %add3A_267, %dma_start3A_273] : memref<2x5248x128xf32, #tpu.memory_space<hbm>> -> memref<1x8x128xf32, #tpu.memory_space<hbm>>
      %dma_start3A_275 = tpu.memref_squeeze %dma_start3A_274 : memref<1x8x128xf32, #tpu.memory_space<hbm>> -> memref<8x128xf32, #tpu.memory_space<hbm>>
      %dma_start3A_276 = arith.constant 0 : i32
      %dma_start3A_277 = arith.constant 0 : i32
      %dma_start3A_278 = tpu.memref_slice %arg10[%dma_start3A_276, %dma_start3A_277] : memref<16x128xf32, #tpu.memory_space<vmem>> -> memref<8x128xf32, #tpu.memory_space<vmem>>
      tpu.enqueue_dma source(%dma_start3A_278 : memref<8x128xf32, #tpu.memory_space<vmem>>) target(%dma_start3A_275 : memref<8x128xf32, #tpu.memory_space<hbm>>) target_semaphore(%run_scoped3A : memref<!tpu.dma_semaphore, #tpu.memory_space<semaphore_mem>>)
      %dma_wait3A = arith.constant 0 : i32
      %dma_wait3A_279 = arith.constant 0 : i32
      %dma_wait3A_280 = tpu.memref_slice %arg10[%dma_wait3A, %dma_wait3A_279] : memref<16x128xf32, #tpu.memory_space<vmem>> -> memref<8x128xf32, #tpu.memory_space<vmem>>
      %dma_wait3A_281 = arith.constant 0 : i32
      %dma_wait3A_282 = tpu.memref_slice %arg6[%arg0, %add3A_267, %dma_wait3A_281] : memref<2x5248x128xf32, #tpu.memory_space<hbm>> -> memref<1x8x128xf32, #tpu.memory_space<hbm>>
      %dma_wait3A_283 = tpu.memref_squeeze %dma_wait3A_282 : memref<1x8x128xf32, #tpu.memory_space<hbm>> -> memref<8x128xf32, #tpu.memory_space<hbm>>
      %dma_wait3A_284 = arith.constant 0 : i32
      %dma_wait3A_285 = tpu.memref_slice %arg6[%arg0, %add3A_267, %dma_wait3A_284] : memref<2x5248x128xf32, #tpu.memory_space<hbm>> -> memref<1x8x128xf32, #tpu.memory_space<hbm>>
      %dma_wait3A_286 = tpu.memref_squeeze %dma_wait3A_285 : memref<1x8x128xf32, #tpu.memory_space<hbm>> -> memref<8x128xf32, #tpu.memory_space<hbm>>
      %dma_wait3A_287 = arith.constant 0 : i32
      %dma_wait3A_288 = arith.constant 0 : i32
      %dma_wait3A_289 = tpu.memref_slice %arg10[%dma_wait3A_287, %dma_wait3A_288] : memref<16x128xf32, #tpu.memory_space<vmem>> -> memref<8x128xf32, #tpu.memory_space<vmem>>
      tpu.wait_dma2 semaphore(%run_scoped3A : memref<!tpu.dma_semaphore, #tpu.memory_space<semaphore_mem>>) src(%dma_wait3A_289 : memref<8x128xf32, #tpu.memory_space<vmem>>) dst(%dma_wait3A_286 : memref<8x128xf32, #tpu.memory_space<hbm>>)
      tpu.yield
    }) : () -> ()
    return
  }
}

#map = affine_map<(d0, d1) -> (0)>
#map1 = affine_map<(d0, d1) -> (0, 0)>
#map2 = affine_map<(d0, d1) -> (0, 0, 0)>
module attributes {stable_mosaic.version = 14 : i64} {
  func.func @_sc_den(%arg0: i32, %arg1: i32, %arg2: memref<320000xi32, #tpu.memory_space<hbm>>, %arg3: memref<625x128xf32, #tpu.memory_space<hbm>>, %arg4: memref<1x128xf32, #tpu.memory_space<hbm>>, %arg5: memref<10x320x128xf32, #tpu.memory_space<hbm>>, %arg6: memref<400xi32, #tpu.memory_space<vmem>>, %arg7: memref<320x128xf32, #tpu.memory_space<vmem>>, %arg8: memref<625x128xf32, #tpu.memory_space<vmem>>, %arg9: memref<1x128xf32, #tpu.memory_space<vmem>>) attributes {dimension_semantics = [#tpu.dimension_semantics<core_parallel>, #tpu.dimension_semantics<subcore_parallel>], iteration_bounds = array<i64: 2, 16>, scalar_prefetch = 0 : i64, scratch_operands = 4 : i64, tpu.core_type = #tpu.core_type<sc_vector_subcore>, window_params = [{transform_indices = #map}, {transform_indices = #map1}, {transform_indices = #map1}, {transform_indices = #map2}]} {
    %mul3A = arith.constant 5 : i32
    %mul3A_0 = arith.muli %arg0, %mul3A : i32
    %add3A = arith.addi %mul3A_0, %arg1 : i32
    %broadcast_in_dim3A = arith.constant 0.000000e+00 : f32
    %broadcast_in_dim3A_1 = vector.broadcast %broadcast_in_dim3A : f32 to vector<16xf32>
    "tpu.region"() ({
      %run_scoped3A = tpu.sem_alloc : memref<!tpu.dma_semaphore, #tpu.memory_space<semaphore_mem>>
      tpu.enqueue_dma source(%arg3 : memref<625x128xf32, #tpu.memory_space<hbm>>) target(%arg8 : memref<625x128xf32, #tpu.memory_space<vmem>>) target_semaphore(%run_scoped3A : memref<!tpu.dma_semaphore, #tpu.memory_space<semaphore_mem>>)
      tpu.wait_dma2 semaphore(%run_scoped3A : memref<!tpu.dma_semaphore, #tpu.memory_space<semaphore_mem>>) src(%arg3 : memref<625x128xf32, #tpu.memory_space<hbm>>) dst(%arg8 : memref<625x128xf32, #tpu.memory_space<vmem>>)
      tpu.yield
    }) : () -> ()
    "tpu.region"() ({
      %run_scoped3A = tpu.sem_alloc : memref<!tpu.dma_semaphore, #tpu.memory_space<semaphore_mem>>
      tpu.enqueue_dma source(%arg4 : memref<1x128xf32, #tpu.memory_space<hbm>>) target(%arg9 : memref<1x128xf32, #tpu.memory_space<vmem>>) target_semaphore(%run_scoped3A : memref<!tpu.dma_semaphore, #tpu.memory_space<semaphore_mem>>)
      tpu.wait_dma2 semaphore(%run_scoped3A : memref<!tpu.dma_semaphore, #tpu.memory_space<semaphore_mem>>) src(%arg4 : memref<1x128xf32, #tpu.memory_space<hbm>>) dst(%arg9 : memref<1x128xf32, #tpu.memory_space<vmem>>)
      tpu.yield
    }) : () -> ()
    %scan3A = arith.constant 0 : i32
    %scan3A_2 = arith.constant 0 : i32
    %scan3A_3 = arith.constant 320 : i32
    %scan3A_4 = arith.addi %scan3A_2, %scan3A_3 : i32
    %scan3A_5 = arith.constant 1 : i32
    scf.for %scan3A_12 = %scan3A_2 to %scan3A_4 step %scan3A_5  : i32 {
      %swap3A = arith.index_cast %scan3A_12 : i32 to index
      %swap3A_13 = arith.constant 0 : index
      %swap3A_14 = tpu.vector_load %arg7[%swap3A, %swap3A_13] {strides = array<i32>} : memref<320x128xf32, #tpu.memory_space<vmem>>, vector<16xf32>,
      tpu.vector_store %arg7[%swap3A, %swap3A_13], %broadcast_in_dim3A_1 {strides = array<i32>} : memref<320x128xf32, #tpu.memory_space<vmem>>, vector<16xf32>,
      %swap3A_15 = arith.index_cast %scan3A_12 : i32 to index
      %swap3A_16 = arith.constant 16 : index
      %swap3A_17 = tpu.vector_load %arg7[%swap3A_15, %swap3A_16] {strides = array<i32>} : memref<320x128xf32, #tpu.memory_space<vmem>>, vector<16xf32>,
      tpu.vector_store %arg7[%swap3A_15, %swap3A_16], %broadcast_in_dim3A_1 {strides = array<i32>} : memref<320x128xf32, #tpu.memory_space<vmem>>, vector<16xf32>,
      %swap3A_18 = arith.index_cast %scan3A_12 : i32 to index
      %swap3A_19 = arith.constant 32 : index
      %swap3A_20 = tpu.vector_load %arg7[%swap3A_18, %swap3A_19] {strides = array<i32>} : memref<320x128xf32, #tpu.memory_space<vmem>>, vector<16xf32>,
      tpu.vector_store %arg7[%swap3A_18, %swap3A_19], %broadcast_in_dim3A_1 {strides = array<i32>} : memref<320x128xf32, #tpu.memory_space<vmem>>, vector<16xf32>,
      %swap3A_21 = arith.index_cast %scan3A_12 : i32 to index
      %swap3A_22 = arith.constant 48 : index
      %swap3A_23 = tpu.vector_load %arg7[%swap3A_21, %swap3A_22] {strides = array<i32>} : memref<320x128xf32, #tpu.memory_space<vmem>>, vector<16xf32>,
      tpu.vector_store %arg7[%swap3A_21, %swap3A_22], %broadcast_in_dim3A_1 {strides = array<i32>} : memref<320x128xf32, #tpu.memory_space<vmem>>, vector<16xf32>,
      %swap3A_24 = arith.index_cast %scan3A_12 : i32 to index
      %swap3A_25 = arith.constant 64 : index
      %swap3A_26 = tpu.vector_load %arg7[%swap3A_24, %swap3A_25] {strides = array<i32>} : memref<320x128xf32, #tpu.memory_space<vmem>>, vector<16xf32>,
      tpu.vector_store %arg7[%swap3A_24, %swap3A_25], %broadcast_in_dim3A_1 {strides = array<i32>} : memref<320x128xf32, #tpu.memory_space<vmem>>, vector<16xf32>,
      %swap3A_27 = arith.index_cast %scan3A_12 : i32 to index
      %swap3A_28 = arith.constant 80 : index
      %swap3A_29 = tpu.vector_load %arg7[%swap3A_27, %swap3A_28] {strides = array<i32>} : memref<320x128xf32, #tpu.memory_space<vmem>>, vector<16xf32>,
      tpu.vector_store %arg7[%swap3A_27, %swap3A_28], %broadcast_in_dim3A_1 {strides = array<i32>} : memref<320x128xf32, #tpu.memory_space<vmem>>, vector<16xf32>,
      %swap3A_30 = arith.index_cast %scan3A_12 : i32 to index
      %swap3A_31 = arith.constant 96 : index
      %swap3A_32 = tpu.vector_load %arg7[%swap3A_30, %swap3A_31] {strides = array<i32>} : memref<320x128xf32, #tpu.memory_space<vmem>>, vector<16xf32>,
      tpu.vector_store %arg7[%swap3A_30, %swap3A_31], %broadcast_in_dim3A_1 {strides = array<i32>} : memref<320x128xf32, #tpu.memory_space<vmem>>, vector<16xf32>,
      %swap3A_33 = arith.index_cast %scan3A_12 : i32 to index
      %swap3A_34 = arith.constant 112 : index
      %swap3A_35 = tpu.vector_load %arg7[%swap3A_33, %swap3A_34] {strides = array<i32>} : memref<320x128xf32, #tpu.memory_space<vmem>>, vector<16xf32>,
      tpu.vector_store %arg7[%swap3A_33, %swap3A_34], %broadcast_in_dim3A_1 {strides = array<i32>} : memref<320x128xf32, #tpu.memory_space<vmem>>, vector<16xf32>,
    }
    %scan3A_6 = arith.constant 320 : i32
    %get3A = arith.constant 0 : i32
    %get3A_7 = arith.index_cast %get3A : i32 to index
    %get3A_8 = arith.constant 0 : index
    %get3A_9 = tpu.vector_load %arg9[%get3A_7, %get3A_8] {strides = array<i32>} : memref<1x128xf32, #tpu.memory_space<vmem>>, vector<16xf32>,
    %lt3A = arith.constant 5 : i32
    %lt3A_10 = arith.cmpi slt, %arg1, %lt3A : i32
    %convert_element_type3A = arith.extui %lt3A_10 : i1 to i32
    %cond3A = arith.constant 0 : i32
    %cond3A_11 = arith.cmpi ne, %convert_element_type3A, %cond3A : i32
    scf.if %cond3A_11 {
      %scan3A_12 = arith.constant 0 : i32
      %scan3A_13 = arith.constant 0 : i32
      %scan3A_14 = arith.constant 80 : i32
      %scan3A_15 = arith.addi %scan3A_13, %scan3A_14 : i32
      %scan3A_16 = arith.constant 1 : i32
      scf.for %scan3A_18 = %scan3A_13 to %scan3A_15 step %scan3A_16  : i32 {
        %mul3A_19 = arith.constant 32000 : i32
        %mul3A_20 = arith.muli %add3A, %mul3A_19 : i32
        %mul3A_21 = arith.constant 400 : i32
        %mul3A_22 = arith.muli %scan3A_18, %mul3A_21 : i32
        %add3A_23 = arith.addi %mul3A_20, %mul3A_22 : i32
        "tpu.region"() ({
          %run_scoped3A = tpu.sem_alloc : memref<!tpu.dma_semaphore, #tpu.memory_space<semaphore_mem>>
          %dma_start3A = tpu.memref_slice %arg2[%add3A_23] : memref<320000xi32, #tpu.memory_space<hbm>> -> memref<400xi32, #tpu.memory_space<hbm>>
          %dma_start3A_268 = tpu.memref_slice %arg2[%add3A_23] : memref<320000xi32, #tpu.memory_space<hbm>> -> memref<400xi32, #tpu.memory_space<hbm>>
          tpu.enqueue_dma source(%dma_start3A_268 : memref<400xi32, #tpu.memory_space<hbm>>) target(%arg6 : memref<400xi32, #tpu.memory_space<vmem>>) target_semaphore(%run_scoped3A : memref<!tpu.dma_semaphore, #tpu.memory_space<semaphore_mem>>)
          %dma_wait3A = tpu.memref_slice %arg2[%add3A_23] : memref<320000xi32, #tpu.memory_space<hbm>> -> memref<400xi32, #tpu.memory_space<hbm>>
          %dma_wait3A_269 = tpu.memref_slice %arg2[%add3A_23] : memref<320000xi32, #tpu.memory_space<hbm>> -> memref<400xi32, #tpu.memory_space<hbm>>
          tpu.wait_dma2 semaphore(%run_scoped3A : memref<!tpu.dma_semaphore, #tpu.memory_space<semaphore_mem>>) src(%dma_wait3A_269 : memref<400xi32, #tpu.memory_space<hbm>>) dst(%arg6 : memref<400xi32, #tpu.memory_space<vmem>>)
          tpu.yield
        }) : () -> ()
        %scan3A_24 = arith.constant 0 : i32
        %scan3A_25 = arith.constant 0 : i32
        %scan3A_26 = arith.constant 24 : i32
        %scan3A_27 = arith.addi %scan3A_25, %scan3A_26 : i32
        %scan3A_28 = arith.constant 2 : i32
        scf.for %scan3A_268 = %scan3A_25 to %scan3A_27 step %scan3A_28  : i32 {
          %mul3A_269 = arith.constant 16 : i32
          %mul3A_270 = arith.muli %scan3A_268, %mul3A_269 : i32
          %get3A_271 = arith.index_cast %mul3A_270 : i32 to index
          %get3A_272 = tpu.vector_load %arg6[%get3A_271] {strides = array<i32>} : memref<400xi32, #tpu.memory_space<vmem>>, vector<16xi32>,
          %shift_right_logical3A_273 = arith.constant 14 : i32
          %shift_right_logical3A_274 = vector.broadcast %shift_right_logical3A_273 : i32 to vector<16xi32>
          %shift_right_logical3A_275 = arith.shrui %get3A_272, %shift_right_logical3A_274 : vector<16xi32>
          %and3A_276 = arith.constant 16383 : i32
          %and3A_277 = vector.broadcast %and3A_276 : i32 to vector<16xi32>
          %and3A_278 = arith.andi %get3A_272, %and3A_277 : vector<16xi32>
          %shift_left3A_279 = arith.constant 3 : i32
          %shift_left3A_280 = vector.broadcast %shift_left3A_279 : i32 to vector<16xi32>
          %shift_left3A_281 = arith.shli %shift_right_logical3A_275, %shift_left3A_280 : vector<16xi32>
          %add3A_282 = arith.constant 0 : i32
          %add3A_283 = vector.broadcast %add3A_282 : i32 to vector<16xi32>
          %add3A_284 = arith.addi %shift_left3A_281, %add3A_283 : vector<16xi32>
          %shift_left3A_285 = arith.constant 3 : i32
          %shift_left3A_286 = vector.broadcast %shift_left3A_285 : i32 to vector<16xi32>
          %shift_left3A_287 = arith.shli %and3A_278, %shift_left3A_286 : vector<16xi32>
          %add3A_288 = arith.constant 4 : i32
          %add3A_289 = vector.broadcast %add3A_288 : i32 to vector<16xi32>
          %add3A_290 = arith.addi %shift_left3A_287, %add3A_289 : vector<16xi32>
          %shift_right_logical3A_291 = arith.constant 7 : i32
          %shift_right_logical3A_292 = vector.broadcast %shift_right_logical3A_291 : i32 to vector<16xi32>
          %shift_right_logical3A_293 = arith.shrui %add3A_284, %shift_right_logical3A_292 : vector<16xi32>
          %and3A_294 = arith.constant 127 : i32
          %and3A_295 = vector.broadcast %and3A_294 : i32 to vector<16xi32>
          %and3A_296 = arith.andi %add3A_284, %and3A_295 : vector<16xi32>
          %gather3A_297 = tpu.vector_load_idx %arg8[%shift_right_logical3A_293, %and3A_296] : memref<625x128xf32, #tpu.memory_space<vmem>>[vector<16xi32>, vector<16xi32>], vector<16xf32>,
          %shift_right_logical3A_298 = arith.constant 7 : i32
          %shift_right_logical3A_299 = vector.broadcast %shift_right_logical3A_298 : i32 to vector<16xi32>
          %shift_right_logical3A_300 = arith.shrui %add3A_290, %shift_right_logical3A_299 : vector<16xi32>
          %and3A_301 = arith.constant 127 : i32
          %and3A_302 = vector.broadcast %and3A_301 : i32 to vector<16xi32>
          %and3A_303 = arith.andi %add3A_290, %and3A_302 : vector<16xi32>
          %gather3A_304 = tpu.vector_load_idx %arg8[%shift_right_logical3A_300, %and3A_303] : memref<625x128xf32, #tpu.memory_space<vmem>>[vector<16xi32>, vector<16xi32>], vector<16xf32>,
          %add3A_305 = arith.addf %gather3A_297, %gather3A_304 : vector<16xf32>
          %ge3A_306 = arith.constant 0.000000e+00 : f32
          %ge3A_307 = vector.broadcast %ge3A_306 : f32 to vector<16xf32>
          %ge3A_308 = arith.cmpf oge, %add3A_305, %ge3A_307 : vector<16xf32>
          %mul3A_309 = arith.constant 2.000000e-01 : f32
          %mul3A_310 = vector.broadcast %mul3A_309 : f32 to vector<16xf32>
          %mul3A_311 = arith.mulf %mul3A_310, %add3A_305 : vector<16xf32>
          %select_n3A_312 = arith.select %ge3A_308, %add3A_305, %mul3A_311 : vector<16xi1>, vector<16xf32>
          %slice3A_313 = vector.extract_strided_slice %get3A_9 {offsets = [0], sizes = [1], strides = [1]} : vector<16xf32> to vector<1xf32>
          %squeeze3A_314 = vector.extract %slice3A_313[0] : f32 from vector<1xf32>
          %add3A_315 = vector.broadcast %squeeze3A_314 : f32 to vector<16xf32>
          %add3A_316 = arith.addf %add3A_315, %gather3A_304 : vector<16xf32>
          %ge3A_317 = arith.constant 0.000000e+00 : f32
          %ge3A_318 = vector.broadcast %ge3A_317 : f32 to vector<16xf32>
          %ge3A_319 = arith.cmpf oge, %add3A_316, %ge3A_318 : vector<16xf32>
          %mul3A_320 = arith.constant 2.000000e-01 : f32
          %mul3A_321 = vector.broadcast %mul3A_320 : f32 to vector<16xf32>
          %mul3A_322 = arith.mulf %mul3A_321, %add3A_316 : vector<16xf32>
          %select_n3A_323 = arith.select %ge3A_319, %add3A_316, %mul3A_322 : vector<16xi1>, vector<16xf32>
          %sub3A_324 = arith.subf %select_n3A_312, %select_n3A_323 : vector<16xf32>
          %exp3A_325 = math.exp %sub3A_324 : vector<16xf32>
          %shift_left3A_326 = arith.constant 3 : i32
          %shift_left3A_327 = vector.broadcast %shift_left3A_326 : i32 to vector<16xi32>
          %shift_left3A_328 = arith.shli %shift_right_logical3A_275, %shift_left3A_327 : vector<16xi32>
          %add3A_329 = arith.constant 1 : i32
          %add3A_330 = vector.broadcast %add3A_329 : i32 to vector<16xi32>
          %add3A_331 = arith.addi %shift_left3A_328, %add3A_330 : vector<16xi32>
          %shift_left3A_332 = arith.constant 3 : i32
          %shift_left3A_333 = vector.broadcast %shift_left3A_332 : i32 to vector<16xi32>
          %shift_left3A_334 = arith.shli %and3A_278, %shift_left3A_333 : vector<16xi32>
          %add3A_335 = arith.constant 5 : i32
          %add3A_336 = vector.broadcast %add3A_335 : i32 to vector<16xi32>
          %add3A_337 = arith.addi %shift_left3A_334, %add3A_336 : vector<16xi32>
          %shift_right_logical3A_338 = arith.constant 7 : i32
          %shift_right_logical3A_339 = vector.broadcast %shift_right_logical3A_338 : i32 to vector<16xi32>
          %shift_right_logical3A_340 = arith.shrui %add3A_331, %shift_right_logical3A_339 : vector<16xi32>
          %and3A_341 = arith.constant 127 : i32
          %and3A_342 = vector.broadcast %and3A_341 : i32 to vector<16xi32>
          %and3A_343 = arith.andi %add3A_331, %and3A_342 : vector<16xi32>
          %gather3A_344 = tpu.vector_load_idx %arg8[%shift_right_logical3A_340, %and3A_343] : memref<625x128xf32, #tpu.memory_space<vmem>>[vector<16xi32>, vector<16xi32>], vector<16xf32>,
          %shift_right_logical3A_345 = arith.constant 7 : i32
          %shift_right_logical3A_346 = vector.broadcast %shift_right_logical3A_345 : i32 to vector<16xi32>
          %shift_right_logical3A_347 = arith.shrui %add3A_337, %shift_right_logical3A_346 : vector<16xi32>
          %and3A_348 = arith.constant 127 : i32
          %and3A_349 = vector.broadcast %and3A_348 : i32 to vector<16xi32>
          %and3A_350 = arith.andi %add3A_337, %and3A_349 : vector<16xi32>
          %gather3A_351 = tpu.vector_load_idx %arg8[%shift_right_logical3A_347, %and3A_350] : memref<625x128xf32, #tpu.memory_space<vmem>>[vector<16xi32>, vector<16xi32>], vector<16xf32>,
          %add3A_352 = arith.addf %gather3A_344, %gather3A_351 : vector<16xf32>
          %ge3A_353 = arith.constant 0.000000e+00 : f32
          %ge3A_354 = vector.broadcast %ge3A_353 : f32 to vector<16xf32>
          %ge3A_355 = arith.cmpf oge, %add3A_352, %ge3A_354 : vector<16xf32>
          %mul3A_356 = arith.constant 2.000000e-01 : f32
          %mul3A_357 = vector.broadcast %mul3A_356 : f32 to vector<16xf32>
          %mul3A_358 = arith.mulf %mul3A_357, %add3A_352 : vector<16xf32>
          %select_n3A_359 = arith.select %ge3A_355, %add3A_352, %mul3A_358 : vector<16xi1>, vector<16xf32>
          %slice3A_360 = vector.extract_strided_slice %get3A_9 {offsets = [1], sizes = [1], strides = [1]} : vector<16xf32> to vector<1xf32>
          %squeeze3A_361 = vector.extract %slice3A_360[0] : f32 from vector<1xf32>
          %add3A_362 = vector.broadcast %squeeze3A_361 : f32 to vector<16xf32>
          %add3A_363 = arith.addf %add3A_362, %gather3A_351 : vector<16xf32>
          %ge3A_364 = arith.constant 0.000000e+00 : f32
          %ge3A_365 = vector.broadcast %ge3A_364 : f32 to vector<16xf32>
          %ge3A_366 = arith.cmpf oge, %add3A_363, %ge3A_365 : vector<16xf32>
          %mul3A_367 = arith.constant 2.000000e-01 : f32
          %mul3A_368 = vector.broadcast %mul3A_367 : f32 to vector<16xf32>
          %mul3A_369 = arith.mulf %mul3A_368, %add3A_363 : vector<16xf32>
          %select_n3A_370 = arith.select %ge3A_366, %add3A_363, %mul3A_369 : vector<16xi1>, vector<16xf32>
          %sub3A_371 = arith.subf %select_n3A_359, %select_n3A_370 : vector<16xf32>
          %exp3A_372 = math.exp %sub3A_371 : vector<16xf32>
          %shift_left3A_373 = arith.constant 3 : i32
          %shift_left3A_374 = vector.broadcast %shift_left3A_373 : i32 to vector<16xi32>
          %shift_left3A_375 = arith.shli %shift_right_logical3A_275, %shift_left3A_374 : vector<16xi32>
          %add3A_376 = arith.constant 2 : i32
          %add3A_377 = vector.broadcast %add3A_376 : i32 to vector<16xi32>
          %add3A_378 = arith.addi %shift_left3A_375, %add3A_377 : vector<16xi32>
          %shift_left3A_379 = arith.constant 3 : i32
          %shift_left3A_380 = vector.broadcast %shift_left3A_379 : i32 to vector<16xi32>
          %shift_left3A_381 = arith.shli %and3A_278, %shift_left3A_380 : vector<16xi32>
          %add3A_382 = arith.constant 6 : i32
          %add3A_383 = vector.broadcast %add3A_382 : i32 to vector<16xi32>
          %add3A_384 = arith.addi %shift_left3A_381, %add3A_383 : vector<16xi32>
          %shift_right_logical3A_385 = arith.constant 7 : i32
          %shift_right_logical3A_386 = vector.broadcast %shift_right_logical3A_385 : i32 to vector<16xi32>
          %shift_right_logical3A_387 = arith.shrui %add3A_378, %shift_right_logical3A_386 : vector<16xi32>
          %and3A_388 = arith.constant 127 : i32
          %and3A_389 = vector.broadcast %and3A_388 : i32 to vector<16xi32>
          %and3A_390 = arith.andi %add3A_378, %and3A_389 : vector<16xi32>
          %gather3A_391 = tpu.vector_load_idx %arg8[%shift_right_logical3A_387, %and3A_390] : memref<625x128xf32, #tpu.memory_space<vmem>>[vector<16xi32>, vector<16xi32>], vector<16xf32>,
          %shift_right_logical3A_392 = arith.constant 7 : i32
          %shift_right_logical3A_393 = vector.broadcast %shift_right_logical3A_392 : i32 to vector<16xi32>
          %shift_right_logical3A_394 = arith.shrui %add3A_384, %shift_right_logical3A_393 : vector<16xi32>
          %and3A_395 = arith.constant 127 : i32
          %and3A_396 = vector.broadcast %and3A_395 : i32 to vector<16xi32>
          %and3A_397 = arith.andi %add3A_384, %and3A_396 : vector<16xi32>
          %gather3A_398 = tpu.vector_load_idx %arg8[%shift_right_logical3A_394, %and3A_397] : memref<625x128xf32, #tpu.memory_space<vmem>>[vector<16xi32>, vector<16xi32>], vector<16xf32>,
          %add3A_399 = arith.addf %gather3A_391, %gather3A_398 : vector<16xf32>
          %ge3A_400 = arith.constant 0.000000e+00 : f32
          %ge3A_401 = vector.broadcast %ge3A_400 : f32 to vector<16xf32>
          %ge3A_402 = arith.cmpf oge, %add3A_399, %ge3A_401 : vector<16xf32>
          %mul3A_403 = arith.constant 2.000000e-01 : f32
          %mul3A_404 = vector.broadcast %mul3A_403 : f32 to vector<16xf32>
          %mul3A_405 = arith.mulf %mul3A_404, %add3A_399 : vector<16xf32>
          %select_n3A_406 = arith.select %ge3A_402, %add3A_399, %mul3A_405 : vector<16xi1>, vector<16xf32>
          %slice3A_407 = vector.extract_strided_slice %get3A_9 {offsets = [2], sizes = [1], strides = [1]} : vector<16xf32> to vector<1xf32>
          %squeeze3A_408 = vector.extract %slice3A_407[0] : f32 from vector<1xf32>
          %add3A_409 = vector.broadcast %squeeze3A_408 : f32 to vector<16xf32>
          %add3A_410 = arith.addf %add3A_409, %gather3A_398 : vector<16xf32>
          %ge3A_411 = arith.constant 0.000000e+00 : f32
          %ge3A_412 = vector.broadcast %ge3A_411 : f32 to vector<16xf32>
          %ge3A_413 = arith.cmpf oge, %add3A_410, %ge3A_412 : vector<16xf32>
          %mul3A_414 = arith.constant 2.000000e-01 : f32
          %mul3A_415 = vector.broadcast %mul3A_414 : f32 to vector<16xf32>
          %mul3A_416 = arith.mulf %mul3A_415, %add3A_410 : vector<16xf32>
          %select_n3A_417 = arith.select %ge3A_413, %add3A_410, %mul3A_416 : vector<16xi1>, vector<16xf32>
          %sub3A_418 = arith.subf %select_n3A_406, %select_n3A_417 : vector<16xf32>
          %exp3A_419 = math.exp %sub3A_418 : vector<16xf32>
          %shift_left3A_420 = arith.constant 3 : i32
          %shift_left3A_421 = vector.broadcast %shift_left3A_420 : i32 to vector<16xi32>
          %shift_left3A_422 = arith.shli %shift_right_logical3A_275, %shift_left3A_421 : vector<16xi32>
          %add3A_423 = arith.constant 3 : i32
          %add3A_424 = vector.broadcast %add3A_423 : i32 to vector<16xi32>
          %add3A_425 = arith.addi %shift_left3A_422, %add3A_424 : vector<16xi32>
          %shift_left3A_426 = arith.constant 3 : i32
          %shift_left3A_427 = vector.broadcast %shift_left3A_426 : i32 to vector<16xi32>
          %shift_left3A_428 = arith.shli %and3A_278, %shift_left3A_427 : vector<16xi32>
          %add3A_429 = arith.constant 7 : i32
          %add3A_430 = vector.broadcast %add3A_429 : i32 to vector<16xi32>
          %add3A_431 = arith.addi %shift_left3A_428, %add3A_430 : vector<16xi32>
          %shift_right_logical3A_432 = arith.constant 7 : i32
          %shift_right_logical3A_433 = vector.broadcast %shift_right_logical3A_432 : i32 to vector<16xi32>
          %shift_right_logical3A_434 = arith.shrui %add3A_425, %shift_right_logical3A_433 : vector<16xi32>
          %and3A_435 = arith.constant 127 : i32
          %and3A_436 = vector.broadcast %and3A_435 : i32 to vector<16xi32>
          %and3A_437 = arith.andi %add3A_425, %and3A_436 : vector<16xi32>
          %gather3A_438 = tpu.vector_load_idx %arg8[%shift_right_logical3A_434, %and3A_437] : memref<625x128xf32, #tpu.memory_space<vmem>>[vector<16xi32>, vector<16xi32>], vector<16xf32>,
          %shift_right_logical3A_439 = arith.constant 7 : i32
          %shift_right_logical3A_440 = vector.broadcast %shift_right_logical3A_439 : i32 to vector<16xi32>
          %shift_right_logical3A_441 = arith.shrui %add3A_431, %shift_right_logical3A_440 : vector<16xi32>
          %and3A_442 = arith.constant 127 : i32
          %and3A_443 = vector.broadcast %and3A_442 : i32 to vector<16xi32>
          %and3A_444 = arith.andi %add3A_431, %and3A_443 : vector<16xi32>
          %gather3A_445 = tpu.vector_load_idx %arg8[%shift_right_logical3A_441, %and3A_444] : memref<625x128xf32, #tpu.memory_space<vmem>>[vector<16xi32>, vector<16xi32>], vector<16xf32>,
          %add3A_446 = arith.addf %gather3A_438, %gather3A_445 : vector<16xf32>
          %ge3A_447 = arith.constant 0.000000e+00 : f32
          %ge3A_448 = vector.broadcast %ge3A_447 : f32 to vector<16xf32>
          %ge3A_449 = arith.cmpf oge, %add3A_446, %ge3A_448 : vector<16xf32>
          %mul3A_450 = arith.constant 2.000000e-01 : f32
          %mul3A_451 = vector.broadcast %mul3A_450 : f32 to vector<16xf32>
          %mul3A_452 = arith.mulf %mul3A_451, %add3A_446 : vector<16xf32>
          %select_n3A_453 = arith.select %ge3A_449, %add3A_446, %mul3A_452 : vector<16xi1>, vector<16xf32>
          %slice3A_454 = vector.extract_strided_slice %get3A_9 {offsets = [3], sizes = [1], strides = [1]} : vector<16xf32> to vector<1xf32>
          %squeeze3A_455 = vector.extract %slice3A_454[0] : f32 from vector<1xf32>
          %add3A_456 = vector.broadcast %squeeze3A_455 : f32 to vector<16xf32>
          %add3A_457 = arith.addf %add3A_456, %gather3A_445 : vector<16xf32>
          %ge3A_458 = arith.constant 0.000000e+00 : f32
          %ge3A_459 = vector.broadcast %ge3A_458 : f32 to vector<16xf32>
          %ge3A_460 = arith.cmpf oge, %add3A_457, %ge3A_459 : vector<16xf32>
          %mul3A_461 = arith.constant 2.000000e-01 : f32
          %mul3A_462 = vector.broadcast %mul3A_461 : f32 to vector<16xf32>
          %mul3A_463 = arith.mulf %mul3A_462, %add3A_457 : vector<16xf32>
          %select_n3A_464 = arith.select %ge3A_460, %add3A_457, %mul3A_463 : vector<16xi1>, vector<16xf32>
          %sub3A_465 = arith.subf %select_n3A_453, %select_n3A_464 : vector<16xf32>
          %exp3A_466 = math.exp %sub3A_465 : vector<16xf32>
          %shift_left3A_467 = arith.constant 2 : i32
          %shift_left3A_468 = vector.broadcast %shift_left3A_467 : i32 to vector<16xi32>
          %shift_left3A_469 = arith.shli %and3A_278, %shift_left3A_468 : vector<16xi32>
          %add3A_470 = arith.constant 0 : i32
          %add3A_471 = vector.broadcast %add3A_470 : i32 to vector<16xi32>
          %add3A_472 = arith.addi %shift_left3A_469, %add3A_471 : vector<16xi32>
          %shift_right_logical3A_473 = arith.constant 7 : i32
          %shift_right_logical3A_474 = vector.broadcast %shift_right_logical3A_473 : i32 to vector<16xi32>
          %shift_right_logical3A_475 = arith.shrui %add3A_472, %shift_right_logical3A_474 : vector<16xi32>
          %and3A_476 = arith.constant 127 : i32
          %and3A_477 = vector.broadcast %and3A_476 : i32 to vector<16xi32>
          %and3A_478 = arith.andi %add3A_472, %and3A_477 : vector<16xi32>
          tpu.vector_store_idx %arg7[%shift_right_logical3A_475, %and3A_478], %exp3A_325 {add = true} : memref<320x128xf32, #tpu.memory_space<vmem>>[vector<16xi32>, vector<16xi32>], vector<16xf32>,
          %shift_left3A_479 = arith.constant 2 : i32
          %shift_left3A_480 = vector.broadcast %shift_left3A_479 : i32 to vector<16xi32>
          %shift_left3A_481 = arith.shli %and3A_278, %shift_left3A_480 : vector<16xi32>
          %add3A_482 = arith.constant 1 : i32
          %add3A_483 = vector.broadcast %add3A_482 : i32 to vector<16xi32>
          %add3A_484 = arith.addi %shift_left3A_481, %add3A_483 : vector<16xi32>
          %shift_right_logical3A_485 = arith.constant 7 : i32
          %shift_right_logical3A_486 = vector.broadcast %shift_right_logical3A_485 : i32 to vector<16xi32>
          %shift_right_logical3A_487 = arith.shrui %add3A_484, %shift_right_logical3A_486 : vector<16xi32>
          %and3A_488 = arith.constant 127 : i32
          %and3A_489 = vector.broadcast %and3A_488 : i32 to vector<16xi32>
          %and3A_490 = arith.andi %add3A_484, %and3A_489 : vector<16xi32>
          tpu.vector_store_idx %arg7[%shift_right_logical3A_487, %and3A_490], %exp3A_372 {add = true} : memref<320x128xf32, #tpu.memory_space<vmem>>[vector<16xi32>, vector<16xi32>], vector<16xf32>,
          %shift_left3A_491 = arith.constant 2 : i32
          %shift_left3A_492 = vector.broadcast %shift_left3A_491 : i32 to vector<16xi32>
          %shift_left3A_493 = arith.shli %and3A_278, %shift_left3A_492 : vector<16xi32>
          %add3A_494 = arith.constant 2 : i32
          %add3A_495 = vector.broadcast %add3A_494 : i32 to vector<16xi32>
          %add3A_496 = arith.addi %shift_left3A_493, %add3A_495 : vector<16xi32>
          %shift_right_logical3A_497 = arith.constant 7 : i32
          %shift_right_logical3A_498 = vector.broadcast %shift_right_logical3A_497 : i32 to vector<16xi32>
          %shift_right_logical3A_499 = arith.shrui %add3A_496, %shift_right_logical3A_498 : vector<16xi32>
          %and3A_500 = arith.constant 127 : i32
          %and3A_501 = vector.broadcast %and3A_500 : i32 to vector<16xi32>
          %and3A_502 = arith.andi %add3A_496, %and3A_501 : vector<16xi32>
          tpu.vector_store_idx %arg7[%shift_right_logical3A_499, %and3A_502], %exp3A_419 {add = true} : memref<320x128xf32, #tpu.memory_space<vmem>>[vector<16xi32>, vector<16xi32>], vector<16xf32>,
          %shift_left3A_503 = arith.constant 2 : i32
          %shift_left3A_504 = vector.broadcast %shift_left3A_503 : i32 to vector<16xi32>
          %shift_left3A_505 = arith.shli %and3A_278, %shift_left3A_504 : vector<16xi32>
          %add3A_506 = arith.constant 3 : i32
          %add3A_507 = vector.broadcast %add3A_506 : i32 to vector<16xi32>
          %add3A_508 = arith.addi %shift_left3A_505, %add3A_507 : vector<16xi32>
          %shift_right_logical3A_509 = arith.constant 7 : i32
          %shift_right_logical3A_510 = vector.broadcast %shift_right_logical3A_509 : i32 to vector<16xi32>
          %shift_right_logical3A_511 = arith.shrui %add3A_508, %shift_right_logical3A_510 : vector<16xi32>
          %and3A_512 = arith.constant 127 : i32
          %and3A_513 = vector.broadcast %and3A_512 : i32 to vector<16xi32>
          %and3A_514 = arith.andi %add3A_508, %and3A_513 : vector<16xi32>
          tpu.vector_store_idx %arg7[%shift_right_logical3A_511, %and3A_514], %exp3A_466 {add = true} : memref<320x128xf32, #tpu.memory_space<vmem>>[vector<16xi32>, vector<16xi32>], vector<16xf32>,
          %scan3A_515 = arith.constant 1 : i32
          %scan3A_516 = arith.addi %scan3A_268, %scan3A_515 : i32
          %mul3A_517 = arith.constant 16 : i32
          %mul3A_518 = arith.muli %scan3A_516, %mul3A_517 : i32
          %get3A_519 = arith.index_cast %mul3A_518 : i32 to index
          %get3A_520 = tpu.vector_load %arg6[%get3A_519] {strides = array<i32>} : memref<400xi32, #tpu.memory_space<vmem>>, vector<16xi32>,
          %shift_right_logical3A_521 = arith.constant 14 : i32
          %shift_right_logical3A_522 = vector.broadcast %shift_right_logical3A_521 : i32 to vector<16xi32>
          %shift_right_logical3A_523 = arith.shrui %get3A_520, %shift_right_logical3A_522 : vector<16xi32>
          %and3A_524 = arith.constant 16383 : i32
          %and3A_525 = vector.broadcast %and3A_524 : i32 to vector<16xi32>
          %and3A_526 = arith.andi %get3A_520, %and3A_525 : vector<16xi32>
          %shift_left3A_527 = arith.constant 3 : i32
          %shift_left3A_528 = vector.broadcast %shift_left3A_527 : i32 to vector<16xi32>
          %shift_left3A_529 = arith.shli %shift_right_logical3A_523, %shift_left3A_528 : vector<16xi32>
          %add3A_530 = arith.constant 0 : i32
          %add3A_531 = vector.broadcast %add3A_530 : i32 to vector<16xi32>
          %add3A_532 = arith.addi %shift_left3A_529, %add3A_531 : vector<16xi32>
          %shift_left3A_533 = arith.constant 3 : i32
          %shift_left3A_534 = vector.broadcast %shift_left3A_533 : i32 to vector<16xi32>
          %shift_left3A_535 = arith.shli %and3A_526, %shift_left3A_534 : vector<16xi32>
          %add3A_536 = arith.constant 4 : i32
          %add3A_537 = vector.broadcast %add3A_536 : i32 to vector<16xi32>
          %add3A_538 = arith.addi %shift_left3A_535, %add3A_537 : vector<16xi32>
          %shift_right_logical3A_539 = arith.constant 7 : i32
          %shift_right_logical3A_540 = vector.broadcast %shift_right_logical3A_539 : i32 to vector<16xi32>
          %shift_right_logical3A_541 = arith.shrui %add3A_532, %shift_right_logical3A_540 : vector<16xi32>
          %and3A_542 = arith.constant 127 : i32
          %and3A_543 = vector.broadcast %and3A_542 : i32 to vector<16xi32>
          %and3A_544 = arith.andi %add3A_532, %and3A_543 : vector<16xi32>
          %gather3A_545 = tpu.vector_load_idx %arg8[%shift_right_logical3A_541, %and3A_544] : memref<625x128xf32, #tpu.memory_space<vmem>>[vector<16xi32>, vector<16xi32>], vector<16xf32>,
          %shift_right_logical3A_546 = arith.constant 7 : i32
          %shift_right_logical3A_547 = vector.broadcast %shift_right_logical3A_546 : i32 to vector<16xi32>
          %shift_right_logical3A_548 = arith.shrui %add3A_538, %shift_right_logical3A_547 : vector<16xi32>
          %and3A_549 = arith.constant 127 : i32
          %and3A_550 = vector.broadcast %and3A_549 : i32 to vector<16xi32>
          %and3A_551 = arith.andi %add3A_538, %and3A_550 : vector<16xi32>
          %gather3A_552 = tpu.vector_load_idx %arg8[%shift_right_logical3A_548, %and3A_551] : memref<625x128xf32, #tpu.memory_space<vmem>>[vector<16xi32>, vector<16xi32>], vector<16xf32>,
          %add3A_553 = arith.addf %gather3A_545, %gather3A_552 : vector<16xf32>
          %ge3A_554 = arith.constant 0.000000e+00 : f32
          %ge3A_555 = vector.broadcast %ge3A_554 : f32 to vector<16xf32>
          %ge3A_556 = arith.cmpf oge, %add3A_553, %ge3A_555 : vector<16xf32>
          %mul3A_557 = arith.constant 2.000000e-01 : f32
          %mul3A_558 = vector.broadcast %mul3A_557 : f32 to vector<16xf32>
          %mul3A_559 = arith.mulf %mul3A_558, %add3A_553 : vector<16xf32>
          %select_n3A_560 = arith.select %ge3A_556, %add3A_553, %mul3A_559 : vector<16xi1>, vector<16xf32>
          %slice3A_561 = vector.extract_strided_slice %get3A_9 {offsets = [0], sizes = [1], strides = [1]} : vector<16xf32> to vector<1xf32>
          %squeeze3A_562 = vector.extract %slice3A_561[0] : f32 from vector<1xf32>
          %add3A_563 = vector.broadcast %squeeze3A_562 : f32 to vector<16xf32>
          %add3A_564 = arith.addf %add3A_563, %gather3A_552 : vector<16xf32>
          %ge3A_565 = arith.constant 0.000000e+00 : f32
          %ge3A_566 = vector.broadcast %ge3A_565 : f32 to vector<16xf32>
          %ge3A_567 = arith.cmpf oge, %add3A_564, %ge3A_566 : vector<16xf32>
          %mul3A_568 = arith.constant 2.000000e-01 : f32
          %mul3A_569 = vector.broadcast %mul3A_568 : f32 to vector<16xf32>
          %mul3A_570 = arith.mulf %mul3A_569, %add3A_564 : vector<16xf32>
          %select_n3A_571 = arith.select %ge3A_567, %add3A_564, %mul3A_570 : vector<16xi1>, vector<16xf32>
          %sub3A_572 = arith.subf %select_n3A_560, %select_n3A_571 : vector<16xf32>
          %exp3A_573 = math.exp %sub3A_572 : vector<16xf32>
          %shift_left3A_574 = arith.constant 3 : i32
          %shift_left3A_575 = vector.broadcast %shift_left3A_574 : i32 to vector<16xi32>
          %shift_left3A_576 = arith.shli %shift_right_logical3A_523, %shift_left3A_575 : vector<16xi32>
          %add3A_577 = arith.constant 1 : i32
          %add3A_578 = vector.broadcast %add3A_577 : i32 to vector<16xi32>
          %add3A_579 = arith.addi %shift_left3A_576, %add3A_578 : vector<16xi32>
          %shift_left3A_580 = arith.constant 3 : i32
          %shift_left3A_581 = vector.broadcast %shift_left3A_580 : i32 to vector<16xi32>
          %shift_left3A_582 = arith.shli %and3A_526, %shift_left3A_581 : vector<16xi32>
          %add3A_583 = arith.constant 5 : i32
          %add3A_584 = vector.broadcast %add3A_583 : i32 to vector<16xi32>
          %add3A_585 = arith.addi %shift_left3A_582, %add3A_584 : vector<16xi32>
          %shift_right_logical3A_586 = arith.constant 7 : i32
          %shift_right_logical3A_587 = vector.broadcast %shift_right_logical3A_586 : i32 to vector<16xi32>
          %shift_right_logical3A_588 = arith.shrui %add3A_579, %shift_right_logical3A_587 : vector<16xi32>
          %and3A_589 = arith.constant 127 : i32
          %and3A_590 = vector.broadcast %and3A_589 : i32 to vector<16xi32>
          %and3A_591 = arith.andi %add3A_579, %and3A_590 : vector<16xi32>
          %gather3A_592 = tpu.vector_load_idx %arg8[%shift_right_logical3A_588, %and3A_591] : memref<625x128xf32, #tpu.memory_space<vmem>>[vector<16xi32>, vector<16xi32>], vector<16xf32>,
          %shift_right_logical3A_593 = arith.constant 7 : i32
          %shift_right_logical3A_594 = vector.broadcast %shift_right_logical3A_593 : i32 to vector<16xi32>
          %shift_right_logical3A_595 = arith.shrui %add3A_585, %shift_right_logical3A_594 : vector<16xi32>
          %and3A_596 = arith.constant 127 : i32
          %and3A_597 = vector.broadcast %and3A_596 : i32 to vector<16xi32>
          %and3A_598 = arith.andi %add3A_585, %and3A_597 : vector<16xi32>
          %gather3A_599 = tpu.vector_load_idx %arg8[%shift_right_logical3A_595, %and3A_598] : memref<625x128xf32, #tpu.memory_space<vmem>>[vector<16xi32>, vector<16xi32>], vector<16xf32>,
          %add3A_600 = arith.addf %gather3A_592, %gather3A_599 : vector<16xf32>
          %ge3A_601 = arith.constant 0.000000e+00 : f32
          %ge3A_602 = vector.broadcast %ge3A_601 : f32 to vector<16xf32>
          %ge3A_603 = arith.cmpf oge, %add3A_600, %ge3A_602 : vector<16xf32>
          %mul3A_604 = arith.constant 2.000000e-01 : f32
          %mul3A_605 = vector.broadcast %mul3A_604 : f32 to vector<16xf32>
          %mul3A_606 = arith.mulf %mul3A_605, %add3A_600 : vector<16xf32>
          %select_n3A_607 = arith.select %ge3A_603, %add3A_600, %mul3A_606 : vector<16xi1>, vector<16xf32>
          %slice3A_608 = vector.extract_strided_slice %get3A_9 {offsets = [1], sizes = [1], strides = [1]} : vector<16xf32> to vector<1xf32>
          %squeeze3A_609 = vector.extract %slice3A_608[0] : f32 from vector<1xf32>
          %add3A_610 = vector.broadcast %squeeze3A_609 : f32 to vector<16xf32>
          %add3A_611 = arith.addf %add3A_610, %gather3A_599 : vector<16xf32>
          %ge3A_612 = arith.constant 0.000000e+00 : f32
          %ge3A_613 = vector.broadcast %ge3A_612 : f32 to vector<16xf32>
          %ge3A_614 = arith.cmpf oge, %add3A_611, %ge3A_613 : vector<16xf32>
          %mul3A_615 = arith.constant 2.000000e-01 : f32
          %mul3A_616 = vector.broadcast %mul3A_615 : f32 to vector<16xf32>
          %mul3A_617 = arith.mulf %mul3A_616, %add3A_611 : vector<16xf32>
          %select_n3A_618 = arith.select %ge3A_614, %add3A_611, %mul3A_617 : vector<16xi1>, vector<16xf32>
          %sub3A_619 = arith.subf %select_n3A_607, %select_n3A_618 : vector<16xf32>
          %exp3A_620 = math.exp %sub3A_619 : vector<16xf32>
          %shift_left3A_621 = arith.constant 3 : i32
          %shift_left3A_622 = vector.broadcast %shift_left3A_621 : i32 to vector<16xi32>
          %shift_left3A_623 = arith.shli %shift_right_logical3A_523, %shift_left3A_622 : vector<16xi32>
          %add3A_624 = arith.constant 2 : i32
          %add3A_625 = vector.broadcast %add3A_624 : i32 to vector<16xi32>
          %add3A_626 = arith.addi %shift_left3A_623, %add3A_625 : vector<16xi32>
          %shift_left3A_627 = arith.constant 3 : i32
          %shift_left3A_628 = vector.broadcast %shift_left3A_627 : i32 to vector<16xi32>
          %shift_left3A_629 = arith.shli %and3A_526, %shift_left3A_628 : vector<16xi32>
          %add3A_630 = arith.constant 6 : i32
          %add3A_631 = vector.broadcast %add3A_630 : i32 to vector<16xi32>
          %add3A_632 = arith.addi %shift_left3A_629, %add3A_631 : vector<16xi32>
          %shift_right_logical3A_633 = arith.constant 7 : i32
          %shift_right_logical3A_634 = vector.broadcast %shift_right_logical3A_633 : i32 to vector<16xi32>
          %shift_right_logical3A_635 = arith.shrui %add3A_626, %shift_right_logical3A_634 : vector<16xi32>
          %and3A_636 = arith.constant 127 : i32
          %and3A_637 = vector.broadcast %and3A_636 : i32 to vector<16xi32>
          %and3A_638 = arith.andi %add3A_626, %and3A_637 : vector<16xi32>
          %gather3A_639 = tpu.vector_load_idx %arg8[%shift_right_logical3A_635, %and3A_638] : memref<625x128xf32, #tpu.memory_space<vmem>>[vector<16xi32>, vector<16xi32>], vector<16xf32>,
          %shift_right_logical3A_640 = arith.constant 7 : i32
          %shift_right_logical3A_641 = vector.broadcast %shift_right_logical3A_640 : i32 to vector<16xi32>
          %shift_right_logical3A_642 = arith.shrui %add3A_632, %shift_right_logical3A_641 : vector<16xi32>
          %and3A_643 = arith.constant 127 : i32
          %and3A_644 = vector.broadcast %and3A_643 : i32 to vector<16xi32>
          %and3A_645 = arith.andi %add3A_632, %and3A_644 : vector<16xi32>
          %gather3A_646 = tpu.vector_load_idx %arg8[%shift_right_logical3A_642, %and3A_645] : memref<625x128xf32, #tpu.memory_space<vmem>>[vector<16xi32>, vector<16xi32>], vector<16xf32>,
          %add3A_647 = arith.addf %gather3A_639, %gather3A_646 : vector<16xf32>
          %ge3A_648 = arith.constant 0.000000e+00 : f32
          %ge3A_649 = vector.broadcast %ge3A_648 : f32 to vector<16xf32>
          %ge3A_650 = arith.cmpf oge, %add3A_647, %ge3A_649 : vector<16xf32>
          %mul3A_651 = arith.constant 2.000000e-01 : f32
          %mul3A_652 = vector.broadcast %mul3A_651 : f32 to vector<16xf32>
          %mul3A_653 = arith.mulf %mul3A_652, %add3A_647 : vector<16xf32>
          %select_n3A_654 = arith.select %ge3A_650, %add3A_647, %mul3A_653 : vector<16xi1>, vector<16xf32>
          %slice3A_655 = vector.extract_strided_slice %get3A_9 {offsets = [2], sizes = [1], strides = [1]} : vector<16xf32> to vector<1xf32>
          %squeeze3A_656 = vector.extract %slice3A_655[0] : f32 from vector<1xf32>
          %add3A_657 = vector.broadcast %squeeze3A_656 : f32 to vector<16xf32>
          %add3A_658 = arith.addf %add3A_657, %gather3A_646 : vector<16xf32>
          %ge3A_659 = arith.constant 0.000000e+00 : f32
          %ge3A_660 = vector.broadcast %ge3A_659 : f32 to vector<16xf32>
          %ge3A_661 = arith.cmpf oge, %add3A_658, %ge3A_660 : vector<16xf32>
          %mul3A_662 = arith.constant 2.000000e-01 : f32
          %mul3A_663 = vector.broadcast %mul3A_662 : f32 to vector<16xf32>
          %mul3A_664 = arith.mulf %mul3A_663, %add3A_658 : vector<16xf32>
          %select_n3A_665 = arith.select %ge3A_661, %add3A_658, %mul3A_664 : vector<16xi1>, vector<16xf32>
          %sub3A_666 = arith.subf %select_n3A_654, %select_n3A_665 : vector<16xf32>
          %exp3A_667 = math.exp %sub3A_666 : vector<16xf32>
          %shift_left3A_668 = arith.constant 3 : i32
          %shift_left3A_669 = vector.broadcast %shift_left3A_668 : i32 to vector<16xi32>
          %shift_left3A_670 = arith.shli %shift_right_logical3A_523, %shift_left3A_669 : vector<16xi32>
          %add3A_671 = arith.constant 3 : i32
          %add3A_672 = vector.broadcast %add3A_671 : i32 to vector<16xi32>
          %add3A_673 = arith.addi %shift_left3A_670, %add3A_672 : vector<16xi32>
          %shift_left3A_674 = arith.constant 3 : i32
          %shift_left3A_675 = vector.broadcast %shift_left3A_674 : i32 to vector<16xi32>
          %shift_left3A_676 = arith.shli %and3A_526, %shift_left3A_675 : vector<16xi32>
          %add3A_677 = arith.constant 7 : i32
          %add3A_678 = vector.broadcast %add3A_677 : i32 to vector<16xi32>
          %add3A_679 = arith.addi %shift_left3A_676, %add3A_678 : vector<16xi32>
          %shift_right_logical3A_680 = arith.constant 7 : i32
          %shift_right_logical3A_681 = vector.broadcast %shift_right_logical3A_680 : i32 to vector<16xi32>
          %shift_right_logical3A_682 = arith.shrui %add3A_673, %shift_right_logical3A_681 : vector<16xi32>
          %and3A_683 = arith.constant 127 : i32
          %and3A_684 = vector.broadcast %and3A_683 : i32 to vector<16xi32>
          %and3A_685 = arith.andi %add3A_673, %and3A_684 : vector<16xi32>
          %gather3A_686 = tpu.vector_load_idx %arg8[%shift_right_logical3A_682, %and3A_685] : memref<625x128xf32, #tpu.memory_space<vmem>>[vector<16xi32>, vector<16xi32>], vector<16xf32>,
          %shift_right_logical3A_687 = arith.constant 7 : i32
          %shift_right_logical3A_688 = vector.broadcast %shift_right_logical3A_687 : i32 to vector<16xi32>
          %shift_right_logical3A_689 = arith.shrui %add3A_679, %shift_right_logical3A_688 : vector<16xi32>
          %and3A_690 = arith.constant 127 : i32
          %and3A_691 = vector.broadcast %and3A_690 : i32 to vector<16xi32>
          %and3A_692 = arith.andi %add3A_679, %and3A_691 : vector<16xi32>
          %gather3A_693 = tpu.vector_load_idx %arg8[%shift_right_logical3A_689, %and3A_692] : memref<625x128xf32, #tpu.memory_space<vmem>>[vector<16xi32>, vector<16xi32>], vector<16xf32>,
          %add3A_694 = arith.addf %gather3A_686, %gather3A_693 : vector<16xf32>
          %ge3A_695 = arith.constant 0.000000e+00 : f32
          %ge3A_696 = vector.broadcast %ge3A_695 : f32 to vector<16xf32>
          %ge3A_697 = arith.cmpf oge, %add3A_694, %ge3A_696 : vector<16xf32>
          %mul3A_698 = arith.constant 2.000000e-01 : f32
          %mul3A_699 = vector.broadcast %mul3A_698 : f32 to vector<16xf32>
          %mul3A_700 = arith.mulf %mul3A_699, %add3A_694 : vector<16xf32>
          %select_n3A_701 = arith.select %ge3A_697, %add3A_694, %mul3A_700 : vector<16xi1>, vector<16xf32>
          %slice3A_702 = vector.extract_strided_slice %get3A_9 {offsets = [3], sizes = [1], strides = [1]} : vector<16xf32> to vector<1xf32>
          %squeeze3A_703 = vector.extract %slice3A_702[0] : f32 from vector<1xf32>
          %add3A_704 = vector.broadcast %squeeze3A_703 : f32 to vector<16xf32>
          %add3A_705 = arith.addf %add3A_704, %gather3A_693 : vector<16xf32>
          %ge3A_706 = arith.constant 0.000000e+00 : f32
          %ge3A_707 = vector.broadcast %ge3A_706 : f32 to vector<16xf32>
          %ge3A_708 = arith.cmpf oge, %add3A_705, %ge3A_707 : vector<16xf32>
          %mul3A_709 = arith.constant 2.000000e-01 : f32
          %mul3A_710 = vector.broadcast %mul3A_709 : f32 to vector<16xf32>
          %mul3A_711 = arith.mulf %mul3A_710, %add3A_705 : vector<16xf32>
          %select_n3A_712 = arith.select %ge3A_708, %add3A_705, %mul3A_711 : vector<16xi1>, vector<16xf32>
          %sub3A_713 = arith.subf %select_n3A_701, %select_n3A_712 : vector<16xf32>
          %exp3A_714 = math.exp %sub3A_713 : vector<16xf32>
          %shift_left3A_715 = arith.constant 2 : i32
          %shift_left3A_716 = vector.broadcast %shift_left3A_715 : i32 to vector<16xi32>
          %shift_left3A_717 = arith.shli %and3A_526, %shift_left3A_716 : vector<16xi32>
          %add3A_718 = arith.constant 0 : i32
          %add3A_719 = vector.broadcast %add3A_718 : i32 to vector<16xi32>
          %add3A_720 = arith.addi %shift_left3A_717, %add3A_719 : vector<16xi32>
          %shift_right_logical3A_721 = arith.constant 7 : i32
          %shift_right_logical3A_722 = vector.broadcast %shift_right_logical3A_721 : i32 to vector<16xi32>
          %shift_right_logical3A_723 = arith.shrui %add3A_720, %shift_right_logical3A_722 : vector<16xi32>
          %and3A_724 = arith.constant 127 : i32
          %and3A_725 = vector.broadcast %and3A_724 : i32 to vector<16xi32>
          %and3A_726 = arith.andi %add3A_720, %and3A_725 : vector<16xi32>
          tpu.vector_store_idx %arg7[%shift_right_logical3A_723, %and3A_726], %exp3A_573 {add = true} : memref<320x128xf32, #tpu.memory_space<vmem>>[vector<16xi32>, vector<16xi32>], vector<16xf32>,
          %shift_left3A_727 = arith.constant 2 : i32
          %shift_left3A_728 = vector.broadcast %shift_left3A_727 : i32 to vector<16xi32>
          %shift_left3A_729 = arith.shli %and3A_526, %shift_left3A_728 : vector<16xi32>
          %add3A_730 = arith.constant 1 : i32
          %add3A_731 = vector.broadcast %add3A_730 : i32 to vector<16xi32>
          %add3A_732 = arith.addi %shift_left3A_729, %add3A_731 : vector<16xi32>
          %shift_right_logical3A_733 = arith.constant 7 : i32
          %shift_right_logical3A_734 = vector.broadcast %shift_right_logical3A_733 : i32 to vector<16xi32>
          %shift_right_logical3A_735 = arith.shrui %add3A_732, %shift_right_logical3A_734 : vector<16xi32>
          %and3A_736 = arith.constant 127 : i32
          %and3A_737 = vector.broadcast %and3A_736 : i32 to vector<16xi32>
          %and3A_738 = arith.andi %add3A_732, %and3A_737 : vector<16xi32>
          tpu.vector_store_idx %arg7[%shift_right_logical3A_735, %and3A_738], %exp3A_620 {add = true} : memref<320x128xf32, #tpu.memory_space<vmem>>[vector<16xi32>, vector<16xi32>], vector<16xf32>,
          %shift_left3A_739 = arith.constant 2 : i32
          %shift_left3A_740 = vector.broadcast %shift_left3A_739 : i32 to vector<16xi32>
          %shift_left3A_741 = arith.shli %and3A_526, %shift_left3A_740 : vector<16xi32>
          %add3A_742 = arith.constant 2 : i32
          %add3A_743 = vector.broadcast %add3A_742 : i32 to vector<16xi32>
          %add3A_744 = arith.addi %shift_left3A_741, %add3A_743 : vector<16xi32>
          %shift_right_logical3A_745 = arith.constant 7 : i32
          %shift_right_logical3A_746 = vector.broadcast %shift_right_logical3A_745 : i32 to vector<16xi32>
          %shift_right_logical3A_747 = arith.shrui %add3A_744, %shift_right_logical3A_746 : vector<16xi32>
          %and3A_748 = arith.constant 127 : i32
          %and3A_749 = vector.broadcast %and3A_748 : i32 to vector<16xi32>
          %and3A_750 = arith.andi %add3A_744, %and3A_749 : vector<16xi32>
          tpu.vector_store_idx %arg7[%shift_right_logical3A_747, %and3A_750], %exp3A_667 {add = true} : memref<320x128xf32, #tpu.memory_space<vmem>>[vector<16xi32>, vector<16xi32>], vector<16xf32>,
          %shift_left3A_751 = arith.constant 2 : i32
          %shift_left3A_752 = vector.broadcast %shift_left3A_751 : i32 to vector<16xi32>
          %shift_left3A_753 = arith.shli %and3A_526, %shift_left3A_752 : vector<16xi32>
          %add3A_754 = arith.constant 3 : i32
          %add3A_755 = vector.broadcast %add3A_754 : i32 to vector<16xi32>
          %add3A_756 = arith.addi %shift_left3A_753, %add3A_755 : vector<16xi32>
          %shift_right_logical3A_757 = arith.constant 7 : i32
          %shift_right_logical3A_758 = vector.broadcast %shift_right_logical3A_757 : i32 to vector<16xi32>
          %shift_right_logical3A_759 = arith.shrui %add3A_756, %shift_right_logical3A_758 : vector<16xi32>
          %and3A_760 = arith.constant 127 : i32
          %and3A_761 = vector.broadcast %and3A_760 : i32 to vector<16xi32>
          %and3A_762 = arith.andi %add3A_756, %and3A_761 : vector<16xi32>
          tpu.vector_store_idx %arg7[%shift_right_logical3A_759, %and3A_762], %exp3A_714 {add = true} : memref<320x128xf32, #tpu.memory_space<vmem>>[vector<16xi32>, vector<16xi32>], vector<16xf32>,
        }
        %scan3A_29 = arith.constant 24 : i32
        %scan3A_30 = arith.addi %scan3A_25, %scan3A_29 : i32
        %mul3A_31 = arith.constant 16 : i32
        %mul3A_32 = arith.muli %scan3A_30, %mul3A_31 : i32
        %get3A_33 = arith.index_cast %mul3A_32 : i32 to index
        %get3A_34 = tpu.vector_load %arg6[%get3A_33] {strides = array<i32>} : memref<400xi32, #tpu.memory_space<vmem>>, vector<16xi32>,
        %shift_right_logical3A = arith.constant 14 : i32
        %shift_right_logical3A_35 = vector.broadcast %shift_right_logical3A : i32 to vector<16xi32>
        %shift_right_logical3A_36 = arith.shrui %get3A_34, %shift_right_logical3A_35 : vector<16xi32>
        %and3A = arith.constant 16383 : i32
        %and3A_37 = vector.broadcast %and3A : i32 to vector<16xi32>
        %and3A_38 = arith.andi %get3A_34, %and3A_37 : vector<16xi32>
        %shift_left3A = arith.constant 3 : i32
        %shift_left3A_39 = vector.broadcast %shift_left3A : i32 to vector<16xi32>
        %shift_left3A_40 = arith.shli %shift_right_logical3A_36, %shift_left3A_39 : vector<16xi32>
        %add3A_41 = arith.constant 0 : i32
        %add3A_42 = vector.broadcast %add3A_41 : i32 to vector<16xi32>
        %add3A_43 = arith.addi %shift_left3A_40, %add3A_42 : vector<16xi32>
        %shift_left3A_44 = arith.constant 3 : i32
        %shift_left3A_45 = vector.broadcast %shift_left3A_44 : i32 to vector<16xi32>
        %shift_left3A_46 = arith.shli %and3A_38, %shift_left3A_45 : vector<16xi32>
        %add3A_47 = arith.constant 4 : i32
        %add3A_48 = vector.broadcast %add3A_47 : i32 to vector<16xi32>
        %add3A_49 = arith.addi %shift_left3A_46, %add3A_48 : vector<16xi32>
        %shift_right_logical3A_50 = arith.constant 7 : i32
        %shift_right_logical3A_51 = vector.broadcast %shift_right_logical3A_50 : i32 to vector<16xi32>
        %shift_right_logical3A_52 = arith.shrui %add3A_43, %shift_right_logical3A_51 : vector<16xi32>
        %and3A_53 = arith.constant 127 : i32
        %and3A_54 = vector.broadcast %and3A_53 : i32 to vector<16xi32>
        %and3A_55 = arith.andi %add3A_43, %and3A_54 : vector<16xi32>
        %gather3A = tpu.vector_load_idx %arg8[%shift_right_logical3A_52, %and3A_55] : memref<625x128xf32, #tpu.memory_space<vmem>>[vector<16xi32>, vector<16xi32>], vector<16xf32>,
        %shift_right_logical3A_56 = arith.constant 7 : i32
        %shift_right_logical3A_57 = vector.broadcast %shift_right_logical3A_56 : i32 to vector<16xi32>
        %shift_right_logical3A_58 = arith.shrui %add3A_49, %shift_right_logical3A_57 : vector<16xi32>
        %and3A_59 = arith.constant 127 : i32
        %and3A_60 = vector.broadcast %and3A_59 : i32 to vector<16xi32>
        %and3A_61 = arith.andi %add3A_49, %and3A_60 : vector<16xi32>
        %gather3A_62 = tpu.vector_load_idx %arg8[%shift_right_logical3A_58, %and3A_61] : memref<625x128xf32, #tpu.memory_space<vmem>>[vector<16xi32>, vector<16xi32>], vector<16xf32>,
        %add3A_63 = arith.addf %gather3A, %gather3A_62 : vector<16xf32>
        %ge3A = arith.constant 0.000000e+00 : f32
        %ge3A_64 = vector.broadcast %ge3A : f32 to vector<16xf32>
        %ge3A_65 = arith.cmpf oge, %add3A_63, %ge3A_64 : vector<16xf32>
        %mul3A_66 = arith.constant 2.000000e-01 : f32
        %mul3A_67 = vector.broadcast %mul3A_66 : f32 to vector<16xf32>
        %mul3A_68 = arith.mulf %mul3A_67, %add3A_63 : vector<16xf32>
        %select_n3A = arith.select %ge3A_65, %add3A_63, %mul3A_68 : vector<16xi1>, vector<16xf32>
        %slice3A = vector.extract_strided_slice %get3A_9 {offsets = [0], sizes = [1], strides = [1]} : vector<16xf32> to vector<1xf32>
        %squeeze3A = vector.extract %slice3A[0] : f32 from vector<1xf32>
        %add3A_69 = vector.broadcast %squeeze3A : f32 to vector<16xf32>
        %add3A_70 = arith.addf %add3A_69, %gather3A_62 : vector<16xf32>
        %ge3A_71 = arith.constant 0.000000e+00 : f32
        %ge3A_72 = vector.broadcast %ge3A_71 : f32 to vector<16xf32>
        %ge3A_73 = arith.cmpf oge, %add3A_70, %ge3A_72 : vector<16xf32>
        %mul3A_74 = arith.constant 2.000000e-01 : f32
        %mul3A_75 = vector.broadcast %mul3A_74 : f32 to vector<16xf32>
        %mul3A_76 = arith.mulf %mul3A_75, %add3A_70 : vector<16xf32>
        %select_n3A_77 = arith.select %ge3A_73, %add3A_70, %mul3A_76 : vector<16xi1>, vector<16xf32>
        %sub3A = arith.subf %select_n3A, %select_n3A_77 : vector<16xf32>
        %exp3A = math.exp %sub3A : vector<16xf32>
        %shift_left3A_78 = arith.constant 3 : i32
        %shift_left3A_79 = vector.broadcast %shift_left3A_78 : i32 to vector<16xi32>
        %shift_left3A_80 = arith.shli %shift_right_logical3A_36, %shift_left3A_79 : vector<16xi32>
        %add3A_81 = arith.constant 1 : i32
        %add3A_82 = vector.broadcast %add3A_81 : i32 to vector<16xi32>
        %add3A_83 = arith.addi %shift_left3A_80, %add3A_82 : vector<16xi32>
        %shift_left3A_84 = arith.constant 3 : i32
        %shift_left3A_85 = vector.broadcast %shift_left3A_84 : i32 to vector<16xi32>
        %shift_left3A_86 = arith.shli %and3A_38, %shift_left3A_85 : vector<16xi32>
        %add3A_87 = arith.constant 5 : i32
        %add3A_88 = vector.broadcast %add3A_87 : i32 to vector<16xi32>
        %add3A_89 = arith.addi %shift_left3A_86, %add3A_88 : vector<16xi32>
        %shift_right_logical3A_90 = arith.constant 7 : i32
        %shift_right_logical3A_91 = vector.broadcast %shift_right_logical3A_90 : i32 to vector<16xi32>
        %shift_right_logical3A_92 = arith.shrui %add3A_83, %shift_right_logical3A_91 : vector<16xi32>
        %and3A_93 = arith.constant 127 : i32
        %and3A_94 = vector.broadcast %and3A_93 : i32 to vector<16xi32>
        %and3A_95 = arith.andi %add3A_83, %and3A_94 : vector<16xi32>
        %gather3A_96 = tpu.vector_load_idx %arg8[%shift_right_logical3A_92, %and3A_95] : memref<625x128xf32, #tpu.memory_space<vmem>>[vector<16xi32>, vector<16xi32>], vector<16xf32>,
        %shift_right_logical3A_97 = arith.constant 7 : i32
        %shift_right_logical3A_98 = vector.broadcast %shift_right_logical3A_97 : i32 to vector<16xi32>
        %shift_right_logical3A_99 = arith.shrui %add3A_89, %shift_right_logical3A_98 : vector<16xi32>
        %and3A_100 = arith.constant 127 : i32
        %and3A_101 = vector.broadcast %and3A_100 : i32 to vector<16xi32>
        %and3A_102 = arith.andi %add3A_89, %and3A_101 : vector<16xi32>
        %gather3A_103 = tpu.vector_load_idx %arg8[%shift_right_logical3A_99, %and3A_102] : memref<625x128xf32, #tpu.memory_space<vmem>>[vector<16xi32>, vector<16xi32>], vector<16xf32>,
        %add3A_104 = arith.addf %gather3A_96, %gather3A_103 : vector<16xf32>
        %ge3A_105 = arith.constant 0.000000e+00 : f32
        %ge3A_106 = vector.broadcast %ge3A_105 : f32 to vector<16xf32>
        %ge3A_107 = arith.cmpf oge, %add3A_104, %ge3A_106 : vector<16xf32>
        %mul3A_108 = arith.constant 2.000000e-01 : f32
        %mul3A_109 = vector.broadcast %mul3A_108 : f32 to vector<16xf32>
        %mul3A_110 = arith.mulf %mul3A_109, %add3A_104 : vector<16xf32>
        %select_n3A_111 = arith.select %ge3A_107, %add3A_104, %mul3A_110 : vector<16xi1>, vector<16xf32>
        %slice3A_112 = vector.extract_strided_slice %get3A_9 {offsets = [1], sizes = [1], strides = [1]} : vector<16xf32> to vector<1xf32>
        %squeeze3A_113 = vector.extract %slice3A_112[0] : f32 from vector<1xf32>
        %add3A_114 = vector.broadcast %squeeze3A_113 : f32 to vector<16xf32>
        %add3A_115 = arith.addf %add3A_114, %gather3A_103 : vector<16xf32>
        %ge3A_116 = arith.constant 0.000000e+00 : f32
        %ge3A_117 = vector.broadcast %ge3A_116 : f32 to vector<16xf32>
        %ge3A_118 = arith.cmpf oge, %add3A_115, %ge3A_117 : vector<16xf32>
        %mul3A_119 = arith.constant 2.000000e-01 : f32
        %mul3A_120 = vector.broadcast %mul3A_119 : f32 to vector<16xf32>
        %mul3A_121 = arith.mulf %mul3A_120, %add3A_115 : vector<16xf32>
        %select_n3A_122 = arith.select %ge3A_118, %add3A_115, %mul3A_121 : vector<16xi1>, vector<16xf32>
        %sub3A_123 = arith.subf %select_n3A_111, %select_n3A_122 : vector<16xf32>
        %exp3A_124 = math.exp %sub3A_123 : vector<16xf32>
        %shift_left3A_125 = arith.constant 3 : i32
        %shift_left3A_126 = vector.broadcast %shift_left3A_125 : i32 to vector<16xi32>
        %shift_left3A_127 = arith.shli %shift_right_logical3A_36, %shift_left3A_126 : vector<16xi32>
        %add3A_128 = arith.constant 2 : i32
        %add3A_129 = vector.broadcast %add3A_128 : i32 to vector<16xi32>
        %add3A_130 = arith.addi %shift_left3A_127, %add3A_129 : vector<16xi32>
        %shift_left3A_131 = arith.constant 3 : i32
        %shift_left3A_132 = vector.broadcast %shift_left3A_131 : i32 to vector<16xi32>
        %shift_left3A_133 = arith.shli %and3A_38, %shift_left3A_132 : vector<16xi32>
        %add3A_134 = arith.constant 6 : i32
        %add3A_135 = vector.broadcast %add3A_134 : i32 to vector<16xi32>
        %add3A_136 = arith.addi %shift_left3A_133, %add3A_135 : vector<16xi32>
        %shift_right_logical3A_137 = arith.constant 7 : i32
        %shift_right_logical3A_138 = vector.broadcast %shift_right_logical3A_137 : i32 to vector<16xi32>
        %shift_right_logical3A_139 = arith.shrui %add3A_130, %shift_right_logical3A_138 : vector<16xi32>
        %and3A_140 = arith.constant 127 : i32
        %and3A_141 = vector.broadcast %and3A_140 : i32 to vector<16xi32>
        %and3A_142 = arith.andi %add3A_130, %and3A_141 : vector<16xi32>
        %gather3A_143 = tpu.vector_load_idx %arg8[%shift_right_logical3A_139, %and3A_142] : memref<625x128xf32, #tpu.memory_space<vmem>>[vector<16xi32>, vector<16xi32>], vector<16xf32>,
        %shift_right_logical3A_144 = arith.constant 7 : i32
        %shift_right_logical3A_145 = vector.broadcast %shift_right_logical3A_144 : i32 to vector<16xi32>
        %shift_right_logical3A_146 = arith.shrui %add3A_136, %shift_right_logical3A_145 : vector<16xi32>
        %and3A_147 = arith.constant 127 : i32
        %and3A_148 = vector.broadcast %and3A_147 : i32 to vector<16xi32>
        %and3A_149 = arith.andi %add3A_136, %and3A_148 : vector<16xi32>
        %gather3A_150 = tpu.vector_load_idx %arg8[%shift_right_logical3A_146, %and3A_149] : memref<625x128xf32, #tpu.memory_space<vmem>>[vector<16xi32>, vector<16xi32>], vector<16xf32>,
        %add3A_151 = arith.addf %gather3A_143, %gather3A_150 : vector<16xf32>
        %ge3A_152 = arith.constant 0.000000e+00 : f32
        %ge3A_153 = vector.broadcast %ge3A_152 : f32 to vector<16xf32>
        %ge3A_154 = arith.cmpf oge, %add3A_151, %ge3A_153 : vector<16xf32>
        %mul3A_155 = arith.constant 2.000000e-01 : f32
        %mul3A_156 = vector.broadcast %mul3A_155 : f32 to vector<16xf32>
        %mul3A_157 = arith.mulf %mul3A_156, %add3A_151 : vector<16xf32>
        %select_n3A_158 = arith.select %ge3A_154, %add3A_151, %mul3A_157 : vector<16xi1>, vector<16xf32>
        %slice3A_159 = vector.extract_strided_slice %get3A_9 {offsets = [2], sizes = [1], strides = [1]} : vector<16xf32> to vector<1xf32>
        %squeeze3A_160 = vector.extract %slice3A_159[0] : f32 from vector<1xf32>
        %add3A_161 = vector.broadcast %squeeze3A_160 : f32 to vector<16xf32>
        %add3A_162 = arith.addf %add3A_161, %gather3A_150 : vector<16xf32>
        %ge3A_163 = arith.constant 0.000000e+00 : f32
        %ge3A_164 = vector.broadcast %ge3A_163 : f32 to vector<16xf32>
        %ge3A_165 = arith.cmpf oge, %add3A_162, %ge3A_164 : vector<16xf32>
        %mul3A_166 = arith.constant 2.000000e-01 : f32
        %mul3A_167 = vector.broadcast %mul3A_166 : f32 to vector<16xf32>
        %mul3A_168 = arith.mulf %mul3A_167, %add3A_162 : vector<16xf32>
        %select_n3A_169 = arith.select %ge3A_165, %add3A_162, %mul3A_168 : vector<16xi1>, vector<16xf32>
        %sub3A_170 = arith.subf %select_n3A_158, %select_n3A_169 : vector<16xf32>
        %exp3A_171 = math.exp %sub3A_170 : vector<16xf32>
        %shift_left3A_172 = arith.constant 3 : i32
        %shift_left3A_173 = vector.broadcast %shift_left3A_172 : i32 to vector<16xi32>
        %shift_left3A_174 = arith.shli %shift_right_logical3A_36, %shift_left3A_173 : vector<16xi32>
        %add3A_175 = arith.constant 3 : i32
        %add3A_176 = vector.broadcast %add3A_175 : i32 to vector<16xi32>
        %add3A_177 = arith.addi %shift_left3A_174, %add3A_176 : vector<16xi32>
        %shift_left3A_178 = arith.constant 3 : i32
        %shift_left3A_179 = vector.broadcast %shift_left3A_178 : i32 to vector<16xi32>
        %shift_left3A_180 = arith.shli %and3A_38, %shift_left3A_179 : vector<16xi32>
        %add3A_181 = arith.constant 7 : i32
        %add3A_182 = vector.broadcast %add3A_181 : i32 to vector<16xi32>
        %add3A_183 = arith.addi %shift_left3A_180, %add3A_182 : vector<16xi32>
        %shift_right_logical3A_184 = arith.constant 7 : i32
        %shift_right_logical3A_185 = vector.broadcast %shift_right_logical3A_184 : i32 to vector<16xi32>
        %shift_right_logical3A_186 = arith.shrui %add3A_177, %shift_right_logical3A_185 : vector<16xi32>
        %and3A_187 = arith.constant 127 : i32
        %and3A_188 = vector.broadcast %and3A_187 : i32 to vector<16xi32>
        %and3A_189 = arith.andi %add3A_177, %and3A_188 : vector<16xi32>
        %gather3A_190 = tpu.vector_load_idx %arg8[%shift_right_logical3A_186, %and3A_189] : memref<625x128xf32, #tpu.memory_space<vmem>>[vector<16xi32>, vector<16xi32>], vector<16xf32>,
        %shift_right_logical3A_191 = arith.constant 7 : i32
        %shift_right_logical3A_192 = vector.broadcast %shift_right_logical3A_191 : i32 to vector<16xi32>
        %shift_right_logical3A_193 = arith.shrui %add3A_183, %shift_right_logical3A_192 : vector<16xi32>
        %and3A_194 = arith.constant 127 : i32
        %and3A_195 = vector.broadcast %and3A_194 : i32 to vector<16xi32>
        %and3A_196 = arith.andi %add3A_183, %and3A_195 : vector<16xi32>
        %gather3A_197 = tpu.vector_load_idx %arg8[%shift_right_logical3A_193, %and3A_196] : memref<625x128xf32, #tpu.memory_space<vmem>>[vector<16xi32>, vector<16xi32>], vector<16xf32>,
        %add3A_198 = arith.addf %gather3A_190, %gather3A_197 : vector<16xf32>
        %ge3A_199 = arith.constant 0.000000e+00 : f32
        %ge3A_200 = vector.broadcast %ge3A_199 : f32 to vector<16xf32>
        %ge3A_201 = arith.cmpf oge, %add3A_198, %ge3A_200 : vector<16xf32>
        %mul3A_202 = arith.constant 2.000000e-01 : f32
        %mul3A_203 = vector.broadcast %mul3A_202 : f32 to vector<16xf32>
        %mul3A_204 = arith.mulf %mul3A_203, %add3A_198 : vector<16xf32>
        %select_n3A_205 = arith.select %ge3A_201, %add3A_198, %mul3A_204 : vector<16xi1>, vector<16xf32>
        %slice3A_206 = vector.extract_strided_slice %get3A_9 {offsets = [3], sizes = [1], strides = [1]} : vector<16xf32> to vector<1xf32>
        %squeeze3A_207 = vector.extract %slice3A_206[0] : f32 from vector<1xf32>
        %add3A_208 = vector.broadcast %squeeze3A_207 : f32 to vector<16xf32>
        %add3A_209 = arith.addf %add3A_208, %gather3A_197 : vector<16xf32>
        %ge3A_210 = arith.constant 0.000000e+00 : f32
        %ge3A_211 = vector.broadcast %ge3A_210 : f32 to vector<16xf32>
        %ge3A_212 = arith.cmpf oge, %add3A_209, %ge3A_211 : vector<16xf32>
        %mul3A_213 = arith.constant 2.000000e-01 : f32
        %mul3A_214 = vector.broadcast %mul3A_213 : f32 to vector<16xf32>
        %mul3A_215 = arith.mulf %mul3A_214, %add3A_209 : vector<16xf32>
        %select_n3A_216 = arith.select %ge3A_212, %add3A_209, %mul3A_215 : vector<16xi1>, vector<16xf32>
        %sub3A_217 = arith.subf %select_n3A_205, %select_n3A_216 : vector<16xf32>
        %exp3A_218 = math.exp %sub3A_217 : vector<16xf32>
        %shift_left3A_219 = arith.constant 2 : i32
        %shift_left3A_220 = vector.broadcast %shift_left3A_219 : i32 to vector<16xi32>
        %shift_left3A_221 = arith.shli %and3A_38, %shift_left3A_220 : vector<16xi32>
        %add3A_222 = arith.constant 0 : i32
        %add3A_223 = vector.broadcast %add3A_222 : i32 to vector<16xi32>
        %add3A_224 = arith.addi %shift_left3A_221, %add3A_223 : vector<16xi32>
        %shift_right_logical3A_225 = arith.constant 7 : i32
        %shift_right_logical3A_226 = vector.broadcast %shift_right_logical3A_225 : i32 to vector<16xi32>
        %shift_right_logical3A_227 = arith.shrui %add3A_224, %shift_right_logical3A_226 : vector<16xi32>
        %and3A_228 = arith.constant 127 : i32
        %and3A_229 = vector.broadcast %and3A_228 : i32 to vector<16xi32>
        %and3A_230 = arith.andi %add3A_224, %and3A_229 : vector<16xi32>
        tpu.vector_store_idx %arg7[%shift_right_logical3A_227, %and3A_230], %exp3A {add = true} : memref<320x128xf32, #tpu.memory_space<vmem>>[vector<16xi32>, vector<16xi32>], vector<16xf32>,
        %shift_left3A_231 = arith.constant 2 : i32
        %shift_left3A_232 = vector.broadcast %shift_left3A_231 : i32 to vector<16xi32>
        %shift_left3A_233 = arith.shli %and3A_38, %shift_left3A_232 : vector<16xi32>
        %add3A_234 = arith.constant 1 : i32
        %add3A_235 = vector.broadcast %add3A_234 : i32 to vector<16xi32>
        %add3A_236 = arith.addi %shift_left3A_233, %add3A_235 : vector<16xi32>
        %shift_right_logical3A_237 = arith.constant 7 : i32
        %shift_right_logical3A_238 = vector.broadcast %shift_right_logical3A_237 : i32 to vector<16xi32>
        %shift_right_logical3A_239 = arith.shrui %add3A_236, %shift_right_logical3A_238 : vector<16xi32>
        %and3A_240 = arith.constant 127 : i32
        %and3A_241 = vector.broadcast %and3A_240 : i32 to vector<16xi32>
        %and3A_242 = arith.andi %add3A_236, %and3A_241 : vector<16xi32>
        tpu.vector_store_idx %arg7[%shift_right_logical3A_239, %and3A_242], %exp3A_124 {add = true} : memref<320x128xf32, #tpu.memory_space<vmem>>[vector<16xi32>, vector<16xi32>], vector<16xf32>,
        %shift_left3A_243 = arith.constant 2 : i32
        %shift_left3A_244 = vector.broadcast %shift_left3A_243 : i32 to vector<16xi32>
        %shift_left3A_245 = arith.shli %and3A_38, %shift_left3A_244 : vector<16xi32>
        %add3A_246 = arith.constant 2 : i32
        %add3A_247 = vector.broadcast %add3A_246 : i32 to vector<16xi32>
        %add3A_248 = arith.addi %shift_left3A_245, %add3A_247 : vector<16xi32>
        %shift_right_logical3A_249 = arith.constant 7 : i32
        %shift_right_logical3A_250 = vector.broadcast %shift_right_logical3A_249 : i32 to vector<16xi32>
        %shift_right_logical3A_251 = arith.shrui %add3A_248, %shift_right_logical3A_250 : vector<16xi32>
        %and3A_252 = arith.constant 127 : i32
        %and3A_253 = vector.broadcast %and3A_252 : i32 to vector<16xi32>
        %and3A_254 = arith.andi %add3A_248, %and3A_253 : vector<16xi32>
        tpu.vector_store_idx %arg7[%shift_right_logical3A_251, %and3A_254], %exp3A_171 {add = true} : memref<320x128xf32, #tpu.memory_space<vmem>>[vector<16xi32>, vector<16xi32>], vector<16xf32>,
        %shift_left3A_255 = arith.constant 2 : i32
        %shift_left3A_256 = vector.broadcast %shift_left3A_255 : i32 to vector<16xi32>
        %shift_left3A_257 = arith.shli %and3A_38, %shift_left3A_256 : vector<16xi32>
        %add3A_258 = arith.constant 3 : i32
        %add3A_259 = vector.broadcast %add3A_258 : i32 to vector<16xi32>
        %add3A_260 = arith.addi %shift_left3A_257, %add3A_259 : vector<16xi32>
        %shift_right_logical3A_261 = arith.constant 7 : i32
        %shift_right_logical3A_262 = vector.broadcast %shift_right_logical3A_261 : i32 to vector<16xi32>
        %shift_right_logical3A_263 = arith.shrui %add3A_260, %shift_right_logical3A_262 : vector<16xi32>
        %and3A_264 = arith.constant 127 : i32
        %and3A_265 = vector.broadcast %and3A_264 : i32 to vector<16xi32>
        %and3A_266 = arith.andi %add3A_260, %and3A_265 : vector<16xi32>
        tpu.vector_store_idx %arg7[%shift_right_logical3A_263, %and3A_266], %exp3A_218 {add = true} : memref<320x128xf32, #tpu.memory_space<vmem>>[vector<16xi32>, vector<16xi32>], vector<16xf32>,
        %scan3A_267 = arith.constant 25 : i32
      }
      %scan3A_17 = arith.constant 80 : i32
      "tpu.region"() ({
        %run_scoped3A = tpu.sem_alloc : memref<!tpu.dma_semaphore, #tpu.memory_space<semaphore_mem>>
        %dma_start3A = arith.constant 0 : i32
        %dma_start3A_18 = arith.constant 0 : i32
        %dma_start3A_19 = tpu.memref_slice %arg5[%add3A, %dma_start3A, %dma_start3A_18] : memref<10x320x128xf32, #tpu.memory_space<hbm>> -> memref<1x320x128xf32, #tpu.memory_space<hbm>>
        %dma_start3A_20 = tpu.memref_squeeze %dma_start3A_19 : memref<1x320x128xf32, #tpu.memory_space<hbm>> -> memref<320x128xf32, #tpu.memory_space<hbm>>
        %dma_start3A_21 = arith.constant 0 : i32
        %dma_start3A_22 = arith.constant 0 : i32
        %dma_start3A_23 = tpu.memref_slice %arg5[%add3A, %dma_start3A_21, %dma_start3A_22] : memref<10x320x128xf32, #tpu.memory_space<hbm>> -> memref<1x320x128xf32, #tpu.memory_space<hbm>>
        %dma_start3A_24 = tpu.memref_squeeze %dma_start3A_23 : memref<1x320x128xf32, #tpu.memory_space<hbm>> -> memref<320x128xf32, #tpu.memory_space<hbm>>
        tpu.enqueue_dma source(%arg7 : memref<320x128xf32, #tpu.memory_space<vmem>>) target(%dma_start3A_24 : memref<320x128xf32, #tpu.memory_space<hbm>>) target_semaphore(%run_scoped3A : memref<!tpu.dma_semaphore, #tpu.memory_space<semaphore_mem>>)
        %dma_wait3A = arith.constant 0 : i32
        %dma_wait3A_25 = arith.constant 0 : i32
        %dma_wait3A_26 = tpu.memref_slice %arg5[%add3A, %dma_wait3A, %dma_wait3A_25] : memref<10x320x128xf32, #tpu.memory_space<hbm>> -> memref<1x320x128xf32, #tpu.memory_space<hbm>>
        %dma_wait3A_27 = tpu.memref_squeeze %dma_wait3A_26 : memref<1x320x128xf32, #tpu.memory_space<hbm>> -> memref<320x128xf32, #tpu.memory_space<hbm>>
        %dma_wait3A_28 = arith.constant 0 : i32
        %dma_wait3A_29 = arith.constant 0 : i32
        %dma_wait3A_30 = tpu.memref_slice %arg5[%add3A, %dma_wait3A_28, %dma_wait3A_29] : memref<10x320x128xf32, #tpu.memory_space<hbm>> -> memref<1x320x128xf32, #tpu.memory_space<hbm>>
        %dma_wait3A_31 = tpu.memref_squeeze %dma_wait3A_30 : memref<1x320x128xf32, #tpu.memory_space<hbm>> -> memref<320x128xf32, #tpu.memory_space<hbm>>
        tpu.wait_dma2 semaphore(%run_scoped3A : memref<!tpu.dma_semaphore, #tpu.memory_space<semaphore_mem>>) src(%arg7 : memref<320x128xf32, #tpu.memory_space<vmem>>) dst(%dma_wait3A_31 : memref<320x128xf32, #tpu.memory_space<hbm>>)
        tpu.yield
      }) : () -> ()
    } else {
    }
    return
  }
}

module attributes {stable_mosaic.version = 14 : i64} {
  func.func @_k1_body(%arg0: i32, %arg1: memref<200x128xf32, #tpu.memory_space<vmem>>, %arg2: memref<128x128xf32, #tpu.memory_space<vmem>>, %arg3: memref<128x8xf32, #tpu.memory_space<vmem>>, %arg4: memref<200x128xf32, #tpu.memory_space<vmem>>, %arg5: memref<200x8xf32, #tpu.memory_space<vmem>>) attributes {dimension_semantics = [#tpu.dimension_semantics<arbitrary>], iteration_bounds = array<i64: 50>, scalar_prefetch = 0 : i64, scratch_operands = 0 : i64, tpu.core_type = #tpu.core_type<tc>, window_params = [{transform_indices = @transform_0, window_bounds = array<i64: 200, 128>}, {pipeline_mode = #tpu.pipeline_mode<synchronous>, transform_indices = @transform_1, window_bounds = array<i64: 128, 128>}, {pipeline_mode = #tpu.pipeline_mode<synchronous>, transform_indices = @transform_2, window_bounds = array<i64: 128, 8>}, {transform_indices = @transform_3, window_bounds = array<i64: 200, 128>}, {transform_indices = @transform_4, window_bounds = array<i64: 200, 8>}]} {
    %get3A = arith.constant 0 : index
    %get3A_0 = arith.constant 0 : index
    %get3A_1 = vector.load %arg1[%get3A, %get3A_0] : memref<200x128xf32, #tpu.memory_space<vmem>>, vector<200x128xf32>
    %get3A_2 = arith.constant 0 : index
    %get3A_3 = arith.constant 0 : index
    %get3A_4 = vector.load %arg2[%get3A_2, %get3A_3] : memref<128x128xf32, #tpu.memory_space<vmem>>, vector<128x128xf32>
    %dot_general3A = arith.constant dense<0.000000e+00> : vector<200x128xf32>
    %dot_general3A_5 = tpu.matmul %get3A_1, %get3A_4, %dot_general3A {dimension_numbers = #tpu.dot_dimension_numbers<[1], [0], [0], [1], [0, 0, 1, 1], [], []>, transpose_lhs_hint = false} : vector<200x128xf32>, vector<128x128xf32>, vector<200x128xf32> -> vector<200x128xf32>
    %swap3A = arith.constant 0 : index
    %swap3A_6 = arith.constant 0 : index
    %swap3A_7 = vector.load %arg4[%swap3A, %swap3A_6] : memref<200x128xf32, #tpu.memory_space<vmem>>, vector<200x128xf32>
    tpu.vector_store %arg4[%swap3A, %swap3A_6], %dot_general3A_5 {strides = array<i32>} : memref<200x128xf32, #tpu.memory_space<vmem>>, vector<200x128xf32>,
    %get3A_8 = arith.constant 0 : index
    %get3A_9 = arith.constant 0 : index
    %get3A_10 = vector.load %arg3[%get3A_8, %get3A_9] : memref<128x8xf32, #tpu.memory_space<vmem>>, vector<128x8xf32>
    %dot_general3A_11 = arith.constant dense<0.000000e+00> : vector<200x8xf32>
    %dot_general3A_12 = tpu.matmul %dot_general3A_5, %get3A_10, %dot_general3A_11 {dimension_numbers = #tpu.dot_dimension_numbers<[1], [0], [0], [1], [0, 0, 1, 1], [], []>, transpose_lhs_hint = false} : vector<200x128xf32>, vector<128x8xf32>, vector<200x8xf32> -> vector<200x8xf32>
    %swap3A_13 = arith.constant 0 : index
    %swap3A_14 = arith.constant 0 : index
    %swap3A_15 = vector.load %arg5[%swap3A_13, %swap3A_14] : memref<200x8xf32, #tpu.memory_space<vmem>>, vector<200x8xf32>
    tpu.vector_store %arg5[%swap3A_13, %swap3A_14], %dot_general3A_12 {strides = array<i32>} : memref<200x8xf32, #tpu.memory_space<vmem>>, vector<200x8xf32>,
    return
  }
  func.func @transform_0(%arg0: i32) -> (i32, i32) {
    %c0_i32 = arith.constant 0 : i32
    %c0_i32_0 = arith.constant 0 : i32
    return %arg0, %c0_i32 : i32, i32
  }
  func.func @transform_1(%arg0: i32) -> (i32, i32) {
    %c0_i32 = arith.constant 0 : i32
    %c0_i32_0 = arith.constant 0 : i32
    %c0_i32_1 = arith.constant 0 : i32
    return %c0_i32, %c0_i32_0 : i32, i32
  }
  func.func @transform_2(%arg0: i32) -> (i32, i32) {
    %c0_i32 = arith.constant 0 : i32
    %c0_i32_0 = arith.constant 0 : i32
    %c0_i32_1 = arith.constant 0 : i32
    return %c0_i32, %c0_i32_0 : i32, i32
  }
  func.func @transform_3(%arg0: i32) -> (i32, i32) {
    %c0_i32 = arith.constant 0 : i32
    %c0_i32_0 = arith.constant 0 : i32
    return %arg0, %c0_i32 : i32, i32
  }
  func.func @transform_4(%arg0: i32) -> (i32, i32) {
    %c0_i32 = arith.constant 0 : i32
    %c0_i32_0 = arith.constant 0 : i32
    return %arg0, %c0_i32 : i32, i32
  }
}

module attributes {stable_mosaic.version = 14 : i64} {
  func.func @_k2_body(%arg0: i32, %arg1: memref<10000x8xf32, #tpu.memory_space<vmem>>, %arg2: memref<4x128xf32, #tpu.memory_space<vmem>>, %arg3: memref<1x128xf32, #tpu.memory_space<vmem>>, %arg4: memref<10000x4xf32, #tpu.memory_space<vmem>>) attributes {dimension_semantics = [#tpu.dimension_semantics<arbitrary>], iteration_bounds = array<i64: 1>, scalar_prefetch = 0 : i64, scratch_operands = 0 : i64, tpu.core_type = #tpu.core_type<tc>, window_params = [{pipeline_mode = #tpu.pipeline_mode<synchronous>, transform_indices = @transform_0, window_bounds = array<i64: 10000, 8>}, {pipeline_mode = #tpu.pipeline_mode<synchronous>, transform_indices = @transform_1, window_bounds = array<i64: 4, 128>}, {pipeline_mode = #tpu.pipeline_mode<synchronous>, transform_indices = @transform_2, window_bounds = array<i64: 1, 128>}, {pipeline_mode = #tpu.pipeline_mode<synchronous>, transform_indices = @transform_3, window_bounds = array<i64: 10000, 4>}]} {
    %get3A = arith.constant 0 : index
    %get3A_0 = arith.constant 0 : index
    %get3A_1 = vector.load %arg1[%get3A, %get3A_0] : memref<10000x8xf32, #tpu.memory_space<vmem>>, vector<10000x4xf32>
    %get3A_2 = arith.constant 0 : index
    %get3A_3 = arith.constant 4 : index
    %get3A_4 = vector.load %arg1[%get3A_2, %get3A_3] : memref<10000x8xf32, #tpu.memory_space<vmem>>, vector<10000x4xf32>
    %reduce_max3A = arith.constant dense<0xFF800000> : vector<4xf32>
    %reduce_max3A_5 = vector.multi_reduction <maximumf>, %get3A_1, %reduce_max3A [0] : vector<10000x4xf32> to vector<4xf32>
    %broadcast_in_dim3A = vector.shape_cast %reduce_max3A_5 : vector<4xf32> to vector<1x4xf32>
    %get3A_6 = arith.constant 0 : index
    %get3A_7 = arith.constant 0 : index
    %get3A_8 = vector.load %arg2[%get3A_6, %get3A_7] : memref<4x128xf32, #tpu.memory_space<vmem>>, vector<4x128xf32>
    %dot_general3A = arith.constant dense<0.000000e+00> : vector<1x128xf32>
    %dot_general3A_9 = tpu.matmul %broadcast_in_dim3A, %get3A_8, %dot_general3A {dimension_numbers = #tpu.dot_dimension_numbers<[1], [0], [0], [1], [0, 0, 1, 1], [], []>, transpose_lhs_hint = false} : vector<1x4xf32>, vector<4x128xf32>, vector<1x128xf32> -> vector<1x128xf32>
    %swap3A = arith.constant 0 : index
    %swap3A_10 = arith.constant 0 : index
    %swap3A_11 = vector.load %arg3[%swap3A, %swap3A_10] : memref<1x128xf32, #tpu.memory_space<vmem>>, vector<1x128xf32>
    tpu.vector_store %arg3[%swap3A, %swap3A_10], %dot_general3A_9 {strides = array<i32>} : memref<1x128xf32, #tpu.memory_space<vmem>>, vector<1x128xf32>,
    %add3A = vector.broadcast %broadcast_in_dim3A : vector<1x4xf32> to vector<10000x4xf32>
    %add3A_12 = arith.addf %add3A, %get3A_4 : vector<10000x4xf32>
    %ge3A = arith.constant 0.000000e+00 : f32
    %ge3A_13 = vector.broadcast %ge3A : f32 to vector<10000x4xf32>
    %ge3A_14 = arith.cmpf oge, %add3A_12, %ge3A_13 : vector<10000x4xf32>
    %mul3A = arith.constant 2.000000e-01 : f32
    %mul3A_15 = vector.broadcast %mul3A : f32 to vector<10000x4xf32>
    %mul3A_16 = arith.mulf %mul3A_15, %add3A_12 : vector<10000x4xf32>
    %select_n3A = arith.select %ge3A_14, %add3A_12, %mul3A_16 : vector<10000x4xi1>, vector<10000x4xf32>
    %add3A_17 = arith.addf %get3A_1, %get3A_4 : vector<10000x4xf32>
    %ge3A_18 = arith.constant 0.000000e+00 : f32
    %ge3A_19 = vector.broadcast %ge3A_18 : f32 to vector<10000x4xf32>
    %ge3A_20 = arith.cmpf oge, %add3A_17, %ge3A_19 : vector<10000x4xf32>
    %mul3A_21 = arith.constant 2.000000e-01 : f32
    %mul3A_22 = vector.broadcast %mul3A_21 : f32 to vector<10000x4xf32>
    %mul3A_23 = arith.mulf %mul3A_22, %add3A_17 : vector<10000x4xf32>
    %select_n3A_24 = arith.select %ge3A_20, %add3A_17, %mul3A_23 : vector<10000x4xi1>, vector<10000x4xf32>
    %sub3A = arith.subf %select_n3A_24, %select_n3A : vector<10000x4xf32>
    %exp3A = math.exp %sub3A : vector<10000x4xf32>
    %swap3A_25 = arith.constant 0 : index
    %swap3A_26 = arith.constant 0 : index
    %swap3A_27 = vector.load %arg4[%swap3A_25, %swap3A_26] : memref<10000x4xf32, #tpu.memory_space<vmem>>, vector<10000x4xf32>
    tpu.vector_store %arg4[%swap3A_25, %swap3A_26], %exp3A {strides = array<i32>} : memref<10000x4xf32, #tpu.memory_space<vmem>>, vector<10000x4xf32>,
    return
  }
  func.func @transform_0(%arg0: i32) -> (i32, i32) {
    %c0_i32 = arith.constant 0 : i32
    %c0_i32_0 = arith.constant 0 : i32
    %c0_i32_1 = arith.constant 0 : i32
    return %c0_i32, %c0_i32_0 : i32, i32
  }
  func.func @transform_1(%arg0: i32) -> (i32, i32) {
    %c0_i32 = arith.constant 0 : i32
    %c0_i32_0 = arith.constant 0 : i32
    %c0_i32_1 = arith.constant 0 : i32
    return %c0_i32, %c0_i32_0 : i32, i32
  }
  func.func @transform_2(%arg0: i32) -> (i32, i32) {
    %c0_i32 = arith.constant 0 : i32
    %c0_i32_0 = arith.constant 0 : i32
    %c0_i32_1 = arith.constant 0 : i32
    return %c0_i32, %c0_i32_0 : i32, i32
  }
  func.func @transform_3(%arg0: i32) -> (i32, i32) {
    %c0_i32 = arith.constant 0 : i32
    %c0_i32_0 = arith.constant 0 : i32
    %c0_i32_1 = arith.constant 0 : i32
    return %c0_i32, %c0_i32_0 : i32, i32
  }
}

module attributes {stable_mosaic.version = 14 : i64} {
  func.func @_kc_body(%arg0: i32, %arg1: memref<1x80x128xf32, #tpu.memory_space<vmem>>, %arg2: memref<10x80x4xf32, #tpu.memory_space<vmem>>, %arg3: memref<80x128xf32, #tpu.memory_space<vmem>>, %arg4: memref<80x4xf32, #tpu.memory_space<vmem>>, %arg5: memref<1x128xf32, #tpu.memory_space<vmem>>, %arg6: memref<4x128xf32, #tpu.memory_space<vmem>>, %arg7: memref<1x128xf32, #tpu.memory_space<vmem>>, %arg8: memref<80x128xf32, #tpu.memory_space<vmem>>) attributes {dimension_semantics = [#tpu.dimension_semantics<arbitrary>], iteration_bounds = array<i64: 125>, scalar_prefetch = 0 : i64, scratch_operands = 0 : i64, tpu.core_type = #tpu.core_type<tc>, window_params = [{transform_indices = @transform_0, window_bounds = array<i64: 1, 80, 128>}, {transform_indices = @transform_1, window_bounds = array<i64: 10, 80, 4>}, {transform_indices = @transform_2, window_bounds = array<i64: 80, 128>}, {transform_indices = @transform_3, window_bounds = array<i64: 80, 4>}, {pipeline_mode = #tpu.pipeline_mode<synchronous>, transform_indices = @transform_4, window_bounds = array<i64: 1, 128>}, {pipeline_mode = #tpu.pipeline_mode<synchronous>, transform_indices = @transform_5, window_bounds = array<i64: 4, 128>}, {pipeline_mode = #tpu.pipeline_mode<synchronous>, transform_indices = @transform_6, window_bounds = array<i64: 1, 128>}, {transform_indices = @transform_7, window_bounds = array<i64: 80, 128>}]} {
    %get3A = arith.constant 0 : index
    %get3A_0 = arith.constant 0 : index
    %get3A_1 = vector.load %arg6[%get3A, %get3A_0] : memref<4x128xf32, #tpu.memory_space<vmem>>, vector<4x128xf32>
    %get3A_2 = arith.constant 0 : index
    %get3A_3 = arith.constant 0 : index
    %get3A_4 = vector.load %arg4[%get3A_2, %get3A_3] : memref<80x4xf32, #tpu.memory_space<vmem>>, vector<80x4xf32>
    %get3A_5 = arith.constant 0 : index
    %get3A_6 = arith.constant 0 : index
    %get3A_7 = arith.constant 0 : index
    %get3A_8 = vector.load %arg1[%get3A_5, %get3A_6, %get3A_7] : memref<1x80x128xf32, #tpu.memory_space<vmem>>, vector<1x80x128xf32>
    %get3A_9 = vector.shape_cast %get3A_8 : vector<1x80x128xf32> to vector<80x128xf32>
    %dot_general3A = arith.constant dense<0.000000e+00> : vector<80x128xf32>
    %dot_general3A_10 = tpu.matmul %get3A_4, %get3A_1, %dot_general3A {dimension_numbers = #tpu.dot_dimension_numbers<[1], [0], [0], [1], [0, 0, 1, 1], [], []>, transpose_lhs_hint = false} : vector<80x4xf32>, vector<4x128xf32>, vector<80x128xf32> -> vector<80x128xf32>
    %get3A_11 = arith.constant 0 : index
    %get3A_12 = arith.constant 0 : index
    %get3A_13 = vector.load %arg3[%get3A_11, %get3A_12] : memref<80x128xf32, #tpu.memory_space<vmem>>, vector<80x128xf32>
    %mul3A = arith.mulf %dot_general3A_10, %get3A_13 : vector<80x128xf32>
    %add3A = arith.addf %get3A_9, %mul3A : vector<80x128xf32>
    %get3A_14 = arith.constant 0 : index
    %get3A_15 = arith.constant 0 : index
    %get3A_16 = arith.constant 0 : index
    %get3A_17 = vector.load %arg2[%get3A_14, %get3A_15, %get3A_16] : memref<10x80x4xf32, #tpu.memory_space<vmem>>, vector<10x80x4xf32>
    %reduce_sum3A = arith.constant dense<0.000000e+00> : vector<80x4xf32>
    %reduce_sum3A_18 = vector.multi_reduction <add>, %get3A_17, %reduce_sum3A [0] : vector<10x80x4xf32> to vector<80x4xf32>
    %add3A_19 = arith.addf %reduce_sum3A_18, %get3A_4 : vector<80x4xf32>
    %dot_general3A_20 = arith.constant dense<0.000000e+00> : vector<80x128xf32>
    %dot_general3A_21 = tpu.matmul %add3A_19, %get3A_1, %dot_general3A_20 {dimension_numbers = #tpu.dot_dimension_numbers<[1], [0], [0], [1], [0, 0, 1, 1], [], []>, transpose_lhs_hint = false} : vector<80x4xf32>, vector<4x128xf32>, vector<80x128xf32> -> vector<80x128xf32>
    %add3A_22 = arith.constant 1.000000e-16 : f32
    %add3A_23 = vector.broadcast %add3A_22 : f32 to vector<80x128xf32>
    %add3A_24 = arith.addf %dot_general3A_21, %add3A_23 : vector<80x128xf32>
    %div3A = arith.divf %add3A, %add3A_24 : vector<80x128xf32>
    %get3A_25 = arith.constant 0 : index
    %get3A_26 = arith.constant 0 : index
    %get3A_27 = vector.load %arg5[%get3A_25, %get3A_26] : memref<1x128xf32, #tpu.memory_space<vmem>>, vector<1x128xf32>
    %add3A_28 = vector.broadcast %get3A_27 : vector<1x128xf32> to vector<80x128xf32>
    %add3A_29 = arith.addf %div3A, %add3A_28 : vector<80x128xf32>
    %gt3A = arith.constant 0.000000e+00 : f32
    %gt3A_30 = vector.broadcast %gt3A : f32 to vector<80x128xf32>
    %gt3A_31 = arith.cmpf ogt, %add3A_29, %gt3A_30 : vector<80x128xf32>
    %exp3A = math.exp %add3A_29 : vector<80x128xf32>
    %sub3A = arith.constant 1.000000e+00 : f32
    %sub3A_32 = vector.broadcast %sub3A : f32 to vector<80x128xf32>
    %sub3A_33 = arith.subf %exp3A, %sub3A_32 : vector<80x128xf32>
    %select_n3A = arith.select %gt3A_31, %add3A_29, %sub3A_33 : vector<80x128xi1>, vector<80x128xf32>
    %get3A_34 = arith.constant 0 : index
    %get3A_35 = arith.constant 0 : index
    %get3A_36 = vector.load %arg7[%get3A_34, %get3A_35] : memref<1x128xf32, #tpu.memory_space<vmem>>, vector<1x128xf32>
    %gt3A_37 = arith.constant 0.000000e+00 : f32
    %gt3A_38 = vector.broadcast %gt3A_37 : f32 to vector<1x128xf32>
    %gt3A_39 = arith.cmpf ogt, %get3A_36, %gt3A_38 : vector<1x128xf32>
    %broadcast_in_dim3A = vector.shape_cast %gt3A_39 : vector<1x128xi1> to vector<1x128xi1>
    %broadcast_in_dim3A_40 = vector.broadcast %broadcast_in_dim3A : vector<1x128xi1> to vector<80x128xi1>
    %select_n3A_41 = arith.select %broadcast_in_dim3A_40, %select_n3A, %add3A_29 : vector<80x128xi1>, vector<80x128xf32>
    %swap3A = arith.constant 0 : index
    %swap3A_42 = arith.constant 0 : index
    %swap3A_43 = vector.load %arg8[%swap3A, %swap3A_42] : memref<80x128xf32, #tpu.memory_space<vmem>>, vector<80x128xf32>
    tpu.vector_store %arg8[%swap3A, %swap3A_42], %select_n3A_41 {strides = array<i32>} : memref<80x128xf32, #tpu.memory_space<vmem>>, vector<80x128xf32>,
    return
  }
  func.func @transform_0(%arg0: i32) -> (i32, i32, i32) {
    %jit3A = arith.constant 64 : i32
    %div3A = arith.divsi %arg0, %jit3A : i32
    %sign3A = arith.constant 0 : i32
    %sign3A_0 = arith.cmpi sgt, %arg0, %sign3A : i32
    %sign3A_1 = arith.extui %sign3A_0 : i1 to i32
    %sign3A_2 = arith.constant 0 : i32
    %sign3A_3 = arith.cmpi slt, %arg0, %sign3A_2 : i32
    %sign3A_4 = arith.extui %sign3A_3 : i1 to i32
    %sign3A_5 = arith.subi %sign3A_1, %sign3A_4 : i32
    %sign3A_6 = arith.constant 0 : i32
    %sign3A_7 = arith.cmpi sgt, %jit3A, %sign3A_6 : i32
    %sign3A_8 = arith.extui %sign3A_7 : i1 to i32
    %sign3A_9 = arith.constant 0 : i32
    %sign3A_10 = arith.cmpi slt, %jit3A, %sign3A_9 : i32
    %sign3A_11 = arith.extui %sign3A_10 : i1 to i32
    %sign3A_12 = arith.subi %sign3A_8, %sign3A_11 : i32
    %ne3A = arith.cmpi ne, %sign3A_5, %sign3A_12 : i32
    %rem3A = arith.remsi %arg0, %jit3A : i32
    %ne3A_13 = arith.constant 0 : i32
    %ne3A_14 = arith.cmpi ne, %rem3A, %ne3A_13 : i32
    %and3A = arith.andi %ne3A, %ne3A_14 : i1
    %sub3A = arith.constant 1 : i32
    %sub3A_15 = arith.subi %div3A, %sub3A : i32
    %select_n3A = arith.select %and3A, %sub3A_15, %div3A : i32
    %jit3A_16 = arith.constant 64 : i32
    %eq3A = arith.constant 0 : i32
    %eq3A_17 = arith.cmpi eq, %jit3A_16, %eq3A : i32
    %jit3A_18 = arith.constant 1 : i32
    %select_n3A_19 = arith.select %eq3A_17, %jit3A_18, %jit3A_16 : i32
    %rem3A_20 = arith.remsi %arg0, %select_n3A_19 : i32
    %ne3A_21 = arith.constant 0 : i32
    %ne3A_22 = arith.cmpi ne, %rem3A_20, %ne3A_21 : i32
    %lt3A = arith.constant 0 : i32
    %lt3A_23 = arith.cmpi slt, %rem3A_20, %lt3A : i32
    %lt3A_24 = arith.constant 0 : i32
    %lt3A_25 = arith.cmpi slt, %select_n3A_19, %lt3A_24 : i32
    %ne3A_26 = arith.xori %lt3A_23, %lt3A_25 : i1
    %and3A_27 = arith.andi %ne3A_26, %ne3A_22 : i1
    %add3A = arith.addi %rem3A_20, %select_n3A_19 : i32
    %select_n3A_28 = arith.select %and3A_27, %add3A, %rem3A_20 : i32
    %c0_i32 = arith.constant 0 : i32
    %c0_i32_29 = arith.constant 0 : i32
    return %select_n3A, %select_n3A_28, %c0_i32 : i32, i32, i32
  }
  func.func @transform_1(%arg0: i32) -> (i32, i32, i32) {
    %c0_i32 = arith.constant 0 : i32
    %c0_i32_0 = arith.constant 0 : i32
    %c0_i32_1 = arith.constant 0 : i32
    return %c0_i32, %arg0, %c0_i32_0 : i32, i32, i32
  }
  func.func @transform_2(%arg0: i32) -> (i32, i32) {
    %c0_i32 = arith.constant 0 : i32
    %c0_i32_0 = arith.constant 0 : i32
    return %arg0, %c0_i32 : i32, i32
  }
  func.func @transform_3(%arg0: i32) -> (i32, i32) {
    %c0_i32 = arith.constant 0 : i32
    %c0_i32_0 = arith.constant 0 : i32
    return %arg0, %c0_i32 : i32, i32
  }
  func.func @transform_4(%arg0: i32) -> (i32, i32) {
    %c0_i32 = arith.constant 0 : i32
    %c0_i32_0 = arith.constant 0 : i32
    %c0_i32_1 = arith.constant 0 : i32
    return %c0_i32, %c0_i32_0 : i32, i32
  }
  func.func @transform_5(%arg0: i32) -> (i32, i32) {
    %c0_i32 = arith.constant 0 : i32
    %c0_i32_0 = arith.constant 0 : i32
    %c0_i32_1 = arith.constant 0 : i32
    return %c0_i32, %c0_i32_0 : i32, i32
  }
  func.func @transform_6(%arg0: i32) -> (i32, i32) {
    %c0_i32 = arith.constant 0 : i32
    %c0_i32_0 = arith.constant 0 : i32
    %c0_i32_1 = arith.constant 0 : i32
    return %c0_i32, %c0_i32_0 : i32, i32
  }
  func.func @transform_7(%arg0: i32) -> (i32, i32) {
    %c0_i32 = arith.constant 0 : i32
    %c0_i32_0 = arith.constant 0 : i32
    return %arg0, %c0_i32 : i32, i32
  }
}

</mosaic_0001>

<sc_bundles>
// kernel: closed_call.23.cloned.1.call-start
scs
__scs_entry_jumppad:
0x0: {  	(pc) =	sbr.rel $0x88, $3  }
0x1: {  	(tag) =	ssettag $0x0;
	lr =	simm.s32 $0x1  }
0x2: {  	[smem:$0x3F97] =	sst lr;
	_ =	strace $0xD0000000  }
0x3: {  	_ = 	snop  }
0x4: {  	_ = 	snop  }
0x5: {  	_ = 	snop  }
0x6: {  	_ = 	snop  }
0x7: {  	_ = 	snop  }
__scs_overlays_trampoline_lowered:
0x8: {  	[smem:$0x3FA6] =	sst s0  }
0x9: {  	[smem:$0x3FA7] =	sst s1  }
0xa: {  	[smem:$0x3FA8] =	sst s2  }
0xb: {  	[smem:$0x3FA9] =	sst s3  }
0xc: {  	[smem:$0x3FAA] =	sst s4  }
0xd: {  	[smem:$0x3FAB] =	sst s5  }
0xe: {  	[smem:$0x3FAC] =	sst s6  }
0xf: {  	[smem:$0x3FAD] =	sst s7  }
0x10: {  	[smem:$0x3FAE] =	sst s8  }
0x11: {  	[smem:$0x3FAF] =	sst s9;
	s0 =	simm.s32 @!p0 $0x0  }
0x12: {  	s1 =	sld [smem:$0x3F95];
	s0 =	simm.s32 @p0 $0x1  }
0x13: {  	[smem:$0x3FB0] =	sst s0;
	s0 =	simm.s32 @!p1 $0x0  }
0x14: {  	s2 =	sld [smem:$0x3F94];
	s0 =	simm.s32 @p1 $0x1  }
0x15: {  	[smem:$0x3FB1] =	sst s0;
	s0 =	simm.s32 @!p2 $0x0  }
0x16: {  	s3 =	sld [smem:$0x3FDB];
	s0 =	simm.s32 @p2 $0x1  }
0x17: {  	s4 =	simm.s32 $0x1BF5;
	[smem:$0x3FB3] =	sst s0  }
0x18: {  	s0 =	sld [smem:$0x3F96];
	_ =	swait.ge [sflag:s4], $0x0  }
0x19: {  	s7 =	sld [smem:$0x3F97]  }
0x1a: {  	s8 =	sadd.s32 $0xFFFFE003, lr  }
0x1b: {  	s9 =	sadd.s32 $0xFFFFFEF7, lr;
	s5 =	simm.s32 $0xFFFFFFFF;
	p2 =	slt.u32 s8, $0xFFFFF086  }
0x1c: {  	p1 =	slt.u32 s9, $0xF7A;
	s5 =	simm.s32 @!p2 $0x0  }
0x1d: {  	s5 =	simm.s32 @p1 $0x1;
	p0 =	seq.s32 s7, s2  }
0x1e: {  	s7 =	smul.u32 @!p0 $0xF7A, s2;
	p2 =	seq.s32 @!p0 s5, $0x0  }
0x1f: {  	s9 =	smul.u32 $0xF7A, s1;
	s8 =	simm.s32 @!p0 $0x1BF5;
	p2 =	por !p2, p0  }
0x20: {  	[sflag:s8] =	ssyncset.s32 @!p0 $0xFFFFF086;
	s6 =	sadd.s32 @!p0 s3, s7;
	s7 =	simm.s32 @!p0 $0x108  }
0x21: {  	s3 =	sadd.s32 s3, s9;
	s6 =	sadd.s32 @!p0 $0x88, s6;
	s7 =	simm.s32 @p2 $0x1082  }
0x22: {  	[simem:s7], [sflag:s8] =	dma.local @!p0 [hbm:s6], $0xF7A  }
0x23: {  	s9 =	sor.u32 $0xD0000000, s2;
	s6 =	simm.s32 $0x108;
	_ =	swait.ge @!p0 [sflag:s8], $0x0  }
0x24: {  	s3 =	sadd.s32 $0x88, s3;
	s6 =	simm.s32 @!p1 $0x1082;
	[sflag:s4] =	ssyncset.s32 $0xFFFFF086  }
0x25: {  	[simem:s6], [sflag:s4] =	dma.local [hbm:s3], $0xF7A  }
0x26: {  	[smem:$0x3F97] =	sst s1;
	(tag) =	ssettag s2;
	_ =	strace s9  }
0x27: {  	s1 =	sld [smem:$0x3FA7]  }
0x28: {  	s2 =	sld [smem:$0x3FA8]  }
0x29: {  	s4 =	sld [smem:$0x3FAA]  }
0x2a: {  	p0 =	seq.s32 s5, $0x0;
	s5 =	sld [smem:$0x3FAB]  }
0x2b: {  	s6 =	sld [smem:$0x3FAC]  }
0x2c: {  	s7 =	sld [smem:$0x3FAD]  }
0x2d: {  	s3 =	simm.s32 $0x108;
	s8 =	sld [smem:$0x3FAE]  }
0x2e: {  	s3 =	simm.s32 @!p0 $0x1082;
	s9 =	sld [smem:$0x3FAF]  }
0x2f: {  	lr =	sadd.s32 s0, s3;
	s0 =	sld [smem:$0x3FA6]  }
0x30: {  	s3 =	sld [smem:$0x3FA9]  }
0x31: {  	[smem:$0x3FB2] =	sst s10  }
0x32: {  	s10 =	sld [smem:$0x3FB0];
	_ =	sdelay $0x3  }
0x33: {  	p0 =	seq.s32 s10, $0x1;
	s10 =	sld [smem:$0x3FB2];
	_ =	sdelay $0x3  }
0x34: {  	[smem:$0x3FB2] =	sst s10  }
0x35: {  	s10 =	sld [smem:$0x3FB1];
	_ =	sdelay $0x3  }
0x36: {  	p1 =	seq.s32 s10, $0x1;
	s10 =	sld [smem:$0x3FB2];
	_ =	sdelay $0x3  }
0x37: {  	[smem:$0x3FB2] =	sst s10  }
0x38: {  	s10 =	sld [smem:$0x3FB3]  }
0x39: {  	_ = 	snop;
	(pc) =	sbr.ind lr, $3  }
0x3a: {  	_ = 	snop  }
0x3b: {  	_ = 	snop  }
0x3c: {  	p2 =	seq.s32 s10, $0x1;
	s10 =	sld [smem:$0x3FB2]  }
0x3d: {  	_ =	shalt  }
0x3e: {  	_ =	shalt  }
0x3f: {  	_ =	shalt  }
0x40: {  	_ =	shalt  }
0x41: {  	_ =	shalt  }
0x42: {  	_ =	shalt  }
0x43: {  	_ =	shalt  }
0x44: {  	_ =	shalt  }
0x45: {  	_ =	shalt  }
0x46: {  	_ =	shalt  }
0x47: {  	_ =	shalt  }
0x48: {  	_ =	shalt  }
0x49: {  	_ =	shalt  }
0x4a: {  	_ =	shalt  }
0x4b: {  	_ =	shalt  }
0x4c: {  	_ =	shalt  }
0x4d: {  	_ =	shalt  }
0x4e: {  	_ =	shalt  }
0x4f: {  	_ =	shalt  }
0x50: {  	_ =	shalt  }
0x51: {  	_ =	shalt  }
0x52: {  	_ =	shalt  }
0x53: {  	_ =	shalt  }
0x54: {  	_ =	shalt  }
0x55: {  	_ =	shalt  }
0x56: {  	_ =	shalt  }
0x57: {  	_ =	shalt  }
0x58: {  	_ =	shalt  }
0x59: {  	_ =	shalt  }
0x5a: {  	_ =	shalt  }
0x5b: {  	_ =	shalt  }
0x5c: {  	_ =	shalt  }
0x5d: {  	_ =	shalt  }
0x5e: {  	_ =	shalt  }
0x5f: {  	_ =	shalt  }
0x60: {  	_ =	shalt  }
0x61: {  	_ =	shalt  }
0x62: {  	_ =	shalt  }
0x63: {  	_ =	shalt  }
0x64: {  	_ =	shalt  }
0x65: {  	_ =	shalt  }
0x66: {  	_ =	shalt  }
0x67: {  	_ =	shalt  }
0x68: {  	_ =	shalt  }
0x69: {  	_ =	shalt  }
0x6a: {  	_ =	shalt  }
0x6b: {  	_ =	shalt  }
0x6c: {  	_ =	shalt  }
0x6d: {  	_ =	shalt  }
0x6e: {  	_ =	shalt  }
0x6f: {  	_ =	shalt  }
0x70: {  	_ =	shalt  }
0x71: {  	_ =	shalt  }
0x72: {  	_ =	shalt  }
0x73: {  	_ =	shalt  }
0x74: {  	_ =	shalt  }
0x75: {  	_ =	shalt  }
0x76: {  	_ =	shalt  }
0x77: {  	_ =	shalt  }
0x78: {  	_ =	shalt  }
0x79: {  	_ =	shalt  }
0x7a: {  	_ =	shalt  }
0x7b: {  	_ =	shalt  }
0x7c: {  	_ =	shalt  }
0x7d: {  	_ =	shalt  }
0x7e: {  	_ =	shalt  }
0x7f: {  	_ =	shalt  }
0x80: {  	_ =	shalt  }
0x81: {  	_ =	shalt  }
0x82: {  	_ =	shalt  }
0x83: {  	_ =	shalt  }
0x84: {  	_ =	shalt  }
0x85: {  	_ =	shalt  }
0x86: {  	_ =	shalt  }
0x87: {  	_ =	shalt  }
.Lfunc_end0:
.L_simem_size_0:
called_computation_lowered:
.L_overlay_start_0:
0x88: {  	s2 =	sld [smem:$0x3FD9]  }
0x89: {  	s3 =	sld [smem:$0x3FFE];
	_ =	sdelay $0x1  }
0x8a: {  	s1 =	srdreg.scid  }
0x8b: {  	s0 =	sand.u32 $0x1, s1  }
0x8c: {  	s17 =	sshll.u32 s0, $0xA;
	s2 =	sadd.s32 s3, s2  }
0x8d: {  	s2 =	sadd.s32 s2, s17  }
0x8e: {  	[smem:$0x3FBE] =	sst s2  }
0x8f: {  	_ = 	snop  }
0x90: {  	s2 =	sld [smem:$0x3FD0];
	(tm) =	ssettm $0x1  }
0x91: {  	s18 =	sld [smem:$0x3FFB];
	_ =	sdelay $0x3  }
0x92: {  	_ =	strace s18  }
0x93: {  	s3 =	sld [smem:$0x3FFC];
	_ =	sdelay $0x3  }
0x94: {  	_ =	strace s3  }
0x95: {  	s3 =	sld [smem:$0x3FFD];
	_ =	sdelay $0x3  }
0x96: {  	_ =	strace s3  }
0x97: {  	_ =	strace $0x8FFFFFFF  }
0x98: {  	s19 =	sld [smem:$0x3FDB];
	_ =	sdelay $0x1  }
0x99: {  	s4 =	simm.s32 $_scs_section_size  }
0x9a: {  	s5 =	simm.s32 $_size__tile_overlayer_lowered;
	s6 =	simm.s32 $_tile_overlayer_lowered  }
0x9b: {  	s22 =	simm.s32 $0x1BFF;
	s21 =	sshll.u32 s6, $0x1;
	s3 =	sadd.s32 s4, s19  }
0x9c: {  	s7 =	simm.s32 $0x0;
	s20 =	sshll.u32 s5, $0x1;
	s5 =	sadd.s32 s21, s3  }
0x9d: {  	[timem:s7], [sflag:s22] =	dma.local [hbm:s5], s20  }
0x9e: {  	_ =	swait.ge [sflag:s22], s20  }
0x9f: {  	s4 =	ssub.s32 $0x0, s20;
	[sflag:s22] =	ssyncset.done $0x0  }
0xa0: {  	[sflag:s22] =	ssyncadd.s32 s4;
	_ =	sdelay $0x1  }
0xa1: {  	s23 =	simm.s32 $0x1B8B  }
0xa2: {  	_ =	swait.ge [sflag:s23], $0x1  }
0xa3: {  	[sflag:s23] =	ssyncset.done $0x0  }
0xa4: {  	s25 =	simm.s32 $0x1B8E;
	s24 =	sld [smem:$0x3FFE];
	[sflag:s23] =	ssyncadd.s32 $0xFFFFFFFF  }
0xa5: {  	s26 =	simm.s32 $execute0_lowered;
	[smem:$0x3FD2] =	sst s25  }
0xa6: {  	s5 =	sshll.u32 s26, $0x1;
	_ =	strace $0x80000046;
	[dreg:$0x1] =	wrdreg $0xFFFFFFFF  }
0xa7: {  	s28 =	simm.s32 $_size_execute0_lowered;
	s3 =	sadd.s32 s3, s5;
	[dreg:$0x0] =	wrdreg $0x0  }
0xa8: {  	s5 =	sshll.u32 s28, $0x1;
	[dreg:$0x2] =	wrdreg s3  }
0xa9: {  	[dreg:$0x3] =	wrdreg s5  }
0xaa: {  	[dreg:$0x4] =	wrdreg $0xC0  }
0xab: {  	_ =	task [dreg:s7], $0x5FFFF  }
0xac: {  	[dreg:$0x1] =	wrdreg $0xFFFFFFFF  }
0xad: {  	[dreg:$0x0] =	wrdreg $0x60  }
0xae: {  	[dreg:$0x2] =	wrdreg s24  }
0xaf: {  	[dreg:$0x3] =	wrdreg s2  }
0xb0: {  	[dreg:$0x4] =	wrdreg $0x14E000  }
0xb1: {  	[dreg:$0x5] =	wrdreg $0x9  }
0xb2: {  	_ =	task.clear_ibuf [dreg:s7], $0x6FFFF;
	_ =	strace $0x90000046  }
0xb3: {  	s29 =	simm.s32 $0x9;
	_ =	strace $0x80000048  }
0xb4: {  	_ =	swait.ge [sflag:s29], $0x1  }
0xb5: {  	[sflag:s29] =	ssyncadd.s32 $0xFFFFFFFF  }
0xb6: {  	_ =	strace $0x90000048  }
0xb7: {  	_ =	sfence  }
0xb8: {  	s30 =	sld [smem:$0x0];
	_ =	sdelay $0x2  }
0xb9: {  	s31 =	sshll.u32 s1, $0xD;
	s1 =	sshrl.u32 s1, $0x2  }
0xba: {  	s3 =	sand.u32 $0x4000, s31;
	s1 =	sadd.s32 s1, s30  }
0xbb: {  	s0 =	sor.u32 s3, s0;
	s1 =	sshll.u32 s1, $0x11  }
0xbc: {  	s0 =	sor.u32 s1, s0  }
0xbd: {  	s0 =	sadd.s32 $0x8F2B, s0  }
0xbe: {  	[sflag:s0] =	ssyncadd.remote.s32 $0x1  }
0xbf: {  	_ =	sfence.sel $0xFFFF  }
0xc0: {  	[dreg:$0x0] =	wrdreg $0xFFFFFFFF;
	(pc) =	sbr.abs _section_cstart, $3  }
0xc1: {  	[dreg:$0x1] =	wrdreg $0xFFFFFFFF  }
0xc2: {  	_ =	task.clear_ibuf [dreg:s7], $0x2FFFF;
	_ =	strace $0x9FFFFFFF  }
0xc3: {  	(tm) =	ssettm $0x7FFFFFFF  }
tec
execute0_lowered:
.L_overlay_start_1:
0x0: {  	(tag) =	ssettag $0x1  }
0x1: {  	s0 =	srdreg.scid  }
0x2: {  	s30 =	stileid.u32;
	s3 =	sand.u32 $0x1, s0  }
0x3: {  	s2 =	rddreg [dreg:$0x0];
	s24 =	smul.u32 $0xA400, s30;
	s0 =	ssub.s32 $0x2, s3  }
0x4: {  	s26 =	sadd.s32 $0x10C00, s2;
	s22 =	smul.u32 $0xA4000, s3;
	s4 =	sshrl.u32 s0, $0x1  }
0x5: {  	s5 =	sadd.s32 $0x1000, s24;
	s6 =	sadd.s32 $0x1800, s24;
	s7 =	sadd.s32 $0x2000, s24  }
0x6: {  	s8 =	sadd.s32 $0x2800, s24;
	s9 =	sadd.s32 $0x3000, s24;
	s10 =	sadd.s32 $0x3800, s24  }
0x7: {  	s11 =	sadd.s32 $0x4000, s24;
	s12 =	sadd.s32 $0x4800, s24;
	s13 =	sadd.s32 $0x5000, s24  }
0x8: {  	s14 =	sadd.s32 $0x5800, s24;
	s15 =	sadd.s32 $0x6000, s24;
	s16 =	sadd.s32 $0x6800, s24  }
0x9: {  	s17 =	sadd.s32 $0x7000, s24;
	s18 =	sadd.s32 $0x7800, s24;
	s19 =	sadd.s32 $0x8000, s24  }
0xa: {  	s20 =	sadd.s32 $0x8800, s24;
	s23 =	sadd.s32 $0x9800, s24;
	s21 =	sadd.s32 s24, s22  }
0xb: {  	s25 =	sadd.s32 $0xA000, s24;
	s0 =	ssub.s32 s0, s4;
	s28 =	sshrl.u32 s21, $0x3  }
0xc: {  	s4 =	sadd.s32 $0x800, s24;
	s21 =	sadd.s32 $0x9000, s24;
	s24 =	sadd.s32 s26, s28  }
0xd: {  	[dreg:$0x4] =	wrdreg s24;
	s24 =	sadd.s32 s22, s4  }
0xe: {  	s24 =	sshrl.u32 s24, $0x3  }
0xf: {  	s28 =	sadd.s32 s22, s5;
	s24 =	sadd.s32 s26, s24  }
0x10: {  	s29 =	sadd.s32 s22, s6;
	[dreg:$0x5] =	wrdreg s24;
	s24 =	sshrl.u32 s28, $0x3  }
0x11: {  	s28 =	sshrl.u32 s29, $0x3;
	s24 =	sadd.s32 s26, s24  }
0x12: {  	[dreg:$0x6] =	wrdreg s24;
	s24 =	sadd.s32 s26, s28  }
0x13: {  	[dreg:$0x7] =	wrdreg s24;
	s24 =	sadd.s32 s22, s7  }
0x14: {  	s24 =	sshrl.u32 s24, $0x3  }
0x15: {  	s28 =	sadd.s32 s22, s8;
	s24 =	sadd.s32 s26, s24  }
0x16: {  	s29 =	sadd.s32 s22, s9;
	[dreg:$0x8] =	wrdreg s24;
	s24 =	sshrl.u32 s28, $0x3  }
0x17: {  	s28 =	sshrl.u32 s29, $0x3;
	s24 =	sadd.s32 s26, s24  }
0x18: {  	[dreg:$0x9] =	wrdreg s24;
	s24 =	sadd.s32 s26, s28  }
0x19: {  	[dreg:$0xa] =	wrdreg s24;
	s24 =	sadd.s32 s22, s10  }
0x1a: {  	s24 =	sshrl.u32 s24, $0x3  }
0x1b: {  	s28 =	sadd.s32 s22, s11;
	s24 =	sadd.s32 s26, s24  }
0x1c: {  	s29 =	sadd.s32 s22, s12;
	[dreg:$0xb] =	wrdreg s24;
	s24 =	sshrl.u32 s28, $0x3  }
0x1d: {  	s28 =	sshrl.u32 s29, $0x3;
	s24 =	sadd.s32 s26, s24  }
0x1e: {  	[dreg:$0xc] =	wrdreg s24;
	s24 =	sadd.s32 s26, s28  }
0x1f: {  	[dreg:$0xd] =	wrdreg s24;
	s24 =	sadd.s32 s22, s13  }
0x20: {  	s24 =	sshrl.u32 s24, $0x3  }
0x21: {  	s28 =	sadd.s32 s22, s14;
	s24 =	sadd.s32 s26, s24  }
0x22: {  	s29 =	sadd.s32 s22, s15;
	[dreg:$0xe] =	wrdreg s24;
	s24 =	sshrl.u32 s28, $0x3  }
0x23: {  	s28 =	sshrl.u32 s29, $0x3;
	s24 =	sadd.s32 s26, s24  }
0x24: {  	[dreg:$0xf] =	wrdreg s24;
	s24 =	sadd.s32 s26, s28  }
0x25: {  	[dreg:$0x10] =	wrdreg s24;
	s24 =	sadd.s32 s22, s16  }
0x26: {  	s24 =	sshrl.u32 s24, $0x3  }
0x27: {  	s28 =	sadd.s32 s22, s17;
	s24 =	sadd.s32 s26, s24  }
0x28: {  	s29 =	sadd.s32 s22, s18;
	[dreg:$0x11] =	wrdreg s24;
	s24 =	sshrl.u32 s28, $0x3  }
0x29: {  	s28 =	sshrl.u32 s29, $0x3;
	s24 =	sadd.s32 s26, s24  }
0x2a: {  	[dreg:$0x12] =	wrdreg s24;
	s24 =	sadd.s32 s26, s28  }
0x2b: {  	[dreg:$0x13] =	wrdreg s24;
	s24 =	sadd.s32 s22, s19  }
0x2c: {  	s24 =	sshrl.u32 s24, $0x3  }
0x2d: {  	s28 =	sadd.s32 s22, s20;
	s24 =	sadd.s32 s26, s24  }
0x2e: {  	s29 =	sadd.s32 s22, s21;
	[dreg:$0x14] =	wrdreg s24;
	s24 =	sshrl.u32 s28, $0x3  }
0x2f: {  	s28 =	sshrl.u32 s29, $0x3;
	s24 =	sadd.s32 s26, s24  }
0x30: {  	[dreg:$0x15] =	wrdreg s24;
	s24 =	sadd.s32 s26, s28  }
0x31: {  	s1 =	simm.s32 $0x0;
	[dreg:$0x16] =	wrdreg s24;
	s24 =	sadd.s32 s22, s23  }
0x32: {  	[smem:$0x7FF] =	sst s1;
	s24 =	sshrl.u32 s24, $0x3  }
0x33: {  	s28 =	sadd.s32 s22, s25;
	s22 =	rddreg [dreg:$0x1];
	s24 =	sadd.s32 s26, s24  }
0x34: {  	s31 =	simm.s32 $0x10;
	s28 =	sshrl.u32 s28, $0x3;
	[dreg:$0x17] =	wrdreg s24  }
0x35: {  	s29 =	sadd.s32 $0xE200, s2;
	s26 =	sadd.s32 s26, s28;
	s24 =	rddreg [dreg:$0x2]  }
0x36: {  	s28 =	smul.u32 $0x29000, s30;
	[dreg:$0x18] =	wrdreg s26;
	s26 =	sadd.s32 $0x4400, s2  }
0x37: {  	s2 =	sadd.s32 $0x10A00, s2;
	_ =	strace $0x80000047;
	[dreg:$0x19] =	wrdreg s29  }
0x38: {  	s0 =	smax.u32 s0, $0x1;
	[dreg:$0x1a] =	wrdreg s2;
	s2 =	smul.u32 $0xFFFFEC00, s3  }
0x39: {  	s3 =	sshrl.u32 s28, $0x2;
	s8 =	sadd.s32 s8, s24;
	[smem:$0x7FD] =	sst s0  }
0x3a: {  	s4 =	sadd.s32 s4, s24;
	s9 =	sadd.s32 s9, s24;
	[dreg:$0x1c] =	wrdreg s8  }
0x3b: {  	s5 =	sadd.s32 s5, s24;
	s10 =	sadd.s32 s10, s24;
	[dreg:$0x1d] =	wrdreg s9  }
0x3c: {  	s6 =	sadd.s32 s6, s24;
	s11 =	sadd.s32 s11, s24;
	[dreg:$0x1e] =	wrdreg s10  }
0x3d: {  	s7 =	sadd.s32 s7, s24;
	s12 =	sadd.s32 s12, s24;
	[dreg:$0x1f] =	wrdreg s11  }
0x3e: {  	s13 =	sadd.s32 s13, s24;
	s14 =	sadd.s32 s14, s24;
	[smem:$0x7F8] =	sst s12  }
0x3f: {  	s15 =	sadd.s32 s15, s24;
	s16 =	sadd.s32 s16, s24;
	[smem:$0x7F9] =	sst s13  }
0x40: {  	s28 =	simm.s32 $0x180;
	s29 =	simm.s32 $0x80;
	[smem:$0x7FA] =	sst s14  }
0x41: {  	s0 =	simm.s32 $0x0;
	s3 =	sadd.s32 s3, s24;
	[smem:$0x7FB] =	sst s15  }
0x42: {  	v0 =	vlaneseq.u32;
	[smem:$0x7FC] =	sst s16;
	s12 =	sadd.s32 s17, s24;
	s13 =	sadd.s32 s18, s24  }
0x43: {  	v1 =	vmul.u32 $0x80, v0;
	s14 =	sadd.s32 s19, s24;
	s15 =	sadd.s32 s20, s24;
	s16 =	sadd.s32 s21, s24  }
0x44: {  	s17 =	sadd.s32 s23, s24;
	s18 =	sadd.s32 s25, s24;
	s20 =	smul.u32 $0x4E20, s30  }
0x45: {  	v3 =	vimm.f32 $0.0e+00;
	v4 =	vor.u32 $0x1400, v0;
	v5 =	vor.u32 $0x1, v1;
	s23 =	simm.s32 $0x1180;
	s25 =	simm.s32 $0x2;
	s19 =	simm.s32 $0x100  }
0x46: {  	v6 =	vor.u32 $0x2, v1;
	v7 =	vor.u32 $0x3, v1;
	s30 =	simm.s32 $0x980;
	s21 =	simm.s32 $0x1;
	[dreg:$0x1b] =	wrdreg s3;
	v2 =	vmov s2  }
.LBB2_1:
0x47: {  	s2 =	rddreg [dreg:$0x19]  }
0x48: {  	[tilespmem:s23], [sflag:$0x2] =	stream.linear.gather [hbm4b:s2+s1], $0x13880, $0x38;
	[tilespmem:$0x1F200] =	vst v63  }
0x49: {  	_ =	swait.ge [sflag:s25], $0x13880  }
0x4a: {  	[sflag:s25] =	ssyncset.done $0x0  }
0x4b: {  	s3 =	simm.s32 $0x14D80;
	s11 =	rddreg [dreg:$0x1a];
	[sflag:s25] =	ssyncadd.s32 $0xFFFEC780  }
0x4c: {  	[tilespmem:s3], [sflag:$0x2] =	stream.linear.gather [hbm4b:s11+s1], $0x80, $0x38;
	[tilespmem:$0x1F200] =	vst v63  }
0x4d: {  	_ =	swait.ge [sflag:s25], $0x80  }
0x4e: {  	[sflag:s25] =	ssyncset.done $0x0  }
0x4f: {  	s2 =	simm.s32 $0x0;
	s3 =	simm.s32 $0x200;
	[sflag:s25] =	ssyncadd.s32 $0xFFFFFF80  }
.LBB2_2:
0x50: {  	p0 =	sne.s32 s3, $0x1E00;
	[tilespmem:s2+$0x1F0] =	vst v3  }
0x51: {  	[tilespmem:s2+$0x180] =	vst v3  }
0x52: {  	[tilespmem:s2+$0x190] =	vst v3  }
.Ltmp0:
0x53: {  	[tilespmem:s2+$0x1A0] =	vst v3;
	(pc) =	sbr.rel @p0 .LBB2_2-.Ltmp0, $4  }
0x54: {  	[tilespmem:s2+$0x1B0] =	vst v3  }
0x55: {  	[tilespmem:s2+$0x1C0] =	vst v3  }
0x56: {  	[tilespmem:s2+$0x1D0] =	vst v3  }
0x57: {  	[tilespmem:s2+$0x1E0] =	vst v3;
	s2 =	sshra.s32 s3, $0x2;
	s3 =	sadd.s32 $0x200, s3  }
0x58: {  	[tilespmem:s2+$0x1F0] =	vst v3  }
0x59: {  	[tilespmem:s2+$0x180] =	vst v3  }
0x5a: {  	[tilespmem:s2+$0x190] =	vst v3  }
0x5b: {  	[tilespmem:s2+$0x1A0] =	vst v3  }
0x5c: {  	[tilespmem:s2+$0x1B0] =	vst v3  }
0x5d: {  	[tilespmem:s2+$0x1C0] =	vst v3  }
0x5e: {  	[tilespmem:s2+$0x1D0] =	vst v3  }
0x5f: {  	[tilespmem:s2+$0x1E0] =	vst v3;
	s3 =	rddreg [dreg:$0x1b]  }
0x60: {  	[spmem:s3] =	stream.linear.scatter [tilespmem:s28], [sflag:$0x2], $0x800, $0x38;
	[tilespmem:$0x1F200] =	vst v63  }
0x61: {  	_ =	swait.ge [sflag:s25], $0x800  }
0x62: {  	[sflag:s25] =	ssyncset.done $0x0  }
0x63: {  	[sflag:s25] =	ssyncadd.s32 $0xFFFFF800  }
0x64: {  	[spmem:s4] =	stream.linear.scatter [tilespmem:s28], [sflag:$0x2], $0x800, $0x38;
	[tilespmem:$0x1F200] =	vst v63  }
0x65: {  	_ =	swait.ge [sflag:s25], $0x800  }
0x66: {  	[sflag:s25] =	ssyncset.done $0x0  }
0x67: {  	[sflag:s25] =	ssyncadd.s32 $0xFFFFF800  }
0x68: {  	[spmem:s5] =	stream.linear.scatter [tilespmem:s28], [sflag:$0x2], $0x800, $0x38;
	[tilespmem:$0x1F200] =	vst v63  }
0x69: {  	_ =	swait.ge [sflag:s25], $0x800  }
0x6a: {  	[sflag:s25] =	ssyncset.done $0x0  }
0x6b: {  	[sflag:s25] =	ssyncadd.s32 $0xFFFFF800  }
0x6c: {  	[spmem:s6] =	stream.linear.scatter [tilespmem:s28], [sflag:$0x2], $0x800, $0x38;
	[tilespmem:$0x1F200] =	vst v63  }
0x6d: {  	_ =	swait.ge [sflag:s25], $0x800  }
0x6e: {  	[sflag:s25] =	ssyncset.done $0x0  }
0x6f: {  	[sflag:s25] =	ssyncadd.s32 $0xFFFFF800  }
0x70: {  	[spmem:s7] =	stream.linear.scatter [tilespmem:s28], [sflag:$0x2], $0x800, $0x38;
	[tilespmem:$0x1F200] =	vst v63  }
0x71: {  	_ =	swait.ge [sflag:s25], $0x800  }
0x72: {  	[sflag:s25] =	ssyncset.done $0x0  }
0x73: {  	s8 =	smov.u32 s4;
	s4 =	rddreg [dreg:$0x1c];
	[sflag:s25] =	ssyncadd.s32 $0xFFFFF800  }
0x74: {  	[spmem:s4] =	stream.linear.scatter [tilespmem:s28], [sflag:$0x2], $0x800, $0x38;
	[tilespmem:$0x1F200] =	vst v63  }
0x75: {  	_ =	swait.ge [sflag:s25], $0x800  }
0x76: {  	[sflag:s25] =	ssyncset.done $0x0  }
0x77: {  	s9 =	smov.u32 s5;
	s5 =	rddreg [dreg:$0x1d];
	[sflag:s25] =	ssyncadd.s32 $0xFFFFF800  }
0x78: {  	[spmem:s5] =	stream.linear.scatter [tilespmem:s28], [sflag:$0x2], $0x800, $0x38;
	[tilespmem:$0x1F200] =	vst v63  }
0x79: {  	_ =	swait.ge [sflag:s25], $0x800  }
0x7a: {  	[sflag:s25] =	ssyncset.done $0x0  }
0x7b: {  	s10 =	smov.u32 s6;
	s6 =	rddreg [dreg:$0x1e];
	[sflag:s25] =	ssyncadd.s32 $0xFFFFF800  }
0x7c: {  	[spmem:s6] =	stream.linear.scatter [tilespmem:s28], [sflag:$0x2], $0x800, $0x38;
	[tilespmem:$0x1F200] =	vst v63  }
0x7d: {  	_ =	swait.ge [sflag:s25], $0x800  }
0x7e: {  	[sflag:s25] =	ssyncset.done $0x0  }
0x7f: {  	s11 =	smov.u32 s7;
	s7 =	rddreg [dreg:$0x1f];
	[sflag:s25] =	ssyncadd.s32 $0xFFFFF800  }
0x80: {  	[spmem:s7] =	stream.linear.scatter [tilespmem:s28], [sflag:$0x2], $0x800, $0x38;
	[tilespmem:$0x1F200] =	vst v63  }
0x81: {  	_ =	swait.ge [sflag:s25], $0x800  }
0x82: {  	s3 =	sld [smem:$0x7F8]  }
0x83: {  	[sflag:s25] =	ssyncset.done $0x0  }
0x84: {  	[sflag:s25] =	ssyncadd.s32 $0xFFFFF800  }
0x85: {  	[spmem:s3] =	stream.linear.scatter [tilespmem:s28], [sflag:$0x2], $0x800, $0x38;
	[tilespmem:$0x1F200] =	vst v63  }
0x86: {  	_ =	swait.ge [sflag:s25], $0x800  }
0x87: {  	s4 =	sld [smem:$0x7F9]  }
0x88: {  	[sflag:s25] =	ssyncset.done $0x0  }
0x89: {  	[sflag:s25] =	ssyncadd.s32 $0xFFFFF800  }
0x8a: {  	[spmem:s4] =	stream.linear.scatter [tilespmem:s28], [sflag:$0x2], $0x800, $0x38;
	[tilespmem:$0x1F200] =	vst v63  }
0x8b: {  	_ =	swait.ge [sflag:s25], $0x800  }
0x8c: {  	s5 =	sld [smem:$0x7FA]  }
0x8d: {  	[sflag:s25] =	ssyncset.done $0x0  }
0x8e: {  	[sflag:s25] =	ssyncadd.s32 $0xFFFFF800  }
0x8f: {  	[spmem:s5] =	stream.linear.scatter [tilespmem:s28], [sflag:$0x2], $0x800, $0x38;
	[tilespmem:$0x1F200] =	vst v63  }
0x90: {  	_ =	swait.ge [sflag:s25], $0x800  }
0x91: {  	s6 =	sld [smem:$0x7FB]  }
0x92: {  	[sflag:s25] =	ssyncset.done $0x0  }
0x93: {  	[sflag:s25] =	ssyncadd.s32 $0xFFFFF800  }
0x94: {  	[spmem:s6] =	stream.linear.scatter [tilespmem:s28], [sflag:$0x2], $0x800, $0x38;
	[tilespmem:$0x1F200] =	vst v63  }
0x95: {  	_ =	swait.ge [sflag:s25], $0x800  }
0x96: {  	s7 =	sld [smem:$0x7FC]  }
0x97: {  	[sflag:s25] =	ssyncset.done $0x0  }
0x98: {  	[sflag:s25] =	ssyncadd.s32 $0xFFFFF800  }
0x99: {  	[spmem:s7] =	stream.linear.scatter [tilespmem:s28], [sflag:$0x2], $0x800, $0x38;
	[tilespmem:$0x1F200] =	vst v63  }
0x9a: {  	_ =	swait.ge [sflag:s25], $0x800  }
0x9b: {  	[sflag:s25] =	ssyncset.done $0x0  }
0x9c: {  	[sflag:s25] =	ssyncadd.s32 $0xFFFFF800  }
0x9d: {  	[spmem:s12] =	stream.linear.scatter [tilespmem:s28], [sflag:$0x2], $0x800, $0x38;
	[tilespmem:$0x1F200] =	vst v63  }
0x9e: {  	_ =	swait.ge [sflag:s25], $0x800  }
0x9f: {  	[sflag:s25] =	ssyncset.done $0x0  }
0xa0: {  	[sflag:s25] =	ssyncadd.s32 $0xFFFFF800  }
0xa1: {  	[spmem:s13] =	stream.linear.scatter [tilespmem:s28], [sflag:$0x2], $0x800, $0x38;
	[tilespmem:$0x1F200] =	vst v63  }
0xa2: {  	_ =	swait.ge [sflag:s25], $0x800  }
0xa3: {  	[sflag:s25] =	ssyncset.done $0x0  }
0xa4: {  	[sflag:s25] =	ssyncadd.s32 $0xFFFFF800  }
0xa5: {  	[spmem:s14] =	stream.linear.scatter [tilespmem:s28], [sflag:$0x2], $0x800, $0x38;
	[tilespmem:$0x1F200] =	vst v63  }
0xa6: {  	_ =	swait.ge [sflag:s25], $0x800  }
0xa7: {  	[sflag:s25] =	ssyncset.done $0x0  }
0xa8: {  	[sflag:s25] =	ssyncadd.s32 $0xFFFFF800  }
0xa9: {  	[spmem:s15] =	stream.linear.scatter [tilespmem:s28], [sflag:$0x2], $0x800, $0x38;
	[tilespmem:$0x1F200] =	vst v63  }
0xaa: {  	_ =	swait.ge [sflag:s25], $0x800  }
0xab: {  	[sflag:s25] =	ssyncset.done $0x0  }
0xac: {  	[sflag:s25] =	ssyncadd.s32 $0xFFFFF800  }
0xad: {  	[spmem:s16] =	stream.linear.scatter [tilespmem:s28], [sflag:$0x2], $0x800, $0x38;
	[tilespmem:$0x1F200] =	vst v63  }
0xae: {  	_ =	swait.ge [sflag:s25], $0x800  }
0xaf: {  	[sflag:s25] =	ssyncset.done $0x0  }
0xb0: {  	[sflag:s25] =	ssyncadd.s32 $0xFFFFF800  }
0xb1: {  	[spmem:s17] =	stream.linear.scatter [tilespmem:s28], [sflag:$0x2], $0x800, $0x38;
	[tilespmem:$0x1F200] =	vst v63  }
0xb2: {  	_ =	swait.ge [sflag:s25], $0x800  }
0xb3: {  	[sflag:s25] =	ssyncset.done $0x0  }
0xb4: {  	[sflag:s25] =	ssyncadd.s32 $0xFFFFF800  }
0xb5: {  	[spmem:s18] =	stream.linear.scatter [tilespmem:s28], [sflag:$0x2], $0x400, $0x38;
	[tilespmem:$0x1F200] =	vst v63  }
0xb6: {  	_ =	swait.ge [sflag:s25], $0x400  }
0xb7: {  	[sflag:s25] =	ssyncset.done $0x0  }
0xb8: {  	[sflag:s25] =	ssyncadd.s32 $0xFFFFFC00  }
0xb9: {  	[bflag:$0x0] =	sbarrier.arrive $0xFFFF  }
0xba: {  	v11 =	vld [tilespmem:$0x14D80];
	_ =	sdelay $0x4  }
0xbb: {  	v8 =	vbroadcast v11, $0x0;
	v9 =	vbroadcast v11, $0x1  }
0xbc: {  	s2 =	simm.s32 $0x0;
	v10 =	vbroadcast v11, $0x2;
	v11 =	vbroadcast v11, $0x3  }
.LBB2_4:
0xbd: {  	s3 =	sshll.u32 s2, $0x4  }
0xbe: {  	s3 =	sadd.s32 s20, s3  }
0xbf: {  	s3 =	sshrl.u32 s3, $0x3  }
0xc0: {  	s3 =	sadd.s32 s26, s3  }
0xc1: {  	[tilespmem:s1], [sflag:$0x2] =	stream.linear.gather [hbm4b:s3+s1], $0x10, $0x38;
	[tilespmem:$0x1F200] =	vst v63  }
0xc2: {  	_ =	swait.ge [sflag:s25], $0x10  }
0xc3: {  	[sflag:s25] =	ssyncset.done $0x0  }
0xc4: {  	[sflag:s25] =	ssyncadd.s32 $0xFFFFFFF0  }
0xc5: {  	v12 =	vld [tilespmem:$0x0];
	_ =	sdelay $0x4  }
0xc6: {  	v13 =	vand.u32 $0x3FFF, v12;
	v14 =	vshrl.u32 v12, $0xB  }
0xc7: {  	v15 =	vshll.u32 v13, $0x3;
	v14 =	vand.u32 $0x1FFFF8, v14  }
0xc8: {  	v13 =	vadd.s32 v2, v13;
	v16 =	vor.u32 $0x4, v15  }
0xc9: {  	v12 =	vshrl.u32 v12, $0xE;
	vm0 =	vlt.u32 v13, $0x1400;
	v18 =	vor.u32 $0x2, v14  }
0xca: {  	[tilespmem:v0+s29+$0x0] =	vst.idx.msk $0xffff, v12;
	v12 =	vsel vm0, v13, v4;
	v13 =	vor.u32 $0x1, v14  }
0xcb: {  	[tilespmem:v0+s19+$0x0] =	vst.idx.msk $0xffff, v12;
	v12 =	vor.u32 $0x5, v15  }
0xcc: {  	v19 =	vor.u32 $0x6, v15;
	v17 =	vld.idx.msk [tilespmem:v14+s23+$0x0], $0xffff  }
0xcd: {  	v16 =	vld.idx.msk [tilespmem:v16+s23+$0x0], $0xffff  }
0xce: {  	v18 =	vld.idx.msk [tilespmem:v18+s23+$0x0], $0xffff  }
0xcf: {  	v15 =	vor.u32 $0x7, v15;
	v13 =	vld.idx.msk [tilespmem:v13+s23+$0x0], $0xffff  }
0xd0: {  	v14 =	vor.u32 $0x3, v14;
	v12 =	vld.idx.msk [tilespmem:v12+s23+$0x0], $0xffff  }
0xd1: {  	v19 =	vld.idx.msk [tilespmem:v19+s23+$0x0], $0xffff  }
0xd2: {  	v17 =	vadd.f32 v16, v17;
	v16 =	vadd.f32 v16, v8;
	_ =	sdelay $0x1  }
0xd3: {  	v15 =	vld.idx.msk [tilespmem:v15+s23+$0x0], $0xffff;
	v20 =	vmul.f32 $2.000000030e-01, v17;
	v21 =	vmul.f32 $2.000000030e-01, v16  }
0xd4: {  	v14 =	vld.idx.msk [tilespmem:v14+s23+$0x0], $0xffff;
	vm9 =	vge.f32 v17, $0.0e+00;
	vm1 =	vge.f32 v16, $0.0e+00;
	v13 =	vadd.f32 v12, v13  }
0xd5: {  	v18 =	vadd.f32 v19, v18;
	v17 =	vsel vm9, v17, v20;
	v16 =	vsel vm1, v16, v21  }
0xd6: {  	v12 =	vadd.f32 v12, v9;
	v16 =	vsub.f32 v17, v16;
	v17 =	vmul.f32 $2.000000030e-01, v13  }
0xd7: {  	vm12 =	vge.f32 v18, $0.0e+00;
	vm10 =	vge.f32 v13, $0.0e+00  }
0xd8: {  	v20 =	vmul.f32 $2.000000030e-01, v12;
	v13 =	vsel vm10, v13, v17;
	v17 =	vadd.f32 v19, v10  }
0xd9: {  	vm11 =	vge.f32 v12, $0.0e+00;
	v14 =	vadd.f32 v15, v14;
	v19 =	vmul.f32 $2.000000030e-01, v18  }
0xda: {  	v15 =	vadd.f32 v15, v11;
	v12 =	vsel vm11, v12, v20;
	v20 =	vmul.f32 $2.000000030e-01, v17  }
0xdb: {  	v18 =	vsel vm12, v18, v19;
	vm13 =	vge.f32 v17, $0.0e+00;
	v19 =	vmul.f32 $2.000000030e-01, v14  }
0xdc: {  	vm14 =	vge.f32 v14, $0.0e+00;
	v17 =	vsel vm13, v17, v20;
	v20 =	vmul.f32 $2.000000030e-01, v15  }
0xdd: {  	vm15 =	vge.f32 v15, $0.0e+00;
	v12 =	vsub.f32 v13, v12;
	v13 =	vsel vm14, v14, v19  }
0xde: {  	v14 =	vmul.f32 $1.442695020e+00, v16;
	v16 =	vsub.f32 v18, v17;
	v15 =	vsel vm15, v15, v20  }
0xdf: {  	v12 =	vmul.f32 $1.442695020e+00, v12;
	v13 =	vsub.f32 v13, v15  }
0xe0: {  	(erf) = vpow2.f32 v14;
	v14 =	vmul.f32 $1.442695020e+00, v16  }
0xe1: {  	(erf) = vpow2.f32 v12;
	v12 =	vmul.f32 $1.442695020e+00, v13  }
0xe2: {  	(erf) = vpow2.f32 v14  }
0xe3: {  	(erf) = vpow2.f32 v12;
	_ =	sdelay $0x5  }
0xe4: {  	v12 =	vpop (erf)  }
0xe5: {  	v13 =	vpop (erf);
	[tilespmem:v1+s30+$0x0] =	vst.idx.msk $0xffff, v12  }
0xe6: {  	[tilespmem:v5+s30+$0x0] =	vst.idx.msk $0xffff, v13;
	v12 =	vpop (erf)  }
0xe7: {  	[tilespmem:v6+s30+$0x0] =	vst.idx.msk $0xffff, v12;
	v13 =	vpop (erf)  }
0xe8: {  	[tilespmem:v7+s30+$0x0] =	vst.idx.msk $0xffff, v13  }
0xe9: {  	[tilespmem:s28], [sflag:$0x1] =	stream.indirect.gather [hbm4b:s22+s31], $0x80, s29, s31, $0xb8;
	[tilespmem:$0x1F200] =	vst v63  }
0xea: {  	_ =	swait.ge [sflag:s21], $0x800  }
0xeb: {  	[sflag:s21] =	ssyncset.done $0x0  }
0xec: {  	s5 =	simm.s32 $0xA80;
	[sflag:s21] =	ssyncadd.s32 $0xFFFFF800  }
0xed: {  	v13 =	vld [tilespmem:s5+$0xFFFFFF00]  }
0xee: {  	s3 =	simm.s32 $0x280  }
0xef: {  	v12 =	vld [tilespmem:s3+$0xFFFFFF10]  }
0xf0: {  	v15 =	vld [tilespmem:s3+$0xFFFFFF70]  }
0xf1: {  	v16 =	vld [tilespmem:s3+$0xFFFFFF20]  }
0xf2: {  	v17 =	vld [tilespmem:s3+$0xFFFFFF00];
	v18 =	vbroadcast v13, $0x0  }
0xf3: {  	v14 =	vld [tilespmem:s3+$0xFFFFFF60];
	v20 =	vbroadcast v13, $0x3  }
0xf4: {  	v22 =	vld [tilespmem:s3+$0xFFFFFF50];
	v63 =	vbroadcast v13, $0x1;
	v23 =	vmul.f32 v12, v18  }
0xf5: {  	v24 =	vld [tilespmem:s3+$0xFFFFFF40];
	v15 =	vmul.f32 v15, v20  }
0xf6: {  	v19 =	vld [tilespmem:s3+$0xFFFFFF30];
	v16 =	vmul.f32 v16, v63;
	[tilespmem:s3+$0xFFFFFF10] =	vst v23  }
0xf7: {  	v13 =	vbroadcast v13, $0x2;
	v17 =	vmul.f32 v17, v18;
	[tilespmem:s3+$0xFFFFFF70] =	vst v15  }
0xf8: {  	v14 =	vmul.f32 v14, v20;
	[tilespmem:s3+$0xFFFFFF20] =	vst v16  }
0xf9: {  	v15 =	vmul.f32 v22, v13;
	[tilespmem:s3+$0xFFFFFF00] =	vst v17  }
0xfa: {  	v16 =	vmul.f32 v24, v13;
	[tilespmem:s3+$0xFFFFFF60] =	vst v14  }
0xfb: {  	v12 =	vld [tilespmem:s3+$0xFFFFFF90];
	v14 =	vmul.f32 v19, v63;
	[tilespmem:s3+$0xFFFFFF50] =	vst v15  }
0xfc: {  	v18 =	vld [tilespmem:s3+$0xFFFFFFB0];
	[tilespmem:s3+$0xFFFFFF40] =	vst v16  }
0xfd: {  	v13 =	vld [tilespmem:s3+$0xFFFFFFD0];
	[tilespmem:s3+$0xFFFFFF30] =	vst v14  }
0xfe: {  	v16 =	vld [tilespmem:s5+$0xFFFFFF80]  }
0xff: {  	v15 =	vld [tilespmem:s3+$0xFFFFFFF0]  }
0x100: {  	v14 =	vld [tilespmem:s3+$0xFFFFFFE0]  }
0x101: {  	s6 =	simm.s32 $0x0;
	s7 =	simm.s32 $0x280;
	s4 =	simm.s32 $0xA80;
	v17 =	vld [tilespmem:s3+$0xFFFFFFA0]  }
.LBB2_5:
0x102: {  	s6 =	sadd.s32 $0x4, s6;
	v19 =	vld [tilespmem:s3+$0xFFFFFF80];
	s7 =	sadd.s32 $0x200, s7;
	s5 =	sadd.s32 $0x200, s5  }
0x103: {  	p0 =	slt.u32 s6, $0xC;
	v20 =	vbroadcast v16, $0x0;
	v21 =	vld [tilespmem:s3+$0xFFFFFFC0];
	v22 =	vbroadcast v16, $0x3  }
0x104: {  	v23 =	vbroadcast v16, $0x1;
	v16 =	vbroadcast v16, $0x2  }
0x105: {  	v14 =	vmul.f32 v14, v22;
	v15 =	vmul.f32 v15, v22  }
0x106: {  	v17 =	vmul.f32 v17, v23;
	v18 =	vmul.f32 v18, v23  }
0x107: {  	v12 =	vmul.f32 v12, v20;
	v13 =	vmul.f32 v13, v16;
	[tilespmem:s3+$0xFFFFFFF0] =	vst v15  }
0x108: {  	v15 =	vmul.f32 v19, v20;
	[tilespmem:s3+$0xFFFFFFA0] =	vst v17;
	v16 =	vmul.f32 v21, v16  }
0x109: {  	[tilespmem:s3+$0xFFFFFFB0] =	vst v18  }
0x10a: {  	[tilespmem:s3+$0xFFFFFF80] =	vst v15  }
0x10b: {  	[tilespmem:s3+$0xFFFFFFC0] =	vst v16  }
0x10c: {  	[tilespmem:s3+$0xFFFFFFD0] =	vst v13;
	v15 =	vld [tilespmem:s3+$0x0]  }
0x10d: {  	[tilespmem:s3+$0xFFFFFFE0] =	vst v14;
	v14 =	vld [tilespmem:s3+$0x70]  }
0x10e: {  	[tilespmem:s3+$0xFFFFFF90] =	vst v12;
	v16 =	vld [tilespmem:s3+$0x20]  }
0x10f: {  	v17 =	vld [tilespmem:s4+$0x0]  }
0x110: {  	v18 =	vld [tilespmem:s3+$0x50]  }
0x111: {  	v19 =	vld [tilespmem:s3+$0x30]  }
0x112: {  	v20 =	vld [tilespmem:s3+$0x40]  }
0x113: {  	v21 =	vld [tilespmem:s3+$0x60]  }
0x114: {  	v12 =	vld [tilespmem:s7+$0xFFFFFF90];
	v22 =	vbroadcast v17, $0x0;
	v23 =	vbroadcast v17, $0x1  }
0x115: {  	v24 =	vbroadcast v17, $0x2;
	v17 =	vbroadcast v17, $0x3;
	v13 =	vld [tilespmem:s7+$0xFFFFFFD0]  }
0x116: {  	v16 =	vmul.f32 v16, v23;
	v19 =	vmul.f32 v19, v23  }
0x117: {  	v18 =	vmul.f32 v18, v24;
	v20 =	vmul.f32 v20, v24  }
0x118: {  	v14 =	vmul.f32 v14, v17;
	[tilespmem:s3+$0x30] =	vst v19;
	v19 =	vmul.f32 v21, v17  }
0x119: {  	v15 =	vmul.f32 v15, v22;
	[tilespmem:s3+$0x40] =	vst v20  }
0x11a: {  	v17 =	vld [tilespmem:s3+$0x10];
	[tilespmem:s3+$0x50] =	vst v18  }
0x11b: {  	[tilespmem:s3+$0x60] =	vst v19  }
0x11c: {  	[tilespmem:s3+$0x70] =	vst v14  }
0x11d: {  	[tilespmem:s3+$0x0] =	vst v15;
	_ =	sdelay $0x1  }
0x11e: {  	v14 =	vmul.f32 v17, v22;
	v15 =	vld [tilespmem:s3+$0xE0]  }
0x11f: {  	[tilespmem:s3+$0x20] =	vst v16;
	v16 =	vld [tilespmem:s3+$0x80]  }
0x120: {  	[tilespmem:s3+$0x10] =	vst v14;
	v14 =	vld [tilespmem:s3+$0xA0]  }
0x121: {  	v17 =	vld [tilespmem:s4+$0x80];
	s4 =	smov.u32 s5  }
0x122: {  	v18 =	vld [tilespmem:s3+$0xD0]  }
0x123: {  	v19 =	vld [tilespmem:s3+$0x90]  }
0x124: {  	v20 =	vld [tilespmem:s3+$0xC0]  }
0x125: {  	v21 =	vld [tilespmem:s3+$0xF0]  }
0x126: {  	v22 =	vbroadcast v17, $0x0;
	v23 =	vbroadcast v17, $0x1;
	v24 =	vld [tilespmem:s3+$0xB0]  }
0x127: {  	v25 =	vbroadcast v17, $0x2;
	v17 =	vbroadcast v17, $0x3  }
0x128: {  	v16 =	vmul.f32 v16, v22;
	v19 =	vmul.f32 v19, v22  }
0x129: {  	v18 =	vmul.f32 v18, v25;
	v20 =	vmul.f32 v20, v25  }
0x12a: {  	v15 =	vmul.f32 v15, v17;
	[tilespmem:s3+$0x80] =	vst v16;
	v16 =	vmul.f32 v21, v17  }
0x12b: {  	v14 =	vmul.f32 v14, v23;
	v17 =	vmul.f32 v24, v23;
	[tilespmem:s3+$0xC0] =	vst v20  }
0x12c: {  	[tilespmem:s3+$0xE0] =	vst v15  }
0x12d: {  	[tilespmem:s3+$0xF0] =	vst v16  }
0x12e: {  	[tilespmem:s3+$0xD0] =	vst v18  }
0x12f: {  	[tilespmem:s3+$0x90] =	vst v19  }
0x130: {  	v15 =	vld [tilespmem:s7+$0xFFFFFF60];
	[tilespmem:s3+$0xA0] =	vst v14  }
0x131: {  	v14 =	vld [tilespmem:s7+$0xFFFFFF70];
	[tilespmem:s3+$0xB0] =	vst v17;
	s3 =	smov.u32 s7  }
0x132: {  	v16 =	vld [tilespmem:s5+$0xFFFFFF00]  }
0x133: {  	v17 =	vld [tilespmem:s7+$0xFFFFFF20]  }
0x134: {  	v18 =	vld [tilespmem:s7+$0xFFFFFF10]  }
0x135: {  	v19 =	vld [tilespmem:s7+$0xFFFFFF30]  }
0x136: {  	v20 =	vld [tilespmem:s7+$0xFFFFFF00]  }
0x137: {  	v21 =	vbroadcast v16, $0x0;
	v22 =	vbroadcast v16, $0x1;
	v23 =	vld [tilespmem:s7+$0xFFFFFF50]  }
0x138: {  	v25 =	vbroadcast v16, $0x2;
	v16 =	vbroadcast v16, $0x3;
	v24 =	vld [tilespmem:s7+$0xFFFFFF40]  }
0x139: {  	v18 =	vmul.f32 v18, v21;
	v17 =	vmul.f32 v17, v22  }
0x13a: {  	v14 =	vmul.f32 v14, v16;
	v19 =	vmul.f32 v19, v22  }
0x13b: {  	v15 =	vmul.f32 v15, v16;
	v20 =	vmul.f32 v20, v21;
	[tilespmem:s7+$0xFFFFFF10] =	vst v18  }
0x13c: {  	v16 =	vmul.f32 v23, v25;
	[tilespmem:s7+$0xFFFFFF70] =	vst v14  }
0x13d: {  	[tilespmem:s7+$0xFFFFFF20] =	vst v17;
	v14 =	vmul.f32 v24, v25  }
0x13e: {  	[tilespmem:s7+$0xFFFFFF00] =	vst v20  }
0x13f: {  	[tilespmem:s7+$0xFFFFFF60] =	vst v15  }
0x140: {  	[tilespmem:s7+$0xFFFFFF50] =	vst v16  }
0x141: {  	[tilespmem:s7+$0xFFFFFF40] =	vst v14  }
.Ltmp1:
0x142: {  	[tilespmem:s7+$0xFFFFFF30] =	vst v19;
	v15 =	vld [tilespmem:s7+$0xFFFFFFF0];
	(pc) =	sbr.rel @p0 .LBB2_5-.Ltmp1, $4  }
0x143: {  	v16 =	vld [tilespmem:s5+$0xFFFFFF80]  }
0x144: {  	v17 =	vld [tilespmem:s7+$0xFFFFFFA0]  }
0x145: {  	v14 =	vld [tilespmem:s7+$0xFFFFFFE0]  }
0x146: {  	v18 =	vld [tilespmem:s7+$0xFFFFFFB0]  }
0x147: {  	_ = 	snop  }
0x148: {  	v20 =	vbroadcast v16, $0x3  }
0x149: {  	v21 =	vbroadcast v16, $0x1  }
0x14a: {  	v23 =	vbroadcast v16, $0x2;
	v15 =	vmul.f32 v15, v20  }
0x14b: {  	v19 =	vld [tilespmem:s3+$0xFFFFFFC0];
	v17 =	vmul.f32 v17, v21  }
0x14c: {  	v22 =	vld [tilespmem:s3+$0xFFFFFF80];
	v32 =	vbroadcast v16, $0x0;
	v13 =	vmul.f32 v13, v23;
	[tilespmem:s3+$0xFFFFFFF0] =	vst v15  }
0x14d: {  	v14 =	vmul.f32 v14, v20;
	[tilespmem:s3+$0xFFFFFFA0] =	vst v17  }
0x14e: {  	v12 =	vmul.f32 v12, v32;
	[tilespmem:s3+$0xFFFFFFD0] =	vst v13  }
0x14f: {  	v18 =	vmul.f32 v18, v21;
	[tilespmem:s3+$0xFFFFFFE0] =	vst v14  }
0x150: {  	v33 =	vmul.f32 v19, v23;
	[tilespmem:s3+$0xFFFFFF90] =	vst v12  }
0x151: {  	v34 =	vmul.f32 v22, v32;
	[tilespmem:s3+$0xFFFFFFB0] =	vst v18  }
0x152: {  	[tilespmem:s3+$0xFFFFFFC0] =	vst v33  }
0x153: {  	[tilespmem:s3+$0xFFFFFF80] =	vst v34  }
0x154: {  	v12 =	vld [tilespmem:s4+$0x0];
	_ =	sdelay $0x1  }
0x155: {  	v36 =	vld [tilespmem:s3+$0x30]  }
0x156: {  	v37 =	vld [tilespmem:s3+$0x40]  }
0x157: {  	v40 =	vld [tilespmem:s3+$0x50]  }
0x158: {  	v42 =	vld [tilespmem:s3+$0x60];
	v39 =	vbroadcast v12, $0x1  }
0x159: {  	v35 =	vld [tilespmem:s3+$0x0];
	v41 =	vbroadcast v12, $0x2  }
0x15a: {  	v43 =	vld [tilespmem:s3+$0x20];
	v14 =	vmul.f32 v36, v39  }
0x15b: {  	v46 =	vld [tilespmem:s3+$0x10];
	v44 =	vbroadcast v12, $0x3;
	v15 =	vmul.f32 v37, v41  }
0x15c: {  	v38 =	vld [tilespmem:s3+$0x70];
	v12 =	vbroadcast v12, $0x0;
	v45 =	vmul.f32 v40, v41;
	[tilespmem:s3+$0x30] =	vst v14  }
0x15d: {  	v47 =	vmul.f32 v42, v44;
	[tilespmem:s3+$0x40] =	vst v15  }
0x15e: {  	v13 =	vmul.f32 v35, v12;
	[tilespmem:s3+$0x50] =	vst v45  }
0x15f: {  	v48 =	vmul.f32 v43, v39;
	[tilespmem:s3+$0x60] =	vst v47  }
0x160: {  	v12 =	vmul.f32 v46, v12;
	[tilespmem:s3+$0x0] =	vst v13  }
0x161: {  	v14 =	vmul.f32 v38, v44;
	[tilespmem:s3+$0x20] =	vst v48  }
0x162: {  	[tilespmem:s3+$0x10] =	vst v12  }
0x163: {  	[tilespmem:s3+$0x70] =	vst v14  }
0x164: {  	v12 =	vld [tilespmem:s4+$0x80];
	_ =	sdelay $0x1  }
0x165: {  	v50 =	vld [tilespmem:s3+$0x80]  }
0x166: {  	v51 =	vld [tilespmem:s3+$0xC0]  }
0x167: {  	v49 =	vld [tilespmem:s3+$0xE0]  }
0x168: {  	v53 =	vld [tilespmem:s3+$0xF0];
	v54 =	vbroadcast v12, $0x0  }
0x169: {  	v55 =	vld [tilespmem:s3+$0xD0];
	v56 =	vbroadcast v12, $0x2  }
0x16a: {  	v57 =	vld [tilespmem:s3+$0x90];
	v58 =	vbroadcast v12, $0x3;
	v14 =	vmul.f32 v50, v54  }
0x16b: {  	v52 =	vld [tilespmem:s3+$0xA0];
	v15 =	vmul.f32 v51, v56  }
0x16c: {  	v59 =	vld [tilespmem:s3+$0xB0];
	v13 =	vmul.f32 v49, v58;
	[tilespmem:s3+$0x80] =	vst v14  }
0x16d: {  	v60 =	vmul.f32 v53, v58;
	[tilespmem:s3+$0xC0] =	vst v15  }
0x16e: {  	v12 =	vbroadcast v12, $0x1;
	v61 =	vmul.f32 v55, v56;
	[tilespmem:s3+$0xE0] =	vst v13  }
0x16f: {  	v62 =	vmul.f32 v57, v54;
	[tilespmem:s3+$0xF0] =	vst v60  }
0x170: {  	v63 =	vmul.f32 v52, v12;
	[tilespmem:s3+$0xD0] =	vst v61  }
0x171: {  	s2 =	sadd.s32 $0x1, s2;
	v12 =	vmul.f32 v59, v12;
	[tilespmem:s3+$0x90] =	vst v62  }
0x172: {  	p0 =	sne.s32 s2, $0x4E2;
	[tilespmem:s3+$0xA0] =	vst v63  }
.Ltmp2:
0x173: {  	[tilespmem:s3+$0xB0] =	vst v12;
	(pc) =	sbr.rel @p0 .LBB2_4-.Ltmp2, $4  }
0x174: {  	[spmem:s24] =	stream.indirect.scatter.add.f32 [tilespmem:s28], [sflag:$0x2], $0x80, s19, s31, $0xb8;
	[tilespmem:$0x1F200] =	vst v63  }
0x175: {  	_ =	swait.ge [sflag:s25], $0x800  }
0x176: {  	[sflag:s25] =	ssyncset.done $0x0  }
0x177: {  	[sflag:s25] =	ssyncadd.s32 $0xFFFFF800  }
0x178: {  	[bflag:$0x0] =	sbarrier.arrive $0xFFFF  }
0x179: {  	s2 =	rddreg [dreg:$0x1b]  }
0x17a: {  	[tilespmem:s28], [sflag:$0x2] =	stream.linear.gather [spmem:s2], $0x800, $0x38;
	[tilespmem:$0x1F200] =	vst v63  }
0x17b: {  	_ =	swait.ge [sflag:s25], $0x800  }
0x17c: {  	[sflag:s25] =	ssyncset.done $0x0  }
0x17d: {  	s6 =	rddreg [dreg:$0x4];
	[sflag:s25] =	ssyncadd.s32 $0xFFFFF800  }
0x17e: {  	[hbm4b:s6+s1] =	stream.linear.scatter [tilespmem:s28], [sflag:$0x2], $0x800, $0x38;
	[tilespmem:$0x1F200] =	vst v63  }
0x17f: {  	_ =	swait.ge [sflag:s25], $0x800  }
0x180: {  	[sflag:s25] =	ssyncset.done $0x0  }
0x181: {  	[sflag:s25] =	ssyncadd.s32 $0xFFFFF800  }
0x182: {  	[tilespmem:s28], [sflag:$0x2] =	stream.linear.gather [spmem:s8], $0x800, $0x38;
	[tilespmem:$0x1F200] =	vst v63  }
0x183: {  	_ =	swait.ge [sflag:s25], $0x800  }
0x184: {  	[sflag:s25] =	ssyncset.done $0x0  }
0x185: {  	s7 =	rddreg [dreg:$0x5];
	[sflag:s25] =	ssyncadd.s32 $0xFFFFF800  }
0x186: {  	[hbm4b:s7+s1] =	stream.linear.scatter [tilespmem:s28], [sflag:$0x2], $0x800, $0x38;
	[tilespmem:$0x1F200] =	vst v63  }
0x187: {  	_ =	swait.ge [sflag:s25], $0x800  }
0x188: {  	[sflag:s25] =	ssyncset.done $0x0  }
0x189: {  	[sflag:s25] =	ssyncadd.s32 $0xFFFFF800  }
0x18a: {  	[tilespmem:s28], [sflag:$0x2] =	stream.linear.gather [spmem:s9], $0x800, $0x38;
	[tilespmem:$0x1F200] =	vst v63  }
0x18b: {  	_ =	swait.ge [sflag:s25], $0x800  }
0x18c: {  	[sflag:s25] =	ssyncset.done $0x0  }
0x18d: {  	s4 =	smov.u32 s8;
	s8 =	rddreg [dreg:$0x6];
	[sflag:s25] =	ssyncadd.s32 $0xFFFFF800  }
0x18e: {  	[hbm4b:s8+s1] =	stream.linear.scatter [tilespmem:s28], [sflag:$0x2], $0x800, $0x38;
	[tilespmem:$0x1F200] =	vst v63  }
0x18f: {  	_ =	swait.ge [sflag:s25], $0x800  }
0x190: {  	[sflag:s25] =	ssyncset.done $0x0  }
0x191: {  	[sflag:s25] =	ssyncadd.s32 $0xFFFFF800  }
0x192: {  	[tilespmem:s28], [sflag:$0x2] =	stream.linear.gather [spmem:s10], $0x800, $0x38;
	[tilespmem:$0x1F200] =	vst v63  }
0x193: {  	_ =	swait.ge [sflag:s25], $0x800  }
0x194: {  	[sflag:s25] =	ssyncset.done $0x0  }
0x195: {  	s5 =	smov.u32 s9;
	s9 =	rddreg [dreg:$0x7];
	[sflag:s25] =	ssyncadd.s32 $0xFFFFF800  }
0x196: {  	[hbm4b:s9+s1] =	stream.linear.scatter [tilespmem:s28], [sflag:$0x2], $0x800, $0x38;
	[tilespmem:$0x1F200] =	vst v63  }
0x197: {  	_ =	swait.ge [sflag:s25], $0x800  }
0x198: {  	[sflag:s25] =	ssyncset.done $0x0  }
0x199: {  	[sflag:s25] =	ssyncadd.s32 $0xFFFFF800  }
0x19a: {  	[tilespmem:s28], [sflag:$0x2] =	stream.linear.gather [spmem:s11], $0x800, $0x38;
	[tilespmem:$0x1F200] =	vst v63  }
0x19b: {  	_ =	swait.ge [sflag:s25], $0x800  }
0x19c: {  	[sflag:s25] =	ssyncset.done $0x0  }
0x19d: {  	s6 =	smov.u32 s10;
	s10 =	rddreg [dreg:$0x8];
	[sflag:s25] =	ssyncadd.s32 $0xFFFFF800  }
0x19e: {  	[hbm4b:s10+s1] =	stream.linear.scatter [tilespmem:s28], [sflag:$0x2], $0x800, $0x38;
	[tilespmem:$0x1F200] =	vst v63  }
0x19f: {  	_ =	swait.ge [sflag:s25], $0x800  }
0x1a0: {  	[sflag:s25] =	ssyncset.done $0x0  }
0x1a1: {  	s7 =	smov.u32 s11;
	s11 =	rddreg [dreg:$0x1c];
	[sflag:s25] =	ssyncadd.s32 $0xFFFFF800  }
0x1a2: {  	[tilespmem:s28], [sflag:$0x2] =	stream.linear.gather [spmem:s11], $0x800, $0x38;
	[tilespmem:$0x1F200] =	vst v63  }
0x1a3: {  	_ =	swait.ge [sflag:s25], $0x800  }
0x1a4: {  	[sflag:s25] =	ssyncset.done $0x0  }
0x1a5: {  	s3 =	rddreg [dreg:$0x9];
	[sflag:s25] =	ssyncadd.s32 $0xFFFFF800  }
0x1a6: {  	[hbm4b:s3+s1] =	stream.linear.scatter [tilespmem:s28], [sflag:$0x2], $0x800, $0x38;
	[tilespmem:$0x1F200] =	vst v63  }
0x1a7: {  	_ =	swait.ge [sflag:s25], $0x800  }
0x1a8: {  	[sflag:s25] =	ssyncset.done $0x0  }
0x1a9: {  	s8 =	rddreg [dreg:$0x1d];
	[sflag:s25] =	ssyncadd.s32 $0xFFFFF800  }
0x1aa: {  	[tilespmem:s28], [sflag:$0x2] =	stream.linear.gather [spmem:s8], $0x800, $0x38;
	[tilespmem:$0x1F200] =	vst v63  }
0x1ab: {  	_ =	swait.ge [sflag:s25], $0x800  }
0x1ac: {  	[sflag:s25] =	ssyncset.done $0x0  }
0x1ad: {  	s9 =	rddreg [dreg:$0xa];
	[sflag:s25] =	ssyncadd.s32 $0xFFFFF800  }
0x1ae: {  	[hbm4b:s9+s1] =	stream.linear.scatter [tilespmem:s28], [sflag:$0x2], $0x800, $0x38;
	[tilespmem:$0x1F200] =	vst v63  }
0x1af: {  	_ =	swait.ge [sflag:s25], $0x800  }
0x1b0: {  	[sflag:s25] =	ssyncset.done $0x0  }
0x1b1: {  	s10 =	rddreg [dreg:$0x1e];
	[sflag:s25] =	ssyncadd.s32 $0xFFFFF800  }
0x1b2: {  	[tilespmem:s28], [sflag:$0x2] =	stream.linear.gather [spmem:s10], $0x800, $0x38;
	[tilespmem:$0x1F200] =	vst v63  }
0x1b3: {  	_ =	swait.ge [sflag:s25], $0x800  }
0x1b4: {  	[sflag:s25] =	ssyncset.done $0x0  }
0x1b5: {  	s11 =	rddreg [dreg:$0xb];
	[sflag:s25] =	ssyncadd.s32 $0xFFFFF800  }
0x1b6: {  	[hbm4b:s11+s1] =	stream.linear.scatter [tilespmem:s28], [sflag:$0x2], $0x800, $0x38;
	[tilespmem:$0x1F200] =	vst v63  }
0x1b7: {  	_ =	swait.ge [sflag:s25], $0x800  }
0x1b8: {  	[sflag:s25] =	ssyncset.done $0x0  }
0x1b9: {  	s3 =	rddreg [dreg:$0x1f];
	[sflag:s25] =	ssyncadd.s32 $0xFFFFF800  }
0x1ba: {  	[tilespmem:s28], [sflag:$0x2] =	stream.linear.gather [spmem:s3], $0x800, $0x38;
	[tilespmem:$0x1F200] =	vst v63  }
0x1bb: {  	_ =	swait.ge [sflag:s25], $0x800  }
0x1bc: {  	[sflag:s25] =	ssyncset.done $0x0  }
0x1bd: {  	s8 =	rddreg [dreg:$0xc];
	[sflag:s25] =	ssyncadd.s32 $0xFFFFF800  }
0x1be: {  	[hbm4b:s8+s1] =	stream.linear.scatter [tilespmem:s28], [sflag:$0x2], $0x800, $0x38;
	[tilespmem:$0x1F200] =	vst v63  }
0x1bf: {  	_ =	swait.ge [sflag:s25], $0x800  }
0x1c0: {  	s9 =	sld [smem:$0x7F8]  }
0x1c1: {  	[sflag:s25] =	ssyncset.done $0x0  }
0x1c2: {  	[sflag:s25] =	ssyncadd.s32 $0xFFFFF800  }
0x1c3: {  	[tilespmem:s28], [sflag:$0x2] =	stream.linear.gather [spmem:s9], $0x800, $0x38;
	[tilespmem:$0x1F200] =	vst v63  }
0x1c4: {  	_ =	swait.ge [sflag:s25], $0x800  }
0x1c5: {  	[sflag:s25] =	ssyncset.done $0x0  }
0x1c6: {  	s10 =	rddreg [dreg:$0xd];
	[sflag:s25] =	ssyncadd.s32 $0xFFFFF800  }
0x1c7: {  	[hbm4b:s10+s1] =	stream.linear.scatter [tilespmem:s28], [sflag:$0x2], $0x800, $0x38;
	[tilespmem:$0x1F200] =	vst v63  }
0x1c8: {  	_ =	swait.ge [sflag:s25], $0x800  }
0x1c9: {  	s11 =	sld [smem:$0x7F9]  }
0x1ca: {  	[sflag:s25] =	ssyncset.done $0x0  }
0x1cb: {  	[sflag:s25] =	ssyncadd.s32 $0xFFFFF800  }
0x1cc: {  	[tilespmem:s28], [sflag:$0x2] =	stream.linear.gather [spmem:s11], $0x800, $0x38;
	[tilespmem:$0x1F200] =	vst v63  }
0x1cd: {  	_ =	swait.ge [sflag:s25], $0x800  }
0x1ce: {  	[sflag:s25] =	ssyncset.done $0x0  }
0x1cf: {  	s3 =	rddreg [dreg:$0xe];
	[sflag:s25] =	ssyncadd.s32 $0xFFFFF800  }
0x1d0: {  	[hbm4b:s3+s1] =	stream.linear.scatter [tilespmem:s28], [sflag:$0x2], $0x800, $0x38;
	[tilespmem:$0x1F200] =	vst v63  }
0x1d1: {  	_ =	swait.ge [sflag:s25], $0x800  }
0x1d2: {  	s8 =	sld [smem:$0x7FA]  }
0x1d3: {  	[sflag:s25] =	ssyncset.done $0x0  }
0x1d4: {  	[sflag:s25] =	ssyncadd.s32 $0xFFFFF800  }
0x1d5: {  	[tilespmem:s28], [sflag:$0x2] =	stream.linear.gather [spmem:s8], $0x800, $0x38;
	[tilespmem:$0x1F200] =	vst v63  }
0x1d6: {  	_ =	swait.ge [sflag:s25], $0x800  }
0x1d7: {  	[sflag:s25] =	ssyncset.done $0x0  }
0x1d8: {  	s9 =	rddreg [dreg:$0xf];
	[sflag:s25] =	ssyncadd.s32 $0xFFFFF800  }
0x1d9: {  	[hbm4b:s9+s1] =	stream.linear.scatter [tilespmem:s28], [sflag:$0x2], $0x800, $0x38;
	[tilespmem:$0x1F200] =	vst v63  }
0x1da: {  	_ =	swait.ge [sflag:s25], $0x800  }
0x1db: {  	s10 =	sld [smem:$0x7FB]  }
0x1dc: {  	[sflag:s25] =	ssyncset.done $0x0  }
0x1dd: {  	[sflag:s25] =	ssyncadd.s32 $0xFFFFF800  }
0x1de: {  	[tilespmem:s28], [sflag:$0x2] =	stream.linear.gather [spmem:s10], $0x800, $0x38;
	[tilespmem:$0x1F200] =	vst v63  }
0x1df: {  	_ =	swait.ge [sflag:s25], $0x800  }
0x1e0: {  	[sflag:s25] =	ssyncset.done $0x0  }
0x1e1: {  	s11 =	rddreg [dreg:$0x10];
	[sflag:s25] =	ssyncadd.s32 $0xFFFFF800  }
0x1e2: {  	[hbm4b:s11+s1] =	stream.linear.scatter [tilespmem:s28], [sflag:$0x2], $0x800, $0x38;
	[tilespmem:$0x1F200] =	vst v63  }
0x1e3: {  	_ =	swait.ge [sflag:s25], $0x800  }
0x1e4: {  	s3 =	sld [smem:$0x7FC]  }
0x1e5: {  	[sflag:s25] =	ssyncset.done $0x0  }
0x1e6: {  	[sflag:s25] =	ssyncadd.s32 $0xFFFFF800  }
0x1e7: {  	[tilespmem:s28], [sflag:$0x2] =	stream.linear.gather [spmem:s3], $0x800, $0x38;
	[tilespmem:$0x1F200] =	vst v63  }
0x1e8: {  	_ =	swait.ge [sflag:s25], $0x800  }
0x1e9: {  	[sflag:s25] =	ssyncset.done $0x0  }
0x1ea: {  	s8 =	rddreg [dreg:$0x11];
	[sflag:s25] =	ssyncadd.s32 $0xFFFFF800  }
0x1eb: {  	[hbm4b:s8+s1] =	stream.linear.scatter [tilespmem:s28], [sflag:$0x2], $0x800, $0x38;
	[tilespmem:$0x1F200] =	vst v63  }
0x1ec: {  	_ =	swait.ge [sflag:s25], $0x800  }
0x1ed: {  	[sflag:s25] =	ssyncset.done $0x0  }
0x1ee: {  	[sflag:s25] =	ssyncadd.s32 $0xFFFFF800  }
0x1ef: {  	[tilespmem:s28], [sflag:$0x2] =	stream.linear.gather [spmem:s12], $0x800, $0x38;
	[tilespmem:$0x1F200] =	vst v63  }
0x1f0: {  	_ =	swait.ge [sflag:s25], $0x800  }
0x1f1: {  	[sflag:s25] =	ssyncset.done $0x0  }
0x1f2: {  	s9 =	rddreg [dreg:$0x12];
	[sflag:s25] =	ssyncadd.s32 $0xFFFFF800  }
0x1f3: {  	[hbm4b:s9+s1] =	stream.linear.scatter [tilespmem:s28], [sflag:$0x2], $0x800, $0x38;
	[tilespmem:$0x1F200] =	vst v63  }
0x1f4: {  	_ =	swait.ge [sflag:s25], $0x800  }
0x1f5: {  	[sflag:s25] =	ssyncset.done $0x0  }
0x1f6: {  	[sflag:s25] =	ssyncadd.s32 $0xFFFFF800  }
0x1f7: {  	[tilespmem:s28], [sflag:$0x2] =	stream.linear.gather [spmem:s13], $0x800, $0x38;
	[tilespmem:$0x1F200] =	vst v63  }
0x1f8: {  	_ =	swait.ge [sflag:s25], $0x800  }
0x1f9: {  	[sflag:s25] =	ssyncset.done $0x0  }
0x1fa: {  	s10 =	rddreg [dreg:$0x13];
	[sflag:s25] =	ssyncadd.s32 $0xFFFFF800  }
0x1fb: {  	[hbm4b:s10+s1] =	stream.linear.scatter [tilespmem:s28], [sflag:$0x2], $0x800, $0x38;
	[tilespmem:$0x1F200] =	vst v63  }
0x1fc: {  	_ =	swait.ge [sflag:s25], $0x800  }
0x1fd: {  	[sflag:s25] =	ssyncset.done $0x0  }
0x1fe: {  	[sflag:s25] =	ssyncadd.s32 $0xFFFFF800  }
0x1ff: {  	[tilespmem:s28], [sflag:$0x2] =	stream.linear.gather [spmem:s14], $0x800, $0x38;
	[tilespmem:$0x1F200] =	vst v63  }
0x200: {  	_ =	swait.ge [sflag:s25], $0x800  }
0x201: {  	[sflag:s25] =	ssyncset.done $0x0  }
0x202: {  	s11 =	rddreg [dreg:$0x14];
	[sflag:s25] =	ssyncadd.s32 $0xFFFFF800  }
0x203: {  	[hbm4b:s11+s1] =	stream.linear.scatter [tilespmem:s28], [sflag:$0x2], $0x800, $0x38;
	[tilespmem:$0x1F200] =	vst v63  }
0x204: {  	_ =	swait.ge [sflag:s25], $0x800  }
0x205: {  	[sflag:s25] =	ssyncset.done $0x0  }
0x206: {  	[sflag:s25] =	ssyncadd.s32 $0xFFFFF800  }
0x207: {  	[tilespmem:s28], [sflag:$0x2] =	stream.linear.gather [spmem:s15], $0x800, $0x38;
	[tilespmem:$0x1F200] =	vst v63  }
0x208: {  	_ =	swait.ge [sflag:s25], $0x800  }
0x209: {  	[sflag:s25] =	ssyncset.done $0x0  }
0x20a: {  	s3 =	rddreg [dreg:$0x15];
	[sflag:s25] =	ssyncadd.s32 $0xFFFFF800  }
0x20b: {  	[hbm4b:s3+s1] =	stream.linear.scatter [tilespmem:s28], [sflag:$0x2], $0x800, $0x38;
	[tilespmem:$0x1F200] =	vst v63  }
0x20c: {  	_ =	swait.ge [sflag:s25], $0x800  }
0x20d: {  	[sflag:s25] =	ssyncset.done $0x0  }
0x20e: {  	[sflag:s25] =	ssyncadd.s32 $0xFFFFF800  }
0x20f: {  	[tilespmem:s28], [sflag:$0x2] =	stream.linear.gather [spmem:s16], $0x800, $0x38;
	[tilespmem:$0x1F200] =	vst v63  }
0x210: {  	_ =	swait.ge [sflag:s25], $0x800  }
0x211: {  	[sflag:s25] =	ssyncset.done $0x0  }
0x212: {  	s8 =	rddreg [dreg:$0x16];
	[sflag:s25] =	ssyncadd.s32 $0xFFFFF800  }
0x213: {  	[hbm4b:s8+s1] =	stream.linear.scatter [tilespmem:s28], [sflag:$0x2], $0x800, $0x38;
	[tilespmem:$0x1F200] =	vst v63  }
0x214: {  	_ =	swait.ge [sflag:s25], $0x800  }
0x215: {  	[sflag:s25] =	ssyncset.done $0x0  }
0x216: {  	[sflag:s25] =	ssyncadd.s32 $0xFFFFF800  }
0x217: {  	[tilespmem:s28], [sflag:$0x2] =	stream.linear.gather [spmem:s17], $0x800, $0x38;
	[tilespmem:$0x1F200] =	vst v63  }
0x218: {  	_ =	swait.ge [sflag:s25], $0x800  }
0x219: {  	[sflag:s25] =	ssyncset.done $0x0  }
0x21a: {  	s9 =	rddreg [dreg:$0x17];
	[sflag:s25] =	ssyncadd.s32 $0xFFFFF800  }
0x21b: {  	[hbm4b:s9+s1] =	stream.linear.scatter [tilespmem:s28], [sflag:$0x2], $0x800, $0x38;
	[tilespmem:$0x1F200] =	vst v63  }
0x21c: {  	_ =	swait.ge [sflag:s25], $0x800  }
0x21d: {  	[sflag:s25] =	ssyncset.done $0x0  }
0x21e: {  	[sflag:s25] =	ssyncadd.s32 $0xFFFFF800  }
0x21f: {  	[tilespmem:s28], [sflag:$0x2] =	stream.linear.gather [spmem:s18], $0x400, $0x38;
	[tilespmem:$0x1F200] =	vst v63  }
0x220: {  	_ =	swait.ge [sflag:s25], $0x400  }
0x221: {  	[sflag:s25] =	ssyncset.done $0x0  }
0x222: {  	s10 =	rddreg [dreg:$0x18];
	[sflag:s25] =	ssyncadd.s32 $0xFFFFFC00  }
0x223: {  	[hbm4b:s10+s1] =	stream.linear.scatter [tilespmem:s28], [sflag:$0x2], $0x400, $0x38;
	[tilespmem:$0x1F200] =	vst v63  }
0x224: {  	_ =	swait.ge [sflag:s25], $0x400  }
0x225: {  	s11 =	sld [smem:$0x7FD];
	_ =	sdelay $0x1  }
0x226: {  	s0 =	sadd.s32 $0x1, s0  }
0x227: {  	p0 =	sne.s32 s0, s11  }
.Ltmp3:
0x228: {  	_ = 	snop;
	(pc) =	sbr.rel @p0 .LBB2_1-.Ltmp3, $3  }
0x229: {  	_ =	sdelay $0x1  }
0x22a: {  	[sflag:s25] =	ssyncset.done $0x0  }
0x22b: {  	[sflag:s25] =	ssyncadd.s32 $0xFFFFFC00  }
0x22c: {  	_ =	sfence.sel $0x180000  }
0x22d: {  	[bflag:$0x0] =	sbarrier.arrive $0xFFFF  }
0x22e: {  	_ =	strace $0x90000047  }
0x22f: {  	s0 =	stileid.u32;
	[bflag:$0x2] =	sbarrier.arrive $0xFFFF  }
0x230: {  	p0 =	sne.s32 s0, $0x0;
	s0 =	rddreg [dreg:$0x3]  }
0x231: {  	s0 =	sadd.s32 @!p0 $0x100000, s0  }
0x232: {  	[sflag:s0] =	ssyncadd.tile.s32 @!p0 $0x1;
	_ =	shalt  }
.Lfunc_end2:
_tile_overlayer_lowered:
.L_overlay_start_2:
0x233: {  	(tag) =	ssettag $0x2  }
0x234: {  	s0 =	rddreg [dreg:$0x0];
	s2 =	stileid.u32  }
0x235: {  	s1 =	rddreg [dreg:$0x1];
	p0 =	sne.s32 s2, $0x0  }
0x236: {  	s3 =	rddreg [dreg:$0x2];
	[bflag:$0x3] =	sbarrier.arrive $0xFFFF;
	s2 =	simm.s32 @!p0 $0x1C02  }
0x237: {  	[timem:s3], [sflag:s2] =	dma.local @!p0 [hbm:s0], s1  }
0x238: {  	s0 =	simm.s32 @!p0 $0x2  }
0x239: {  	_ =	swait.ge @!p0 [sflag:s0], s1  }
0x23a: {  	s1 =	ssub.s32 @!p0 $0x0, s1;
	[sflag:s0] =	ssyncset.done @!p0 $0x0  }
0x23b: {  	[sflag:s0] =	ssyncadd.s32 @!p0 s1  }
0x23c: {  	[bflag:$0x3] =	sbarrier.arrive $0xFFFF  }
0x23d: {  	_ =	shalt  }

// kernel: closed_call.26.cloned.1.call-start
scs
__scs_entry_jumppad:
0x0: {  	(pc) =	sbr.rel $0x88, $3  }
0x1: {  	(tag) =	ssettag $0x0;
	lr =	simm.s32 $0x1  }
0x2: {  	[smem:$0x3F97] =	sst lr;
	_ =	strace $0xD0000000  }
0x3: {  	_ = 	snop  }
0x4: {  	_ = 	snop  }
0x5: {  	_ = 	snop  }
0x6: {  	_ = 	snop  }
0x7: {  	_ = 	snop  }
__scs_overlays_trampoline_lowered:
0x8: {  	[smem:$0x3FA6] =	sst s0  }
0x9: {  	[smem:$0x3FA7] =	sst s1  }
0xa: {  	[smem:$0x3FA8] =	sst s2  }
0xb: {  	[smem:$0x3FA9] =	sst s3  }
0xc: {  	[smem:$0x3FAA] =	sst s4  }
0xd: {  	[smem:$0x3FAB] =	sst s5  }
0xe: {  	[smem:$0x3FAC] =	sst s6  }
0xf: {  	[smem:$0x3FAD] =	sst s7  }
0x10: {  	[smem:$0x3FAE] =	sst s8  }
0x11: {  	[smem:$0x3FAF] =	sst s9;
	s0 =	simm.s32 @!p0 $0x0  }
0x12: {  	s1 =	sld [smem:$0x3F95];
	s0 =	simm.s32 @p0 $0x1  }
0x13: {  	[smem:$0x3FB0] =	sst s0;
	s0 =	simm.s32 @!p1 $0x0  }
0x14: {  	s2 =	sld [smem:$0x3F94];
	s0 =	simm.s32 @p1 $0x1  }
0x15: {  	[smem:$0x3FB1] =	sst s0;
	s0 =	simm.s32 @!p2 $0x0  }
0x16: {  	s3 =	sld [smem:$0x3FDB];
	s0 =	simm.s32 @p2 $0x1  }
0x17: {  	s4 =	simm.s32 $0x1BF5;
	[smem:$0x3FB3] =	sst s0  }
0x18: {  	s0 =	sld [smem:$0x3F96];
	_ =	swait.ge [sflag:s4], $0x0  }
0x19: {  	s7 =	sld [smem:$0x3F97]  }
0x1a: {  	s8 =	sadd.s32 $0xFFFFE003, lr  }
0x1b: {  	s9 =	sadd.s32 $0xFFFFFEF7, lr;
	s5 =	simm.s32 $0xFFFFFFFF;
	p2 =	slt.u32 s8, $0xFFFFF086  }
0x1c: {  	p1 =	slt.u32 s9, $0xF7A;
	s5 =	simm.s32 @!p2 $0x0  }
0x1d: {  	s5 =	simm.s32 @p1 $0x1;
	p0 =	seq.s32 s7, s2  }
0x1e: {  	s7 =	smul.u32 @!p0 $0xF7A, s2;
	p2 =	seq.s32 @!p0 s5, $0x0  }
0x1f: {  	s9 =	smul.u32 $0xF7A, s1;
	s8 =	simm.s32 @!p0 $0x1BF5;
	p2 =	por !p2, p0  }
0x20: {  	[sflag:s8] =	ssyncset.s32 @!p0 $0xFFFFF086;
	s6 =	sadd.s32 @!p0 s3, s7;
	s7 =	simm.s32 @!p0 $0x108  }
0x21: {  	s3 =	sadd.s32 s3, s9;
	s6 =	sadd.s32 @!p0 $0x88, s6;
	s7 =	simm.s32 @p2 $0x1082  }
0x22: {  	[simem:s7], [sflag:s8] =	dma.local @!p0 [hbm:s6], $0xF7A  }
0x23: {  	s9 =	sor.u32 $0xD0000000, s2;
	s6 =	simm.s32 $0x108;
	_ =	swait.ge @!p0 [sflag:s8], $0x0  }
0x24: {  	s3 =	sadd.s32 $0x88, s3;
	s6 =	simm.s32 @!p1 $0x1082;
	[sflag:s4] =	ssyncset.s32 $0xFFFFF086  }
0x25: {  	[simem:s6], [sflag:s4] =	dma.local [hbm:s3], $0xF7A  }
0x26: {  	[smem:$0x3F97] =	sst s1;
	(tag) =	ssettag s2;
	_ =	strace s9  }
0x27: {  	s1 =	sld [smem:$0x3FA7]  }
0x28: {  	s2 =	sld [smem:$0x3FA8]  }
0x29: {  	s4 =	sld [smem:$0x3FAA]  }
0x2a: {  	p0 =	seq.s32 s5, $0x0;
	s5 =	sld [smem:$0x3FAB]  }
0x2b: {  	s6 =	sld [smem:$0x3FAC]  }
0x2c: {  	s7 =	sld [smem:$0x3FAD]  }
0x2d: {  	s3 =	simm.s32 $0x108;
	s8 =	sld [smem:$0x3FAE]  }
0x2e: {  	s3 =	simm.s32 @!p0 $0x1082;
	s9 =	sld [smem:$0x3FAF]  }
0x2f: {  	lr =	sadd.s32 s0, s3;
	s0 =	sld [smem:$0x3FA6]  }
0x30: {  	s3 =	sld [smem:$0x3FA9]  }
0x31: {  	[smem:$0x3FB2] =	sst s10  }
0x32: {  	s10 =	sld [smem:$0x3FB0];
	_ =	sdelay $0x3  }
0x33: {  	p0 =	seq.s32 s10, $0x1;
	s10 =	sld [smem:$0x3FB2];
	_ =	sdelay $0x3  }
0x34: {  	[smem:$0x3FB2] =	sst s10  }
0x35: {  	s10 =	sld [smem:$0x3FB1];
	_ =	sdelay $0x3  }
0x36: {  	p1 =	seq.s32 s10, $0x1;
	s10 =	sld [smem:$0x3FB2];
	_ =	sdelay $0x3  }
0x37: {  	[smem:$0x3FB2] =	sst s10  }
0x38: {  	s10 =	sld [smem:$0x3FB3]  }
0x39: {  	_ = 	snop;
	(pc) =	sbr.ind lr, $3  }
0x3a: {  	_ = 	snop  }
0x3b: {  	_ = 	snop  }
0x3c: {  	p2 =	seq.s32 s10, $0x1;
	s10 =	sld [smem:$0x3FB2]  }
0x3d: {  	_ =	shalt  }
0x3e: {  	_ =	shalt  }
0x3f: {  	_ =	shalt  }
0x40: {  	_ =	shalt  }
0x41: {  	_ =	shalt  }
0x42: {  	_ =	shalt  }
0x43: {  	_ =	shalt  }
0x44: {  	_ =	shalt  }
0x45: {  	_ =	shalt  }
0x46: {  	_ =	shalt  }
0x47: {  	_ =	shalt  }
0x48: {  	_ =	shalt  }
0x49: {  	_ =	shalt  }
0x4a: {  	_ =	shalt  }
0x4b: {  	_ =	shalt  }
0x4c: {  	_ =	shalt  }
0x4d: {  	_ =	shalt  }
0x4e: {  	_ =	shalt  }
0x4f: {  	_ =	shalt  }
0x50: {  	_ =	shalt  }
0x51: {  	_ =	shalt  }
0x52: {  	_ =	shalt  }
0x53: {  	_ =	shalt  }
0x54: {  	_ =	shalt  }
0x55: {  	_ =	shalt  }
0x56: {  	_ =	shalt  }
0x57: {  	_ =	shalt  }
0x58: {  	_ =	shalt  }
0x59: {  	_ =	shalt  }
0x5a: {  	_ =	shalt  }
0x5b: {  	_ =	shalt  }
0x5c: {  	_ =	shalt  }
0x5d: {  	_ =	shalt  }
0x5e: {  	_ =	shalt  }
0x5f: {  	_ =	shalt  }
0x60: {  	_ =	shalt  }
0x61: {  	_ =	shalt  }
0x62: {  	_ =	shalt  }
0x63: {  	_ =	shalt  }
0x64: {  	_ =	shalt  }
0x65: {  	_ =	shalt  }
0x66: {  	_ =	shalt  }
0x67: {  	_ =	shalt  }
0x68: {  	_ =	shalt  }
0x69: {  	_ =	shalt  }
0x6a: {  	_ =	shalt  }
0x6b: {  	_ =	shalt  }
0x6c: {  	_ =	shalt  }
0x6d: {  	_ =	shalt  }
0x6e: {  	_ =	shalt  }
0x6f: {  	_ =	shalt  }
0x70: {  	_ =	shalt  }
0x71: {  	_ =	shalt  }
0x72: {  	_ =	shalt  }
0x73: {  	_ =	shalt  }
0x74: {  	_ =	shalt  }
0x75: {  	_ =	shalt  }
0x76: {  	_ =	shalt  }
0x77: {  	_ =	shalt  }
0x78: {  	_ =	shalt  }
0x79: {  	_ =	shalt  }
0x7a: {  	_ =	shalt  }
0x7b: {  	_ =	shalt  }
0x7c: {  	_ =	shalt  }
0x7d: {  	_ =	shalt  }
0x7e: {  	_ =	shalt  }
0x7f: {  	_ =	shalt  }
0x80: {  	_ =	shalt  }
0x81: {  	_ =	shalt  }
0x82: {  	_ =	shalt  }
0x83: {  	_ =	shalt  }
0x84: {  	_ =	shalt  }
0x85: {  	_ =	shalt  }
0x86: {  	_ =	shalt  }
0x87: {  	_ =	shalt  }
.Lfunc_end0:
.L_simem_size_0:
called_computation.1_lowered:
.L_overlay_start_0:
0x88: {  	s2 =	sld [smem:$0x3FD9]  }
0x89: {  	s3 =	sld [smem:$0x3FFE];
	_ =	sdelay $0x1  }
0x8a: {  	s1 =	srdreg.scid  }
0x8b: {  	s0 =	sand.u32 $0x1, s1  }
0x8c: {  	s16 =	sshll.u32 s0, $0xA;
	s2 =	sadd.s32 s3, s2  }
0x8d: {  	s2 =	sadd.s32 s2, s16  }
0x8e: {  	[smem:$0x3FBE] =	sst s2  }
0x8f: {  	_ = 	snop  }
0x90: {  	(tm) =	ssettm $0x1  }
0x91: {  	s17 =	sld [smem:$0x3FFB];
	_ =	sdelay $0x3  }
0x92: {  	_ =	strace s17  }
0x93: {  	s2 =	sld [smem:$0x3FFC];
	_ =	sdelay $0x3  }
0x94: {  	_ =	strace s2  }
0x95: {  	s2 =	sld [smem:$0x3FFD];
	_ =	sdelay $0x3  }
0x96: {  	_ =	strace s2  }
0x97: {  	_ =	strace $0x8FFFFFFF  }
0x98: {  	s18 =	sld [smem:$0x3FDB];
	_ =	sdelay $0x1  }
0x99: {  	s19 =	simm.s32 $_scs_section_size  }
0x9a: {  	s4 =	simm.s32 $_size__tile_overlayer_lowered;
	s5 =	simm.s32 $_tile_overlayer_lowered  }
0x9b: {  	s22 =	simm.s32 $0x1BFF;
	s21 =	sshll.u32 s5, $0x1;
	s2 =	sadd.s32 s19, s18  }
0x9c: {  	s6 =	simm.s32 $0x0;
	s20 =	sshll.u32 s4, $0x1;
	s4 =	sadd.s32 s21, s2  }
0x9d: {  	[timem:s6], [sflag:s22] =	dma.local [hbm:s4], s20  }
0x9e: {  	_ =	swait.ge [sflag:s22], s20  }
0x9f: {  	s3 =	ssub.s32 $0x0, s20;
	[sflag:s22] =	ssyncset.done $0x0  }
0xa0: {  	[sflag:s22] =	ssyncadd.s32 s3;
	_ =	sdelay $0x1  }
0xa1: {  	s23 =	simm.s32 $0x1B8B  }
0xa2: {  	_ =	swait.ge [sflag:s23], $0x1  }
0xa3: {  	[sflag:s23] =	ssyncset.done $0x0  }
0xa4: {  	s25 =	simm.s32 $0x1B8E;
	s24 =	sld [smem:$0x3FFE];
	[sflag:s23] =	ssyncadd.s32 $0xFFFFFFFF  }
0xa5: {  	s26 =	simm.s32 $execute0_lowered;
	[smem:$0x3FD2] =	sst s25  }
0xa6: {  	s4 =	sshll.u32 s26, $0x1;
	_ =	strace $0x80000049;
	[dreg:$0x1] =	wrdreg $0xFFFFFFFF  }
0xa7: {  	s28 =	simm.s32 $_size_execute0_lowered;
	s2 =	sadd.s32 s2, s4;
	[dreg:$0x0] =	wrdreg $0x0  }
0xa8: {  	s4 =	sshll.u32 s28, $0x1;
	[dreg:$0x2] =	wrdreg s2  }
0xa9: {  	[dreg:$0x3] =	wrdreg s4  }
0xaa: {  	[dreg:$0x4] =	wrdreg $0xC0  }
0xab: {  	_ =	task [dreg:s6], $0x5FFFF  }
0xac: {  	[dreg:$0x1] =	wrdreg $0xFFFFFFFF  }
0xad: {  	[dreg:$0x0] =	wrdreg $0x60  }
0xae: {  	[dreg:$0x2] =	wrdreg s24  }
0xaf: {  	[dreg:$0x3] =	wrdreg $0x9  }
0xb0: {  	_ =	task.clear_ibuf [dreg:s6], $0x4FFFF;
	_ =	strace $0x90000049  }
0xb1: {  	s29 =	simm.s32 $0x9;
	_ =	strace $0x8000004B  }
0xb2: {  	_ =	swait.ge [sflag:s29], $0x1  }
0xb3: {  	[sflag:s29] =	ssyncadd.s32 $0xFFFFFFFF  }
0xb4: {  	_ =	strace $0x9000004B  }
0xb5: {  	_ =	sfence  }
0xb6: {  	s30 =	sld [smem:$0x0];
	_ =	sdelay $0x2  }
0xb7: {  	s31 =	sshll.u32 s1, $0xD;
	s1 =	sshrl.u32 s1, $0x2  }
0xb8: {  	s3 =	sand.u32 $0x4000, s31;
	s1 =	sadd.s32 s1, s30  }
0xb9: {  	s0 =	sor.u32 s3, s0;
	s1 =	sshll.u32 s1, $0x11  }
0xba: {  	s0 =	sor.u32 s1, s0  }
0xbb: {  	s0 =	sadd.s32 $0x8F2B, s0  }
0xbc: {  	[sflag:s0] =	ssyncadd.remote.s32 $0x1  }
0xbd: {  	_ =	sfence.sel $0xFFFF  }
0xbe: {  	[dreg:$0x0] =	wrdreg $0xFFFFFFFF;
	(pc) =	sbr.abs _section_cstart, $3  }
0xbf: {  	[dreg:$0x1] =	wrdreg $0xFFFFFFFF  }
0xc0: {  	_ =	task.clear_ibuf [dreg:s6], $0x2FFFF;
	_ =	strace $0x9FFFFFFF  }
0xc1: {  	(tm) =	ssettm $0x7FFFFFFF  }
tec
execute0_lowered:
.L_overlay_start_1:
0x0: {  	(tag) =	ssettag $0x1  }
0x1: {  	s0 =	srdreg.scid  }
0x2: {  	s6 =	rddreg [dreg:$0x0];
	s2 =	simm.s32 $0x0;
	s1 =	stileid.u32  }
0x3: {  	s11 =	simm.s32 $0x1DE00;
	s12 =	simm.s32 $0x200;
	s3 =	sand.u32 $0x1, s0  }
0x4: {  	s13 =	simm.s32 $0x0;
	s0 =	rddreg [dreg:$0x1];
	s4 =	smul.u32 $0x5, s3  }
0x5: {  	[smem:$0x7FF] =	sst s2;
	s5 =	sadd.s32 $0x10A00, s6;
	p0 =	sgt.u32 s1, $0x4  }
.Ltmp0:
0x6: {  	s9 =	ssub.s32 $0x2, s3;
	s7 =	sadd.s32 s1, s4;
	(pc) =	sbr.rel .LBB2_1-.Ltmp0, $4  }
0x7: {  	_ =	strace $0x8000004A;
	s10 =	sshrl.u32 s9, $0x1;
	s8 =	smul.u32 $0x1400, s7  }
0x8: {  	s3 =	sadd.s32 $0x4400, s6;
	s4 =	sadd.s32 $0xE200, s6;
	s9 =	ssub.s32 s9, s10  }
0x9: {  	s10 =	simm.s32 $0x1;
	s8 =	sadd.s32 s8, s6;
	s6 =	smul.u32 $0x7D00, s7  }
0xa: {  	v0 =	vimm.f32 $0.0e+00;
	s7 =	sadd.s32 $0x39C00, s8;
	s8 =	smax.u32 s9, $0x1;
	s9 =	simm.s32 $0xA200  }
.LBB2_9:
0xb: {  	s13 =	sadd.s32 $0x1, s13  }
0xc: {  	p1 =	sne.s32 s13, s8  }
.Ltmp1:
0xd: {  	_ = 	snop;
	(pc) =	sbr.rel @!p1 .LBB2_10-.Ltmp1, $1  }
0xe: {  	_ =	sdelay $0x3  }
.LBB2_1:
0xf: {  	[tilespmem:s9], [sflag:$0x1] =	stream.linear.gather [hbm4b:s4+s2], $0x13880, $0x38;
	[tilespmem:$0x1DE80] =	vst v63  }
0x10: {  	_ =	swait.ge [sflag:s10], $0x13880  }
0x11: {  	[sflag:s10] =	ssyncset.done $0x0  }
0x12: {  	[sflag:s10] =	ssyncadd.s32 $0xFFFEC780  }
0x13: {  	[tilespmem:s11], [sflag:$0x1] =	stream.linear.gather [hbm4b:s5+s2], $0x80, $0x38;
	[tilespmem:$0x1DE80] =	vst v63  }
0x14: {  	_ =	swait.ge [sflag:s10], $0x80  }
0x15: {  	[sflag:s10] =	ssyncset.done $0x0  }
0x16: {  	s14 =	simm.s32 $0x0;
	s15 =	simm.s32 $0x200;
	[sflag:s10] =	ssyncadd.s32 $0xFFFFFF80  }
.LBB2_2:
0x17: {  	p1 =	sne.s32 s15, $0x27E00;
	[tilespmem:s14+$0x270] =	vst v0  }
0x18: {  	[tilespmem:s14+$0x200] =	vst v0  }
0x19: {  	[tilespmem:s14+$0x210] =	vst v0  }
.Ltmp2:
0x1a: {  	[tilespmem:s14+$0x220] =	vst v0;
	(pc) =	sbr.rel @p1 .LBB2_2-.Ltmp2, $4  }
0x1b: {  	[tilespmem:s14+$0x230] =	vst v0  }
0x1c: {  	[tilespmem:s14+$0x240] =	vst v0  }
0x1d: {  	[tilespmem:s14+$0x250] =	vst v0  }
0x1e: {  	[tilespmem:s14+$0x260] =	vst v0;
	s14 =	sshra.s32 s15, $0x2;
	s15 =	sadd.s32 $0x200, s15  }
0x1f: {  	[tilespmem:s14+$0x270] =	vst v0  }
0x20: {  	[tilespmem:s14+$0x200] =	vst v0  }
0x21: {  	[tilespmem:s14+$0x210] =	vst v0  }
.Ltmp3:
0x22: {  	[tilespmem:s14+$0x220] =	vst v0;
	(pc) =	sbr.rel @p0 .LBB2_9-.Ltmp3, $4  }
0x23: {  	[tilespmem:s14+$0x230] =	vst v0  }
0x24: {  	[tilespmem:s14+$0x240] =	vst v0  }
0x25: {  	[tilespmem:s14+$0x250] =	vst v0  }
0x26: {  	[tilespmem:s14+$0x260] =	vst v0  }
0x27: {  	v4 =	vld [tilespmem:$0x1DE00];
	_ =	sdelay $0x4  }
0x28: {  	v1 =	vbroadcast v4, $0x0;
	v2 =	vbroadcast v4, $0x1  }
0x29: {  	s14 =	simm.s32 $0x0;
	v3 =	vbroadcast v4, $0x2;
	v4 =	vbroadcast v4, $0x3  }
.LBB2_5:
0x2a: {  	s15 =	smul.u32 $0x190, s14;
	_ =	sdelay $0x1  }
0x2b: {  	s15 =	sadd.s32 s6, s15  }
0x2c: {  	s15 =	sshrl.u32 s15, $0x3  }
0x2d: {  	s15 =	sadd.s32 s3, s15  }
0x2e: {  	[tilespmem:s2], [sflag:$0x1] =	stream.linear.gather [hbm4b:s15+s2], $0x190, $0x38;
	[tilespmem:$0x1DE80] =	vst v63  }
0x2f: {  	_ =	swait.ge [sflag:s10], $0x190  }
0x30: {  	[sflag:s10] =	ssyncset.done $0x0  }
0x31: {  	s15 =	simm.s32 $0x10;
	[sflag:s10] =	ssyncadd.s32 $0xFFFFFE70  }
0x32: {  	v5 =	vld [tilespmem:s15+$0xFFFFFFF0];
	_ =	sdelay $0x4  }
0x33: {  	v6 =	vand.u32 $0x3FFF, v5;
	v5 =	vshrl.u32 v5, $0xB  }
0x34: {  	v7 =	vshll.u32 v6, $0x3;
	v5 =	vand.u32 $0x1FFFF8, v5  }
0x35: {  	v8 =	vor.u32 $0x6, v7  }
0x36: {  	v9 =	vor.u32 $0x4, v7  }
0x37: {  	v10 =	vor.u32 $0x2, v5  }
0x38: {  	v11 =	vor.u32 $0x7, v7  }
0x39: {  	v12 =	vor.u32 $0x3, v5;
	v13 =	vld.idx.msk [tilespmem:v5+s9+$0x0], $0xffff  }
0x3a: {  	v8 =	vld.idx.msk [tilespmem:v8+s9+$0x0], $0xffff  }
0x3b: {  	v9 =	vld.idx.msk [tilespmem:v9+s9+$0x0], $0xffff  }
0x3c: {  	v7 =	vor.u32 $0x5, v7;
	v10 =	vld.idx.msk [tilespmem:v10+s9+$0x0], $0xffff  }
0x3d: {  	v5 =	vor.u32 $0x1, v5;
	v11 =	vld.idx.msk [tilespmem:v11+s9+$0x0], $0xffff  }
0x3e: {  	v12 =	vld.idx.msk [tilespmem:v12+s9+$0x0], $0xffff;
	_ =	sdelay $0x2  }
0x3f: {  	v7 =	vld.idx.msk [tilespmem:v7+s9+$0x0], $0xffff;
	v14 =	vadd.f32 v8, v3;
	v13 =	vadd.f32 v9, v13  }
0x40: {  	v5 =	vld.idx.msk [tilespmem:v5+s9+$0x0], $0xffff;
	v9 =	vadd.f32 v9, v1;
	v8 =	vadd.f32 v8, v10  }
0x41: {  	v15 =	vadd.f32 v11, v4;
	v11 =	vadd.f32 v11, v12  }
0x42: {  	v10 =	vmul.f32 $2.000000030e-01, v14;
	vm0 =	vge.f32 v13, $0.0e+00;
	vm1 =	vge.f32 v14, $0.0e+00  }
0x43: {  	vm2 =	vge.f32 v9, $0.0e+00;
	v12 =	vmul.f32 $2.000000030e-01, v9;
	vm12 =	vge.f32 v15, $0.0e+00  }
0x44: {  	v16 =	vmul.f32 $2.000000030e-01, v13;
	vm3 =	vge.f32 v8, $0.0e+00;
	v10 =	vsel vm1, v14, v10  }
0x45: {  	v14 =	vmul.f32 $2.000000030e-01, v8;
	v5 =	vadd.f32 v7, v5;
	v7 =	vadd.f32 v7, v2  }
0x46: {  	v63 =	vmul.f32 $2.000000030e-01, v15;
	v9 =	vsel vm2, v9, v12;
	v13 =	vsel vm0, v13, v16  }
0x47: {  	v8 =	vsel vm3, v8, v14;
	v12 =	vmul.f32 $2.000000030e-01, v5;
	v14 =	vmul.f32 $2.000000030e-01, v7  }
0x48: {  	v9 =	vsub.f32 v13, v9;
	vm13 =	vge.f32 v5, $0.0e+00;
	vm14 =	vge.f32 v7, $0.0e+00  }
0x49: {  	v13 =	vmul.f32 $2.000000030e-01, v11;
	v5 =	vsel vm13, v5, v12;
	v7 =	vsel vm14, v7, v14  }
0x4a: {  	vm15 =	vge.f32 v11, $0.0e+00;
	v8 =	vsub.f32 v8, v10;
	v5 =	vsub.f32 v5, v7  }
0x4b: {  	v10 =	vsel vm12, v15, v63;
	v9 =	vmul.f32 $1.442695020e+00, v9;
	v7 =	vsel vm15, v11, v13  }
0x4c: {  	v7 =	vsub.f32 v7, v10;
	v5 =	vmul.f32 $1.442695020e+00, v5  }
0x4d: {  	v8 =	vmul.f32 $1.442695020e+00, v8;
	(erf) = vpow2.f32 v9  }
0x4e: {  	v7 =	vmul.f32 $1.442695020e+00, v7;
	(erf) = vpow2.f32 v5  }
0x4f: {  	(erf) = vpow2.f32 v8  }
0x50: {  	(erf) = vpow2.f32 v7;
	_ =	sdelay $0x1  }
0x51: {  	v5 =	vshll.u32 v6, $0x2  }
0x52: {  	v6 =	vor.u32 $0x1, v5  }
0x53: {  	v7 =	vor.u32 $0x2, v5  }
0x54: {  	v8 =	vor.u32 $0x3, v5  }
0x55: {  	v9 =	vpop (erf)  }
0x56: {  	[tilespmem:v5+s12+$0x0] =	vst.idx.add.f32.msk $0xffff, v9;
	v5 =	vpop (erf)  }
0x57: {  	[tilespmem:v6+s12+$0x0] =	vst.idx.add.f32.msk $0xffff, v5;
	v5 =	vpop (erf)  }
0x58: {  	[tilespmem:v7+s12+$0x0] =	vst.idx.add.f32.msk $0xffff, v5;
	v5 =	vpop (erf)  }
0x59: {  	[tilespmem:v8+s12+$0x0] =	vst.idx.add.f32.msk $0xffff, v5  }
0x5a: {  	v6 =	vld [tilespmem:s15+$0x0];
	_ =	sdelay $0x4  }
0x5b: {  	v5 =	vand.u32 $0x3FFF, v6;
	v6 =	vshrl.u32 v6, $0xB  }
0x5c: {  	v12 =	vshll.u32 v5, $0x3;
	v10 =	vand.u32 $0x1FFFF8, v6  }
0x5d: {  	v9 =	vor.u32 $0x4, v12;
	v8 =	vor.u32 $0x1, v10;
	v6 =	vor.u32 $0x5, v12  }
0x5e: {  	s16 =	simm.s32 $0x0;
	v13 =	vor.u32 $0x2, v10;
	v11 =	vor.u32 $0x6, v12;
	v7 =	vor.u32 $0x3, v10  }
.LBB2_6:
0x5f: {  	s16 =	sadd.s32 $0x2, s16;
	v12 =	vor.u32 $0x7, v12;
	s15 =	sadd.s32 $0x20, s15  }
0x60: {  	p1 =	slt.u32 s16, $0x16  }
0x61: {  	v10 =	vld.idx.msk [tilespmem:v10+s9+$0x0], $0xffff  }
0x62: {  	v9 =	vld.idx.msk [tilespmem:v9+s9+$0x0], $0xffff  }
0x63: {  	v8 =	vld.idx.msk [tilespmem:v8+s9+$0x0], $0xffff  }
0x64: {  	v13 =	vld.idx.msk [tilespmem:v13+s9+$0x0], $0xffff  }
0x65: {  	v11 =	vld.idx.msk [tilespmem:v11+s9+$0x0], $0xffff  }
0x66: {  	v12 =	vld.idx.msk [tilespmem:v12+s9+$0x0], $0xffff;
	_ =	sdelay $0x1  }
0x67: {  	v10 =	vadd.f32 v9, v10;
	v9 =	vadd.f32 v9, v1;
	v6 =	vld.idx.msk [tilespmem:v6+s9+$0x0], $0xffff  }
0x68: {  	v7 =	vld.idx.msk [tilespmem:v7+s9+$0x0], $0xffff  }
0x69: {  	v14 =	vmul.f32 $2.000000030e-01, v10;
	v15 =	vmul.f32 $2.000000030e-01, v9  }
0x6a: {  	vm0 =	vge.f32 v10, $0.0e+00;
	vm1 =	vge.f32 v9, $0.0e+00;
	v13 =	vadd.f32 v11, v13  }
0x6b: {  	v10 =	vsel vm0, v10, v14;
	v9 =	vsel vm1, v9, v15;
	v14 =	vadd.f32 v12, v4  }
0x6c: {  	v9 =	vsub.f32 v10, v9;
	vm0 =	vge.f32 v13, $0.0e+00;
	v10 =	vmul.f32 $2.000000030e-01, v13  }
0x6d: {  	v8 =	vadd.f32 v6, v8;
	v6 =	vadd.f32 v6, v2;
	v15 =	vmul.f32 $2.000000030e-01, v14  }
0x6e: {  	v11 =	vadd.f32 v11, v3;
	v9 =	vmul.f32 $1.442695020e+00, v9;
	v7 =	vadd.f32 v12, v7  }
0x6f: {  	vm1 =	vge.f32 v14, $0.0e+00;
	v12 =	vmul.f32 $2.000000030e-01, v8;
	v16 =	vmul.f32 $2.000000030e-01, v6  }
0x70: {  	v17 =	vmul.f32 $2.000000030e-01, v11;
	vm2 =	vge.f32 v8, $0.0e+00;
	vm3 =	vge.f32 v6, $0.0e+00  }
0x71: {  	v8 =	vsel vm2, v8, v12;
	v6 =	vsel vm3, v6, v16;
	vm2 =	vge.f32 v11, $0.0e+00  }
0x72: {  	v12 =	vsel vm1, v14, v15;
	v6 =	vsub.f32 v8, v6;
	v8 =	vmul.f32 $2.000000030e-01, v7  }
0x73: {  	v10 =	vsel vm0, v13, v10;
	vm0 =	vge.f32 v7, $0.0e+00;
	v11 =	vsel vm2, v11, v17  }
0x74: {  	v10 =	vsub.f32 v10, v11;
	v6 =	vmul.f32 $1.442695020e+00, v6;
	v7 =	vsel vm0, v7, v8  }
0x75: {  	v7 =	vsub.f32 v7, v12;
	(erf) = vpow2.f32 v9  }
0x76: {  	v8 =	vmul.f32 $1.442695020e+00, v10;
	(erf) = vpow2.f32 v6  }
0x77: {  	v6 =	vmul.f32 $1.442695020e+00, v7  }
0x78: {  	(erf) = vpow2.f32 v8  }
0x79: {  	(erf) = vpow2.f32 v6  }
0x7a: {  	v5 =	vshll.u32 v5, $0x2  }
0x7b: {  	v6 =	vor.u32 $0x1, v5;
	_ =	sdelay $0x1  }
0x7c: {  	v7 =	vor.u32 $0x2, v5  }
0x7d: {  	v8 =	vor.u32 $0x3, v5;
	v9 =	vpop (erf)  }
0x7e: {  	[tilespmem:v5+s12+$0x0] =	vst.idx.add.f32.msk $0xffff, v9;
	v5 =	vpop (erf)  }
0x7f: {  	[tilespmem:v6+s12+$0x0] =	vst.idx.add.f32.msk $0xffff, v5  }
0x80: {  	v5 =	vpop (erf)  }
0x81: {  	[tilespmem:v7+s12+$0x0] =	vst.idx.add.f32.msk $0xffff, v5;
	v5 =	vpop (erf)  }
0x82: {  	[tilespmem:v8+s12+$0x0] =	vst.idx.add.f32.msk $0xffff, v5  }
0x83: {  	v5 =	vld [tilespmem:s15+$0xFFFFFFF0];
	_ =	sdelay $0x4  }
0x84: {  	v6 =	vand.u32 $0x3FFF, v5;
	v5 =	vshrl.u32 v5, $0xB  }
0x85: {  	v7 =	vshll.u32 v6, $0x3;
	v5 =	vand.u32 $0x1FFFF8, v5  }
0x86: {  	v8 =	vor.u32 $0x4, v7;
	v9 =	vor.u32 $0x2, v5;
	v10 =	vor.u32 $0x6, v7  }
0x87: {  	v11 =	vor.u32 $0x1, v5;
	v12 =	vor.u32 $0x3, v5;
	_ =	sdelay $0x1  }
0x88: {  	v13 =	vor.u32 $0x7, v7  }
0x89: {  	v5 =	vld.idx.msk [tilespmem:v5+s9+$0x0], $0xffff  }
0x8a: {  	v7 =	vor.u32 $0x5, v7;
	v10 =	vld.idx.msk [tilespmem:v10+s9+$0x0], $0xffff  }
0x8b: {  	v8 =	vld.idx.msk [tilespmem:v8+s9+$0x0], $0xffff  }
0x8c: {  	v9 =	vld.idx.msk [tilespmem:v9+s9+$0x0], $0xffff  }
0x8d: {  	v13 =	vld.idx.msk [tilespmem:v13+s9+$0x0], $0xffff  }
0x8e: {  	v12 =	vld.idx.msk [tilespmem:v12+s9+$0x0], $0xffff  }
0x8f: {  	v7 =	vld.idx.msk [tilespmem:v7+s9+$0x0], $0xffff  }
0x90: {  	v14 =	vadd.f32 v10, v3;
	v11 =	vld.idx.msk [tilespmem:v11+s9+$0x0], $0xffff  }
0x91: {  	v5 =	vadd.f32 v8, v5;
	v8 =	vadd.f32 v8, v1  }
0x92: {  	v9 =	vadd.f32 v10, v9;
	v10 =	vmul.f32 $2.000000030e-01, v14  }
0x93: {  	vm1 =	vge.f32 v14, $0.0e+00;
	vm0 =	vge.f32 v5, $0.0e+00;
	v15 =	vadd.f32 v13, v4  }
0x94: {  	vm2 =	vge.f32 v8, $0.0e+00;
	v10 =	vsel vm1, v14, v10;
	v12 =	vadd.f32 v13, v12  }
0x95: {  	v13 =	vmul.f32 $2.000000030e-01, v8;
	v14 =	vmul.f32 $2.000000030e-01, v9;
	vm1 =	vge.f32 v15, $0.0e+00  }
0x96: {  	v16 =	vmul.f32 $2.000000030e-01, v5;
	vm3 =	vge.f32 v9, $0.0e+00;
	v11 =	vadd.f32 v7, v11  }
0x97: {  	v8 =	vsel vm2, v8, v13;
	v7 =	vadd.f32 v7, v2;
	v9 =	vsel vm3, v9, v14  }
0x98: {  	v5 =	vsel vm0, v5, v16;
	vm0 =	vge.f32 v12, $0.0e+00;
	v13 =	vmul.f32 $2.000000030e-01, v11  }
0x99: {  	v9 =	vsub.f32 v9, v10;
	v10 =	vmul.f32 $2.000000030e-01, v15;
	v14 =	vmul.f32 $2.000000030e-01, v7  }
0x9a: {  	v16 =	vmul.f32 $2.000000030e-01, v12;
	vm2 =	vge.f32 v11, $0.0e+00;
	vm3 =	vge.f32 v7, $0.0e+00  }
0x9b: {  	v5 =	vsub.f32 v5, v8;
	v8 =	vsel vm2, v11, v13;
	v7 =	vsel vm3, v7, v14  }
0x9c: {  	v10 =	vsel vm1, v15, v10;
	v7 =	vsub.f32 v8, v7;
	v8 =	vsel vm0, v12, v16  }
0x9d: {  	v5 =	vmul.f32 $1.442695020e+00, v5;
	v9 =	vmul.f32 $1.442695020e+00, v9;
	v8 =	vsub.f32 v8, v10  }
0x9e: {  	v7 =	vmul.f32 $1.442695020e+00, v7  }
0x9f: {  	v8 =	vmul.f32 $1.442695020e+00, v8;
	(erf) = vpow2.f32 v5  }
0xa0: {  	(erf) = vpow2.f32 v7  }
0xa1: {  	(erf) = vpow2.f32 v9  }
0xa2: {  	(erf) = vpow2.f32 v8;
	_ =	sdelay $0x1  }
0xa3: {  	v5 =	vshll.u32 v6, $0x2  }
0xa4: {  	v6 =	vor.u32 $0x1, v5  }
0xa5: {  	v7 =	vor.u32 $0x2, v5  }
0xa6: {  	v8 =	vor.u32 $0x3, v5  }
0xa7: {  	v9 =	vpop (erf)  }
0xa8: {  	[tilespmem:v5+s12+$0x0] =	vst.idx.add.f32.msk $0xffff, v9;
	v5 =	vpop (erf)  }
0xa9: {  	[tilespmem:v6+s12+$0x0] =	vst.idx.add.f32.msk $0xffff, v5;
	v5 =	vpop (erf)  }
0xaa: {  	[tilespmem:v7+s12+$0x0] =	vst.idx.add.f32.msk $0xffff, v5;
	v5 =	vpop (erf)  }
0xab: {  	[tilespmem:v8+s12+$0x0] =	vst.idx.add.f32.msk $0xffff, v5  }
0xac: {  	v6 =	vld [tilespmem:s15+$0x0];
	_ =	sdelay $0x3  }
.Ltmp4:
0xad: {  	(pc) =	sbr.rel @p1 .LBB2_6-.Ltmp4, $4  }
0xae: {  	v5 =	vand.u32 $0x3FFF, v6;
	v6 =	vshrl.u32 v6, $0xB  }
0xaf: {  	v12 =	vshll.u32 v5, $0x3;
	v10 =	vand.u32 $0x1FFFF8, v6  }
0xb0: {  	v9 =	vor.u32 $0x4, v12;
	v8 =	vor.u32 $0x1, v10;
	v6 =	vor.u32 $0x5, v12  }
0xb1: {  	v13 =	vor.u32 $0x2, v10;
	v11 =	vor.u32 $0x6, v12;
	v7 =	vor.u32 $0x3, v10  }
0xb2: {  	_ =	sdelay $0x3  }
0xb3: {  	v10 =	vld.idx.msk [tilespmem:v10+s9+$0x0], $0xffff  }
0xb4: {  	v9 =	vld.idx.msk [tilespmem:v9+s9+$0x0], $0xffff  }
0xb5: {  	v13 =	vld.idx.msk [tilespmem:v13+s9+$0x0], $0xffff  }
0xb6: {  	v11 =	vld.idx.msk [tilespmem:v11+s9+$0x0], $0xffff  }
0xb7: {  	v8 =	vld.idx.msk [tilespmem:v8+s9+$0x0], $0xffff  }
0xb8: {  	v6 =	vld.idx.msk [tilespmem:v6+s9+$0x0], $0xffff;
	_ =	sdelay $0x1  }
0xb9: {  	v12 =	vor.u32 $0x7, v12;
	_ =	sdelay $0x1  }
0xba: {  	v10 =	vadd.f32 v9, v10;
	v9 =	vadd.f32 v9, v1  }
0xbb: {  	v13 =	vadd.f32 v11, v13;
	v8 =	vadd.f32 v6, v8  }
0xbc: {  	v7 =	vld.idx.msk [tilespmem:v7+s9+$0x0], $0xffff;
	v6 =	vadd.f32 v6, v2;
	v11 =	vadd.f32 v11, v3  }
0xbd: {  	v12 =	vld.idx.msk [tilespmem:v12+s9+$0x0], $0xffff;
	v14 =	vmul.f32 $2.000000030e-01, v10;
	v15 =	vmul.f32 $2.000000030e-01, v9;
	vm0 =	vge.f32 v10, $0.0e+00  }
0xbe: {  	vm1 =	vge.f32 v9, $0.0e+00;
	vm14 =	vge.f32 v13, $0.0e+00;
	v39 =	vmul.f32 $2.000000030e-01, v13  }
0xbf: {  	v41 =	vmul.f32 $2.000000030e-01, v8;
	v16 =	vmul.f32 $2.000000030e-01, v6;
	vm2 =	vge.f32 v8, $0.0e+00  }
0xc0: {  	vm3 =	vge.f32 v6, $0.0e+00;
	v17 =	vmul.f32 $2.000000030e-01, v11;
	vm6 =	vge.f32 v11, $0.0e+00  }
0xc1: {  	v10 =	vsel vm0, v10, v14;
	v9 =	vsel vm1, v9, v15;
	v8 =	vsel vm2, v8, v41  }
0xc2: {  	v6 =	vsel vm3, v6, v16;
	v38 =	vadd.f32 v12, v4;
	v7 =	vadd.f32 v12, v7  }
0xc3: {  	v11 =	vsel vm6, v11, v17;
	v9 =	vsub.f32 v10, v9;
	v6 =	vsub.f32 v8, v6  }
0xc4: {  	v10 =	vsel vm14, v13, v39;
	v40 =	vmul.f32 $2.000000030e-01, v38;
	v42 =	vmul.f32 $2.000000030e-01, v7  }
0xc5: {  	v10 =	vsub.f32 v10, v11;
	vm15 =	vge.f32 v38, $0.0e+00;
	vm7 =	vge.f32 v7, $0.0e+00  }
0xc6: {  	v9 =	vmul.f32 $1.442695020e+00, v9;
	v43 =	vsel vm15, v38, v40;
	v7 =	vsel vm7, v7, v42  }
0xc7: {  	v6 =	vmul.f32 $1.442695020e+00, v6;
	v7 =	vsub.f32 v7, v43  }
0xc8: {  	v44 =	vmul.f32 $1.442695020e+00, v10;
	(erf) = vpow2.f32 v9  }
0xc9: {  	(erf) = vpow2.f32 v6;
	v6 =	vmul.f32 $1.442695020e+00, v7  }
0xca: {  	(erf) = vpow2.f32 v44  }
0xcb: {  	(erf) = vpow2.f32 v6;
	_ =	sdelay $0x1  }
0xcc: {  	v5 =	vshll.u32 v5, $0x2  }
0xcd: {  	v6 =	vor.u32 $0x1, v5  }
0xce: {  	v7 =	vor.u32 $0x2, v5  }
0xcf: {  	v45 =	vor.u32 $0x3, v5  }
0xd0: {  	v9 =	vpop (erf)  }
0xd1: {  	[tilespmem:v5+s12+$0x0] =	vst.idx.add.f32.msk $0xffff, v9;
	v5 =	vpop (erf)  }
0xd2: {  	[tilespmem:v6+s12+$0x0] =	vst.idx.add.f32.msk $0xffff, v5;
	v5 =	vpop (erf)  }
0xd3: {  	[tilespmem:v7+s12+$0x0] =	vst.idx.add.f32.msk $0xffff, v5;
	v5 =	vpop (erf)  }
0xd4: {  	[tilespmem:v45+s12+$0x0] =	vst.idx.add.f32.msk $0xffff, v5  }
0xd5: {  	v5 =	vld [tilespmem:$0x180];
	_ =	sdelay $0x4  }
0xd6: {  	v6 =	vand.u32 $0x3FFF, v5;
	v5 =	vshrl.u32 v5, $0xB  }
0xd7: {  	v7 =	vshll.u32 v6, $0x3;
	v5 =	vand.u32 $0x1FFFF8, v5  }
0xd8: {  	v46 =	vor.u32 $0x4, v7  }
0xd9: {  	v47 =	vor.u32 $0x1, v5  }
0xda: {  	v48 =	vor.u32 $0x5, v7  }
0xdb: {  	v50 =	vor.u32 $0x2, v5  }
0xdc: {  	v51 =	vor.u32 $0x6, v7;
	v49 =	vld.idx.msk [tilespmem:v5+s9+$0x0], $0xffff  }
0xdd: {  	v8 =	vld.idx.msk [tilespmem:v46+s9+$0x0], $0xffff  }
0xde: {  	v9 =	vld.idx.msk [tilespmem:v47+s9+$0x0], $0xffff  }
0xdf: {  	v10 =	vld.idx.msk [tilespmem:v48+s9+$0x0], $0xffff  }
0xe0: {  	v12 =	vld.idx.msk [tilespmem:v50+s9+$0x0], $0xffff  }
0xe1: {  	v7 =	vor.u32 $0x7, v7;
	v13 =	vld.idx.msk [tilespmem:v51+s9+$0x0], $0xffff  }
0xe2: {  	v5 =	vor.u32 $0x3, v5;
	_ =	sdelay $0x1  }
0xe3: {  	v11 =	vadd.f32 v8, v49;
	v8 =	vadd.f32 v8, v1  }
0xe4: {  	v9 =	vadd.f32 v10, v9;
	v10 =	vadd.f32 v10, v2  }
0xe5: {  	v7 =	vld.idx.msk [tilespmem:v7+s9+$0x0], $0xffff;
	v12 =	vadd.f32 v13, v12;
	v13 =	vadd.f32 v13, v3  }
0xe6: {  	v5 =	vld.idx.msk [tilespmem:v5+s9+$0x0], $0xffff;
	v52 =	vmul.f32 $2.000000030e-01, v11;
	v53 =	vmul.f32 $2.000000030e-01, v8;
	vm8 =	vge.f32 v11, $0.0e+00  }
0xe7: {  	vm9 =	vge.f32 v8, $0.0e+00;
	v54 =	vmul.f32 $2.000000030e-01, v9;
	vm10 =	vge.f32 v9, $0.0e+00  }
0xe8: {  	v55 =	vmul.f32 $2.000000030e-01, v10;
	vm11 =	vge.f32 v10, $0.0e+00;
	v56 =	vmul.f32 $2.000000030e-01, v12  }
0xe9: {  	vm12 =	vge.f32 v12, $0.0e+00;
	v58 =	vmul.f32 $2.000000030e-01, v13;
	vm13 =	vge.f32 v13, $0.0e+00  }
0xea: {  	v11 =	vsel vm8, v11, v52;
	v8 =	vsel vm9, v8, v53;
	v9 =	vsel vm10, v9, v54  }
0xeb: {  	v10 =	vsel vm11, v10, v55;
	v5 =	vadd.f32 v7, v5;
	v7 =	vadd.f32 v7, v4  }
0xec: {  	v57 =	vsel vm12, v12, v56;
	v8 =	vsub.f32 v11, v8;
	v9 =	vsub.f32 v9, v10  }
0xed: {  	v11 =	vsel vm13, v13, v58;
	v59 =	vmul.f32 $2.000000030e-01, v5;
	v60 =	vmul.f32 $2.000000030e-01, v7  }
0xee: {  	vm14 =	vge.f32 v5, $0.0e+00;
	vm15 =	vge.f32 v7, $0.0e+00;
	v10 =	vsub.f32 v57, v11  }
0xef: {  	v8 =	vmul.f32 $1.442695020e+00, v8;
	v5 =	vsel vm14, v5, v59;
	v7 =	vsel vm15, v7, v60  }
0xf0: {  	v9 =	vmul.f32 $1.442695020e+00, v9;
	v5 =	vsub.f32 v5, v7  }
0xf1: {  	(erf) = vpow2.f32 v8;
	v7 =	vmul.f32 $1.442695020e+00, v10  }
0xf2: {  	(erf) = vpow2.f32 v9;
	v5 =	vmul.f32 $1.442695020e+00, v5  }
0xf3: {  	(erf) = vpow2.f32 v7  }
0xf4: {  	(erf) = vpow2.f32 v5;
	_ =	sdelay $0x1  }
0xf5: {  	v5 =	vshll.u32 v6, $0x2  }
0xf6: {  	v6 =	vor.u32 $0x1, v5  }
0xf7: {  	s14 =	sadd.s32 $0x1, s14;
	v7 =	vor.u32 $0x2, v5  }
0xf8: {  	p1 =	sne.s32 s14, $0x50;
	v61 =	vor.u32 $0x3, v5  }
.Ltmp5:
0xf9: {  	v62 =	vpop (erf);
	(pc) =	sbr.rel @p1 .LBB2_5-.Ltmp5, $4  }
0xfa: {  	v63 =	vpop (erf);
	[tilespmem:v5+s12+$0x0] =	vst.idx.add.f32.msk $0xffff, v62  }
0xfb: {  	v5 =	vpop (erf);
	[tilespmem:v6+s12+$0x0] =	vst.idx.add.f32.msk $0xffff, v63  }
0xfc: {  	[tilespmem:v7+s12+$0x0] =	vst.idx.add.f32.msk $0xffff, v5;
	v6 =	vpop (erf)  }
0xfd: {  	[tilespmem:v61+s12+$0x0] =	vst.idx.add.f32.msk $0xffff, v6  }
.Ltmp6:
0xfe: {  	(pc) =	sbr.rel .LBB2_9-.Ltmp6, $4  }
0xff: {  	[hbm4b:s7+s2] =	stream.linear.scatter [tilespmem:s12], [sflag:$0x1], $0xA000, $0x38;
	[tilespmem:$0x1DE80] =	vst v63  }
0x100: {  	_ =	swait.ge [sflag:s10], $0xA000  }
0x101: {  	[sflag:s10] =	ssyncset.done $0x0  }
0x102: {  	[sflag:s10] =	ssyncadd.s32 $0xFFFF6000  }
.LBB2_10:
0x103: {  	_ =	sfence.sel $0x180000  }
0x104: {  	[bflag:$0x0] =	sbarrier.arrive $0xFFFF  }
0x105: {  	p0 =	sne.s32 s1, $0x0;
	_ =	strace $0x9000004A  }
0x106: {  	s0 =	sadd.s32 @!p0 $0x100000, s0;
	[bflag:$0x2] =	sbarrier.arrive $0xFFFF  }
0x107: {  	[sflag:s0] =	ssyncadd.tile.s32 @!p0 $0x1;
	_ =	shalt  }
.Lfunc_end2:
_tile_overlayer_lowered:
.L_overlay_start_2:
0x108: {  	(tag) =	ssettag $0x2  }
0x109: {  	s0 =	rddreg [dreg:$0x0];
	s2 =	stileid.u32  }
0x10a: {  	s1 =	rddreg [dreg:$0x1];
	p0 =	sne.s32 s2, $0x0  }
0x10b: {  	s3 =	rddreg [dreg:$0x2];
	[bflag:$0x3] =	sbarrier.arrive $0xFFFF;
	s2 =	simm.s32 @!p0 $0x1C01  }
0x10c: {  	[timem:s3], [sflag:s2] =	dma.local @!p0 [hbm:s0], s1  }
0x10d: {  	s0 =	simm.s32 @!p0 $0x1  }
0x10e: {  	_ =	swait.ge @!p0 [sflag:s0], s1  }
0x10f: {  	s1 =	ssub.s32 @!p0 $0x0, s1;
	[sflag:s0] =	ssyncset.done @!p0 $0x0  }
0x110: {  	[sflag:s0] =	ssyncadd.s32 @!p0 s1  }
0x111: {  	[bflag:$0x3] =	sbarrier.arrive $0xFFFF  }
0x112: {  	_ =	shalt  }

</sc_bundles>
